<compile_context>
chip_gen: v7x
topology: tpu7x:2x2x1
jax: 0.10.2.dev20260603
libtpu: 0.0.44.dev20260713+nightly
codegen_flags: <defaults>
</compile_context>

<pallas_src>
import functools

import jax
import jax.numpy as jnp
from jax import lax
from jax.experimental import pallas as pl
from jax.experimental.pallas import tpu as pltpu
from jax.experimental.pallas import tpu_sc as plsc

Z = 128
N1 = 131072
RW = 1024
C2 = 4096
KW1 = 26214
KW2 = 819

_MAX_IT = 160


def _mono(x):
    b = jax.lax.bitcast_convert_type(x, jnp.int32)
    return b ^ ((b >> 31) & jnp.int32(0x7FFFFFFF))


def _avg_floor(lo, hi):
    return (lo >> 1) + (hi >> 1) + (lo & hi & 1)


def _unmono_f(m):
    b = m ^ ((m >> 31) & jnp.int32(0x7FFFFFFF))
    return jax.lax.bitcast_convert_type(b, jnp.float32)



_LANES = 16
_TILES = 16
_CHUNK = N1 // _TILES
_NB = 256


def _sc_lane_iota():
    return jax.lax.broadcasted_iota(jnp.int32, (_LANES,), 0)


def _sc_extract(v, j):
    return jnp.sum(jnp.where(_sc_lane_iota() == j, v, 0))


def _sc_pick(v, krem):
    pre = plsc.cumsum(v)
    tot = jnp.sum(v)
    suf = tot - pre + v
    mask = suf >= krem
    j = jnp.max(plsc.all_reduce_population_count(mask)) - 1
    sufj = _sc_extract(suf, j)
    vj = _sc_extract(v, j)
    return j, krem - (sufj - vj), vj


def _sc_search(merged, krem):
    lane = _sc_lane_iota()

    def build(c, sup):
        v = merged[pl.ds(c * _LANES, _LANES)]
        return jnp.where(lane == c, jnp.sum(v), sup)

    sup = jax.lax.fori_loop(0, _NB // _LANES, build,
                            jnp.zeros((_LANES,), jnp.int32))
    jch, krem_a, _ = _sc_pick(sup, krem)
    vc = merged[pl.ds(jch * _LANES, _LANES)]
    jl, krem_b, cbin = _sc_pick(vc, krem_a)
    return jch * _LANES + jl, krem_b, cbin


def _sc_round(mdata, hist, folded, tmp4k, merged, sh_hist, sid, prefix,
              krem, shift_hi, shift, add_off, first):
    lane = _sc_lane_iota()
    ones = jnp.ones((_LANES,), jnp.int32)
    zero = jnp.zeros((_LANES,), jnp.int32)

    def clr(c, _):
        for u in range(4):
            hist[pl.ds((c * 4 + u) * _LANES, _LANES)] = zero
        return 0

    jax.lax.fori_loop(0, _LANES * _NB // _LANES // 4, clr, 0)

    def scan(i, _):
        for u in range(8):
            mv = mdata[pl.ds((i * 8 + u) * _LANES, _LANES)]
            bk = (((mv >> shift) + add_off) & (_NB - 1)) + lane * _NB
            if first:
                plsc.addupdate_scatter(hist, [bk], ones)
            else:
                elig = (mv >> shift_hi) == prefix
                plsc.addupdate_scatter(hist, [bk], ones, mask=elig)
        return 0

    jax.lax.fori_loop(0, _CHUNK // _LANES // 8, scan, 0)

    def fold(c, _):
        acc = hist[pl.ds(c * _LANES, _LANES)]
        for r in range(1, _LANES):
            acc = acc + hist[pl.ds(r * _NB + c * _LANES, _LANES)]
        folded[pl.ds(c * _LANES, _LANES)] = acc
        return 0

    jax.lax.fori_loop(0, _NB // _LANES, fold, 0)

    pltpu.sync_copy(folded, sh_hist.at[pl.ds(sid * _NB, _NB)])
    plsc.subcore_barrier()
    pltpu.sync_copy(sh_hist, tmp4k)

    def mrg(c, _):
        acc = tmp4k[pl.ds(c * _LANES, _LANES)]
        for r in range(1, _TILES):
            acc = acc + tmp4k[pl.ds(r * _NB + c * _LANES, _LANES)]
        merged[pl.ds(c * _LANES, _LANES)] = acc
        return 0

    jax.lax.fori_loop(0, _NB // _LANES, mrg, 0)
    return _sc_search(merged, krem)


def _sc_kw1_call(h_flat):
    mesh = plsc.VectorSubcoreMesh(core_axis_name="c", subcore_axis_name="s")

    @functools.partial(
        pl.kernel,
        mesh=mesh,
        compiler_params=pltpu.CompilerParams(needs_layout_passes=False),
        out_type=jax.ShapeDtypeStruct((_LANES,), jnp.int32),
        scratch_types=[
            pltpu.VMEM((_CHUNK,), jnp.float32),
            pltpu.VMEM((_CHUNK,), jnp.int32),
            pltpu.VMEM((_LANES * _NB,), jnp.int32),
            pltpu.VMEM((_NB,), jnp.int32),
            pltpu.VMEM((_TILES * _NB,), jnp.int32),
            pltpu.VMEM((_NB,), jnp.int32),
            pltpu.VMEM((_LANES,), jnp.int32),
            pltpu.VMEM((_TILES, _LANES), jnp.int32),
            pltpu.VMEM_SHARED((_TILES * _NB,), jnp.int32),
            pltpu.VMEM_SHARED((_TILES, _LANES), jnp.int32),
        ],
    )
    def sc_kernel(h_hbm, out_hbm, data_v, mdata, hist, folded, tmp4k,
                  merged, outv, tmp16, sh_hist, sh_sc):
        cid = lax.axis_index("c")
        sid = lax.axis_index("s")
        lane = _sc_lane_iota()

        pltpu.sync_copy(h_hbm.at[pl.ds(sid * _CHUNK, _CHUNK)], data_v)

        def cvt(i, _):
            for u in range(8):
                v = data_v[pl.ds((i * 8 + u) * _LANES, _LANES)]
                mdata[pl.ds((i * 8 + u) * _LANES, _LANES)] = _mono(v)
            return 0

        jax.lax.fori_loop(0, _CHUNK // _LANES // 8, cvt, 0)

        args = (mdata, hist, folded, tmp4k, merged, sh_hist, sid)
        b1, k1, _ = _sc_round(*args, jnp.int32(0), jnp.int32(KW1),
                              jnp.int32(24), jnp.int32(24),
                              jnp.int32(128), True)
        p1 = b1 - 128
        b2, k2, _ = _sc_round(*args, p1, k1, jnp.int32(24), jnp.int32(16),
                              jnp.int32(0), False)
        p2 = p1 * 256 + b2
        b3, k3, _ = _sc_round(*args, p2, k2, jnp.int32(16), jnp.int32(8),
                              jnp.int32(0), False)
        p3 = p2 * 256 + b3
        b4, k4, cbin = _sc_round(*args, p3, k3, jnp.int32(8), jnp.int32(0),
                                 jnp.int32(0), False)
        s = p3 * 256 + b4
        need = k4
        cnteq = cbin

        def tcond(c):
            act, jlo, jhi = c
            return (act != 0) & (jhi != jlo + 1)

        def tbody(c):
            act, jlo, jhi = c
            jmid = (jlo + jhi) >> 1

            def cntb(i, acc):
                mv = mdata[pl.ds(i * _LANES, _LANES)]
                gi = sid * _CHUNK + i * _LANES + lane
                return acc + jnp.sum(((mv == s) & (gi <= jmid))
                                     .astype(jnp.int32))

            cl = jax.lax.fori_loop(0, _CHUNK // _LANES, cntb, jnp.int32(0))
            outv[...] = jnp.where(lane == 0, cl, 0)
            pltpu.sync_copy(outv, sh_sc.at[sid])
            plsc.subcore_barrier()
            pltpu.sync_copy(sh_sc, tmp16)

            def tot(r, acc):
                return acc + _sc_extract(tmp16[r], 0)

            cg = jax.lax.fori_loop(0, _TILES, tot, jnp.int32(0))
            ge = cg >= need
            njhi = jnp.where(ge, jmid, jhi)
            njlo = jnp.where(ge, jlo, jmid)
            return (act, njlo, njhi)

        act0 = (cnteq != need).astype(jnp.int32)
        _, _, jhi = jax.lax.while_loop(
            tcond, tbody, (act0, jnp.int32(-1), jnp.int32(N1 - 1)))
        jstar = jnp.where(act0 != 0, jhi, jnp.int32(N1 - 1))

        @pl.when((cid == 0) & (sid == 0))
        def _():
            outv[...] = jnp.where(lane == 0, s,
                                  jnp.where(lane == 1, jstar, 0))
            pltpu.sync_copy(outv, out_hbm)

    return sc_kernel(h_flat)



def kwinners_mask(m, col, k, ncols, sum_rows, max_rows, min_rows,
                  probe0=None, nstep=None):
    one = jnp.int32(1)
    kf = jnp.float32(k)
    lo = min_rows(m) - one
    hi = max_rows(m)
    clo = jnp.full_like(lo, ncols)
    chi = jnp.zeros_like(lo)
    s0 = hi
    done0 = (lo + one == hi).astype(jnp.int32)

    def cond_a(c):
        (it, done, *_rest) = c
        return (it < _MAX_IT) & (jnp.min(done) == 0)

    def body_a(c):
        (it, done, lo, hi, clo, chi, s) = c
        vlo = _unmono_f(lo)
        vhi = _unmono_f(hi)
        denom = jnp.maximum((clo - chi).astype(jnp.float32), 1.0)
        frac = (clo.astype(jnp.float32) - kf) / denom
        t = vlo + (vhi - vlo) * frac
        interp = _mono(t)
        probe = jnp.where(it % 4 == 3, _avg_floor(lo, hi), interp)
        if probe0 is not None:
            probe = jnp.where(it == 0, probe0, probe)
            pv = _unmono_f(jnp.where(it == 1, jnp.where(clo == ncols, hi,
                                                        lo), probe))
            cn = jnp.where(clo == ncols, chi, clo).astype(jnp.float32)
            probe = jnp.where(it == 1, _mono(pv + (cn - kf) * nstep), probe)
        probe = jnp.clip(probe, lo + one, hi - one)
        cnt = sum_rows(m > probe)
        sep = cnt == k
        ge = cnt >= k
        nlo = jnp.where(ge, probe, lo)
        nclo = jnp.where(ge, cnt, clo)
        nhi = jnp.where(ge, hi, probe)
        nchi = jnp.where(ge, chi, cnt)
        collapsed = nhi == nlo + one
        dn = done != 0
        ndone = jnp.where(dn | sep | collapsed, one, done)
        ns = jnp.where(dn, s, jnp.where(sep, probe, nhi))
        nlo = jnp.where(dn, lo, nlo)
        nhi = jnp.where(dn, hi, nhi)
        nclo = jnp.where(dn, clo, nclo)
        nchi = jnp.where(dn, chi, nchi)
        return (it + one, ndone, nlo, nhi, nclo, nchi, ns)

    (_, _, lo, hi, clo, chi, s) = jax.lax.while_loop(
        cond_a, body_a,
        (jnp.int32(0), done0, lo, hi, clo, chi, s0))

    cgt = sum_rows(m > s)
    tie = cgt != k
    need = k - cgt
    eq = m == s
    cnteq = sum_rows(eq)

    jlo0 = jnp.full_like(lo, -1)
    jhi0 = jnp.full_like(lo, ncols - 1)
    act0 = (tie & (cnteq != need)).astype(jnp.int32)

    def cond_b(c):
        (act, _jlo, _jhi) = c
        return jnp.max(act) != 0

    def body_b(c):
        (act, jlo, jhi) = c
        a = act != 0
        jmid = (jlo + jhi) >> 1
        cnt = sum_rows(eq & (col <= jmid))
        ge = cnt >= need
        njhi = jnp.where(a & ge, jmid, jhi)
        njlo = jnp.where(a & ~ge, jmid, jlo)
        nact = jnp.where(a & (njhi != njlo + one), act, 0)
        return (nact, njlo, njhi)

    (_, _, jhi) = jax.lax.while_loop(cond_b, body_b, (act0, jlo0, jhi0))
    jstar = jnp.where(tie, jhi, -one)
    return (m > s) | (eq & (col <= jstar))



def _mv_kernel(x_ref, w_ref, b_ref, o_ref):
    acc = jax.lax.dot_general(
        x_ref[...], w_ref[...],
        dimension_numbers=(((1,), (1,)), ((), ())),
        preferred_element_type=jnp.float32)
    o_ref[...] = acc + b_ref[...]


def _fc1(x2, W1, b1w):
    BLK = 16384
    grid = N1 // BLK
    return pl.pallas_call(
        _mv_kernel,
        grid=(grid,),
        in_specs=[
            pl.BlockSpec((1, Z), lambda i: (0, 0)),
            pl.BlockSpec((BLK, Z), lambda i: (i, 0)),
            pl.BlockSpec((1, BLK), lambda i: (0, i)),
        ],
        out_specs=pl.BlockSpec((1, BLK), lambda i: (0, i)),
        out_shape=jax.ShapeDtypeStruct((1, N1), jnp.float32),
    )(x2, W1, b1w)



def _fc2_kernel(h_ref, thr_ref, w2_ref, b2_ref, o_ref):
    BR = h_ref.shape[0]
    i = pl.program_id(0)
    h = h_ref[...]
    s1 = thr_ref[0]
    j1 = thr_ref[1]
    mh = _mono(h)
    r_iota = jax.lax.broadcasted_iota(jnp.int32, (BR, Z), 0)
    c_iota = jax.lax.broadcasted_iota(jnp.int32, (BR, Z), 1)
    lin = (i * BR + r_iota) * Z + c_iota
    keep1 = (mh > s1) | ((mh == s1) & (lin <= j1))
    hm = jnp.where(keep1, h, 0.0)

    g = jax.lax.dot_general(
        hm, w2_ref[...],
        dimension_numbers=(((1,), (1,)), ((), ())),
        preferred_element_type=jnp.float32) + b2_ref[...]
    m = _mono(g)
    col = jax.lax.broadcasted_iota(jnp.int32, (BR, C2), 1)

    def sum_rows(x):
        return jnp.sum(x.astype(jnp.int32), axis=1, keepdims=True)

    def max_rows(x):
        return jnp.max(x, axis=1, keepdims=True)

    def min_rows(x):
        return jnp.min(x, axis=1, keepdims=True)

    inv = jnp.float32(1.0 / C2)
    mu = jnp.sum(g, axis=1, keepdims=True) * inv
    ex2 = jnp.sum(g * g, axis=1, keepdims=True) * inv
    sd = jnp.sqrt(jnp.maximum(ex2 - mu * mu, 0.0))
    probe0 = _mono(mu + jnp.float32(0.8416) * sd)
    nstep = sd * jnp.float32(1.0 / (C2 * 0.28))
    mask = kwinners_mask(m, col, KW2, C2, sum_rows, max_rows, min_rows,
                         probe0=probe0, nstep=nstep)
    o_ref[...] = jnp.where(mask, g, 0.0)


def _fc2(h2d, thr, W2, b2w):
    BR = 256
    grid = RW // BR
    return pl.pallas_call(
        _fc2_kernel,
        grid=(grid,),
        in_specs=[
            pl.BlockSpec((BR, Z), lambda i: (i, 0)),
            pl.BlockSpec(memory_space=pltpu.SMEM),
            pl.BlockSpec((C2, Z), lambda i: (0, 0)),
            pl.BlockSpec((1, C2), lambda i: (0, 0)),
        ],
        out_specs=pl.BlockSpec((BR, C2), lambda i: (i, 0)),
        out_shape=jax.ShapeDtypeStruct((RW, C2), jnp.float32),
    )(h2d, thr, W2, b2w)


def kernel(x, W1, b1, W2, b2):
    x2 = x.reshape(1, Z)
    b1w = b1.reshape(1, N1)
    b2w = b2.reshape(1, C2)
    h = _fc1(x2, W1, b1w)
    thr = _sc_kw1_call(h.reshape(N1))
    y = _fc2(h.reshape(RW, Z), thr, W2, b2w)
    return y.reshape(C2, RW)

# --- scband reference (transcript-rebuilt; emitter-appended) ---
"""Pipeline reference for scband-nmnet-kwinners-15221364097846 (READ-ONLY COPY).

The authoritative reference and input builder live on the scoring server;
editing this copy changes nothing except your own understanding.
"""

import jax, jax.numpy as jnp
import numpy as np

# Module config: original weight_shape = [4096, 1024] -> internal weight_shape (reversed) = [1024, 4096]
Z_DIM = 128
W0 = 1024            # weight_shape[0] after reversal
OUT2 = 4096          # weight_shape[1] after reversal
FC1_OUT = Z_DIM * W0 # 131072
K1 = int(round(0.2 * FC1_OUT))  # KWinners percent_on=0.2 -> 26214
K2 = int(round(0.2 * OUT2))     # 819

# KWinners with zero-initialized duty cycles: boost factors are a constant
# exp(boost_strength * target_density) which does not change top-k ordering,
# so the op reduces to: keep top-k activations, zero the rest.

def kwinners_1d(x, k):
    _, idx = jax.lax.top_k(x, k)
    mask = jnp.zeros_like(x).at[idx].set(1.0)
    return x * jax.lax.stop_gradient(mask)

def kwinners_2d(x, k):
    _, idx = jax.lax.top_k(x, k)
    rows = jnp.arange(x.shape[0])[:, None]
    mask = jnp.zeros_like(x).at[rows, idx].set(1.0)
    return x * jax.lax.stop_gradient(mask)


def setup_inputs(seed: int = 0) -> dict:
    key = jax.random.key(seed)
    ks = jax.random.split(key, 5)
    x = jax.random.normal(ks[0], (Z_DIM,), dtype=jnp.float32)
    W1 = jax.random.normal(ks[1], (FC1_OUT, Z_DIM), dtype=jnp.float32) * (1.0 / np.sqrt(Z_DIM))
    b1 = jax.random.normal(ks[2], (FC1_OUT,), dtype=jnp.float32) * 0.01
    W2 = jax.random.normal(ks[3], (OUT2, Z_DIM), dtype=jnp.float32) * (1.0 / np.sqrt(Z_DIM))
    b2 = jax.random.normal(ks[4], (OUT2,), dtype=jnp.float32) * 0.01
    return {"x": x, "W1": W1, "b1": b1, "W2": W2, "b2": b2}


def reference(x, W1, b1, W2, b2):
    h = W1 @ x + b1                 # fc1: [131072]
    h = kwinners_1d(h, K1)          # act1: k-winners over 131072 units
    h = h.reshape(W0, Z_DIM)        # [1024, 128]
    h = h @ W2.T + b2               # fc2: [1024, 4096]
    h = kwinners_2d(h, K2)          # act2: k-winners per row over 4096 units
    return h.reshape(4096, 1024)    # reshape to original_shape

if __name__ == "__main__":
    import jax
    _d = setup_inputs()
    print(jax.jit(kernel)(*tuple(_d.values())))

</pallas_src>

<mosaic_0001>
#map = affine_map<(d0, d1) -> (0)>
module attributes {stable_mosaic.version = 14 : i64} {
  func.func @sc_kernel(%arg0: i32, %arg1: i32, %arg2: memref<131072xf32, #tpu.memory_space<hbm>>, %arg3: memref<16xi32, #tpu.memory_space<hbm>>, %arg4: memref<8192xf32, #tpu.memory_space<vmem>>, %arg5: memref<8192xi32, #tpu.memory_space<vmem>>, %arg6: memref<4096xi32, #tpu.memory_space<vmem>>, %arg7: memref<256xi32, #tpu.memory_space<vmem>>, %arg8: memref<4096xi32, #tpu.memory_space<vmem>>, %arg9: memref<256xi32, #tpu.memory_space<vmem>>, %arg10: memref<16xi32, #tpu.memory_space<vmem>>, %arg11: memref<16x16xi32, #tpu.memory_space<vmem>>, %arg12: memref<4096xi32, #tpu.memory_space<vmem_shared>>, %arg13: memref<16x16xi32, #tpu.memory_space<vmem_shared>>) attributes {dimension_semantics = [#tpu.dimension_semantics<core_parallel>, #tpu.dimension_semantics<subcore_parallel>], iteration_bounds = array<i64: 2, 16>, scalar_prefetch = 0 : i64, scratch_operands = 10 : i64, tpu.core_type = #tpu.core_type<sc_vector_subcore>, window_params = [{transform_indices = #map}, {transform_indices = #map}]} {
    %iota3A = tpu.iota {dimensions = array<i32: 0>} : vector<16xi32>
    %mul3A = arith.constant 8192 : i32
    %mul3A_0 = arith.muli %arg1, %mul3A : i32
    "tpu.region"() ({
      %run_scoped3A = tpu.sem_alloc : memref<!tpu.dma_semaphore, #tpu.memory_space<semaphore_mem>>
      %dma_start3A = tpu.memref_slice %arg2[%mul3A_0] : memref<131072xf32, #tpu.memory_space<hbm>> -> memref<8192xf32, #tpu.memory_space<hbm>>
      %dma_start3A_598 = tpu.memref_slice %arg2[%mul3A_0] : memref<131072xf32, #tpu.memory_space<hbm>> -> memref<8192xf32, #tpu.memory_space<hbm>>
      tpu.enqueue_dma source(%dma_start3A_598 : memref<8192xf32, #tpu.memory_space<hbm>>) target(%arg4 : memref<8192xf32, #tpu.memory_space<vmem>>) target_semaphore(%run_scoped3A : memref<!tpu.dma_semaphore, #tpu.memory_space<semaphore_mem>>)
      %dma_wait3A = tpu.memref_slice %arg2[%mul3A_0] : memref<131072xf32, #tpu.memory_space<hbm>> -> memref<8192xf32, #tpu.memory_space<hbm>>
      %dma_wait3A_599 = tpu.memref_slice %arg2[%mul3A_0] : memref<131072xf32, #tpu.memory_space<hbm>> -> memref<8192xf32, #tpu.memory_space<hbm>>
      tpu.wait_dma2 semaphore(%run_scoped3A : memref<!tpu.dma_semaphore, #tpu.memory_space<semaphore_mem>>) src(%dma_wait3A_599 : memref<8192xf32, #tpu.memory_space<hbm>>) dst(%arg4 : memref<8192xf32, #tpu.memory_space<vmem>>)
      tpu.yield
    }) : () -> ()
    %scan3A = arith.constant 0 : i32
    %scan3A_1 = arith.constant 0 : i32
    %scan3A_2 = arith.constant 64 : i32
    %scan3A_3 = arith.addi %scan3A_1, %scan3A_2 : i32
    %scan3A_4 = arith.constant 1 : i32
    %scan3A_5 = scf.for %scan3A_598 = %scan3A_1 to %scan3A_3 step %scan3A_4 iter_args(%scan3A_599 = %scan3A) -> (i32)  : i32 {
      %mul3A_600 = arith.constant 8 : i32
      %mul3A_601 = arith.muli %scan3A_598, %mul3A_600 : i32
      %add3A_602 = arith.constant 0 : i32
      %add3A_603 = arith.addi %mul3A_601, %add3A_602 : i32
      %mul3A_604 = arith.constant 16 : i32
      %mul3A_605 = arith.muli %add3A_603, %mul3A_604 : i32
      %get3A_606 = arith.index_cast %mul3A_605 : i32 to index
      %get3A_607 = tpu.vector_load %arg4[%get3A_606] {strides = array<i32>} : memref<8192xf32, #tpu.memory_space<vmem>>, vector<16xf32>,
      %bitcast_convert_type3A = tpu.bitcast %get3A_607 : vector<16xf32> -> vector<16xi32>
      %shift_right_arithmetic3A = arith.constant 31 : i32
      %shift_right_arithmetic3A_608 = vector.broadcast %shift_right_arithmetic3A : i32 to vector<16xi32>
      %shift_right_arithmetic3A_609 = arith.shrsi %bitcast_convert_type3A, %shift_right_arithmetic3A_608 : vector<16xi32>
      %and3A_610 = arith.constant 2147483647 : i32
      %and3A_611 = vector.broadcast %and3A_610 : i32 to vector<16xi32>
      %and3A_612 = arith.andi %shift_right_arithmetic3A_609, %and3A_611 : vector<16xi32>
      %xor3A = arith.xori %bitcast_convert_type3A, %and3A_612 : vector<16xi32>
      %mul3A_613 = arith.constant 8 : i32
      %mul3A_614 = arith.muli %scan3A_598, %mul3A_613 : i32
      %add3A_615 = arith.constant 0 : i32
      %add3A_616 = arith.addi %mul3A_614, %add3A_615 : i32
      %mul3A_617 = arith.constant 16 : i32
      %mul3A_618 = arith.muli %add3A_616, %mul3A_617 : i32
      %swap3A = arith.index_cast %mul3A_618 : i32 to index
      %swap3A_619 = tpu.vector_load %arg5[%swap3A] {strides = array<i32>} : memref<8192xi32, #tpu.memory_space<vmem>>, vector<16xi32>,
      tpu.vector_store %arg5[%swap3A], %xor3A {strides = array<i32>} : memref<8192xi32, #tpu.memory_space<vmem>>, vector<16xi32>,
      %mul3A_620 = arith.constant 8 : i32
      %mul3A_621 = arith.muli %scan3A_598, %mul3A_620 : i32
      %add3A_622 = arith.constant 1 : i32
      %add3A_623 = arith.addi %mul3A_621, %add3A_622 : i32
      %mul3A_624 = arith.constant 16 : i32
      %mul3A_625 = arith.muli %add3A_623, %mul3A_624 : i32
      %get3A_626 = arith.index_cast %mul3A_625 : i32 to index
      %get3A_627 = tpu.vector_load %arg4[%get3A_626] {strides = array<i32>} : memref<8192xf32, #tpu.memory_space<vmem>>, vector<16xf32>,
      %bitcast_convert_type3A_628 = tpu.bitcast %get3A_627 : vector<16xf32> -> vector<16xi32>
      %shift_right_arithmetic3A_629 = arith.constant 31 : i32
      %shift_right_arithmetic3A_630 = vector.broadcast %shift_right_arithmetic3A_629 : i32 to vector<16xi32>
      %shift_right_arithmetic3A_631 = arith.shrsi %bitcast_convert_type3A_628, %shift_right_arithmetic3A_630 : vector<16xi32>
      %and3A_632 = arith.constant 2147483647 : i32
      %and3A_633 = vector.broadcast %and3A_632 : i32 to vector<16xi32>
      %and3A_634 = arith.andi %shift_right_arithmetic3A_631, %and3A_633 : vector<16xi32>
      %xor3A_635 = arith.xori %bitcast_convert_type3A_628, %and3A_634 : vector<16xi32>
      %mul3A_636 = arith.constant 8 : i32
      %mul3A_637 = arith.muli %scan3A_598, %mul3A_636 : i32
      %add3A_638 = arith.constant 1 : i32
      %add3A_639 = arith.addi %mul3A_637, %add3A_638 : i32
      %mul3A_640 = arith.constant 16 : i32
      %mul3A_641 = arith.muli %add3A_639, %mul3A_640 : i32
      %swap3A_642 = arith.index_cast %mul3A_641 : i32 to index
      %swap3A_643 = tpu.vector_load %arg5[%swap3A_642] {strides = array<i32>} : memref<8192xi32, #tpu.memory_space<vmem>>, vector<16xi32>,
      tpu.vector_store %arg5[%swap3A_642], %xor3A_635 {strides = array<i32>} : memref<8192xi32, #tpu.memory_space<vmem>>, vector<16xi32>,
      %mul3A_644 = arith.constant 8 : i32
      %mul3A_645 = arith.muli %scan3A_598, %mul3A_644 : i32
      %add3A_646 = arith.constant 2 : i32
      %add3A_647 = arith.addi %mul3A_645, %add3A_646 : i32
      %mul3A_648 = arith.constant 16 : i32
      %mul3A_649 = arith.muli %add3A_647, %mul3A_648 : i32
      %get3A_650 = arith.index_cast %mul3A_649 : i32 to index
      %get3A_651 = tpu.vector_load %arg4[%get3A_650] {strides = array<i32>} : memref<8192xf32, #tpu.memory_space<vmem>>, vector<16xf32>,
      %bitcast_convert_type3A_652 = tpu.bitcast %get3A_651 : vector<16xf32> -> vector<16xi32>
      %shift_right_arithmetic3A_653 = arith.constant 31 : i32
      %shift_right_arithmetic3A_654 = vector.broadcast %shift_right_arithmetic3A_653 : i32 to vector<16xi32>
      %shift_right_arithmetic3A_655 = arith.shrsi %bitcast_convert_type3A_652, %shift_right_arithmetic3A_654 : vector<16xi32>
      %and3A_656 = arith.constant 2147483647 : i32
      %and3A_657 = vector.broadcast %and3A_656 : i32 to vector<16xi32>
      %and3A_658 = arith.andi %shift_right_arithmetic3A_655, %and3A_657 : vector<16xi32>
      %xor3A_659 = arith.xori %bitcast_convert_type3A_652, %and3A_658 : vector<16xi32>
      %mul3A_660 = arith.constant 8 : i32
      %mul3A_661 = arith.muli %scan3A_598, %mul3A_660 : i32
      %add3A_662 = arith.constant 2 : i32
      %add3A_663 = arith.addi %mul3A_661, %add3A_662 : i32
      %mul3A_664 = arith.constant 16 : i32
      %mul3A_665 = arith.muli %add3A_663, %mul3A_664 : i32
      %swap3A_666 = arith.index_cast %mul3A_665 : i32 to index
      %swap3A_667 = tpu.vector_load %arg5[%swap3A_666] {strides = array<i32>} : memref<8192xi32, #tpu.memory_space<vmem>>, vector<16xi32>,
      tpu.vector_store %arg5[%swap3A_666], %xor3A_659 {strides = array<i32>} : memref<8192xi32, #tpu.memory_space<vmem>>, vector<16xi32>,
      %mul3A_668 = arith.constant 8 : i32
      %mul3A_669 = arith.muli %scan3A_598, %mul3A_668 : i32
      %add3A_670 = arith.constant 3 : i32
      %add3A_671 = arith.addi %mul3A_669, %add3A_670 : i32
      %mul3A_672 = arith.constant 16 : i32
      %mul3A_673 = arith.muli %add3A_671, %mul3A_672 : i32
      %get3A_674 = arith.index_cast %mul3A_673 : i32 to index
      %get3A_675 = tpu.vector_load %arg4[%get3A_674] {strides = array<i32>} : memref<8192xf32, #tpu.memory_space<vmem>>, vector<16xf32>,
      %bitcast_convert_type3A_676 = tpu.bitcast %get3A_675 : vector<16xf32> -> vector<16xi32>
      %shift_right_arithmetic3A_677 = arith.constant 31 : i32
      %shift_right_arithmetic3A_678 = vector.broadcast %shift_right_arithmetic3A_677 : i32 to vector<16xi32>
      %shift_right_arithmetic3A_679 = arith.shrsi %bitcast_convert_type3A_676, %shift_right_arithmetic3A_678 : vector<16xi32>
      %and3A_680 = arith.constant 2147483647 : i32
      %and3A_681 = vector.broadcast %and3A_680 : i32 to vector<16xi32>
      %and3A_682 = arith.andi %shift_right_arithmetic3A_679, %and3A_681 : vector<16xi32>
      %xor3A_683 = arith.xori %bitcast_convert_type3A_676, %and3A_682 : vector<16xi32>
      %mul3A_684 = arith.constant 8 : i32
      %mul3A_685 = arith.muli %scan3A_598, %mul3A_684 : i32
      %add3A_686 = arith.constant 3 : i32
      %add3A_687 = arith.addi %mul3A_685, %add3A_686 : i32
      %mul3A_688 = arith.constant 16 : i32
      %mul3A_689 = arith.muli %add3A_687, %mul3A_688 : i32
      %swap3A_690 = arith.index_cast %mul3A_689 : i32 to index
      %swap3A_691 = tpu.vector_load %arg5[%swap3A_690] {strides = array<i32>} : memref<8192xi32, #tpu.memory_space<vmem>>, vector<16xi32>,
      tpu.vector_store %arg5[%swap3A_690], %xor3A_683 {strides = array<i32>} : memref<8192xi32, #tpu.memory_space<vmem>>, vector<16xi32>,
      %mul3A_692 = arith.constant 8 : i32
      %mul3A_693 = arith.muli %scan3A_598, %mul3A_692 : i32
      %add3A_694 = arith.constant 4 : i32
      %add3A_695 = arith.addi %mul3A_693, %add3A_694 : i32
      %mul3A_696 = arith.constant 16 : i32
      %mul3A_697 = arith.muli %add3A_695, %mul3A_696 : i32
      %get3A_698 = arith.index_cast %mul3A_697 : i32 to index
      %get3A_699 = tpu.vector_load %arg4[%get3A_698] {strides = array<i32>} : memref<8192xf32, #tpu.memory_space<vmem>>, vector<16xf32>,
      %bitcast_convert_type3A_700 = tpu.bitcast %get3A_699 : vector<16xf32> -> vector<16xi32>
      %shift_right_arithmetic3A_701 = arith.constant 31 : i32
      %shift_right_arithmetic3A_702 = vector.broadcast %shift_right_arithmetic3A_701 : i32 to vector<16xi32>
      %shift_right_arithmetic3A_703 = arith.shrsi %bitcast_convert_type3A_700, %shift_right_arithmetic3A_702 : vector<16xi32>
      %and3A_704 = arith.constant 2147483647 : i32
      %and3A_705 = vector.broadcast %and3A_704 : i32 to vector<16xi32>
      %and3A_706 = arith.andi %shift_right_arithmetic3A_703, %and3A_705 : vector<16xi32>
      %xor3A_707 = arith.xori %bitcast_convert_type3A_700, %and3A_706 : vector<16xi32>
      %mul3A_708 = arith.constant 8 : i32
      %mul3A_709 = arith.muli %scan3A_598, %mul3A_708 : i32
      %add3A_710 = arith.constant 4 : i32
      %add3A_711 = arith.addi %mul3A_709, %add3A_710 : i32
      %mul3A_712 = arith.constant 16 : i32
      %mul3A_713 = arith.muli %add3A_711, %mul3A_712 : i32
      %swap3A_714 = arith.index_cast %mul3A_713 : i32 to index
      %swap3A_715 = tpu.vector_load %arg5[%swap3A_714] {strides = array<i32>} : memref<8192xi32, #tpu.memory_space<vmem>>, vector<16xi32>,
      tpu.vector_store %arg5[%swap3A_714], %xor3A_707 {strides = array<i32>} : memref<8192xi32, #tpu.memory_space<vmem>>, vector<16xi32>,
      %mul3A_716 = arith.constant 8 : i32
      %mul3A_717 = arith.muli %scan3A_598, %mul3A_716 : i32
      %add3A_718 = arith.constant 5 : i32
      %add3A_719 = arith.addi %mul3A_717, %add3A_718 : i32
      %mul3A_720 = arith.constant 16 : i32
      %mul3A_721 = arith.muli %add3A_719, %mul3A_720 : i32
      %get3A_722 = arith.index_cast %mul3A_721 : i32 to index
      %get3A_723 = tpu.vector_load %arg4[%get3A_722] {strides = array<i32>} : memref<8192xf32, #tpu.memory_space<vmem>>, vector<16xf32>,
      %bitcast_convert_type3A_724 = tpu.bitcast %get3A_723 : vector<16xf32> -> vector<16xi32>
      %shift_right_arithmetic3A_725 = arith.constant 31 : i32
      %shift_right_arithmetic3A_726 = vector.broadcast %shift_right_arithmetic3A_725 : i32 to vector<16xi32>
      %shift_right_arithmetic3A_727 = arith.shrsi %bitcast_convert_type3A_724, %shift_right_arithmetic3A_726 : vector<16xi32>
      %and3A_728 = arith.constant 2147483647 : i32
      %and3A_729 = vector.broadcast %and3A_728 : i32 to vector<16xi32>
      %and3A_730 = arith.andi %shift_right_arithmetic3A_727, %and3A_729 : vector<16xi32>
      %xor3A_731 = arith.xori %bitcast_convert_type3A_724, %and3A_730 : vector<16xi32>
      %mul3A_732 = arith.constant 8 : i32
      %mul3A_733 = arith.muli %scan3A_598, %mul3A_732 : i32
      %add3A_734 = arith.constant 5 : i32
      %add3A_735 = arith.addi %mul3A_733, %add3A_734 : i32
      %mul3A_736 = arith.constant 16 : i32
      %mul3A_737 = arith.muli %add3A_735, %mul3A_736 : i32
      %swap3A_738 = arith.index_cast %mul3A_737 : i32 to index
      %swap3A_739 = tpu.vector_load %arg5[%swap3A_738] {strides = array<i32>} : memref<8192xi32, #tpu.memory_space<vmem>>, vector<16xi32>,
      tpu.vector_store %arg5[%swap3A_738], %xor3A_731 {strides = array<i32>} : memref<8192xi32, #tpu.memory_space<vmem>>, vector<16xi32>,
      %mul3A_740 = arith.constant 8 : i32
      %mul3A_741 = arith.muli %scan3A_598, %mul3A_740 : i32
      %add3A_742 = arith.constant 6 : i32
      %add3A_743 = arith.addi %mul3A_741, %add3A_742 : i32
      %mul3A_744 = arith.constant 16 : i32
      %mul3A_745 = arith.muli %add3A_743, %mul3A_744 : i32
      %get3A_746 = arith.index_cast %mul3A_745 : i32 to index
      %get3A_747 = tpu.vector_load %arg4[%get3A_746] {strides = array<i32>} : memref<8192xf32, #tpu.memory_space<vmem>>, vector<16xf32>,
      %bitcast_convert_type3A_748 = tpu.bitcast %get3A_747 : vector<16xf32> -> vector<16xi32>
      %shift_right_arithmetic3A_749 = arith.constant 31 : i32
      %shift_right_arithmetic3A_750 = vector.broadcast %shift_right_arithmetic3A_749 : i32 to vector<16xi32>
      %shift_right_arithmetic3A_751 = arith.shrsi %bitcast_convert_type3A_748, %shift_right_arithmetic3A_750 : vector<16xi32>
      %and3A_752 = arith.constant 2147483647 : i32
      %and3A_753 = vector.broadcast %and3A_752 : i32 to vector<16xi32>
      %and3A_754 = arith.andi %shift_right_arithmetic3A_751, %and3A_753 : vector<16xi32>
      %xor3A_755 = arith.xori %bitcast_convert_type3A_748, %and3A_754 : vector<16xi32>
      %mul3A_756 = arith.constant 8 : i32
      %mul3A_757 = arith.muli %scan3A_598, %mul3A_756 : i32
      %add3A_758 = arith.constant 6 : i32
      %add3A_759 = arith.addi %mul3A_757, %add3A_758 : i32
      %mul3A_760 = arith.constant 16 : i32
      %mul3A_761 = arith.muli %add3A_759, %mul3A_760 : i32
      %swap3A_762 = arith.index_cast %mul3A_761 : i32 to index
      %swap3A_763 = tpu.vector_load %arg5[%swap3A_762] {strides = array<i32>} : memref<8192xi32, #tpu.memory_space<vmem>>, vector<16xi32>,
      tpu.vector_store %arg5[%swap3A_762], %xor3A_755 {strides = array<i32>} : memref<8192xi32, #tpu.memory_space<vmem>>, vector<16xi32>,
      %mul3A_764 = arith.constant 8 : i32
      %mul3A_765 = arith.muli %scan3A_598, %mul3A_764 : i32
      %add3A_766 = arith.constant 7 : i32
      %add3A_767 = arith.addi %mul3A_765, %add3A_766 : i32
      %mul3A_768 = arith.constant 16 : i32
      %mul3A_769 = arith.muli %add3A_767, %mul3A_768 : i32
      %get3A_770 = arith.index_cast %mul3A_769 : i32 to index
      %get3A_771 = tpu.vector_load %arg4[%get3A_770] {strides = array<i32>} : memref<8192xf32, #tpu.memory_space<vmem>>, vector<16xf32>,
      %bitcast_convert_type3A_772 = tpu.bitcast %get3A_771 : vector<16xf32> -> vector<16xi32>
      %shift_right_arithmetic3A_773 = arith.constant 31 : i32
      %shift_right_arithmetic3A_774 = vector.broadcast %shift_right_arithmetic3A_773 : i32 to vector<16xi32>
      %shift_right_arithmetic3A_775 = arith.shrsi %bitcast_convert_type3A_772, %shift_right_arithmetic3A_774 : vector<16xi32>
      %and3A_776 = arith.constant 2147483647 : i32
      %and3A_777 = vector.broadcast %and3A_776 : i32 to vector<16xi32>
      %and3A_778 = arith.andi %shift_right_arithmetic3A_775, %and3A_777 : vector<16xi32>
      %xor3A_779 = arith.xori %bitcast_convert_type3A_772, %and3A_778 : vector<16xi32>
      %mul3A_780 = arith.constant 8 : i32
      %mul3A_781 = arith.muli %scan3A_598, %mul3A_780 : i32
      %add3A_782 = arith.constant 7 : i32
      %add3A_783 = arith.addi %mul3A_781, %add3A_782 : i32
      %mul3A_784 = arith.constant 16 : i32
      %mul3A_785 = arith.muli %add3A_783, %mul3A_784 : i32
      %swap3A_786 = arith.index_cast %mul3A_785 : i32 to index
      %swap3A_787 = tpu.vector_load %arg5[%swap3A_786] {strides = array<i32>} : memref<8192xi32, #tpu.memory_space<vmem>>, vector<16xi32>,
      tpu.vector_store %arg5[%swap3A_786], %xor3A_779 {strides = array<i32>} : memref<8192xi32, #tpu.memory_space<vmem>>, vector<16xi32>,
      %scan3A_788 = arith.constant 0 : i32
      scf.yield %scan3A_788 : i32
    }
    %scan3A_6 = arith.constant 64 : i32
    %iota3A_7 = tpu.iota {dimensions = array<i32: 0>} : vector<16xi32>
    %broadcast_in_dim3A = arith.constant 1 : i32
    %broadcast_in_dim3A_8 = vector.broadcast %broadcast_in_dim3A : i32 to vector<16xi32>
    %broadcast_in_dim3A_9 = arith.constant 0 : i32
    %broadcast_in_dim3A_10 = vector.broadcast %broadcast_in_dim3A_9 : i32 to vector<16xi32>
    %scan3A_11 = arith.constant 0 : i32
    %scan3A_12 = arith.constant 0 : i32
    %scan3A_13 = arith.constant 64 : i32
    %scan3A_14 = arith.addi %scan3A_12, %scan3A_13 : i32
    %scan3A_15 = arith.constant 1 : i32
    %scan3A_16 = scf.for %scan3A_598 = %scan3A_12 to %scan3A_14 step %scan3A_15 iter_args(%scan3A_599 = %scan3A_11) -> (i32)  : i32 {
      %mul3A_600 = arith.constant 4 : i32
      %mul3A_601 = arith.muli %scan3A_598, %mul3A_600 : i32
      %add3A_602 = arith.constant 0 : i32
      %add3A_603 = arith.addi %mul3A_601, %add3A_602 : i32
      %mul3A_604 = arith.constant 16 : i32
      %mul3A_605 = arith.muli %add3A_603, %mul3A_604 : i32
      %swap3A = arith.index_cast %mul3A_605 : i32 to index
      %swap3A_606 = tpu.vector_load %arg6[%swap3A] {strides = array<i32>} : memref<4096xi32, #tpu.memory_space<vmem>>, vector<16xi32>,
      tpu.vector_store %arg6[%swap3A], %broadcast_in_dim3A_10 {strides = array<i32>} : memref<4096xi32, #tpu.memory_space<vmem>>, vector<16xi32>,
      %mul3A_607 = arith.constant 4 : i32
      %mul3A_608 = arith.muli %scan3A_598, %mul3A_607 : i32
      %add3A_609 = arith.constant 1 : i32
      %add3A_610 = arith.addi %mul3A_608, %add3A_609 : i32
      %mul3A_611 = arith.constant 16 : i32
      %mul3A_612 = arith.muli %add3A_610, %mul3A_611 : i32
      %swap3A_613 = arith.index_cast %mul3A_612 : i32 to index
      %swap3A_614 = tpu.vector_load %arg6[%swap3A_613] {strides = array<i32>} : memref<4096xi32, #tpu.memory_space<vmem>>, vector<16xi32>,
      tpu.vector_store %arg6[%swap3A_613], %broadcast_in_dim3A_10 {strides = array<i32>} : memref<4096xi32, #tpu.memory_space<vmem>>, vector<16xi32>,
      %mul3A_615 = arith.constant 4 : i32
      %mul3A_616 = arith.muli %scan3A_598, %mul3A_615 : i32
      %add3A_617 = arith.constant 2 : i32
      %add3A_618 = arith.addi %mul3A_616, %add3A_617 : i32
      %mul3A_619 = arith.constant 16 : i32
      %mul3A_620 = arith.muli %add3A_618, %mul3A_619 : i32
      %swap3A_621 = arith.index_cast %mul3A_620 : i32 to index
      %swap3A_622 = tpu.vector_load %arg6[%swap3A_621] {strides = array<i32>} : memref<4096xi32, #tpu.memory_space<vmem>>, vector<16xi32>,
      tpu.vector_store %arg6[%swap3A_621], %broadcast_in_dim3A_10 {strides = array<i32>} : memref<4096xi32, #tpu.memory_space<vmem>>, vector<16xi32>,
      %mul3A_623 = arith.constant 4 : i32
      %mul3A_624 = arith.muli %scan3A_598, %mul3A_623 : i32
      %add3A_625 = arith.constant 3 : i32
      %add3A_626 = arith.addi %mul3A_624, %add3A_625 : i32
      %mul3A_627 = arith.constant 16 : i32
      %mul3A_628 = arith.muli %add3A_626, %mul3A_627 : i32
      %swap3A_629 = arith.index_cast %mul3A_628 : i32 to index
      %swap3A_630 = tpu.vector_load %arg6[%swap3A_629] {strides = array<i32>} : memref<4096xi32, #tpu.memory_space<vmem>>, vector<16xi32>,
      tpu.vector_store %arg6[%swap3A_629], %broadcast_in_dim3A_10 {strides = array<i32>} : memref<4096xi32, #tpu.memory_space<vmem>>, vector<16xi32>,
      %scan3A_631 = arith.constant 0 : i32
      scf.yield %scan3A_631 : i32
    }
    %scan3A_17 = arith.constant 64 : i32
    %scan3A_18 = arith.constant 24 : i32
    %scan3A_19 = arith.constant 128 : i32
    %scan3A_20 = arith.constant 0 : i32
    %scan3A_21 = arith.constant 0 : i32
    %scan3A_22 = arith.constant 64 : i32
    %scan3A_23 = arith.addi %scan3A_21, %scan3A_22 : i32
    %scan3A_24 = arith.constant 1 : i32
    %scan3A_25 = scf.for %scan3A_598 = %scan3A_21 to %scan3A_23 step %scan3A_24 iter_args(%scan3A_599 = %scan3A_20) -> (i32)  : i32 {
      %mul3A_600 = arith.constant 8 : i32
      %mul3A_601 = arith.muli %scan3A_598, %mul3A_600 : i32
      %add3A_602 = arith.constant 0 : i32
      %add3A_603 = arith.addi %mul3A_601, %add3A_602 : i32
      %mul3A_604 = arith.constant 16 : i32
      %mul3A_605 = arith.muli %add3A_603, %mul3A_604 : i32
      %get3A_606 = arith.index_cast %mul3A_605 : i32 to index
      %get3A_607 = tpu.vector_load %arg5[%get3A_606] {strides = array<i32>} : memref<8192xi32, #tpu.memory_space<vmem>>, vector<16xi32>,
      %shift_right_arithmetic3A = vector.broadcast %scan3A_18 : i32 to vector<16xi32>
      %shift_right_arithmetic3A_608 = arith.shrsi %get3A_607, %shift_right_arithmetic3A : vector<16xi32>
      %add3A_609 = vector.broadcast %scan3A_19 : i32 to vector<16xi32>
      %add3A_610 = arith.addi %shift_right_arithmetic3A_608, %add3A_609 : vector<16xi32>
      %and3A_611 = arith.constant 255 : i32
      %and3A_612 = vector.broadcast %and3A_611 : i32 to vector<16xi32>
      %and3A_613 = arith.andi %add3A_610, %and3A_612 : vector<16xi32>
      %mul3A_614 = arith.constant 256 : i32
      %mul3A_615 = vector.broadcast %mul3A_614 : i32 to vector<16xi32>
      %mul3A_616 = arith.muli %iota3A_7, %mul3A_615 : vector<16xi32>
      %add3A_617 = arith.addi %and3A_613, %mul3A_616 : vector<16xi32>
      tpu.vector_store_idx %arg6[%add3A_617], %broadcast_in_dim3A_8 {add = true} : memref<4096xi32, #tpu.memory_space<vmem>>[vector<16xi32>], vector<16xi32>,
      %mul3A_618 = arith.constant 8 : i32
      %mul3A_619 = arith.muli %scan3A_598, %mul3A_618 : i32
      %add3A_620 = arith.constant 1 : i32
      %add3A_621 = arith.addi %mul3A_619, %add3A_620 : i32
      %mul3A_622 = arith.constant 16 : i32
      %mul3A_623 = arith.muli %add3A_621, %mul3A_622 : i32
      %get3A_624 = arith.index_cast %mul3A_623 : i32 to index
      %get3A_625 = tpu.vector_load %arg5[%get3A_624] {strides = array<i32>} : memref<8192xi32, #tpu.memory_space<vmem>>, vector<16xi32>,
      %shift_right_arithmetic3A_626 = vector.broadcast %scan3A_18 : i32 to vector<16xi32>
      %shift_right_arithmetic3A_627 = arith.shrsi %get3A_625, %shift_right_arithmetic3A_626 : vector<16xi32>
      %add3A_628 = vector.broadcast %scan3A_19 : i32 to vector<16xi32>
      %add3A_629 = arith.addi %shift_right_arithmetic3A_627, %add3A_628 : vector<16xi32>
      %and3A_630 = arith.constant 255 : i32
      %and3A_631 = vector.broadcast %and3A_630 : i32 to vector<16xi32>
      %and3A_632 = arith.andi %add3A_629, %and3A_631 : vector<16xi32>
      %mul3A_633 = arith.constant 256 : i32
      %mul3A_634 = vector.broadcast %mul3A_633 : i32 to vector<16xi32>
      %mul3A_635 = arith.muli %iota3A_7, %mul3A_634 : vector<16xi32>
      %add3A_636 = arith.addi %and3A_632, %mul3A_635 : vector<16xi32>
      tpu.vector_store_idx %arg6[%add3A_636], %broadcast_in_dim3A_8 {add = true} : memref<4096xi32, #tpu.memory_space<vmem>>[vector<16xi32>], vector<16xi32>,
      %mul3A_637 = arith.constant 8 : i32
      %mul3A_638 = arith.muli %scan3A_598, %mul3A_637 : i32
      %add3A_639 = arith.constant 2 : i32
      %add3A_640 = arith.addi %mul3A_638, %add3A_639 : i32
      %mul3A_641 = arith.constant 16 : i32
      %mul3A_642 = arith.muli %add3A_640, %mul3A_641 : i32
      %get3A_643 = arith.index_cast %mul3A_642 : i32 to index
      %get3A_644 = tpu.vector_load %arg5[%get3A_643] {strides = array<i32>} : memref<8192xi32, #tpu.memory_space<vmem>>, vector<16xi32>,
      %shift_right_arithmetic3A_645 = vector.broadcast %scan3A_18 : i32 to vector<16xi32>
      %shift_right_arithmetic3A_646 = arith.shrsi %get3A_644, %shift_right_arithmetic3A_645 : vector<16xi32>
      %add3A_647 = vector.broadcast %scan3A_19 : i32 to vector<16xi32>
      %add3A_648 = arith.addi %shift_right_arithmetic3A_646, %add3A_647 : vector<16xi32>
      %and3A_649 = arith.constant 255 : i32
      %and3A_650 = vector.broadcast %and3A_649 : i32 to vector<16xi32>
      %and3A_651 = arith.andi %add3A_648, %and3A_650 : vector<16xi32>
      %mul3A_652 = arith.constant 256 : i32
      %mul3A_653 = vector.broadcast %mul3A_652 : i32 to vector<16xi32>
      %mul3A_654 = arith.muli %iota3A_7, %mul3A_653 : vector<16xi32>
      %add3A_655 = arith.addi %and3A_651, %mul3A_654 : vector<16xi32>
      tpu.vector_store_idx %arg6[%add3A_655], %broadcast_in_dim3A_8 {add = true} : memref<4096xi32, #tpu.memory_space<vmem>>[vector<16xi32>], vector<16xi32>,
      %mul3A_656 = arith.constant 8 : i32
      %mul3A_657 = arith.muli %scan3A_598, %mul3A_656 : i32
      %add3A_658 = arith.constant 3 : i32
      %add3A_659 = arith.addi %mul3A_657, %add3A_658 : i32
      %mul3A_660 = arith.constant 16 : i32
      %mul3A_661 = arith.muli %add3A_659, %mul3A_660 : i32
      %get3A_662 = arith.index_cast %mul3A_661 : i32 to index
      %get3A_663 = tpu.vector_load %arg5[%get3A_662] {strides = array<i32>} : memref<8192xi32, #tpu.memory_space<vmem>>, vector<16xi32>,
      %shift_right_arithmetic3A_664 = vector.broadcast %scan3A_18 : i32 to vector<16xi32>
      %shift_right_arithmetic3A_665 = arith.shrsi %get3A_663, %shift_right_arithmetic3A_664 : vector<16xi32>
      %add3A_666 = vector.broadcast %scan3A_19 : i32 to vector<16xi32>
      %add3A_667 = arith.addi %shift_right_arithmetic3A_665, %add3A_666 : vector<16xi32>
      %and3A_668 = arith.constant 255 : i32
      %and3A_669 = vector.broadcast %and3A_668 : i32 to vector<16xi32>
      %and3A_670 = arith.andi %add3A_667, %and3A_669 : vector<16xi32>
      %mul3A_671 = arith.constant 256 : i32
      %mul3A_672 = vector.broadcast %mul3A_671 : i32 to vector<16xi32>
      %mul3A_673 = arith.muli %iota3A_7, %mul3A_672 : vector<16xi32>
      %add3A_674 = arith.addi %and3A_670, %mul3A_673 : vector<16xi32>
      tpu.vector_store_idx %arg6[%add3A_674], %broadcast_in_dim3A_8 {add = true} : memref<4096xi32, #tpu.memory_space<vmem>>[vector<16xi32>], vector<16xi32>,
      %mul3A_675 = arith.constant 8 : i32
      %mul3A_676 = arith.muli %scan3A_598, %mul3A_675 : i32
      %add3A_677 = arith.constant 4 : i32
      %add3A_678 = arith.addi %mul3A_676, %add3A_677 : i32
      %mul3A_679 = arith.constant 16 : i32
      %mul3A_680 = arith.muli %add3A_678, %mul3A_679 : i32
      %get3A_681 = arith.index_cast %mul3A_680 : i32 to index
      %get3A_682 = tpu.vector_load %arg5[%get3A_681] {strides = array<i32>} : memref<8192xi32, #tpu.memory_space<vmem>>, vector<16xi32>,
      %shift_right_arithmetic3A_683 = vector.broadcast %scan3A_18 : i32 to vector<16xi32>
      %shift_right_arithmetic3A_684 = arith.shrsi %get3A_682, %shift_right_arithmetic3A_683 : vector<16xi32>
      %add3A_685 = vector.broadcast %scan3A_19 : i32 to vector<16xi32>
      %add3A_686 = arith.addi %shift_right_arithmetic3A_684, %add3A_685 : vector<16xi32>
      %and3A_687 = arith.constant 255 : i32
      %and3A_688 = vector.broadcast %and3A_687 : i32 to vector<16xi32>
      %and3A_689 = arith.andi %add3A_686, %and3A_688 : vector<16xi32>
      %mul3A_690 = arith.constant 256 : i32
      %mul3A_691 = vector.broadcast %mul3A_690 : i32 to vector<16xi32>
      %mul3A_692 = arith.muli %iota3A_7, %mul3A_691 : vector<16xi32>
      %add3A_693 = arith.addi %and3A_689, %mul3A_692 : vector<16xi32>
      tpu.vector_store_idx %arg6[%add3A_693], %broadcast_in_dim3A_8 {add = true} : memref<4096xi32, #tpu.memory_space<vmem>>[vector<16xi32>], vector<16xi32>,
      %mul3A_694 = arith.constant 8 : i32
      %mul3A_695 = arith.muli %scan3A_598, %mul3A_694 : i32
      %add3A_696 = arith.constant 5 : i32
      %add3A_697 = arith.addi %mul3A_695, %add3A_696 : i32
      %mul3A_698 = arith.constant 16 : i32
      %mul3A_699 = arith.muli %add3A_697, %mul3A_698 : i32
      %get3A_700 = arith.index_cast %mul3A_699 : i32 to index
      %get3A_701 = tpu.vector_load %arg5[%get3A_700] {strides = array<i32>} : memref<8192xi32, #tpu.memory_space<vmem>>, vector<16xi32>,
      %shift_right_arithmetic3A_702 = vector.broadcast %scan3A_18 : i32 to vector<16xi32>
      %shift_right_arithmetic3A_703 = arith.shrsi %get3A_701, %shift_right_arithmetic3A_702 : vector<16xi32>
      %add3A_704 = vector.broadcast %scan3A_19 : i32 to vector<16xi32>
      %add3A_705 = arith.addi %shift_right_arithmetic3A_703, %add3A_704 : vector<16xi32>
      %and3A_706 = arith.constant 255 : i32
      %and3A_707 = vector.broadcast %and3A_706 : i32 to vector<16xi32>
      %and3A_708 = arith.andi %add3A_705, %and3A_707 : vector<16xi32>
      %mul3A_709 = arith.constant 256 : i32
      %mul3A_710 = vector.broadcast %mul3A_709 : i32 to vector<16xi32>
      %mul3A_711 = arith.muli %iota3A_7, %mul3A_710 : vector<16xi32>
      %add3A_712 = arith.addi %and3A_708, %mul3A_711 : vector<16xi32>
      tpu.vector_store_idx %arg6[%add3A_712], %broadcast_in_dim3A_8 {add = true} : memref<4096xi32, #tpu.memory_space<vmem>>[vector<16xi32>], vector<16xi32>,
      %mul3A_713 = arith.constant 8 : i32
      %mul3A_714 = arith.muli %scan3A_598, %mul3A_713 : i32
      %add3A_715 = arith.constant 6 : i32
      %add3A_716 = arith.addi %mul3A_714, %add3A_715 : i32
      %mul3A_717 = arith.constant 16 : i32
      %mul3A_718 = arith.muli %add3A_716, %mul3A_717 : i32
      %get3A_719 = arith.index_cast %mul3A_718 : i32 to index
      %get3A_720 = tpu.vector_load %arg5[%get3A_719] {strides = array<i32>} : memref<8192xi32, #tpu.memory_space<vmem>>, vector<16xi32>,
      %shift_right_arithmetic3A_721 = vector.broadcast %scan3A_18 : i32 to vector<16xi32>
      %shift_right_arithmetic3A_722 = arith.shrsi %get3A_720, %shift_right_arithmetic3A_721 : vector<16xi32>
      %add3A_723 = vector.broadcast %scan3A_19 : i32 to vector<16xi32>
      %add3A_724 = arith.addi %shift_right_arithmetic3A_722, %add3A_723 : vector<16xi32>
      %and3A_725 = arith.constant 255 : i32
      %and3A_726 = vector.broadcast %and3A_725 : i32 to vector<16xi32>
      %and3A_727 = arith.andi %add3A_724, %and3A_726 : vector<16xi32>
      %mul3A_728 = arith.constant 256 : i32
      %mul3A_729 = vector.broadcast %mul3A_728 : i32 to vector<16xi32>
      %mul3A_730 = arith.muli %iota3A_7, %mul3A_729 : vector<16xi32>
      %add3A_731 = arith.addi %and3A_727, %mul3A_730 : vector<16xi32>
      tpu.vector_store_idx %arg6[%add3A_731], %broadcast_in_dim3A_8 {add = true} : memref<4096xi32, #tpu.memory_space<vmem>>[vector<16xi32>], vector<16xi32>,
      %mul3A_732 = arith.constant 8 : i32
      %mul3A_733 = arith.muli %scan3A_598, %mul3A_732 : i32
      %add3A_734 = arith.constant 7 : i32
      %add3A_735 = arith.addi %mul3A_733, %add3A_734 : i32
      %mul3A_736 = arith.constant 16 : i32
      %mul3A_737 = arith.muli %add3A_735, %mul3A_736 : i32
      %get3A_738 = arith.index_cast %mul3A_737 : i32 to index
      %get3A_739 = tpu.vector_load %arg5[%get3A_738] {strides = array<i32>} : memref<8192xi32, #tpu.memory_space<vmem>>, vector<16xi32>,
      %shift_right_arithmetic3A_740 = vector.broadcast %scan3A_18 : i32 to vector<16xi32>
      %shift_right_arithmetic3A_741 = arith.shrsi %get3A_739, %shift_right_arithmetic3A_740 : vector<16xi32>
      %add3A_742 = vector.broadcast %scan3A_19 : i32 to vector<16xi32>
      %add3A_743 = arith.addi %shift_right_arithmetic3A_741, %add3A_742 : vector<16xi32>
      %and3A_744 = arith.constant 255 : i32
      %and3A_745 = vector.broadcast %and3A_744 : i32 to vector<16xi32>
      %and3A_746 = arith.andi %add3A_743, %and3A_745 : vector<16xi32>
      %mul3A_747 = arith.constant 256 : i32
      %mul3A_748 = vector.broadcast %mul3A_747 : i32 to vector<16xi32>
      %mul3A_749 = arith.muli %iota3A_7, %mul3A_748 : vector<16xi32>
      %add3A_750 = arith.addi %and3A_746, %mul3A_749 : vector<16xi32>
      tpu.vector_store_idx %arg6[%add3A_750], %broadcast_in_dim3A_8 {add = true} : memref<4096xi32, #tpu.memory_space<vmem>>[vector<16xi32>], vector<16xi32>,
      %scan3A_751 = arith.constant 0 : i32
      scf.yield %scan3A_751 : i32
    }
    %scan3A_26 = arith.constant 64 : i32
    %scan3A_27 = arith.constant 0 : i32
    %scan3A_28 = arith.constant 0 : i32
    %scan3A_29 = arith.constant 16 : i32
    %scan3A_30 = arith.addi %scan3A_28, %scan3A_29 : i32
    %scan3A_31 = arith.constant 1 : i32
    %scan3A_32 = scf.for %scan3A_598 = %scan3A_28 to %scan3A_30 step %scan3A_31 iter_args(%scan3A_599 = %scan3A_27) -> (i32)  : i32 {
      %mul3A_600 = arith.constant 16 : i32
      %mul3A_601 = arith.muli %scan3A_598, %mul3A_600 : i32
      %get3A_602 = arith.index_cast %mul3A_601 : i32 to index
      %get3A_603 = tpu.vector_load %arg6[%get3A_602] {strides = array<i32>} : memref<4096xi32, #tpu.memory_space<vmem>>, vector<16xi32>,
      %mul3A_604 = arith.constant 16 : i32
      %mul3A_605 = arith.muli %scan3A_598, %mul3A_604 : i32
      %add3A_606 = arith.constant 256 : i32
      %add3A_607 = arith.addi %add3A_606, %mul3A_605 : i32
      %get3A_608 = arith.index_cast %add3A_607 : i32 to index
      %get3A_609 = tpu.vector_load %arg6[%get3A_608] {strides = array<i32>} : memref<4096xi32, #tpu.memory_space<vmem>>, vector<16xi32>,
      %add3A_610 = arith.addi %get3A_603, %get3A_609 : vector<16xi32>
      %mul3A_611 = arith.constant 16 : i32
      %mul3A_612 = arith.muli %scan3A_598, %mul3A_611 : i32
      %add3A_613 = arith.constant 512 : i32
      %add3A_614 = arith.addi %add3A_613, %mul3A_612 : i32
      %get3A_615 = arith.index_cast %add3A_614 : i32 to index
      %get3A_616 = tpu.vector_load %arg6[%get3A_615] {strides = array<i32>} : memref<4096xi32, #tpu.memory_space<vmem>>, vector<16xi32>,
      %add3A_617 = arith.addi %add3A_610, %get3A_616 : vector<16xi32>
      %mul3A_618 = arith.constant 16 : i32
      %mul3A_619 = arith.muli %scan3A_598, %mul3A_618 : i32
      %add3A_620 = arith.constant 768 : i32
      %add3A_621 = arith.addi %add3A_620, %mul3A_619 : i32
      %get3A_622 = arith.index_cast %add3A_621 : i32 to index
      %get3A_623 = tpu.vector_load %arg6[%get3A_622] {strides = array<i32>} : memref<4096xi32, #tpu.memory_space<vmem>>, vector<16xi32>,
      %add3A_624 = arith.addi %add3A_617, %get3A_623 : vector<16xi32>
      %mul3A_625 = arith.constant 16 : i32
      %mul3A_626 = arith.muli %scan3A_598, %mul3A_625 : i32
      %add3A_627 = arith.constant 1024 : i32
      %add3A_628 = arith.addi %add3A_627, %mul3A_626 : i32
      %get3A_629 = arith.index_cast %add3A_628 : i32 to index
      %get3A_630 = tpu.vector_load %arg6[%get3A_629] {strides = array<i32>} : memref<4096xi32, #tpu.memory_space<vmem>>, vector<16xi32>,
      %add3A_631 = arith.addi %add3A_624, %get3A_630 : vector<16xi32>
      %mul3A_632 = arith.constant 16 : i32
      %mul3A_633 = arith.muli %scan3A_598, %mul3A_632 : i32
      %add3A_634 = arith.constant 1280 : i32
      %add3A_635 = arith.addi %add3A_634, %mul3A_633 : i32
      %get3A_636 = arith.index_cast %add3A_635 : i32 to index
      %get3A_637 = tpu.vector_load %arg6[%get3A_636] {strides = array<i32>} : memref<4096xi32, #tpu.memory_space<vmem>>, vector<16xi32>,
      %add3A_638 = arith.addi %add3A_631, %get3A_637 : vector<16xi32>
      %mul3A_639 = arith.constant 16 : i32
      %mul3A_640 = arith.muli %scan3A_598, %mul3A_639 : i32
      %add3A_641 = arith.constant 1536 : i32
      %add3A_642 = arith.addi %add3A_641, %mul3A_640 : i32
      %get3A_643 = arith.index_cast %add3A_642 : i32 to index
      %get3A_644 = tpu.vector_load %arg6[%get3A_643] {strides = array<i32>} : memref<4096xi32, #tpu.memory_space<vmem>>, vector<16xi32>,
      %add3A_645 = arith.addi %add3A_638, %get3A_644 : vector<16xi32>
      %mul3A_646 = arith.constant 16 : i32
      %mul3A_647 = arith.muli %scan3A_598, %mul3A_646 : i32
      %add3A_648 = arith.constant 1792 : i32
      %add3A_649 = arith.addi %add3A_648, %mul3A_647 : i32
      %get3A_650 = arith.index_cast %add3A_649 : i32 to index
      %get3A_651 = tpu.vector_load %arg6[%get3A_650] {strides = array<i32>} : memref<4096xi32, #tpu.memory_space<vmem>>, vector<16xi32>,
      %add3A_652 = arith.addi %add3A_645, %get3A_651 : vector<16xi32>
      %mul3A_653 = arith.constant 16 : i32
      %mul3A_654 = arith.muli %scan3A_598, %mul3A_653 : i32
      %add3A_655 = arith.constant 2048 : i32
      %add3A_656 = arith.addi %add3A_655, %mul3A_654 : i32
      %get3A_657 = arith.index_cast %add3A_656 : i32 to index
      %get3A_658 = tpu.vector_load %arg6[%get3A_657] {strides = array<i32>} : memref<4096xi32, #tpu.memory_space<vmem>>, vector<16xi32>,
      %add3A_659 = arith.addi %add3A_652, %get3A_658 : vector<16xi32>
      %mul3A_660 = arith.constant 16 : i32
      %mul3A_661 = arith.muli %scan3A_598, %mul3A_660 : i32
      %add3A_662 = arith.constant 2304 : i32
      %add3A_663 = arith.addi %add3A_662, %mul3A_661 : i32
      %get3A_664 = arith.index_cast %add3A_663 : i32 to index
      %get3A_665 = tpu.vector_load %arg6[%get3A_664] {strides = array<i32>} : memref<4096xi32, #tpu.memory_space<vmem>>, vector<16xi32>,
      %add3A_666 = arith.addi %add3A_659, %get3A_665 : vector<16xi32>
      %mul3A_667 = arith.constant 16 : i32
      %mul3A_668 = arith.muli %scan3A_598, %mul3A_667 : i32
      %add3A_669 = arith.constant 2560 : i32
      %add3A_670 = arith.addi %add3A_669, %mul3A_668 : i32
      %get3A_671 = arith.index_cast %add3A_670 : i32 to index
      %get3A_672 = tpu.vector_load %arg6[%get3A_671] {strides = array<i32>} : memref<4096xi32, #tpu.memory_space<vmem>>, vector<16xi32>,
      %add3A_673 = arith.addi %add3A_666, %get3A_672 : vector<16xi32>
      %mul3A_674 = arith.constant 16 : i32
      %mul3A_675 = arith.muli %scan3A_598, %mul3A_674 : i32
      %add3A_676 = arith.constant 2816 : i32
      %add3A_677 = arith.addi %add3A_676, %mul3A_675 : i32
      %get3A_678 = arith.index_cast %add3A_677 : i32 to index
      %get3A_679 = tpu.vector_load %arg6[%get3A_678] {strides = array<i32>} : memref<4096xi32, #tpu.memory_space<vmem>>, vector<16xi32>,
      %add3A_680 = arith.addi %add3A_673, %get3A_679 : vector<16xi32>
      %mul3A_681 = arith.constant 16 : i32
      %mul3A_682 = arith.muli %scan3A_598, %mul3A_681 : i32
      %add3A_683 = arith.constant 3072 : i32
      %add3A_684 = arith.addi %add3A_683, %mul3A_682 : i32
      %get3A_685 = arith.index_cast %add3A_684 : i32 to index
      %get3A_686 = tpu.vector_load %arg6[%get3A_685] {strides = array<i32>} : memref<4096xi32, #tpu.memory_space<vmem>>, vector<16xi32>,
      %add3A_687 = arith.addi %add3A_680, %get3A_686 : vector<16xi32>
      %mul3A_688 = arith.constant 16 : i32
      %mul3A_689 = arith.muli %scan3A_598, %mul3A_688 : i32
      %add3A_690 = arith.constant 3328 : i32
      %add3A_691 = arith.addi %add3A_690, %mul3A_689 : i32
      %get3A_692 = arith.index_cast %add3A_691 : i32 to index
      %get3A_693 = tpu.vector_load %arg6[%get3A_692] {strides = array<i32>} : memref<4096xi32, #tpu.memory_space<vmem>>, vector<16xi32>,
      %add3A_694 = arith.addi %add3A_687, %get3A_693 : vector<16xi32>
      %mul3A_695 = arith.constant 16 : i32
      %mul3A_696 = arith.muli %scan3A_598, %mul3A_695 : i32
      %add3A_697 = arith.constant 3584 : i32
      %add3A_698 = arith.addi %add3A_697, %mul3A_696 : i32
      %get3A_699 = arith.index_cast %add3A_698 : i32 to index
      %get3A_700 = tpu.vector_load %arg6[%get3A_699] {strides = array<i32>} : memref<4096xi32, #tpu.memory_space<vmem>>, vector<16xi32>,
      %add3A_701 = arith.addi %add3A_694, %get3A_700 : vector<16xi32>
      %mul3A_702 = arith.constant 16 : i32
      %mul3A_703 = arith.muli %scan3A_598, %mul3A_702 : i32
      %add3A_704 = arith.constant 3840 : i32
      %add3A_705 = arith.addi %add3A_704, %mul3A_703 : i32
      %get3A_706 = arith.index_cast %add3A_705 : i32 to index
      %get3A_707 = tpu.vector_load %arg6[%get3A_706] {strides = array<i32>} : memref<4096xi32, #tpu.memory_space<vmem>>, vector<16xi32>,
      %add3A_708 = arith.addi %add3A_701, %get3A_707 : vector<16xi32>
      %mul3A_709 = arith.constant 16 : i32
      %mul3A_710 = arith.muli %scan3A_598, %mul3A_709 : i32
      %swap3A = arith.index_cast %mul3A_710 : i32 to index
      %swap3A_711 = tpu.vector_load %arg7[%swap3A] {strides = array<i32>} : memref<256xi32, #tpu.memory_space<vmem>>, vector<16xi32>,
      tpu.vector_store %arg7[%swap3A], %add3A_708 {strides = array<i32>} : memref<256xi32, #tpu.memory_space<vmem>>, vector<16xi32>,
      %scan3A_712 = arith.constant 0 : i32
      scf.yield %scan3A_712 : i32
    }
    %scan3A_33 = arith.constant 16 : i32
    %mul3A_34 = arith.constant 256 : i32
    %mul3A_35 = arith.muli %arg1, %mul3A_34 : i32
    "tpu.region"() ({
      %run_scoped3A = tpu.sem_alloc : memref<!tpu.dma_semaphore, #tpu.memory_space<semaphore_mem>>
      %dma_start3A = tpu.memref_slice %arg12[%mul3A_35] : memref<4096xi32, #tpu.memory_space<vmem_shared>> -> memref<256xi32, #tpu.memory_space<vmem_shared>>
      %dma_start3A_598 = tpu.memref_slice %arg12[%mul3A_35] : memref<4096xi32, #tpu.memory_space<vmem_shared>> -> memref<256xi32, #tpu.memory_space<vmem_shared>>
      tpu.enqueue_dma source(%arg7 : memref<256xi32, #tpu.memory_space<vmem>>) target(%dma_start3A_598 : memref<256xi32, #tpu.memory_space<vmem_shared>>) target_semaphore(%run_scoped3A : memref<!tpu.dma_semaphore, #tpu.memory_space<semaphore_mem>>)
      %dma_wait3A = tpu.memref_slice %arg12[%mul3A_35] : memref<4096xi32, #tpu.memory_space<vmem_shared>> -> memref<256xi32, #tpu.memory_space<vmem_shared>>
      %dma_wait3A_599 = tpu.memref_slice %arg12[%mul3A_35] : memref<4096xi32, #tpu.memory_space<vmem_shared>> -> memref<256xi32, #tpu.memory_space<vmem_shared>>
      tpu.wait_dma2 semaphore(%run_scoped3A : memref<!tpu.dma_semaphore, #tpu.memory_space<semaphore_mem>>) src(%arg7 : memref<256xi32, #tpu.memory_space<vmem>>) dst(%dma_wait3A_599 : memref<256xi32, #tpu.memory_space<vmem_shared>>)
      tpu.yield
    }) : () -> ()
    %barrier3A = arith.constant 0 : index
    tpu.barrier barrier_id(%barrier3A)
    "tpu.region"() ({
      %run_scoped3A = tpu.sem_alloc : memref<!tpu.dma_semaphore, #tpu.memory_space<semaphore_mem>>
      tpu.enqueue_dma source(%arg12 : memref<4096xi32, #tpu.memory_space<vmem_shared>>) target(%arg8 : memref<4096xi32, #tpu.memory_space<vmem>>) target_semaphore(%run_scoped3A : memref<!tpu.dma_semaphore, #tpu.memory_space<semaphore_mem>>)
      tpu.wait_dma2 semaphore(%run_scoped3A : memref<!tpu.dma_semaphore, #tpu.memory_space<semaphore_mem>>) src(%arg12 : memref<4096xi32, #tpu.memory_space<vmem_shared>>) dst(%arg8 : memref<4096xi32, #tpu.memory_space<vmem>>)
      tpu.yield
    }) : () -> ()
    %scan3A_36 = arith.constant 0 : i32
    %scan3A_37 = arith.constant 0 : i32
    %scan3A_38 = arith.constant 16 : i32
    %scan3A_39 = arith.addi %scan3A_37, %scan3A_38 : i32
    %scan3A_40 = arith.constant 1 : i32
    %scan3A_41 = scf.for %scan3A_598 = %scan3A_37 to %scan3A_39 step %scan3A_40 iter_args(%scan3A_599 = %scan3A_36) -> (i32)  : i32 {
      %mul3A_600 = arith.constant 16 : i32
      %mul3A_601 = arith.muli %scan3A_598, %mul3A_600 : i32
      %get3A_602 = arith.index_cast %mul3A_601 : i32 to index
      %get3A_603 = tpu.vector_load %arg8[%get3A_602] {strides = array<i32>} : memref<4096xi32, #tpu.memory_space<vmem>>, vector<16xi32>,
      %mul3A_604 = arith.constant 16 : i32
      %mul3A_605 = arith.muli %scan3A_598, %mul3A_604 : i32
      %add3A_606 = arith.constant 256 : i32
      %add3A_607 = arith.addi %add3A_606, %mul3A_605 : i32
      %get3A_608 = arith.index_cast %add3A_607 : i32 to index
      %get3A_609 = tpu.vector_load %arg8[%get3A_608] {strides = array<i32>} : memref<4096xi32, #tpu.memory_space<vmem>>, vector<16xi32>,
      %add3A_610 = arith.addi %get3A_603, %get3A_609 : vector<16xi32>
      %mul3A_611 = arith.constant 16 : i32
      %mul3A_612 = arith.muli %scan3A_598, %mul3A_611 : i32
      %add3A_613 = arith.constant 512 : i32
      %add3A_614 = arith.addi %add3A_613, %mul3A_612 : i32
      %get3A_615 = arith.index_cast %add3A_614 : i32 to index
      %get3A_616 = tpu.vector_load %arg8[%get3A_615] {strides = array<i32>} : memref<4096xi32, #tpu.memory_space<vmem>>, vector<16xi32>,
      %add3A_617 = arith.addi %add3A_610, %get3A_616 : vector<16xi32>
      %mul3A_618 = arith.constant 16 : i32
      %mul3A_619 = arith.muli %scan3A_598, %mul3A_618 : i32
      %add3A_620 = arith.constant 768 : i32
      %add3A_621 = arith.addi %add3A_620, %mul3A_619 : i32
      %get3A_622 = arith.index_cast %add3A_621 : i32 to index
      %get3A_623 = tpu.vector_load %arg8[%get3A_622] {strides = array<i32>} : memref<4096xi32, #tpu.memory_space<vmem>>, vector<16xi32>,
      %add3A_624 = arith.addi %add3A_617, %get3A_623 : vector<16xi32>
      %mul3A_625 = arith.constant 16 : i32
      %mul3A_626 = arith.muli %scan3A_598, %mul3A_625 : i32
      %add3A_627 = arith.constant 1024 : i32
      %add3A_628 = arith.addi %add3A_627, %mul3A_626 : i32
      %get3A_629 = arith.index_cast %add3A_628 : i32 to index
      %get3A_630 = tpu.vector_load %arg8[%get3A_629] {strides = array<i32>} : memref<4096xi32, #tpu.memory_space<vmem>>, vector<16xi32>,
      %add3A_631 = arith.addi %add3A_624, %get3A_630 : vector<16xi32>
      %mul3A_632 = arith.constant 16 : i32
      %mul3A_633 = arith.muli %scan3A_598, %mul3A_632 : i32
      %add3A_634 = arith.constant 1280 : i32
      %add3A_635 = arith.addi %add3A_634, %mul3A_633 : i32
      %get3A_636 = arith.index_cast %add3A_635 : i32 to index
      %get3A_637 = tpu.vector_load %arg8[%get3A_636] {strides = array<i32>} : memref<4096xi32, #tpu.memory_space<vmem>>, vector<16xi32>,
      %add3A_638 = arith.addi %add3A_631, %get3A_637 : vector<16xi32>
      %mul3A_639 = arith.constant 16 : i32
      %mul3A_640 = arith.muli %scan3A_598, %mul3A_639 : i32
      %add3A_641 = arith.constant 1536 : i32
      %add3A_642 = arith.addi %add3A_641, %mul3A_640 : i32
      %get3A_643 = arith.index_cast %add3A_642 : i32 to index
      %get3A_644 = tpu.vector_load %arg8[%get3A_643] {strides = array<i32>} : memref<4096xi32, #tpu.memory_space<vmem>>, vector<16xi32>,
      %add3A_645 = arith.addi %add3A_638, %get3A_644 : vector<16xi32>
      %mul3A_646 = arith.constant 16 : i32
      %mul3A_647 = arith.muli %scan3A_598, %mul3A_646 : i32
      %add3A_648 = arith.constant 1792 : i32
      %add3A_649 = arith.addi %add3A_648, %mul3A_647 : i32
      %get3A_650 = arith.index_cast %add3A_649 : i32 to index
      %get3A_651 = tpu.vector_load %arg8[%get3A_650] {strides = array<i32>} : memref<4096xi32, #tpu.memory_space<vmem>>, vector<16xi32>,
      %add3A_652 = arith.addi %add3A_645, %get3A_651 : vector<16xi32>
      %mul3A_653 = arith.constant 16 : i32
      %mul3A_654 = arith.muli %scan3A_598, %mul3A_653 : i32
      %add3A_655 = arith.constant 2048 : i32
      %add3A_656 = arith.addi %add3A_655, %mul3A_654 : i32
      %get3A_657 = arith.index_cast %add3A_656 : i32 to index
      %get3A_658 = tpu.vector_load %arg8[%get3A_657] {strides = array<i32>} : memref<4096xi32, #tpu.memory_space<vmem>>, vector<16xi32>,
      %add3A_659 = arith.addi %add3A_652, %get3A_658 : vector<16xi32>
      %mul3A_660 = arith.constant 16 : i32
      %mul3A_661 = arith.muli %scan3A_598, %mul3A_660 : i32
      %add3A_662 = arith.constant 2304 : i32
      %add3A_663 = arith.addi %add3A_662, %mul3A_661 : i32
      %get3A_664 = arith.index_cast %add3A_663 : i32 to index
      %get3A_665 = tpu.vector_load %arg8[%get3A_664] {strides = array<i32>} : memref<4096xi32, #tpu.memory_space<vmem>>, vector<16xi32>,
      %add3A_666 = arith.addi %add3A_659, %get3A_665 : vector<16xi32>
      %mul3A_667 = arith.constant 16 : i32
      %mul3A_668 = arith.muli %scan3A_598, %mul3A_667 : i32
      %add3A_669 = arith.constant 2560 : i32
      %add3A_670 = arith.addi %add3A_669, %mul3A_668 : i32
      %get3A_671 = arith.index_cast %add3A_670 : i32 to index
      %get3A_672 = tpu.vector_load %arg8[%get3A_671] {strides = array<i32>} : memref<4096xi32, #tpu.memory_space<vmem>>, vector<16xi32>,
      %add3A_673 = arith.addi %add3A_666, %get3A_672 : vector<16xi32>
      %mul3A_674 = arith.constant 16 : i32
      %mul3A_675 = arith.muli %scan3A_598, %mul3A_674 : i32
      %add3A_676 = arith.constant 2816 : i32
      %add3A_677 = arith.addi %add3A_676, %mul3A_675 : i32
      %get3A_678 = arith.index_cast %add3A_677 : i32 to index
      %get3A_679 = tpu.vector_load %arg8[%get3A_678] {strides = array<i32>} : memref<4096xi32, #tpu.memory_space<vmem>>, vector<16xi32>,
      %add3A_680 = arith.addi %add3A_673, %get3A_679 : vector<16xi32>
      %mul3A_681 = arith.constant 16 : i32
      %mul3A_682 = arith.muli %scan3A_598, %mul3A_681 : i32
      %add3A_683 = arith.constant 3072 : i32
      %add3A_684 = arith.addi %add3A_683, %mul3A_682 : i32
      %get3A_685 = arith.index_cast %add3A_684 : i32 to index
      %get3A_686 = tpu.vector_load %arg8[%get3A_685] {strides = array<i32>} : memref<4096xi32, #tpu.memory_space<vmem>>, vector<16xi32>,
      %add3A_687 = arith.addi %add3A_680, %get3A_686 : vector<16xi32>
      %mul3A_688 = arith.constant 16 : i32
      %mul3A_689 = arith.muli %scan3A_598, %mul3A_688 : i32
      %add3A_690 = arith.constant 3328 : i32
      %add3A_691 = arith.addi %add3A_690, %mul3A_689 : i32
      %get3A_692 = arith.index_cast %add3A_691 : i32 to index
      %get3A_693 = tpu.vector_load %arg8[%get3A_692] {strides = array<i32>} : memref<4096xi32, #tpu.memory_space<vmem>>, vector<16xi32>,
      %add3A_694 = arith.addi %add3A_687, %get3A_693 : vector<16xi32>
      %mul3A_695 = arith.constant 16 : i32
      %mul3A_696 = arith.muli %scan3A_598, %mul3A_695 : i32
      %add3A_697 = arith.constant 3584 : i32
      %add3A_698 = arith.addi %add3A_697, %mul3A_696 : i32
      %get3A_699 = arith.index_cast %add3A_698 : i32 to index
      %get3A_700 = tpu.vector_load %arg8[%get3A_699] {strides = array<i32>} : memref<4096xi32, #tpu.memory_space<vmem>>, vector<16xi32>,
      %add3A_701 = arith.addi %add3A_694, %get3A_700 : vector<16xi32>
      %mul3A_702 = arith.constant 16 : i32
      %mul3A_703 = arith.muli %scan3A_598, %mul3A_702 : i32
      %add3A_704 = arith.constant 3840 : i32
      %add3A_705 = arith.addi %add3A_704, %mul3A_703 : i32
      %get3A_706 = arith.index_cast %add3A_705 : i32 to index
      %get3A_707 = tpu.vector_load %arg8[%get3A_706] {strides = array<i32>} : memref<4096xi32, #tpu.memory_space<vmem>>, vector<16xi32>,
      %add3A_708 = arith.addi %add3A_701, %get3A_707 : vector<16xi32>
      %mul3A_709 = arith.constant 16 : i32
      %mul3A_710 = arith.muli %scan3A_598, %mul3A_709 : i32
      %swap3A = arith.index_cast %mul3A_710 : i32 to index
      %swap3A_711 = tpu.vector_load %arg9[%swap3A] {strides = array<i32>} : memref<256xi32, #tpu.memory_space<vmem>>, vector<16xi32>,
      tpu.vector_store %arg9[%swap3A], %add3A_708 {strides = array<i32>} : memref<256xi32, #tpu.memory_space<vmem>>, vector<16xi32>,
      %scan3A_712 = arith.constant 0 : i32
      scf.yield %scan3A_712 : i32
    }
    %scan3A_42 = arith.constant 16 : i32
    %iota3A_43 = tpu.iota {dimensions = array<i32: 0>} : vector<16xi32>
    %broadcast_in_dim3A_44 = arith.constant 0 : i32
    %broadcast_in_dim3A_45 = vector.broadcast %broadcast_in_dim3A_44 : i32 to vector<16xi32>
    %scan3A_46 = arith.constant 0 : i32
    %scan3A_47 = arith.constant 16 : i32
    %scan3A_48 = arith.addi %scan3A_46, %scan3A_47 : i32
    %scan3A_49 = arith.constant 1 : i32
    %scan3A_50 = scf.for %scan3A_598 = %scan3A_46 to %scan3A_48 step %scan3A_49 iter_args(%scan3A_599 = %broadcast_in_dim3A_45) -> (vector<16xi32>)  : i32 {
      %mul3A_600 = arith.constant 16 : i32
      %mul3A_601 = arith.muli %scan3A_598, %mul3A_600 : i32
      %get3A_602 = arith.index_cast %mul3A_601 : i32 to index
      %get3A_603 = tpu.vector_load %arg9[%get3A_602] {strides = array<i32>} : memref<256xi32, #tpu.memory_space<vmem>>, vector<16xi32>,
      %eq3A_604 = vector.broadcast %scan3A_598 : i32 to vector<16xi32>
      %eq3A_605 = arith.cmpi eq, %iota3A_43, %eq3A_604 : vector<16xi32>
      %reduce_sum3A_606 = arith.constant true
      %reduce_sum3A_607 = vector.broadcast %reduce_sum3A_606 : i1 to vector<16xi1>
      %reduce_sum3A_608 = tpu.scan <sum>, %get3A_603 masked %reduce_sum3A_607 : vector<16xi32>, vector<16xi1> -> vector<16xi32>
      %reduce_sum3A_609 = vector.extract %reduce_sum3A_608[15] : i32 from vector<16xi32>
      %broadcast_in_dim3A_610 = vector.broadcast %reduce_sum3A_609 : i32 to vector<16xi32>
      %select_n3A_611 = arith.select %eq3A_605, %broadcast_in_dim3A_610, %scan3A_599 : vector<16xi1>, vector<16xi32>
      scf.yield %select_n3A_611 : vector<16xi32>
    }
    %scan3A_51 = arith.constant 16 : i32
    %broadcast_in_dim3A_52 = arith.constant true
    %broadcast_in_dim3A_53 = vector.broadcast %broadcast_in_dim3A_52 : i1 to vector<16xi1>
    %masked_cumsum3A = tpu.scan <sum>, %scan3A_50 masked %broadcast_in_dim3A_53 : vector<16xi32>, vector<16xi1> -> vector<16xi32>
    %reduce_sum3A = arith.constant true
    %reduce_sum3A_54 = vector.broadcast %reduce_sum3A : i1 to vector<16xi1>
    %reduce_sum3A_55 = tpu.scan <sum>, %scan3A_50 masked %reduce_sum3A_54 : vector<16xi32>, vector<16xi1> -> vector<16xi32>
    %reduce_sum3A_56 = vector.extract %reduce_sum3A_55[15] : i32 from vector<16xi32>
    %sub3A = vector.broadcast %reduce_sum3A_56 : i32 to vector<16xi32>
    %sub3A_57 = arith.subi %sub3A, %masked_cumsum3A : vector<16xi32>
    %add3A = arith.addi %sub3A_57, %scan3A_50 : vector<16xi32>
    %ge3A = arith.constant 26214 : i32
    %ge3A_58 = vector.broadcast %ge3A : i32 to vector<16xi32>
    %ge3A_59 = arith.cmpi sge, %add3A, %ge3A_58 : vector<16xi32>
    %all_reduce_population_count3A = tpu.all_reduce %ge3A_59 {dim = 0 : i64, kind = #tpu.reduction_kind<sum>} : vector<16xi1> -> vector<16xi32>
    %reduce_max3A = arith.constant true
    %reduce_max3A_60 = vector.broadcast %reduce_max3A : i1 to vector<16xi1>
    %reduce_max3A_61 = arith.constant -2147483648 : i32
    %reduce_max3A_62 = vector.broadcast %reduce_max3A_61 : i32 to vector<16xi32>
    %reduce_max3A_63 = arith.xori %all_reduce_population_count3A, %reduce_max3A_62 : vector<16xi32>
    %reduce_max3A_64 = tpu.scan <max>, %reduce_max3A_63 masked %reduce_max3A_60 : vector<16xi32>, vector<16xi1> -> vector<16xi32>
    %reduce_max3A_65 = arith.xori %reduce_max3A_64, %reduce_max3A_62 : vector<16xi32>
    %reduce_max3A_66 = vector.extract %reduce_max3A_65[15] : i32 from vector<16xi32>
    %sub3A_67 = arith.constant 1 : i32
    %sub3A_68 = arith.subi %reduce_max3A_66, %sub3A_67 : i32
    %iota3A_69 = tpu.iota {dimensions = array<i32: 0>} : vector<16xi32>
    %eq3A = vector.broadcast %sub3A_68 : i32 to vector<16xi32>
    %eq3A_70 = arith.cmpi eq, %iota3A_69, %eq3A : vector<16xi32>
    %jit3A = arith.constant 0 : i32
    %broadcast_in_dim3A_71 = vector.broadcast %jit3A : i32 to vector<16xi32>
    %select_n3A = arith.select %eq3A_70, %add3A, %broadcast_in_dim3A_71 : vector<16xi1>, vector<16xi32>
    %reduce_sum3A_72 = arith.constant true
    %reduce_sum3A_73 = vector.broadcast %reduce_sum3A_72 : i1 to vector<16xi1>
    %reduce_sum3A_74 = tpu.scan <sum>, %select_n3A masked %reduce_sum3A_73 : vector<16xi32>, vector<16xi1> -> vector<16xi32>
    %reduce_sum3A_75 = vector.extract %reduce_sum3A_74[15] : i32 from vector<16xi32>
    %iota3A_76 = tpu.iota {dimensions = array<i32: 0>} : vector<16xi32>
    %eq3A_77 = vector.broadcast %sub3A_68 : i32 to vector<16xi32>
    %eq3A_78 = arith.cmpi eq, %iota3A_76, %eq3A_77 : vector<16xi32>
    %jit3A_79 = arith.constant 0 : i32
    %broadcast_in_dim3A_80 = vector.broadcast %jit3A_79 : i32 to vector<16xi32>
    %select_n3A_81 = arith.select %eq3A_78, %scan3A_50, %broadcast_in_dim3A_80 : vector<16xi1>, vector<16xi32>
    %reduce_sum3A_82 = arith.constant true
    %reduce_sum3A_83 = vector.broadcast %reduce_sum3A_82 : i1 to vector<16xi1>
    %reduce_sum3A_84 = tpu.scan <sum>, %select_n3A_81 masked %reduce_sum3A_83 : vector<16xi32>, vector<16xi1> -> vector<16xi32>
    %reduce_sum3A_85 = vector.extract %reduce_sum3A_84[15] : i32 from vector<16xi32>
    %sub3A_86 = arith.subi %reduce_sum3A_75, %reduce_sum3A_85 : i32
    %sub3A_87 = arith.constant 26214 : i32
    %sub3A_88 = arith.subi %sub3A_87, %sub3A_86 : i32
    %mul3A_89 = arith.constant 16 : i32
    %mul3A_90 = arith.muli %sub3A_68, %mul3A_89 : i32
    %get3A = arith.index_cast %mul3A_90 : i32 to index
    %get3A_91 = tpu.vector_load %arg9[%get3A] {strides = array<i32>} : memref<256xi32, #tpu.memory_space<vmem>>, vector<16xi32>,
    %broadcast_in_dim3A_92 = arith.constant true
    %broadcast_in_dim3A_93 = vector.broadcast %broadcast_in_dim3A_92 : i1 to vector<16xi1>
    %masked_cumsum3A_94 = tpu.scan <sum>, %get3A_91 masked %broadcast_in_dim3A_93 : vector<16xi32>, vector<16xi1> -> vector<16xi32>
    %reduce_sum3A_95 = arith.constant true
    %reduce_sum3A_96 = vector.broadcast %reduce_sum3A_95 : i1 to vector<16xi1>
    %reduce_sum3A_97 = tpu.scan <sum>, %get3A_91 masked %reduce_sum3A_96 : vector<16xi32>, vector<16xi1> -> vector<16xi32>
    %reduce_sum3A_98 = vector.extract %reduce_sum3A_97[15] : i32 from vector<16xi32>
    %sub3A_99 = vector.broadcast %reduce_sum3A_98 : i32 to vector<16xi32>
    %sub3A_100 = arith.subi %sub3A_99, %masked_cumsum3A_94 : vector<16xi32>
    %add3A_101 = arith.addi %sub3A_100, %get3A_91 : vector<16xi32>
    %ge3A_102 = vector.broadcast %sub3A_88 : i32 to vector<16xi32>
    %ge3A_103 = arith.cmpi sge, %add3A_101, %ge3A_102 : vector<16xi32>
    %all_reduce_population_count3A_104 = tpu.all_reduce %ge3A_103 {dim = 0 : i64, kind = #tpu.reduction_kind<sum>} : vector<16xi1> -> vector<16xi32>
    %reduce_max3A_105 = arith.constant true
    %reduce_max3A_106 = vector.broadcast %reduce_max3A_105 : i1 to vector<16xi1>
    %reduce_max3A_107 = arith.constant -2147483648 : i32
    %reduce_max3A_108 = vector.broadcast %reduce_max3A_107 : i32 to vector<16xi32>
    %reduce_max3A_109 = arith.xori %all_reduce_population_count3A_104, %reduce_max3A_108 : vector<16xi32>
    %reduce_max3A_110 = tpu.scan <max>, %reduce_max3A_109 masked %reduce_max3A_106 : vector<16xi32>, vector<16xi1> -> vector<16xi32>
    %reduce_max3A_111 = arith.xori %reduce_max3A_110, %reduce_max3A_108 : vector<16xi32>
    %reduce_max3A_112 = vector.extract %reduce_max3A_111[15] : i32 from vector<16xi32>
    %sub3A_113 = arith.constant 1 : i32
    %sub3A_114 = arith.subi %reduce_max3A_112, %sub3A_113 : i32
    %iota3A_115 = tpu.iota {dimensions = array<i32: 0>} : vector<16xi32>
    %eq3A_116 = vector.broadcast %sub3A_114 : i32 to vector<16xi32>
    %eq3A_117 = arith.cmpi eq, %iota3A_115, %eq3A_116 : vector<16xi32>
    %jit3A_118 = arith.constant 0 : i32
    %broadcast_in_dim3A_119 = vector.broadcast %jit3A_118 : i32 to vector<16xi32>
    %select_n3A_120 = arith.select %eq3A_117, %add3A_101, %broadcast_in_dim3A_119 : vector<16xi1>, vector<16xi32>
    %reduce_sum3A_121 = arith.constant true
    %reduce_sum3A_122 = vector.broadcast %reduce_sum3A_121 : i1 to vector<16xi1>
    %reduce_sum3A_123 = tpu.scan <sum>, %select_n3A_120 masked %reduce_sum3A_122 : vector<16xi32>, vector<16xi1> -> vector<16xi32>
    %reduce_sum3A_124 = vector.extract %reduce_sum3A_123[15] : i32 from vector<16xi32>
    %iota3A_125 = tpu.iota {dimensions = array<i32: 0>} : vector<16xi32>
    %eq3A_126 = vector.broadcast %sub3A_114 : i32 to vector<16xi32>
    %eq3A_127 = arith.cmpi eq, %iota3A_125, %eq3A_126 : vector<16xi32>
    %jit3A_128 = arith.constant 0 : i32
    %broadcast_in_dim3A_129 = vector.broadcast %jit3A_128 : i32 to vector<16xi32>
    %select_n3A_130 = arith.select %eq3A_127, %get3A_91, %broadcast_in_dim3A_129 : vector<16xi1>, vector<16xi32>
    %reduce_sum3A_131 = arith.constant true
    %reduce_sum3A_132 = vector.broadcast %reduce_sum3A_131 : i1 to vector<16xi1>
    %reduce_sum3A_133 = tpu.scan <sum>, %select_n3A_130 masked %reduce_sum3A_132 : vector<16xi32>, vector<16xi1> -> vector<16xi32>
    %reduce_sum3A_134 = vector.extract %reduce_sum3A_133[15] : i32 from vector<16xi32>
    %sub3A_135 = arith.subi %reduce_sum3A_124, %reduce_sum3A_134 : i32
    %sub3A_136 = arith.subi %sub3A_88, %sub3A_135 : i32
    %mul3A_137 = arith.constant 16 : i32
    %mul3A_138 = arith.muli %sub3A_68, %mul3A_137 : i32
    %add3A_139 = arith.addi %mul3A_138, %sub3A_114 : i32
    %sub3A_140 = arith.constant 128 : i32
    %sub3A_141 = arith.subi %add3A_139, %sub3A_140 : i32
    %iota3A_142 = tpu.iota {dimensions = array<i32: 0>} : vector<16xi32>
    %broadcast_in_dim3A_143 = arith.constant 1 : i32
    %broadcast_in_dim3A_144 = vector.broadcast %broadcast_in_dim3A_143 : i32 to vector<16xi32>
    %broadcast_in_dim3A_145 = arith.constant 0 : i32
    %broadcast_in_dim3A_146 = vector.broadcast %broadcast_in_dim3A_145 : i32 to vector<16xi32>
    %scan3A_147 = arith.constant 0 : i32
    %scan3A_148 = arith.constant 0 : i32
    %scan3A_149 = arith.constant 64 : i32
    %scan3A_150 = arith.addi %scan3A_148, %scan3A_149 : i32
    %scan3A_151 = arith.constant 1 : i32
    %scan3A_152 = scf.for %scan3A_598 = %scan3A_148 to %scan3A_150 step %scan3A_151 iter_args(%scan3A_599 = %scan3A_147) -> (i32)  : i32 {
      %mul3A_600 = arith.constant 4 : i32
      %mul3A_601 = arith.muli %scan3A_598, %mul3A_600 : i32
      %add3A_602 = arith.constant 0 : i32
      %add3A_603 = arith.addi %mul3A_601, %add3A_602 : i32
      %mul3A_604 = arith.constant 16 : i32
      %mul3A_605 = arith.muli %add3A_603, %mul3A_604 : i32
      %swap3A = arith.index_cast %mul3A_605 : i32 to index
      %swap3A_606 = tpu.vector_load %arg6[%swap3A] {strides = array<i32>} : memref<4096xi32, #tpu.memory_space<vmem>>, vector<16xi32>,
      tpu.vector_store %arg6[%swap3A], %broadcast_in_dim3A_146 {strides = array<i32>} : memref<4096xi32, #tpu.memory_space<vmem>>, vector<16xi32>,
      %mul3A_607 = arith.constant 4 : i32
      %mul3A_608 = arith.muli %scan3A_598, %mul3A_607 : i32
      %add3A_609 = arith.constant 1 : i32
      %add3A_610 = arith.addi %mul3A_608, %add3A_609 : i32
      %mul3A_611 = arith.constant 16 : i32
      %mul3A_612 = arith.muli %add3A_610, %mul3A_611 : i32
      %swap3A_613 = arith.index_cast %mul3A_612 : i32 to index
      %swap3A_614 = tpu.vector_load %arg6[%swap3A_613] {strides = array<i32>} : memref<4096xi32, #tpu.memory_space<vmem>>, vector<16xi32>,
      tpu.vector_store %arg6[%swap3A_613], %broadcast_in_dim3A_146 {strides = array<i32>} : memref<4096xi32, #tpu.memory_space<vmem>>, vector<16xi32>,
      %mul3A_615 = arith.constant 4 : i32
      %mul3A_616 = arith.muli %scan3A_598, %mul3A_615 : i32
      %add3A_617 = arith.constant 2 : i32
      %add3A_618 = arith.addi %mul3A_616, %add3A_617 : i32
      %mul3A_619 = arith.constant 16 : i32
      %mul3A_620 = arith.muli %add3A_618, %mul3A_619 : i32
      %swap3A_621 = arith.index_cast %mul3A_620 : i32 to index
      %swap3A_622 = tpu.vector_load %arg6[%swap3A_621] {strides = array<i32>} : memref<4096xi32, #tpu.memory_space<vmem>>, vector<16xi32>,
      tpu.vector_store %arg6[%swap3A_621], %broadcast_in_dim3A_146 {strides = array<i32>} : memref<4096xi32, #tpu.memory_space<vmem>>, vector<16xi32>,
      %mul3A_623 = arith.constant 4 : i32
      %mul3A_624 = arith.muli %scan3A_598, %mul3A_623 : i32
      %add3A_625 = arith.constant 3 : i32
      %add3A_626 = arith.addi %mul3A_624, %add3A_625 : i32
      %mul3A_627 = arith.constant 16 : i32
      %mul3A_628 = arith.muli %add3A_626, %mul3A_627 : i32
      %swap3A_629 = arith.index_cast %mul3A_628 : i32 to index
      %swap3A_630 = tpu.vector_load %arg6[%swap3A_629] {strides = array<i32>} : memref<4096xi32, #tpu.memory_space<vmem>>, vector<16xi32>,
      tpu.vector_store %arg6[%swap3A_629], %broadcast_in_dim3A_146 {strides = array<i32>} : memref<4096xi32, #tpu.memory_space<vmem>>, vector<16xi32>,
      %scan3A_631 = arith.constant 0 : i32
      scf.yield %scan3A_631 : i32
    }
    %scan3A_153 = arith.constant 64 : i32
    %scan3A_154 = arith.constant 16 : i32
    %scan3A_155 = arith.constant 0 : i32
    %scan3A_156 = arith.constant 24 : i32
    %scan3A_157 = arith.constant 0 : i32
    %scan3A_158 = arith.constant 0 : i32
    %scan3A_159 = arith.constant 64 : i32
    %scan3A_160 = arith.addi %scan3A_158, %scan3A_159 : i32
    %scan3A_161 = arith.constant 1 : i32
    %scan3A_162 = scf.for %scan3A_598 = %scan3A_158 to %scan3A_160 step %scan3A_161 iter_args(%scan3A_599 = %scan3A_157) -> (i32)  : i32 {
      %mul3A_600 = arith.constant 8 : i32
      %mul3A_601 = arith.muli %scan3A_598, %mul3A_600 : i32
      %add3A_602 = arith.constant 0 : i32
      %add3A_603 = arith.addi %mul3A_601, %add3A_602 : i32
      %mul3A_604 = arith.constant 16 : i32
      %mul3A_605 = arith.muli %add3A_603, %mul3A_604 : i32
      %get3A_606 = arith.index_cast %mul3A_605 : i32 to index
      %get3A_607 = tpu.vector_load %arg5[%get3A_606] {strides = array<i32>} : memref<8192xi32, #tpu.memory_space<vmem>>, vector<16xi32>,
      %shift_right_arithmetic3A = vector.broadcast %scan3A_154 : i32 to vector<16xi32>
      %shift_right_arithmetic3A_608 = arith.shrsi %get3A_607, %shift_right_arithmetic3A : vector<16xi32>
      %add3A_609 = vector.broadcast %scan3A_155 : i32 to vector<16xi32>
      %add3A_610 = arith.addi %shift_right_arithmetic3A_608, %add3A_609 : vector<16xi32>
      %and3A_611 = arith.constant 255 : i32
      %and3A_612 = vector.broadcast %and3A_611 : i32 to vector<16xi32>
      %and3A_613 = arith.andi %add3A_610, %and3A_612 : vector<16xi32>
      %mul3A_614 = arith.constant 256 : i32
      %mul3A_615 = vector.broadcast %mul3A_614 : i32 to vector<16xi32>
      %mul3A_616 = arith.muli %iota3A_142, %mul3A_615 : vector<16xi32>
      %add3A_617 = arith.addi %and3A_613, %mul3A_616 : vector<16xi32>
      %shift_right_arithmetic3A_618 = vector.broadcast %scan3A_156 : i32 to vector<16xi32>
      %shift_right_arithmetic3A_619 = arith.shrsi %get3A_607, %shift_right_arithmetic3A_618 : vector<16xi32>
      %eq3A_620 = vector.broadcast %sub3A_141 : i32 to vector<16xi32>
      %eq3A_621 = arith.cmpi eq, %shift_right_arithmetic3A_619, %eq3A_620 : vector<16xi32>
      tpu.vector_store_idx %arg6[%add3A_617], %broadcast_in_dim3A_144 masked %eq3A_621 {add = true} : memref<4096xi32, #tpu.memory_space<vmem>>[vector<16xi32>], vector<16xi32>, vector<16xi1>
      %mul3A_622 = arith.constant 8 : i32
      %mul3A_623 = arith.muli %scan3A_598, %mul3A_622 : i32
      %add3A_624 = arith.constant 1 : i32
      %add3A_625 = arith.addi %mul3A_623, %add3A_624 : i32
      %mul3A_626 = arith.constant 16 : i32
      %mul3A_627 = arith.muli %add3A_625, %mul3A_626 : i32
      %get3A_628 = arith.index_cast %mul3A_627 : i32 to index
      %get3A_629 = tpu.vector_load %arg5[%get3A_628] {strides = array<i32>} : memref<8192xi32, #tpu.memory_space<vmem>>, vector<16xi32>,
      %shift_right_arithmetic3A_630 = vector.broadcast %scan3A_154 : i32 to vector<16xi32>
      %shift_right_arithmetic3A_631 = arith.shrsi %get3A_629, %shift_right_arithmetic3A_630 : vector<16xi32>
      %add3A_632 = vector.broadcast %scan3A_155 : i32 to vector<16xi32>
      %add3A_633 = arith.addi %shift_right_arithmetic3A_631, %add3A_632 : vector<16xi32>
      %and3A_634 = arith.constant 255 : i32
      %and3A_635 = vector.broadcast %and3A_634 : i32 to vector<16xi32>
      %and3A_636 = arith.andi %add3A_633, %and3A_635 : vector<16xi32>
      %mul3A_637 = arith.constant 256 : i32
      %mul3A_638 = vector.broadcast %mul3A_637 : i32 to vector<16xi32>
      %mul3A_639 = arith.muli %iota3A_142, %mul3A_638 : vector<16xi32>
      %add3A_640 = arith.addi %and3A_636, %mul3A_639 : vector<16xi32>
      %shift_right_arithmetic3A_641 = vector.broadcast %scan3A_156 : i32 to vector<16xi32>
      %shift_right_arithmetic3A_642 = arith.shrsi %get3A_629, %shift_right_arithmetic3A_641 : vector<16xi32>
      %eq3A_643 = vector.broadcast %sub3A_141 : i32 to vector<16xi32>
      %eq3A_644 = arith.cmpi eq, %shift_right_arithmetic3A_642, %eq3A_643 : vector<16xi32>
      tpu.vector_store_idx %arg6[%add3A_640], %broadcast_in_dim3A_144 masked %eq3A_644 {add = true} : memref<4096xi32, #tpu.memory_space<vmem>>[vector<16xi32>], vector<16xi32>, vector<16xi1>
      %mul3A_645 = arith.constant 8 : i32
      %mul3A_646 = arith.muli %scan3A_598, %mul3A_645 : i32
      %add3A_647 = arith.constant 2 : i32
      %add3A_648 = arith.addi %mul3A_646, %add3A_647 : i32
      %mul3A_649 = arith.constant 16 : i32
      %mul3A_650 = arith.muli %add3A_648, %mul3A_649 : i32
      %get3A_651 = arith.index_cast %mul3A_650 : i32 to index
      %get3A_652 = tpu.vector_load %arg5[%get3A_651] {strides = array<i32>} : memref<8192xi32, #tpu.memory_space<vmem>>, vector<16xi32>,
      %shift_right_arithmetic3A_653 = vector.broadcast %scan3A_154 : i32 to vector<16xi32>
      %shift_right_arithmetic3A_654 = arith.shrsi %get3A_652, %shift_right_arithmetic3A_653 : vector<16xi32>
      %add3A_655 = vector.broadcast %scan3A_155 : i32 to vector<16xi32>
      %add3A_656 = arith.addi %shift_right_arithmetic3A_654, %add3A_655 : vector<16xi32>
      %and3A_657 = arith.constant 255 : i32
      %and3A_658 = vector.broadcast %and3A_657 : i32 to vector<16xi32>
      %and3A_659 = arith.andi %add3A_656, %and3A_658 : vector<16xi32>
      %mul3A_660 = arith.constant 256 : i32
      %mul3A_661 = vector.broadcast %mul3A_660 : i32 to vector<16xi32>
      %mul3A_662 = arith.muli %iota3A_142, %mul3A_661 : vector<16xi32>
      %add3A_663 = arith.addi %and3A_659, %mul3A_662 : vector<16xi32>
      %shift_right_arithmetic3A_664 = vector.broadcast %scan3A_156 : i32 to vector<16xi32>
      %shift_right_arithmetic3A_665 = arith.shrsi %get3A_652, %shift_right_arithmetic3A_664 : vector<16xi32>
      %eq3A_666 = vector.broadcast %sub3A_141 : i32 to vector<16xi32>
      %eq3A_667 = arith.cmpi eq, %shift_right_arithmetic3A_665, %eq3A_666 : vector<16xi32>
      tpu.vector_store_idx %arg6[%add3A_663], %broadcast_in_dim3A_144 masked %eq3A_667 {add = true} : memref<4096xi32, #tpu.memory_space<vmem>>[vector<16xi32>], vector<16xi32>, vector<16xi1>
      %mul3A_668 = arith.constant 8 : i32
      %mul3A_669 = arith.muli %scan3A_598, %mul3A_668 : i32
      %add3A_670 = arith.constant 3 : i32
      %add3A_671 = arith.addi %mul3A_669, %add3A_670 : i32
      %mul3A_672 = arith.constant 16 : i32
      %mul3A_673 = arith.muli %add3A_671, %mul3A_672 : i32
      %get3A_674 = arith.index_cast %mul3A_673 : i32 to index
      %get3A_675 = tpu.vector_load %arg5[%get3A_674] {strides = array<i32>} : memref<8192xi32, #tpu.memory_space<vmem>>, vector<16xi32>,
      %shift_right_arithmetic3A_676 = vector.broadcast %scan3A_154 : i32 to vector<16xi32>
      %shift_right_arithmetic3A_677 = arith.shrsi %get3A_675, %shift_right_arithmetic3A_676 : vector<16xi32>
      %add3A_678 = vector.broadcast %scan3A_155 : i32 to vector<16xi32>
      %add3A_679 = arith.addi %shift_right_arithmetic3A_677, %add3A_678 : vector<16xi32>
      %and3A_680 = arith.constant 255 : i32
      %and3A_681 = vector.broadcast %and3A_680 : i32 to vector<16xi32>
      %and3A_682 = arith.andi %add3A_679, %and3A_681 : vector<16xi32>
      %mul3A_683 = arith.constant 256 : i32
      %mul3A_684 = vector.broadcast %mul3A_683 : i32 to vector<16xi32>
      %mul3A_685 = arith.muli %iota3A_142, %mul3A_684 : vector<16xi32>
      %add3A_686 = arith.addi %and3A_682, %mul3A_685 : vector<16xi32>
      %shift_right_arithmetic3A_687 = vector.broadcast %scan3A_156 : i32 to vector<16xi32>
      %shift_right_arithmetic3A_688 = arith.shrsi %get3A_675, %shift_right_arithmetic3A_687 : vector<16xi32>
      %eq3A_689 = vector.broadcast %sub3A_141 : i32 to vector<16xi32>
      %eq3A_690 = arith.cmpi eq, %shift_right_arithmetic3A_688, %eq3A_689 : vector<16xi32>
      tpu.vector_store_idx %arg6[%add3A_686], %broadcast_in_dim3A_144 masked %eq3A_690 {add = true} : memref<4096xi32, #tpu.memory_space<vmem>>[vector<16xi32>], vector<16xi32>, vector<16xi1>
      %mul3A_691 = arith.constant 8 : i32
      %mul3A_692 = arith.muli %scan3A_598, %mul3A_691 : i32
      %add3A_693 = arith.constant 4 : i32
      %add3A_694 = arith.addi %mul3A_692, %add3A_693 : i32
      %mul3A_695 = arith.constant 16 : i32
      %mul3A_696 = arith.muli %add3A_694, %mul3A_695 : i32
      %get3A_697 = arith.index_cast %mul3A_696 : i32 to index
      %get3A_698 = tpu.vector_load %arg5[%get3A_697] {strides = array<i32>} : memref<8192xi32, #tpu.memory_space<vmem>>, vector<16xi32>,
      %shift_right_arithmetic3A_699 = vector.broadcast %scan3A_154 : i32 to vector<16xi32>
      %shift_right_arithmetic3A_700 = arith.shrsi %get3A_698, %shift_right_arithmetic3A_699 : vector<16xi32>
      %add3A_701 = vector.broadcast %scan3A_155 : i32 to vector<16xi32>
      %add3A_702 = arith.addi %shift_right_arithmetic3A_700, %add3A_701 : vector<16xi32>
      %and3A_703 = arith.constant 255 : i32
      %and3A_704 = vector.broadcast %and3A_703 : i32 to vector<16xi32>
      %and3A_705 = arith.andi %add3A_702, %and3A_704 : vector<16xi32>
      %mul3A_706 = arith.constant 256 : i32
      %mul3A_707 = vector.broadcast %mul3A_706 : i32 to vector<16xi32>
      %mul3A_708 = arith.muli %iota3A_142, %mul3A_707 : vector<16xi32>
      %add3A_709 = arith.addi %and3A_705, %mul3A_708 : vector<16xi32>
      %shift_right_arithmetic3A_710 = vector.broadcast %scan3A_156 : i32 to vector<16xi32>
      %shift_right_arithmetic3A_711 = arith.shrsi %get3A_698, %shift_right_arithmetic3A_710 : vector<16xi32>
      %eq3A_712 = vector.broadcast %sub3A_141 : i32 to vector<16xi32>
      %eq3A_713 = arith.cmpi eq, %shift_right_arithmetic3A_711, %eq3A_712 : vector<16xi32>
      tpu.vector_store_idx %arg6[%add3A_709], %broadcast_in_dim3A_144 masked %eq3A_713 {add = true} : memref<4096xi32, #tpu.memory_space<vmem>>[vector<16xi32>], vector<16xi32>, vector<16xi1>
      %mul3A_714 = arith.constant 8 : i32
      %mul3A_715 = arith.muli %scan3A_598, %mul3A_714 : i32
      %add3A_716 = arith.constant 5 : i32
      %add3A_717 = arith.addi %mul3A_715, %add3A_716 : i32
      %mul3A_718 = arith.constant 16 : i32
      %mul3A_719 = arith.muli %add3A_717, %mul3A_718 : i32
      %get3A_720 = arith.index_cast %mul3A_719 : i32 to index
      %get3A_721 = tpu.vector_load %arg5[%get3A_720] {strides = array<i32>} : memref<8192xi32, #tpu.memory_space<vmem>>, vector<16xi32>,
      %shift_right_arithmetic3A_722 = vector.broadcast %scan3A_154 : i32 to vector<16xi32>
      %shift_right_arithmetic3A_723 = arith.shrsi %get3A_721, %shift_right_arithmetic3A_722 : vector<16xi32>
      %add3A_724 = vector.broadcast %scan3A_155 : i32 to vector<16xi32>
      %add3A_725 = arith.addi %shift_right_arithmetic3A_723, %add3A_724 : vector<16xi32>
      %and3A_726 = arith.constant 255 : i32
      %and3A_727 = vector.broadcast %and3A_726 : i32 to vector<16xi32>
      %and3A_728 = arith.andi %add3A_725, %and3A_727 : vector<16xi32>
      %mul3A_729 = arith.constant 256 : i32
      %mul3A_730 = vector.broadcast %mul3A_729 : i32 to vector<16xi32>
      %mul3A_731 = arith.muli %iota3A_142, %mul3A_730 : vector<16xi32>
      %add3A_732 = arith.addi %and3A_728, %mul3A_731 : vector<16xi32>
      %shift_right_arithmetic3A_733 = vector.broadcast %scan3A_156 : i32 to vector<16xi32>
      %shift_right_arithmetic3A_734 = arith.shrsi %get3A_721, %shift_right_arithmetic3A_733 : vector<16xi32>
      %eq3A_735 = vector.broadcast %sub3A_141 : i32 to vector<16xi32>
      %eq3A_736 = arith.cmpi eq, %shift_right_arithmetic3A_734, %eq3A_735 : vector<16xi32>
      tpu.vector_store_idx %arg6[%add3A_732], %broadcast_in_dim3A_144 masked %eq3A_736 {add = true} : memref<4096xi32, #tpu.memory_space<vmem>>[vector<16xi32>], vector<16xi32>, vector<16xi1>
      %mul3A_737 = arith.constant 8 : i32
      %mul3A_738 = arith.muli %scan3A_598, %mul3A_737 : i32
      %add3A_739 = arith.constant 6 : i32
      %add3A_740 = arith.addi %mul3A_738, %add3A_739 : i32
      %mul3A_741 = arith.constant 16 : i32
      %mul3A_742 = arith.muli %add3A_740, %mul3A_741 : i32
      %get3A_743 = arith.index_cast %mul3A_742 : i32 to index
      %get3A_744 = tpu.vector_load %arg5[%get3A_743] {strides = array<i32>} : memref<8192xi32, #tpu.memory_space<vmem>>, vector<16xi32>,
      %shift_right_arithmetic3A_745 = vector.broadcast %scan3A_154 : i32 to vector<16xi32>
      %shift_right_arithmetic3A_746 = arith.shrsi %get3A_744, %shift_right_arithmetic3A_745 : vector<16xi32>
      %add3A_747 = vector.broadcast %scan3A_155 : i32 to vector<16xi32>
      %add3A_748 = arith.addi %shift_right_arithmetic3A_746, %add3A_747 : vector<16xi32>
      %and3A_749 = arith.constant 255 : i32
      %and3A_750 = vector.broadcast %and3A_749 : i32 to vector<16xi32>
      %and3A_751 = arith.andi %add3A_748, %and3A_750 : vector<16xi32>
      %mul3A_752 = arith.constant 256 : i32
      %mul3A_753 = vector.broadcast %mul3A_752 : i32 to vector<16xi32>
      %mul3A_754 = arith.muli %iota3A_142, %mul3A_753 : vector<16xi32>
      %add3A_755 = arith.addi %and3A_751, %mul3A_754 : vector<16xi32>
      %shift_right_arithmetic3A_756 = vector.broadcast %scan3A_156 : i32 to vector<16xi32>
      %shift_right_arithmetic3A_757 = arith.shrsi %get3A_744, %shift_right_arithmetic3A_756 : vector<16xi32>
      %eq3A_758 = vector.broadcast %sub3A_141 : i32 to vector<16xi32>
      %eq3A_759 = arith.cmpi eq, %shift_right_arithmetic3A_757, %eq3A_758 : vector<16xi32>
      tpu.vector_store_idx %arg6[%add3A_755], %broadcast_in_dim3A_144 masked %eq3A_759 {add = true} : memref<4096xi32, #tpu.memory_space<vmem>>[vector<16xi32>], vector<16xi32>, vector<16xi1>
      %mul3A_760 = arith.constant 8 : i32
      %mul3A_761 = arith.muli %scan3A_598, %mul3A_760 : i32
      %add3A_762 = arith.constant 7 : i32
      %add3A_763 = arith.addi %mul3A_761, %add3A_762 : i32
      %mul3A_764 = arith.constant 16 : i32
      %mul3A_765 = arith.muli %add3A_763, %mul3A_764 : i32
      %get3A_766 = arith.index_cast %mul3A_765 : i32 to index
      %get3A_767 = tpu.vector_load %arg5[%get3A_766] {strides = array<i32>} : memref<8192xi32, #tpu.memory_space<vmem>>, vector<16xi32>,
      %shift_right_arithmetic3A_768 = vector.broadcast %scan3A_154 : i32 to vector<16xi32>
      %shift_right_arithmetic3A_769 = arith.shrsi %get3A_767, %shift_right_arithmetic3A_768 : vector<16xi32>
      %add3A_770 = vector.broadcast %scan3A_155 : i32 to vector<16xi32>
      %add3A_771 = arith.addi %shift_right_arithmetic3A_769, %add3A_770 : vector<16xi32>
      %and3A_772 = arith.constant 255 : i32
      %and3A_773 = vector.broadcast %and3A_772 : i32 to vector<16xi32>
      %and3A_774 = arith.andi %add3A_771, %and3A_773 : vector<16xi32>
      %mul3A_775 = arith.constant 256 : i32
      %mul3A_776 = vector.broadcast %mul3A_775 : i32 to vector<16xi32>
      %mul3A_777 = arith.muli %iota3A_142, %mul3A_776 : vector<16xi32>
      %add3A_778 = arith.addi %and3A_774, %mul3A_777 : vector<16xi32>
      %shift_right_arithmetic3A_779 = vector.broadcast %scan3A_156 : i32 to vector<16xi32>
      %shift_right_arithmetic3A_780 = arith.shrsi %get3A_767, %shift_right_arithmetic3A_779 : vector<16xi32>
      %eq3A_781 = vector.broadcast %sub3A_141 : i32 to vector<16xi32>
      %eq3A_782 = arith.cmpi eq, %shift_right_arithmetic3A_780, %eq3A_781 : vector<16xi32>
      tpu.vector_store_idx %arg6[%add3A_778], %broadcast_in_dim3A_144 masked %eq3A_782 {add = true} : memref<4096xi32, #tpu.memory_space<vmem>>[vector<16xi32>], vector<16xi32>, vector<16xi1>
      %scan3A_783 = arith.constant 0 : i32
      scf.yield %scan3A_783 : i32
    }
    %scan3A_163 = arith.constant 64 : i32
    %scan3A_164 = arith.constant 0 : i32
    %scan3A_165 = arith.constant 0 : i32
    %scan3A_166 = arith.constant 16 : i32
    %scan3A_167 = arith.addi %scan3A_165, %scan3A_166 : i32
    %scan3A_168 = arith.constant 1 : i32
    %scan3A_169 = scf.for %scan3A_598 = %scan3A_165 to %scan3A_167 step %scan3A_168 iter_args(%scan3A_599 = %scan3A_164) -> (i32)  : i32 {
      %mul3A_600 = arith.constant 16 : i32
      %mul3A_601 = arith.muli %scan3A_598, %mul3A_600 : i32
      %get3A_602 = arith.index_cast %mul3A_601 : i32 to index
      %get3A_603 = tpu.vector_load %arg6[%get3A_602] {strides = array<i32>} : memref<4096xi32, #tpu.memory_space<vmem>>, vector<16xi32>,
      %mul3A_604 = arith.constant 16 : i32
      %mul3A_605 = arith.muli %scan3A_598, %mul3A_604 : i32
      %add3A_606 = arith.constant 256 : i32
      %add3A_607 = arith.addi %add3A_606, %mul3A_605 : i32
      %get3A_608 = arith.index_cast %add3A_607 : i32 to index
      %get3A_609 = tpu.vector_load %arg6[%get3A_608] {strides = array<i32>} : memref<4096xi32, #tpu.memory_space<vmem>>, vector<16xi32>,
      %add3A_610 = arith.addi %get3A_603, %get3A_609 : vector<16xi32>
      %mul3A_611 = arith.constant 16 : i32
      %mul3A_612 = arith.muli %scan3A_598, %mul3A_611 : i32
      %add3A_613 = arith.constant 512 : i32
      %add3A_614 = arith.addi %add3A_613, %mul3A_612 : i32
      %get3A_615 = arith.index_cast %add3A_614 : i32 to index
      %get3A_616 = tpu.vector_load %arg6[%get3A_615] {strides = array<i32>} : memref<4096xi32, #tpu.memory_space<vmem>>, vector<16xi32>,
      %add3A_617 = arith.addi %add3A_610, %get3A_616 : vector<16xi32>
      %mul3A_618 = arith.constant 16 : i32
      %mul3A_619 = arith.muli %scan3A_598, %mul3A_618 : i32
      %add3A_620 = arith.constant 768 : i32
      %add3A_621 = arith.addi %add3A_620, %mul3A_619 : i32
      %get3A_622 = arith.index_cast %add3A_621 : i32 to index
      %get3A_623 = tpu.vector_load %arg6[%get3A_622] {strides = array<i32>} : memref<4096xi32, #tpu.memory_space<vmem>>, vector<16xi32>,
      %add3A_624 = arith.addi %add3A_617, %get3A_623 : vector<16xi32>
      %mul3A_625 = arith.constant 16 : i32
      %mul3A_626 = arith.muli %scan3A_598, %mul3A_625 : i32
      %add3A_627 = arith.constant 1024 : i32
      %add3A_628 = arith.addi %add3A_627, %mul3A_626 : i32
      %get3A_629 = arith.index_cast %add3A_628 : i32 to index
      %get3A_630 = tpu.vector_load %arg6[%get3A_629] {strides = array<i32>} : memref<4096xi32, #tpu.memory_space<vmem>>, vector<16xi32>,
      %add3A_631 = arith.addi %add3A_624, %get3A_630 : vector<16xi32>
      %mul3A_632 = arith.constant 16 : i32
      %mul3A_633 = arith.muli %scan3A_598, %mul3A_632 : i32
      %add3A_634 = arith.constant 1280 : i32
      %add3A_635 = arith.addi %add3A_634, %mul3A_633 : i32
      %get3A_636 = arith.index_cast %add3A_635 : i32 to index
      %get3A_637 = tpu.vector_load %arg6[%get3A_636] {strides = array<i32>} : memref<4096xi32, #tpu.memory_space<vmem>>, vector<16xi32>,
      %add3A_638 = arith.addi %add3A_631, %get3A_637 : vector<16xi32>
      %mul3A_639 = arith.constant 16 : i32
      %mul3A_640 = arith.muli %scan3A_598, %mul3A_639 : i32
      %add3A_641 = arith.constant 1536 : i32
      %add3A_642 = arith.addi %add3A_641, %mul3A_640 : i32
      %get3A_643 = arith.index_cast %add3A_642 : i32 to index
      %get3A_644 = tpu.vector_load %arg6[%get3A_643] {strides = array<i32>} : memref<4096xi32, #tpu.memory_space<vmem>>, vector<16xi32>,
      %add3A_645 = arith.addi %add3A_638, %get3A_644 : vector<16xi32>
      %mul3A_646 = arith.constant 16 : i32
      %mul3A_647 = arith.muli %scan3A_598, %mul3A_646 : i32
      %add3A_648 = arith.constant 1792 : i32
      %add3A_649 = arith.addi %add3A_648, %mul3A_647 : i32
      %get3A_650 = arith.index_cast %add3A_649 : i32 to index
      %get3A_651 = tpu.vector_load %arg6[%get3A_650] {strides = array<i32>} : memref<4096xi32, #tpu.memory_space<vmem>>, vector<16xi32>,
      %add3A_652 = arith.addi %add3A_645, %get3A_651 : vector<16xi32>
      %mul3A_653 = arith.constant 16 : i32
      %mul3A_654 = arith.muli %scan3A_598, %mul3A_653 : i32
      %add3A_655 = arith.constant 2048 : i32
      %add3A_656 = arith.addi %add3A_655, %mul3A_654 : i32
      %get3A_657 = arith.index_cast %add3A_656 : i32 to index
      %get3A_658 = tpu.vector_load %arg6[%get3A_657] {strides = array<i32>} : memref<4096xi32, #tpu.memory_space<vmem>>, vector<16xi32>,
      %add3A_659 = arith.addi %add3A_652, %get3A_658 : vector<16xi32>
      %mul3A_660 = arith.constant 16 : i32
      %mul3A_661 = arith.muli %scan3A_598, %mul3A_660 : i32
      %add3A_662 = arith.constant 2304 : i32
      %add3A_663 = arith.addi %add3A_662, %mul3A_661 : i32
      %get3A_664 = arith.index_cast %add3A_663 : i32 to index
      %get3A_665 = tpu.vector_load %arg6[%get3A_664] {strides = array<i32>} : memref<4096xi32, #tpu.memory_space<vmem>>, vector<16xi32>,
      %add3A_666 = arith.addi %add3A_659, %get3A_665 : vector<16xi32>
      %mul3A_667 = arith.constant 16 : i32
      %mul3A_668 = arith.muli %scan3A_598, %mul3A_667 : i32
      %add3A_669 = arith.constant 2560 : i32
      %add3A_670 = arith.addi %add3A_669, %mul3A_668 : i32
      %get3A_671 = arith.index_cast %add3A_670 : i32 to index
      %get3A_672 = tpu.vector_load %arg6[%get3A_671] {strides = array<i32>} : memref<4096xi32, #tpu.memory_space<vmem>>, vector<16xi32>,
      %add3A_673 = arith.addi %add3A_666, %get3A_672 : vector<16xi32>
      %mul3A_674 = arith.constant 16 : i32
      %mul3A_675 = arith.muli %scan3A_598, %mul3A_674 : i32
      %add3A_676 = arith.constant 2816 : i32
      %add3A_677 = arith.addi %add3A_676, %mul3A_675 : i32
      %get3A_678 = arith.index_cast %add3A_677 : i32 to index
      %get3A_679 = tpu.vector_load %arg6[%get3A_678] {strides = array<i32>} : memref<4096xi32, #tpu.memory_space<vmem>>, vector<16xi32>,
      %add3A_680 = arith.addi %add3A_673, %get3A_679 : vector<16xi32>
      %mul3A_681 = arith.constant 16 : i32
      %mul3A_682 = arith.muli %scan3A_598, %mul3A_681 : i32
      %add3A_683 = arith.constant 3072 : i32
      %add3A_684 = arith.addi %add3A_683, %mul3A_682 : i32
      %get3A_685 = arith.index_cast %add3A_684 : i32 to index
      %get3A_686 = tpu.vector_load %arg6[%get3A_685] {strides = array<i32>} : memref<4096xi32, #tpu.memory_space<vmem>>, vector<16xi32>,
      %add3A_687 = arith.addi %add3A_680, %get3A_686 : vector<16xi32>
      %mul3A_688 = arith.constant 16 : i32
      %mul3A_689 = arith.muli %scan3A_598, %mul3A_688 : i32
      %add3A_690 = arith.constant 3328 : i32
      %add3A_691 = arith.addi %add3A_690, %mul3A_689 : i32
      %get3A_692 = arith.index_cast %add3A_691 : i32 to index
      %get3A_693 = tpu.vector_load %arg6[%get3A_692] {strides = array<i32>} : memref<4096xi32, #tpu.memory_space<vmem>>, vector<16xi32>,
      %add3A_694 = arith.addi %add3A_687, %get3A_693 : vector<16xi32>
      %mul3A_695 = arith.constant 16 : i32
      %mul3A_696 = arith.muli %scan3A_598, %mul3A_695 : i32
      %add3A_697 = arith.constant 3584 : i32
      %add3A_698 = arith.addi %add3A_697, %mul3A_696 : i32
      %get3A_699 = arith.index_cast %add3A_698 : i32 to index
      %get3A_700 = tpu.vector_load %arg6[%get3A_699] {strides = array<i32>} : memref<4096xi32, #tpu.memory_space<vmem>>, vector<16xi32>,
      %add3A_701 = arith.addi %add3A_694, %get3A_700 : vector<16xi32>
      %mul3A_702 = arith.constant 16 : i32
      %mul3A_703 = arith.muli %scan3A_598, %mul3A_702 : i32
      %add3A_704 = arith.constant 3840 : i32
      %add3A_705 = arith.addi %add3A_704, %mul3A_703 : i32
      %get3A_706 = arith.index_cast %add3A_705 : i32 to index
      %get3A_707 = tpu.vector_load %arg6[%get3A_706] {strides = array<i32>} : memref<4096xi32, #tpu.memory_space<vmem>>, vector<16xi32>,
      %add3A_708 = arith.addi %add3A_701, %get3A_707 : vector<16xi32>
      %mul3A_709 = arith.constant 16 : i32
      %mul3A_710 = arith.muli %scan3A_598, %mul3A_709 : i32
      %swap3A = arith.index_cast %mul3A_710 : i32 to index
      %swap3A_711 = tpu.vector_load %arg7[%swap3A] {strides = array<i32>} : memref<256xi32, #tpu.memory_space<vmem>>, vector<16xi32>,
      tpu.vector_store %arg7[%swap3A], %add3A_708 {strides = array<i32>} : memref<256xi32, #tpu.memory_space<vmem>>, vector<16xi32>,
      %scan3A_712 = arith.constant 0 : i32
      scf.yield %scan3A_712 : i32
    }
    %scan3A_170 = arith.constant 16 : i32
    %mul3A_171 = arith.constant 256 : i32
    %mul3A_172 = arith.muli %arg1, %mul3A_171 : i32
    "tpu.region"() ({
      %run_scoped3A = tpu.sem_alloc : memref<!tpu.dma_semaphore, #tpu.memory_space<semaphore_mem>>
      %dma_start3A = tpu.memref_slice %arg12[%mul3A_172] : memref<4096xi32, #tpu.memory_space<vmem_shared>> -> memref<256xi32, #tpu.memory_space<vmem_shared>>
      %dma_start3A_598 = tpu.memref_slice %arg12[%mul3A_172] : memref<4096xi32, #tpu.memory_space<vmem_shared>> -> memref<256xi32, #tpu.memory_space<vmem_shared>>
      tpu.enqueue_dma source(%arg7 : memref<256xi32, #tpu.memory_space<vmem>>) target(%dma_start3A_598 : memref<256xi32, #tpu.memory_space<vmem_shared>>) target_semaphore(%run_scoped3A : memref<!tpu.dma_semaphore, #tpu.memory_space<semaphore_mem>>)
      %dma_wait3A = tpu.memref_slice %arg12[%mul3A_172] : memref<4096xi32, #tpu.memory_space<vmem_shared>> -> memref<256xi32, #tpu.memory_space<vmem_shared>>
      %dma_wait3A_599 = tpu.memref_slice %arg12[%mul3A_172] : memref<4096xi32, #tpu.memory_space<vmem_shared>> -> memref<256xi32, #tpu.memory_space<vmem_shared>>
      tpu.wait_dma2 semaphore(%run_scoped3A : memref<!tpu.dma_semaphore, #tpu.memory_space<semaphore_mem>>) src(%arg7 : memref<256xi32, #tpu.memory_space<vmem>>) dst(%dma_wait3A_599 : memref<256xi32, #tpu.memory_space<vmem_shared>>)
      tpu.yield
    }) : () -> ()
    %barrier3A_173 = arith.constant 0 : index
    tpu.barrier barrier_id(%barrier3A_173)
    "tpu.region"() ({
      %run_scoped3A = tpu.sem_alloc : memref<!tpu.dma_semaphore, #tpu.memory_space<semaphore_mem>>
      tpu.enqueue_dma source(%arg12 : memref<4096xi32, #tpu.memory_space<vmem_shared>>) target(%arg8 : memref<4096xi32, #tpu.memory_space<vmem>>) target_semaphore(%run_scoped3A : memref<!tpu.dma_semaphore, #tpu.memory_space<semaphore_mem>>)
      tpu.wait_dma2 semaphore(%run_scoped3A : memref<!tpu.dma_semaphore, #tpu.memory_space<semaphore_mem>>) src(%arg12 : memref<4096xi32, #tpu.memory_space<vmem_shared>>) dst(%arg8 : memref<4096xi32, #tpu.memory_space<vmem>>)
      tpu.yield
    }) : () -> ()
    %scan3A_174 = arith.constant 0 : i32
    %scan3A_175 = arith.constant 0 : i32
    %scan3A_176 = arith.constant 16 : i32
    %scan3A_177 = arith.addi %scan3A_175, %scan3A_176 : i32
    %scan3A_178 = arith.constant 1 : i32
    %scan3A_179 = scf.for %scan3A_598 = %scan3A_175 to %scan3A_177 step %scan3A_178 iter_args(%scan3A_599 = %scan3A_174) -> (i32)  : i32 {
      %mul3A_600 = arith.constant 16 : i32
      %mul3A_601 = arith.muli %scan3A_598, %mul3A_600 : i32
      %get3A_602 = arith.index_cast %mul3A_601 : i32 to index
      %get3A_603 = tpu.vector_load %arg8[%get3A_602] {strides = array<i32>} : memref<4096xi32, #tpu.memory_space<vmem>>, vector<16xi32>,
      %mul3A_604 = arith.constant 16 : i32
      %mul3A_605 = arith.muli %scan3A_598, %mul3A_604 : i32
      %add3A_606 = arith.constant 256 : i32
      %add3A_607 = arith.addi %add3A_606, %mul3A_605 : i32
      %get3A_608 = arith.index_cast %add3A_607 : i32 to index
      %get3A_609 = tpu.vector_load %arg8[%get3A_608] {strides = array<i32>} : memref<4096xi32, #tpu.memory_space<vmem>>, vector<16xi32>,
      %add3A_610 = arith.addi %get3A_603, %get3A_609 : vector<16xi32>
      %mul3A_611 = arith.constant 16 : i32
      %mul3A_612 = arith.muli %scan3A_598, %mul3A_611 : i32
      %add3A_613 = arith.constant 512 : i32
      %add3A_614 = arith.addi %add3A_613, %mul3A_612 : i32
      %get3A_615 = arith.index_cast %add3A_614 : i32 to index
      %get3A_616 = tpu.vector_load %arg8[%get3A_615] {strides = array<i32>} : memref<4096xi32, #tpu.memory_space<vmem>>, vector<16xi32>,
      %add3A_617 = arith.addi %add3A_610, %get3A_616 : vector<16xi32>
      %mul3A_618 = arith.constant 16 : i32
      %mul3A_619 = arith.muli %scan3A_598, %mul3A_618 : i32
      %add3A_620 = arith.constant 768 : i32
      %add3A_621 = arith.addi %add3A_620, %mul3A_619 : i32
      %get3A_622 = arith.index_cast %add3A_621 : i32 to index
      %get3A_623 = tpu.vector_load %arg8[%get3A_622] {strides = array<i32>} : memref<4096xi32, #tpu.memory_space<vmem>>, vector<16xi32>,
      %add3A_624 = arith.addi %add3A_617, %get3A_623 : vector<16xi32>
      %mul3A_625 = arith.constant 16 : i32
      %mul3A_626 = arith.muli %scan3A_598, %mul3A_625 : i32
      %add3A_627 = arith.constant 1024 : i32
      %add3A_628 = arith.addi %add3A_627, %mul3A_626 : i32
      %get3A_629 = arith.index_cast %add3A_628 : i32 to index
      %get3A_630 = tpu.vector_load %arg8[%get3A_629] {strides = array<i32>} : memref<4096xi32, #tpu.memory_space<vmem>>, vector<16xi32>,
      %add3A_631 = arith.addi %add3A_624, %get3A_630 : vector<16xi32>
      %mul3A_632 = arith.constant 16 : i32
      %mul3A_633 = arith.muli %scan3A_598, %mul3A_632 : i32
      %add3A_634 = arith.constant 1280 : i32
      %add3A_635 = arith.addi %add3A_634, %mul3A_633 : i32
      %get3A_636 = arith.index_cast %add3A_635 : i32 to index
      %get3A_637 = tpu.vector_load %arg8[%get3A_636] {strides = array<i32>} : memref<4096xi32, #tpu.memory_space<vmem>>, vector<16xi32>,
      %add3A_638 = arith.addi %add3A_631, %get3A_637 : vector<16xi32>
      %mul3A_639 = arith.constant 16 : i32
      %mul3A_640 = arith.muli %scan3A_598, %mul3A_639 : i32
      %add3A_641 = arith.constant 1536 : i32
      %add3A_642 = arith.addi %add3A_641, %mul3A_640 : i32
      %get3A_643 = arith.index_cast %add3A_642 : i32 to index
      %get3A_644 = tpu.vector_load %arg8[%get3A_643] {strides = array<i32>} : memref<4096xi32, #tpu.memory_space<vmem>>, vector<16xi32>,
      %add3A_645 = arith.addi %add3A_638, %get3A_644 : vector<16xi32>
      %mul3A_646 = arith.constant 16 : i32
      %mul3A_647 = arith.muli %scan3A_598, %mul3A_646 : i32
      %add3A_648 = arith.constant 1792 : i32
      %add3A_649 = arith.addi %add3A_648, %mul3A_647 : i32
      %get3A_650 = arith.index_cast %add3A_649 : i32 to index
      %get3A_651 = tpu.vector_load %arg8[%get3A_650] {strides = array<i32>} : memref<4096xi32, #tpu.memory_space<vmem>>, vector<16xi32>,
      %add3A_652 = arith.addi %add3A_645, %get3A_651 : vector<16xi32>
      %mul3A_653 = arith.constant 16 : i32
      %mul3A_654 = arith.muli %scan3A_598, %mul3A_653 : i32
      %add3A_655 = arith.constant 2048 : i32
      %add3A_656 = arith.addi %add3A_655, %mul3A_654 : i32
      %get3A_657 = arith.index_cast %add3A_656 : i32 to index
      %get3A_658 = tpu.vector_load %arg8[%get3A_657] {strides = array<i32>} : memref<4096xi32, #tpu.memory_space<vmem>>, vector<16xi32>,
      %add3A_659 = arith.addi %add3A_652, %get3A_658 : vector<16xi32>
      %mul3A_660 = arith.constant 16 : i32
      %mul3A_661 = arith.muli %scan3A_598, %mul3A_660 : i32
      %add3A_662 = arith.constant 2304 : i32
      %add3A_663 = arith.addi %add3A_662, %mul3A_661 : i32
      %get3A_664 = arith.index_cast %add3A_663 : i32 to index
      %get3A_665 = tpu.vector_load %arg8[%get3A_664] {strides = array<i32>} : memref<4096xi32, #tpu.memory_space<vmem>>, vector<16xi32>,
      %add3A_666 = arith.addi %add3A_659, %get3A_665 : vector<16xi32>
      %mul3A_667 = arith.constant 16 : i32
      %mul3A_668 = arith.muli %scan3A_598, %mul3A_667 : i32
      %add3A_669 = arith.constant 2560 : i32
      %add3A_670 = arith.addi %add3A_669, %mul3A_668 : i32
      %get3A_671 = arith.index_cast %add3A_670 : i32 to index
      %get3A_672 = tpu.vector_load %arg8[%get3A_671] {strides = array<i32>} : memref<4096xi32, #tpu.memory_space<vmem>>, vector<16xi32>,
      %add3A_673 = arith.addi %add3A_666, %get3A_672 : vector<16xi32>
      %mul3A_674 = arith.constant 16 : i32
      %mul3A_675 = arith.muli %scan3A_598, %mul3A_674 : i32
      %add3A_676 = arith.constant 2816 : i32
      %add3A_677 = arith.addi %add3A_676, %mul3A_675 : i32
      %get3A_678 = arith.index_cast %add3A_677 : i32 to index
      %get3A_679 = tpu.vector_load %arg8[%get3A_678] {strides = array<i32>} : memref<4096xi32, #tpu.memory_space<vmem>>, vector<16xi32>,
      %add3A_680 = arith.addi %add3A_673, %get3A_679 : vector<16xi32>
      %mul3A_681 = arith.constant 16 : i32
      %mul3A_682 = arith.muli %scan3A_598, %mul3A_681 : i32
      %add3A_683 = arith.constant 3072 : i32
      %add3A_684 = arith.addi %add3A_683, %mul3A_682 : i32
      %get3A_685 = arith.index_cast %add3A_684 : i32 to index
      %get3A_686 = tpu.vector_load %arg8[%get3A_685] {strides = array<i32>} : memref<4096xi32, #tpu.memory_space<vmem>>, vector<16xi32>,
      %add3A_687 = arith.addi %add3A_680, %get3A_686 : vector<16xi32>
      %mul3A_688 = arith.constant 16 : i32
      %mul3A_689 = arith.muli %scan3A_598, %mul3A_688 : i32
      %add3A_690 = arith.constant 3328 : i32
      %add3A_691 = arith.addi %add3A_690, %mul3A_689 : i32
      %get3A_692 = arith.index_cast %add3A_691 : i32 to index
      %get3A_693 = tpu.vector_load %arg8[%get3A_692] {strides = array<i32>} : memref<4096xi32, #tpu.memory_space<vmem>>, vector<16xi32>,
      %add3A_694 = arith.addi %add3A_687, %get3A_693 : vector<16xi32>
      %mul3A_695 = arith.constant 16 : i32
      %mul3A_696 = arith.muli %scan3A_598, %mul3A_695 : i32
      %add3A_697 = arith.constant 3584 : i32
      %add3A_698 = arith.addi %add3A_697, %mul3A_696 : i32
      %get3A_699 = arith.index_cast %add3A_698 : i32 to index
      %get3A_700 = tpu.vector_load %arg8[%get3A_699] {strides = array<i32>} : memref<4096xi32, #tpu.memory_space<vmem>>, vector<16xi32>,
      %add3A_701 = arith.addi %add3A_694, %get3A_700 : vector<16xi32>
      %mul3A_702 = arith.constant 16 : i32
      %mul3A_703 = arith.muli %scan3A_598, %mul3A_702 : i32
      %add3A_704 = arith.constant 3840 : i32
      %add3A_705 = arith.addi %add3A_704, %mul3A_703 : i32
      %get3A_706 = arith.index_cast %add3A_705 : i32 to index
      %get3A_707 = tpu.vector_load %arg8[%get3A_706] {strides = array<i32>} : memref<4096xi32, #tpu.memory_space<vmem>>, vector<16xi32>,
      %add3A_708 = arith.addi %add3A_701, %get3A_707 : vector<16xi32>
      %mul3A_709 = arith.constant 16 : i32
      %mul3A_710 = arith.muli %scan3A_598, %mul3A_709 : i32
      %swap3A = arith.index_cast %mul3A_710 : i32 to index
      %swap3A_711 = tpu.vector_load %arg9[%swap3A] {strides = array<i32>} : memref<256xi32, #tpu.memory_space<vmem>>, vector<16xi32>,
      tpu.vector_store %arg9[%swap3A], %add3A_708 {strides = array<i32>} : memref<256xi32, #tpu.memory_space<vmem>>, vector<16xi32>,
      %scan3A_712 = arith.constant 0 : i32
      scf.yield %scan3A_712 : i32
    }
    %scan3A_180 = arith.constant 16 : i32
    %iota3A_181 = tpu.iota {dimensions = array<i32: 0>} : vector<16xi32>
    %broadcast_in_dim3A_182 = arith.constant 0 : i32
    %broadcast_in_dim3A_183 = vector.broadcast %broadcast_in_dim3A_182 : i32 to vector<16xi32>
    %scan3A_184 = arith.constant 0 : i32
    %scan3A_185 = arith.constant 16 : i32
    %scan3A_186 = arith.addi %scan3A_184, %scan3A_185 : i32
    %scan3A_187 = arith.constant 1 : i32
    %scan3A_188 = scf.for %scan3A_598 = %scan3A_184 to %scan3A_186 step %scan3A_187 iter_args(%scan3A_599 = %broadcast_in_dim3A_183) -> (vector<16xi32>)  : i32 {
      %mul3A_600 = arith.constant 16 : i32
      %mul3A_601 = arith.muli %scan3A_598, %mul3A_600 : i32
      %get3A_602 = arith.index_cast %mul3A_601 : i32 to index
      %get3A_603 = tpu.vector_load %arg9[%get3A_602] {strides = array<i32>} : memref<256xi32, #tpu.memory_space<vmem>>, vector<16xi32>,
      %eq3A_604 = vector.broadcast %scan3A_598 : i32 to vector<16xi32>
      %eq3A_605 = arith.cmpi eq, %iota3A_181, %eq3A_604 : vector<16xi32>
      %reduce_sum3A_606 = arith.constant true
      %reduce_sum3A_607 = vector.broadcast %reduce_sum3A_606 : i1 to vector<16xi1>
      %reduce_sum3A_608 = tpu.scan <sum>, %get3A_603 masked %reduce_sum3A_607 : vector<16xi32>, vector<16xi1> -> vector<16xi32>
      %reduce_sum3A_609 = vector.extract %reduce_sum3A_608[15] : i32 from vector<16xi32>
      %broadcast_in_dim3A_610 = vector.broadcast %reduce_sum3A_609 : i32 to vector<16xi32>
      %select_n3A_611 = arith.select %eq3A_605, %broadcast_in_dim3A_610, %scan3A_599 : vector<16xi1>, vector<16xi32>
      scf.yield %select_n3A_611 : vector<16xi32>
    }
    %scan3A_189 = arith.constant 16 : i32
    %broadcast_in_dim3A_190 = arith.constant true
    %broadcast_in_dim3A_191 = vector.broadcast %broadcast_in_dim3A_190 : i1 to vector<16xi1>
    %masked_cumsum3A_192 = tpu.scan <sum>, %scan3A_188 masked %broadcast_in_dim3A_191 : vector<16xi32>, vector<16xi1> -> vector<16xi32>
    %reduce_sum3A_193 = arith.constant true
    %reduce_sum3A_194 = vector.broadcast %reduce_sum3A_193 : i1 to vector<16xi1>
    %reduce_sum3A_195 = tpu.scan <sum>, %scan3A_188 masked %reduce_sum3A_194 : vector<16xi32>, vector<16xi1> -> vector<16xi32>
    %reduce_sum3A_196 = vector.extract %reduce_sum3A_195[15] : i32 from vector<16xi32>
    %sub3A_197 = vector.broadcast %reduce_sum3A_196 : i32 to vector<16xi32>
    %sub3A_198 = arith.subi %sub3A_197, %masked_cumsum3A_192 : vector<16xi32>
    %add3A_199 = arith.addi %sub3A_198, %scan3A_188 : vector<16xi32>
    %ge3A_200 = vector.broadcast %sub3A_136 : i32 to vector<16xi32>
    %ge3A_201 = arith.cmpi sge, %add3A_199, %ge3A_200 : vector<16xi32>
    %all_reduce_population_count3A_202 = tpu.all_reduce %ge3A_201 {dim = 0 : i64, kind = #tpu.reduction_kind<sum>} : vector<16xi1> -> vector<16xi32>
    %reduce_max3A_203 = arith.constant true
    %reduce_max3A_204 = vector.broadcast %reduce_max3A_203 : i1 to vector<16xi1>
    %reduce_max3A_205 = arith.constant -2147483648 : i32
    %reduce_max3A_206 = vector.broadcast %reduce_max3A_205 : i32 to vector<16xi32>
    %reduce_max3A_207 = arith.xori %all_reduce_population_count3A_202, %reduce_max3A_206 : vector<16xi32>
    %reduce_max3A_208 = tpu.scan <max>, %reduce_max3A_207 masked %reduce_max3A_204 : vector<16xi32>, vector<16xi1> -> vector<16xi32>
    %reduce_max3A_209 = arith.xori %reduce_max3A_208, %reduce_max3A_206 : vector<16xi32>
    %reduce_max3A_210 = vector.extract %reduce_max3A_209[15] : i32 from vector<16xi32>
    %sub3A_211 = arith.constant 1 : i32
    %sub3A_212 = arith.subi %reduce_max3A_210, %sub3A_211 : i32
    %iota3A_213 = tpu.iota {dimensions = array<i32: 0>} : vector<16xi32>
    %eq3A_214 = vector.broadcast %sub3A_212 : i32 to vector<16xi32>
    %eq3A_215 = arith.cmpi eq, %iota3A_213, %eq3A_214 : vector<16xi32>
    %jit3A_216 = arith.constant 0 : i32
    %broadcast_in_dim3A_217 = vector.broadcast %jit3A_216 : i32 to vector<16xi32>
    %select_n3A_218 = arith.select %eq3A_215, %add3A_199, %broadcast_in_dim3A_217 : vector<16xi1>, vector<16xi32>
    %reduce_sum3A_219 = arith.constant true
    %reduce_sum3A_220 = vector.broadcast %reduce_sum3A_219 : i1 to vector<16xi1>
    %reduce_sum3A_221 = tpu.scan <sum>, %select_n3A_218 masked %reduce_sum3A_220 : vector<16xi32>, vector<16xi1> -> vector<16xi32>
    %reduce_sum3A_222 = vector.extract %reduce_sum3A_221[15] : i32 from vector<16xi32>
    %iota3A_223 = tpu.iota {dimensions = array<i32: 0>} : vector<16xi32>
    %eq3A_224 = vector.broadcast %sub3A_212 : i32 to vector<16xi32>
    %eq3A_225 = arith.cmpi eq, %iota3A_223, %eq3A_224 : vector<16xi32>
    %jit3A_226 = arith.constant 0 : i32
    %broadcast_in_dim3A_227 = vector.broadcast %jit3A_226 : i32 to vector<16xi32>
    %select_n3A_228 = arith.select %eq3A_225, %scan3A_188, %broadcast_in_dim3A_227 : vector<16xi1>, vector<16xi32>
    %reduce_sum3A_229 = arith.constant true
    %reduce_sum3A_230 = vector.broadcast %reduce_sum3A_229 : i1 to vector<16xi1>
    %reduce_sum3A_231 = tpu.scan <sum>, %select_n3A_228 masked %reduce_sum3A_230 : vector<16xi32>, vector<16xi1> -> vector<16xi32>
    %reduce_sum3A_232 = vector.extract %reduce_sum3A_231[15] : i32 from vector<16xi32>
    %sub3A_233 = arith.subi %reduce_sum3A_222, %reduce_sum3A_232 : i32
    %sub3A_234 = arith.subi %sub3A_136, %sub3A_233 : i32
    %mul3A_235 = arith.constant 16 : i32
    %mul3A_236 = arith.muli %sub3A_212, %mul3A_235 : i32
    %get3A_237 = arith.index_cast %mul3A_236 : i32 to index
    %get3A_238 = tpu.vector_load %arg9[%get3A_237] {strides = array<i32>} : memref<256xi32, #tpu.memory_space<vmem>>, vector<16xi32>,
    %broadcast_in_dim3A_239 = arith.constant true
    %broadcast_in_dim3A_240 = vector.broadcast %broadcast_in_dim3A_239 : i1 to vector<16xi1>
    %masked_cumsum3A_241 = tpu.scan <sum>, %get3A_238 masked %broadcast_in_dim3A_240 : vector<16xi32>, vector<16xi1> -> vector<16xi32>
    %reduce_sum3A_242 = arith.constant true
    %reduce_sum3A_243 = vector.broadcast %reduce_sum3A_242 : i1 to vector<16xi1>
    %reduce_sum3A_244 = tpu.scan <sum>, %get3A_238 masked %reduce_sum3A_243 : vector<16xi32>, vector<16xi1> -> vector<16xi32>
    %reduce_sum3A_245 = vector.extract %reduce_sum3A_244[15] : i32 from vector<16xi32>
    %sub3A_246 = vector.broadcast %reduce_sum3A_245 : i32 to vector<16xi32>
    %sub3A_247 = arith.subi %sub3A_246, %masked_cumsum3A_241 : vector<16xi32>
    %add3A_248 = arith.addi %sub3A_247, %get3A_238 : vector<16xi32>
    %ge3A_249 = vector.broadcast %sub3A_234 : i32 to vector<16xi32>
    %ge3A_250 = arith.cmpi sge, %add3A_248, %ge3A_249 : vector<16xi32>
    %all_reduce_population_count3A_251 = tpu.all_reduce %ge3A_250 {dim = 0 : i64, kind = #tpu.reduction_kind<sum>} : vector<16xi1> -> vector<16xi32>
    %reduce_max3A_252 = arith.constant true
    %reduce_max3A_253 = vector.broadcast %reduce_max3A_252 : i1 to vector<16xi1>
    %reduce_max3A_254 = arith.constant -2147483648 : i32
    %reduce_max3A_255 = vector.broadcast %reduce_max3A_254 : i32 to vector<16xi32>
    %reduce_max3A_256 = arith.xori %all_reduce_population_count3A_251, %reduce_max3A_255 : vector<16xi32>
    %reduce_max3A_257 = tpu.scan <max>, %reduce_max3A_256 masked %reduce_max3A_253 : vector<16xi32>, vector<16xi1> -> vector<16xi32>
    %reduce_max3A_258 = arith.xori %reduce_max3A_257, %reduce_max3A_255 : vector<16xi32>
    %reduce_max3A_259 = vector.extract %reduce_max3A_258[15] : i32 from vector<16xi32>
    %sub3A_260 = arith.constant 1 : i32
    %sub3A_261 = arith.subi %reduce_max3A_259, %sub3A_260 : i32
    %iota3A_262 = tpu.iota {dimensions = array<i32: 0>} : vector<16xi32>
    %eq3A_263 = vector.broadcast %sub3A_261 : i32 to vector<16xi32>
    %eq3A_264 = arith.cmpi eq, %iota3A_262, %eq3A_263 : vector<16xi32>
    %jit3A_265 = arith.constant 0 : i32
    %broadcast_in_dim3A_266 = vector.broadcast %jit3A_265 : i32 to vector<16xi32>
    %select_n3A_267 = arith.select %eq3A_264, %add3A_248, %broadcast_in_dim3A_266 : vector<16xi1>, vector<16xi32>
    %reduce_sum3A_268 = arith.constant true
    %reduce_sum3A_269 = vector.broadcast %reduce_sum3A_268 : i1 to vector<16xi1>
    %reduce_sum3A_270 = tpu.scan <sum>, %select_n3A_267 masked %reduce_sum3A_269 : vector<16xi32>, vector<16xi1> -> vector<16xi32>
    %reduce_sum3A_271 = vector.extract %reduce_sum3A_270[15] : i32 from vector<16xi32>
    %iota3A_272 = tpu.iota {dimensions = array<i32: 0>} : vector<16xi32>
    %eq3A_273 = vector.broadcast %sub3A_261 : i32 to vector<16xi32>
    %eq3A_274 = arith.cmpi eq, %iota3A_272, %eq3A_273 : vector<16xi32>
    %jit3A_275 = arith.constant 0 : i32
    %broadcast_in_dim3A_276 = vector.broadcast %jit3A_275 : i32 to vector<16xi32>
    %select_n3A_277 = arith.select %eq3A_274, %get3A_238, %broadcast_in_dim3A_276 : vector<16xi1>, vector<16xi32>
    %reduce_sum3A_278 = arith.constant true
    %reduce_sum3A_279 = vector.broadcast %reduce_sum3A_278 : i1 to vector<16xi1>
    %reduce_sum3A_280 = tpu.scan <sum>, %select_n3A_277 masked %reduce_sum3A_279 : vector<16xi32>, vector<16xi1> -> vector<16xi32>
    %reduce_sum3A_281 = vector.extract %reduce_sum3A_280[15] : i32 from vector<16xi32>
    %sub3A_282 = arith.subi %reduce_sum3A_271, %reduce_sum3A_281 : i32
    %sub3A_283 = arith.subi %sub3A_234, %sub3A_282 : i32
    %mul3A_284 = arith.constant 16 : i32
    %mul3A_285 = arith.muli %sub3A_212, %mul3A_284 : i32
    %add3A_286 = arith.addi %mul3A_285, %sub3A_261 : i32
    %mul3A_287 = arith.constant 256 : i32
    %mul3A_288 = arith.muli %sub3A_141, %mul3A_287 : i32
    %add3A_289 = arith.addi %mul3A_288, %add3A_286 : i32
    %iota3A_290 = tpu.iota {dimensions = array<i32: 0>} : vector<16xi32>
    %broadcast_in_dim3A_291 = arith.constant 1 : i32
    %broadcast_in_dim3A_292 = vector.broadcast %broadcast_in_dim3A_291 : i32 to vector<16xi32>
    %broadcast_in_dim3A_293 = arith.constant 0 : i32
    %broadcast_in_dim3A_294 = vector.broadcast %broadcast_in_dim3A_293 : i32 to vector<16xi32>
    %scan3A_295 = arith.constant 0 : i32
    %scan3A_296 = arith.constant 0 : i32
    %scan3A_297 = arith.constant 64 : i32
    %scan3A_298 = arith.addi %scan3A_296, %scan3A_297 : i32
    %scan3A_299 = arith.constant 1 : i32
    %scan3A_300 = scf.for %scan3A_598 = %scan3A_296 to %scan3A_298 step %scan3A_299 iter_args(%scan3A_599 = %scan3A_295) -> (i32)  : i32 {
      %mul3A_600 = arith.constant 4 : i32
      %mul3A_601 = arith.muli %scan3A_598, %mul3A_600 : i32
      %add3A_602 = arith.constant 0 : i32
      %add3A_603 = arith.addi %mul3A_601, %add3A_602 : i32
      %mul3A_604 = arith.constant 16 : i32
      %mul3A_605 = arith.muli %add3A_603, %mul3A_604 : i32
      %swap3A = arith.index_cast %mul3A_605 : i32 to index
      %swap3A_606 = tpu.vector_load %arg6[%swap3A] {strides = array<i32>} : memref<4096xi32, #tpu.memory_space<vmem>>, vector<16xi32>,
      tpu.vector_store %arg6[%swap3A], %broadcast_in_dim3A_294 {strides = array<i32>} : memref<4096xi32, #tpu.memory_space<vmem>>, vector<16xi32>,
      %mul3A_607 = arith.constant 4 : i32
      %mul3A_608 = arith.muli %scan3A_598, %mul3A_607 : i32
      %add3A_609 = arith.constant 1 : i32
      %add3A_610 = arith.addi %mul3A_608, %add3A_609 : i32
      %mul3A_611 = arith.constant 16 : i32
      %mul3A_612 = arith.muli %add3A_610, %mul3A_611 : i32
      %swap3A_613 = arith.index_cast %mul3A_612 : i32 to index
      %swap3A_614 = tpu.vector_load %arg6[%swap3A_613] {strides = array<i32>} : memref<4096xi32, #tpu.memory_space<vmem>>, vector<16xi32>,
      tpu.vector_store %arg6[%swap3A_613], %broadcast_in_dim3A_294 {strides = array<i32>} : memref<4096xi32, #tpu.memory_space<vmem>>, vector<16xi32>,
      %mul3A_615 = arith.constant 4 : i32
      %mul3A_616 = arith.muli %scan3A_598, %mul3A_615 : i32
      %add3A_617 = arith.constant 2 : i32
      %add3A_618 = arith.addi %mul3A_616, %add3A_617 : i32
      %mul3A_619 = arith.constant 16 : i32
      %mul3A_620 = arith.muli %add3A_618, %mul3A_619 : i32
      %swap3A_621 = arith.index_cast %mul3A_620 : i32 to index
      %swap3A_622 = tpu.vector_load %arg6[%swap3A_621] {strides = array<i32>} : memref<4096xi32, #tpu.memory_space<vmem>>, vector<16xi32>,
      tpu.vector_store %arg6[%swap3A_621], %broadcast_in_dim3A_294 {strides = array<i32>} : memref<4096xi32, #tpu.memory_space<vmem>>, vector<16xi32>,
      %mul3A_623 = arith.constant 4 : i32
      %mul3A_624 = arith.muli %scan3A_598, %mul3A_623 : i32
      %add3A_625 = arith.constant 3 : i32
      %add3A_626 = arith.addi %mul3A_624, %add3A_625 : i32
      %mul3A_627 = arith.constant 16 : i32
      %mul3A_628 = arith.muli %add3A_626, %mul3A_627 : i32
      %swap3A_629 = arith.index_cast %mul3A_628 : i32 to index
      %swap3A_630 = tpu.vector_load %arg6[%swap3A_629] {strides = array<i32>} : memref<4096xi32, #tpu.memory_space<vmem>>, vector<16xi32>,
      tpu.vector_store %arg6[%swap3A_629], %broadcast_in_dim3A_294 {strides = array<i32>} : memref<4096xi32, #tpu.memory_space<vmem>>, vector<16xi32>,
      %scan3A_631 = arith.constant 0 : i32
      scf.yield %scan3A_631 : i32
    }
    %scan3A_301 = arith.constant 64 : i32
    %scan3A_302 = arith.constant 8 : i32
    %scan3A_303 = arith.constant 0 : i32
    %scan3A_304 = arith.constant 16 : i32
    %scan3A_305 = arith.constant 0 : i32
    %scan3A_306 = arith.constant 0 : i32
    %scan3A_307 = arith.constant 64 : i32
    %scan3A_308 = arith.addi %scan3A_306, %scan3A_307 : i32
    %scan3A_309 = arith.constant 1 : i32
    %scan3A_310 = scf.for %scan3A_598 = %scan3A_306 to %scan3A_308 step %scan3A_309 iter_args(%scan3A_599 = %scan3A_305) -> (i32)  : i32 {
      %mul3A_600 = arith.constant 8 : i32
      %mul3A_601 = arith.muli %scan3A_598, %mul3A_600 : i32
      %add3A_602 = arith.constant 0 : i32
      %add3A_603 = arith.addi %mul3A_601, %add3A_602 : i32
      %mul3A_604 = arith.constant 16 : i32
      %mul3A_605 = arith.muli %add3A_603, %mul3A_604 : i32
      %get3A_606 = arith.index_cast %mul3A_605 : i32 to index
      %get3A_607 = tpu.vector_load %arg5[%get3A_606] {strides = array<i32>} : memref<8192xi32, #tpu.memory_space<vmem>>, vector<16xi32>,
      %shift_right_arithmetic3A = vector.broadcast %scan3A_302 : i32 to vector<16xi32>
      %shift_right_arithmetic3A_608 = arith.shrsi %get3A_607, %shift_right_arithmetic3A : vector<16xi32>
      %add3A_609 = vector.broadcast %scan3A_303 : i32 to vector<16xi32>
      %add3A_610 = arith.addi %shift_right_arithmetic3A_608, %add3A_609 : vector<16xi32>
      %and3A_611 = arith.constant 255 : i32
      %and3A_612 = vector.broadcast %and3A_611 : i32 to vector<16xi32>
      %and3A_613 = arith.andi %add3A_610, %and3A_612 : vector<16xi32>
      %mul3A_614 = arith.constant 256 : i32
      %mul3A_615 = vector.broadcast %mul3A_614 : i32 to vector<16xi32>
      %mul3A_616 = arith.muli %iota3A_290, %mul3A_615 : vector<16xi32>
      %add3A_617 = arith.addi %and3A_613, %mul3A_616 : vector<16xi32>
      %shift_right_arithmetic3A_618 = vector.broadcast %scan3A_304 : i32 to vector<16xi32>
      %shift_right_arithmetic3A_619 = arith.shrsi %get3A_607, %shift_right_arithmetic3A_618 : vector<16xi32>
      %eq3A_620 = vector.broadcast %add3A_289 : i32 to vector<16xi32>
      %eq3A_621 = arith.cmpi eq, %shift_right_arithmetic3A_619, %eq3A_620 : vector<16xi32>
      tpu.vector_store_idx %arg6[%add3A_617], %broadcast_in_dim3A_292 masked %eq3A_621 {add = true} : memref<4096xi32, #tpu.memory_space<vmem>>[vector<16xi32>], vector<16xi32>, vector<16xi1>
      %mul3A_622 = arith.constant 8 : i32
      %mul3A_623 = arith.muli %scan3A_598, %mul3A_622 : i32
      %add3A_624 = arith.constant 1 : i32
      %add3A_625 = arith.addi %mul3A_623, %add3A_624 : i32
      %mul3A_626 = arith.constant 16 : i32
      %mul3A_627 = arith.muli %add3A_625, %mul3A_626 : i32
      %get3A_628 = arith.index_cast %mul3A_627 : i32 to index
      %get3A_629 = tpu.vector_load %arg5[%get3A_628] {strides = array<i32>} : memref<8192xi32, #tpu.memory_space<vmem>>, vector<16xi32>,
      %shift_right_arithmetic3A_630 = vector.broadcast %scan3A_302 : i32 to vector<16xi32>
      %shift_right_arithmetic3A_631 = arith.shrsi %get3A_629, %shift_right_arithmetic3A_630 : vector<16xi32>
      %add3A_632 = vector.broadcast %scan3A_303 : i32 to vector<16xi32>
      %add3A_633 = arith.addi %shift_right_arithmetic3A_631, %add3A_632 : vector<16xi32>
      %and3A_634 = arith.constant 255 : i32
      %and3A_635 = vector.broadcast %and3A_634 : i32 to vector<16xi32>
      %and3A_636 = arith.andi %add3A_633, %and3A_635 : vector<16xi32>
      %mul3A_637 = arith.constant 256 : i32
      %mul3A_638 = vector.broadcast %mul3A_637 : i32 to vector<16xi32>
      %mul3A_639 = arith.muli %iota3A_290, %mul3A_638 : vector<16xi32>
      %add3A_640 = arith.addi %and3A_636, %mul3A_639 : vector<16xi32>
      %shift_right_arithmetic3A_641 = vector.broadcast %scan3A_304 : i32 to vector<16xi32>
      %shift_right_arithmetic3A_642 = arith.shrsi %get3A_629, %shift_right_arithmetic3A_641 : vector<16xi32>
      %eq3A_643 = vector.broadcast %add3A_289 : i32 to vector<16xi32>
      %eq3A_644 = arith.cmpi eq, %shift_right_arithmetic3A_642, %eq3A_643 : vector<16xi32>
      tpu.vector_store_idx %arg6[%add3A_640], %broadcast_in_dim3A_292 masked %eq3A_644 {add = true} : memref<4096xi32, #tpu.memory_space<vmem>>[vector<16xi32>], vector<16xi32>, vector<16xi1>
      %mul3A_645 = arith.constant 8 : i32
      %mul3A_646 = arith.muli %scan3A_598, %mul3A_645 : i32
      %add3A_647 = arith.constant 2 : i32
      %add3A_648 = arith.addi %mul3A_646, %add3A_647 : i32
      %mul3A_649 = arith.constant 16 : i32
      %mul3A_650 = arith.muli %add3A_648, %mul3A_649 : i32
      %get3A_651 = arith.index_cast %mul3A_650 : i32 to index
      %get3A_652 = tpu.vector_load %arg5[%get3A_651] {strides = array<i32>} : memref<8192xi32, #tpu.memory_space<vmem>>, vector<16xi32>,
      %shift_right_arithmetic3A_653 = vector.broadcast %scan3A_302 : i32 to vector<16xi32>
      %shift_right_arithmetic3A_654 = arith.shrsi %get3A_652, %shift_right_arithmetic3A_653 : vector<16xi32>
      %add3A_655 = vector.broadcast %scan3A_303 : i32 to vector<16xi32>
      %add3A_656 = arith.addi %shift_right_arithmetic3A_654, %add3A_655 : vector<16xi32>
      %and3A_657 = arith.constant 255 : i32
      %and3A_658 = vector.broadcast %and3A_657 : i32 to vector<16xi32>
      %and3A_659 = arith.andi %add3A_656, %and3A_658 : vector<16xi32>
      %mul3A_660 = arith.constant 256 : i32
      %mul3A_661 = vector.broadcast %mul3A_660 : i32 to vector<16xi32>
      %mul3A_662 = arith.muli %iota3A_290, %mul3A_661 : vector<16xi32>
      %add3A_663 = arith.addi %and3A_659, %mul3A_662 : vector<16xi32>
      %shift_right_arithmetic3A_664 = vector.broadcast %scan3A_304 : i32 to vector<16xi32>
      %shift_right_arithmetic3A_665 = arith.shrsi %get3A_652, %shift_right_arithmetic3A_664 : vector<16xi32>
      %eq3A_666 = vector.broadcast %add3A_289 : i32 to vector<16xi32>
      %eq3A_667 = arith.cmpi eq, %shift_right_arithmetic3A_665, %eq3A_666 : vector<16xi32>
      tpu.vector_store_idx %arg6[%add3A_663], %broadcast_in_dim3A_292 masked %eq3A_667 {add = true} : memref<4096xi32, #tpu.memory_space<vmem>>[vector<16xi32>], vector<16xi32>, vector<16xi1>
      %mul3A_668 = arith.constant 8 : i32
      %mul3A_669 = arith.muli %scan3A_598, %mul3A_668 : i32
      %add3A_670 = arith.constant 3 : i32
      %add3A_671 = arith.addi %mul3A_669, %add3A_670 : i32
      %mul3A_672 = arith.constant 16 : i32
      %mul3A_673 = arith.muli %add3A_671, %mul3A_672 : i32
      %get3A_674 = arith.index_cast %mul3A_673 : i32 to index
      %get3A_675 = tpu.vector_load %arg5[%get3A_674] {strides = array<i32>} : memref<8192xi32, #tpu.memory_space<vmem>>, vector<16xi32>,
      %shift_right_arithmetic3A_676 = vector.broadcast %scan3A_302 : i32 to vector<16xi32>
      %shift_right_arithmetic3A_677 = arith.shrsi %get3A_675, %shift_right_arithmetic3A_676 : vector<16xi32>
      %add3A_678 = vector.broadcast %scan3A_303 : i32 to vector<16xi32>
      %add3A_679 = arith.addi %shift_right_arithmetic3A_677, %add3A_678 : vector<16xi32>
      %and3A_680 = arith.constant 255 : i32
      %and3A_681 = vector.broadcast %and3A_680 : i32 to vector<16xi32>
      %and3A_682 = arith.andi %add3A_679, %and3A_681 : vector<16xi32>
      %mul3A_683 = arith.constant 256 : i32
      %mul3A_684 = vector.broadcast %mul3A_683 : i32 to vector<16xi32>
      %mul3A_685 = arith.muli %iota3A_290, %mul3A_684 : vector<16xi32>
      %add3A_686 = arith.addi %and3A_682, %mul3A_685 : vector<16xi32>
      %shift_right_arithmetic3A_687 = vector.broadcast %scan3A_304 : i32 to vector<16xi32>
      %shift_right_arithmetic3A_688 = arith.shrsi %get3A_675, %shift_right_arithmetic3A_687 : vector<16xi32>
      %eq3A_689 = vector.broadcast %add3A_289 : i32 to vector<16xi32>
      %eq3A_690 = arith.cmpi eq, %shift_right_arithmetic3A_688, %eq3A_689 : vector<16xi32>
      tpu.vector_store_idx %arg6[%add3A_686], %broadcast_in_dim3A_292 masked %eq3A_690 {add = true} : memref<4096xi32, #tpu.memory_space<vmem>>[vector<16xi32>], vector<16xi32>, vector<16xi1>
      %mul3A_691 = arith.constant 8 : i32
      %mul3A_692 = arith.muli %scan3A_598, %mul3A_691 : i32
      %add3A_693 = arith.constant 4 : i32
      %add3A_694 = arith.addi %mul3A_692, %add3A_693 : i32
      %mul3A_695 = arith.constant 16 : i32
      %mul3A_696 = arith.muli %add3A_694, %mul3A_695 : i32
      %get3A_697 = arith.index_cast %mul3A_696 : i32 to index
      %get3A_698 = tpu.vector_load %arg5[%get3A_697] {strides = array<i32>} : memref<8192xi32, #tpu.memory_space<vmem>>, vector<16xi32>,
      %shift_right_arithmetic3A_699 = vector.broadcast %scan3A_302 : i32 to vector<16xi32>
      %shift_right_arithmetic3A_700 = arith.shrsi %get3A_698, %shift_right_arithmetic3A_699 : vector<16xi32>
      %add3A_701 = vector.broadcast %scan3A_303 : i32 to vector<16xi32>
      %add3A_702 = arith.addi %shift_right_arithmetic3A_700, %add3A_701 : vector<16xi32>
      %and3A_703 = arith.constant 255 : i32
      %and3A_704 = vector.broadcast %and3A_703 : i32 to vector<16xi32>
      %and3A_705 = arith.andi %add3A_702, %and3A_704 : vector<16xi32>
      %mul3A_706 = arith.constant 256 : i32
      %mul3A_707 = vector.broadcast %mul3A_706 : i32 to vector<16xi32>
      %mul3A_708 = arith.muli %iota3A_290, %mul3A_707 : vector<16xi32>
      %add3A_709 = arith.addi %and3A_705, %mul3A_708 : vector<16xi32>
      %shift_right_arithmetic3A_710 = vector.broadcast %scan3A_304 : i32 to vector<16xi32>
      %shift_right_arithmetic3A_711 = arith.shrsi %get3A_698, %shift_right_arithmetic3A_710 : vector<16xi32>
      %eq3A_712 = vector.broadcast %add3A_289 : i32 to vector<16xi32>
      %eq3A_713 = arith.cmpi eq, %shift_right_arithmetic3A_711, %eq3A_712 : vector<16xi32>
      tpu.vector_store_idx %arg6[%add3A_709], %broadcast_in_dim3A_292 masked %eq3A_713 {add = true} : memref<4096xi32, #tpu.memory_space<vmem>>[vector<16xi32>], vector<16xi32>, vector<16xi1>
      %mul3A_714 = arith.constant 8 : i32
      %mul3A_715 = arith.muli %scan3A_598, %mul3A_714 : i32
      %add3A_716 = arith.constant 5 : i32
      %add3A_717 = arith.addi %mul3A_715, %add3A_716 : i32
      %mul3A_718 = arith.constant 16 : i32
      %mul3A_719 = arith.muli %add3A_717, %mul3A_718 : i32
      %get3A_720 = arith.index_cast %mul3A_719 : i32 to index
      %get3A_721 = tpu.vector_load %arg5[%get3A_720] {strides = array<i32>} : memref<8192xi32, #tpu.memory_space<vmem>>, vector<16xi32>,
      %shift_right_arithmetic3A_722 = vector.broadcast %scan3A_302 : i32 to vector<16xi32>
      %shift_right_arithmetic3A_723 = arith.shrsi %get3A_721, %shift_right_arithmetic3A_722 : vector<16xi32>
      %add3A_724 = vector.broadcast %scan3A_303 : i32 to vector<16xi32>
      %add3A_725 = arith.addi %shift_right_arithmetic3A_723, %add3A_724 : vector<16xi32>
      %and3A_726 = arith.constant 255 : i32
      %and3A_727 = vector.broadcast %and3A_726 : i32 to vector<16xi32>
      %and3A_728 = arith.andi %add3A_725, %and3A_727 : vector<16xi32>
      %mul3A_729 = arith.constant 256 : i32
      %mul3A_730 = vector.broadcast %mul3A_729 : i32 to vector<16xi32>
      %mul3A_731 = arith.muli %iota3A_290, %mul3A_730 : vector<16xi32>
      %add3A_732 = arith.addi %and3A_728, %mul3A_731 : vector<16xi32>
      %shift_right_arithmetic3A_733 = vector.broadcast %scan3A_304 : i32 to vector<16xi32>
      %shift_right_arithmetic3A_734 = arith.shrsi %get3A_721, %shift_right_arithmetic3A_733 : vector<16xi32>
      %eq3A_735 = vector.broadcast %add3A_289 : i32 to vector<16xi32>
      %eq3A_736 = arith.cmpi eq, %shift_right_arithmetic3A_734, %eq3A_735 : vector<16xi32>
      tpu.vector_store_idx %arg6[%add3A_732], %broadcast_in_dim3A_292 masked %eq3A_736 {add = true} : memref<4096xi32, #tpu.memory_space<vmem>>[vector<16xi32>], vector<16xi32>, vector<16xi1>
      %mul3A_737 = arith.constant 8 : i32
      %mul3A_738 = arith.muli %scan3A_598, %mul3A_737 : i32
      %add3A_739 = arith.constant 6 : i32
      %add3A_740 = arith.addi %mul3A_738, %add3A_739 : i32
      %mul3A_741 = arith.constant 16 : i32
      %mul3A_742 = arith.muli %add3A_740, %mul3A_741 : i32
      %get3A_743 = arith.index_cast %mul3A_742 : i32 to index
      %get3A_744 = tpu.vector_load %arg5[%get3A_743] {strides = array<i32>} : memref<8192xi32, #tpu.memory_space<vmem>>, vector<16xi32>,
      %shift_right_arithmetic3A_745 = vector.broadcast %scan3A_302 : i32 to vector<16xi32>
      %shift_right_arithmetic3A_746 = arith.shrsi %get3A_744, %shift_right_arithmetic3A_745 : vector<16xi32>
      %add3A_747 = vector.broadcast %scan3A_303 : i32 to vector<16xi32>
      %add3A_748 = arith.addi %shift_right_arithmetic3A_746, %add3A_747 : vector<16xi32>
      %and3A_749 = arith.constant 255 : i32
      %and3A_750 = vector.broadcast %and3A_749 : i32 to vector<16xi32>
      %and3A_751 = arith.andi %add3A_748, %and3A_750 : vector<16xi32>
      %mul3A_752 = arith.constant 256 : i32
      %mul3A_753 = vector.broadcast %mul3A_752 : i32 to vector<16xi32>
      %mul3A_754 = arith.muli %iota3A_290, %mul3A_753 : vector<16xi32>
      %add3A_755 = arith.addi %and3A_751, %mul3A_754 : vector<16xi32>
      %shift_right_arithmetic3A_756 = vector.broadcast %scan3A_304 : i32 to vector<16xi32>
      %shift_right_arithmetic3A_757 = arith.shrsi %get3A_744, %shift_right_arithmetic3A_756 : vector<16xi32>
      %eq3A_758 = vector.broadcast %add3A_289 : i32 to vector<16xi32>
      %eq3A_759 = arith.cmpi eq, %shift_right_arithmetic3A_757, %eq3A_758 : vector<16xi32>
      tpu.vector_store_idx %arg6[%add3A_755], %broadcast_in_dim3A_292 masked %eq3A_759 {add = true} : memref<4096xi32, #tpu.memory_space<vmem>>[vector<16xi32>], vector<16xi32>, vector<16xi1>
      %mul3A_760 = arith.constant 8 : i32
      %mul3A_761 = arith.muli %scan3A_598, %mul3A_760 : i32
      %add3A_762 = arith.constant 7 : i32
      %add3A_763 = arith.addi %mul3A_761, %add3A_762 : i32
      %mul3A_764 = arith.constant 16 : i32
      %mul3A_765 = arith.muli %add3A_763, %mul3A_764 : i32
      %get3A_766 = arith.index_cast %mul3A_765 : i32 to index
      %get3A_767 = tpu.vector_load %arg5[%get3A_766] {strides = array<i32>} : memref<8192xi32, #tpu.memory_space<vmem>>, vector<16xi32>,
      %shift_right_arithmetic3A_768 = vector.broadcast %scan3A_302 : i32 to vector<16xi32>
      %shift_right_arithmetic3A_769 = arith.shrsi %get3A_767, %shift_right_arithmetic3A_768 : vector<16xi32>
      %add3A_770 = vector.broadcast %scan3A_303 : i32 to vector<16xi32>
      %add3A_771 = arith.addi %shift_right_arithmetic3A_769, %add3A_770 : vector<16xi32>
      %and3A_772 = arith.constant 255 : i32
      %and3A_773 = vector.broadcast %and3A_772 : i32 to vector<16xi32>
      %and3A_774 = arith.andi %add3A_771, %and3A_773 : vector<16xi32>
      %mul3A_775 = arith.constant 256 : i32
      %mul3A_776 = vector.broadcast %mul3A_775 : i32 to vector<16xi32>
      %mul3A_777 = arith.muli %iota3A_290, %mul3A_776 : vector<16xi32>
      %add3A_778 = arith.addi %and3A_774, %mul3A_777 : vector<16xi32>
      %shift_right_arithmetic3A_779 = vector.broadcast %scan3A_304 : i32 to vector<16xi32>
      %shift_right_arithmetic3A_780 = arith.shrsi %get3A_767, %shift_right_arithmetic3A_779 : vector<16xi32>
      %eq3A_781 = vector.broadcast %add3A_289 : i32 to vector<16xi32>
      %eq3A_782 = arith.cmpi eq, %shift_right_arithmetic3A_780, %eq3A_781 : vector<16xi32>
      tpu.vector_store_idx %arg6[%add3A_778], %broadcast_in_dim3A_292 masked %eq3A_782 {add = true} : memref<4096xi32, #tpu.memory_space<vmem>>[vector<16xi32>], vector<16xi32>, vector<16xi1>
      %scan3A_783 = arith.constant 0 : i32
      scf.yield %scan3A_783 : i32
    }
    %scan3A_311 = arith.constant 64 : i32
    %scan3A_312 = arith.constant 0 : i32
    %scan3A_313 = arith.constant 0 : i32
    %scan3A_314 = arith.constant 16 : i32
    %scan3A_315 = arith.addi %scan3A_313, %scan3A_314 : i32
    %scan3A_316 = arith.constant 1 : i32
    %scan3A_317 = scf.for %scan3A_598 = %scan3A_313 to %scan3A_315 step %scan3A_316 iter_args(%scan3A_599 = %scan3A_312) -> (i32)  : i32 {
      %mul3A_600 = arith.constant 16 : i32
      %mul3A_601 = arith.muli %scan3A_598, %mul3A_600 : i32
      %get3A_602 = arith.index_cast %mul3A_601 : i32 to index
      %get3A_603 = tpu.vector_load %arg6[%get3A_602] {strides = array<i32>} : memref<4096xi32, #tpu.memory_space<vmem>>, vector<16xi32>,
      %mul3A_604 = arith.constant 16 : i32
      %mul3A_605 = arith.muli %scan3A_598, %mul3A_604 : i32
      %add3A_606 = arith.constant 256 : i32
      %add3A_607 = arith.addi %add3A_606, %mul3A_605 : i32
      %get3A_608 = arith.index_cast %add3A_607 : i32 to index
      %get3A_609 = tpu.vector_load %arg6[%get3A_608] {strides = array<i32>} : memref<4096xi32, #tpu.memory_space<vmem>>, vector<16xi32>,
      %add3A_610 = arith.addi %get3A_603, %get3A_609 : vector<16xi32>
      %mul3A_611 = arith.constant 16 : i32
      %mul3A_612 = arith.muli %scan3A_598, %mul3A_611 : i32
      %add3A_613 = arith.constant 512 : i32
      %add3A_614 = arith.addi %add3A_613, %mul3A_612 : i32
      %get3A_615 = arith.index_cast %add3A_614 : i32 to index
      %get3A_616 = tpu.vector_load %arg6[%get3A_615] {strides = array<i32>} : memref<4096xi32, #tpu.memory_space<vmem>>, vector<16xi32>,
      %add3A_617 = arith.addi %add3A_610, %get3A_616 : vector<16xi32>
      %mul3A_618 = arith.constant 16 : i32
      %mul3A_619 = arith.muli %scan3A_598, %mul3A_618 : i32
      %add3A_620 = arith.constant 768 : i32
      %add3A_621 = arith.addi %add3A_620, %mul3A_619 : i32
      %get3A_622 = arith.index_cast %add3A_621 : i32 to index
      %get3A_623 = tpu.vector_load %arg6[%get3A_622] {strides = array<i32>} : memref<4096xi32, #tpu.memory_space<vmem>>, vector<16xi32>,
      %add3A_624 = arith.addi %add3A_617, %get3A_623 : vector<16xi32>
      %mul3A_625 = arith.constant 16 : i32
      %mul3A_626 = arith.muli %scan3A_598, %mul3A_625 : i32
      %add3A_627 = arith.constant 1024 : i32
      %add3A_628 = arith.addi %add3A_627, %mul3A_626 : i32
      %get3A_629 = arith.index_cast %add3A_628 : i32 to index
      %get3A_630 = tpu.vector_load %arg6[%get3A_629] {strides = array<i32>} : memref<4096xi32, #tpu.memory_space<vmem>>, vector<16xi32>,
      %add3A_631 = arith.addi %add3A_624, %get3A_630 : vector<16xi32>
      %mul3A_632 = arith.constant 16 : i32
      %mul3A_633 = arith.muli %scan3A_598, %mul3A_632 : i32
      %add3A_634 = arith.constant 1280 : i32
      %add3A_635 = arith.addi %add3A_634, %mul3A_633 : i32
      %get3A_636 = arith.index_cast %add3A_635 : i32 to index
      %get3A_637 = tpu.vector_load %arg6[%get3A_636] {strides = array<i32>} : memref<4096xi32, #tpu.memory_space<vmem>>, vector<16xi32>,
      %add3A_638 = arith.addi %add3A_631, %get3A_637 : vector<16xi32>
      %mul3A_639 = arith.constant 16 : i32
      %mul3A_640 = arith.muli %scan3A_598, %mul3A_639 : i32
      %add3A_641 = arith.constant 1536 : i32
      %add3A_642 = arith.addi %add3A_641, %mul3A_640 : i32
      %get3A_643 = arith.index_cast %add3A_642 : i32 to index
      %get3A_644 = tpu.vector_load %arg6[%get3A_643] {strides = array<i32>} : memref<4096xi32, #tpu.memory_space<vmem>>, vector<16xi32>,
      %add3A_645 = arith.addi %add3A_638, %get3A_644 : vector<16xi32>
      %mul3A_646 = arith.constant 16 : i32
      %mul3A_647 = arith.muli %scan3A_598, %mul3A_646 : i32
      %add3A_648 = arith.constant 1792 : i32
      %add3A_649 = arith.addi %add3A_648, %mul3A_647 : i32
      %get3A_650 = arith.index_cast %add3A_649 : i32 to index
      %get3A_651 = tpu.vector_load %arg6[%get3A_650] {strides = array<i32>} : memref<4096xi32, #tpu.memory_space<vmem>>, vector<16xi32>,
      %add3A_652 = arith.addi %add3A_645, %get3A_651 : vector<16xi32>
      %mul3A_653 = arith.constant 16 : i32
      %mul3A_654 = arith.muli %scan3A_598, %mul3A_653 : i32
      %add3A_655 = arith.constant 2048 : i32
      %add3A_656 = arith.addi %add3A_655, %mul3A_654 : i32
      %get3A_657 = arith.index_cast %add3A_656 : i32 to index
      %get3A_658 = tpu.vector_load %arg6[%get3A_657] {strides = array<i32>} : memref<4096xi32, #tpu.memory_space<vmem>>, vector<16xi32>,
      %add3A_659 = arith.addi %add3A_652, %get3A_658 : vector<16xi32>
      %mul3A_660 = arith.constant 16 : i32
      %mul3A_661 = arith.muli %scan3A_598, %mul3A_660 : i32
      %add3A_662 = arith.constant 2304 : i32
      %add3A_663 = arith.addi %add3A_662, %mul3A_661 : i32
      %get3A_664 = arith.index_cast %add3A_663 : i32 to index
      %get3A_665 = tpu.vector_load %arg6[%get3A_664] {strides = array<i32>} : memref<4096xi32, #tpu.memory_space<vmem>>, vector<16xi32>,
      %add3A_666 = arith.addi %add3A_659, %get3A_665 : vector<16xi32>
      %mul3A_667 = arith.constant 16 : i32
      %mul3A_668 = arith.muli %scan3A_598, %mul3A_667 : i32
      %add3A_669 = arith.constant 2560 : i32
      %add3A_670 = arith.addi %add3A_669, %mul3A_668 : i32
      %get3A_671 = arith.index_cast %add3A_670 : i32 to index
      %get3A_672 = tpu.vector_load %arg6[%get3A_671] {strides = array<i32>} : memref<4096xi32, #tpu.memory_space<vmem>>, vector<16xi32>,
      %add3A_673 = arith.addi %add3A_666, %get3A_672 : vector<16xi32>
      %mul3A_674 = arith.constant 16 : i32
      %mul3A_675 = arith.muli %scan3A_598, %mul3A_674 : i32
      %add3A_676 = arith.constant 2816 : i32
      %add3A_677 = arith.addi %add3A_676, %mul3A_675 : i32
      %get3A_678 = arith.index_cast %add3A_677 : i32 to index
      %get3A_679 = tpu.vector_load %arg6[%get3A_678] {strides = array<i32>} : memref<4096xi32, #tpu.memory_space<vmem>>, vector<16xi32>,
      %add3A_680 = arith.addi %add3A_673, %get3A_679 : vector<16xi32>
      %mul3A_681 = arith.constant 16 : i32
      %mul3A_682 = arith.muli %scan3A_598, %mul3A_681 : i32
      %add3A_683 = arith.constant 3072 : i32
      %add3A_684 = arith.addi %add3A_683, %mul3A_682 : i32
      %get3A_685 = arith.index_cast %add3A_684 : i32 to index
      %get3A_686 = tpu.vector_load %arg6[%get3A_685] {strides = array<i32>} : memref<4096xi32, #tpu.memory_space<vmem>>, vector<16xi32>,
      %add3A_687 = arith.addi %add3A_680, %get3A_686 : vector<16xi32>
      %mul3A_688 = arith.constant 16 : i32
      %mul3A_689 = arith.muli %scan3A_598, %mul3A_688 : i32
      %add3A_690 = arith.constant 3328 : i32
      %add3A_691 = arith.addi %add3A_690, %mul3A_689 : i32
      %get3A_692 = arith.index_cast %add3A_691 : i32 to index
      %get3A_693 = tpu.vector_load %arg6[%get3A_692] {strides = array<i32>} : memref<4096xi32, #tpu.memory_space<vmem>>, vector<16xi32>,
      %add3A_694 = arith.addi %add3A_687, %get3A_693 : vector<16xi32>
      %mul3A_695 = arith.constant 16 : i32
      %mul3A_696 = arith.muli %scan3A_598, %mul3A_695 : i32
      %add3A_697 = arith.constant 3584 : i32
      %add3A_698 = arith.addi %add3A_697, %mul3A_696 : i32
      %get3A_699 = arith.index_cast %add3A_698 : i32 to index
      %get3A_700 = tpu.vector_load %arg6[%get3A_699] {strides = array<i32>} : memref<4096xi32, #tpu.memory_space<vmem>>, vector<16xi32>,
      %add3A_701 = arith.addi %add3A_694, %get3A_700 : vector<16xi32>
      %mul3A_702 = arith.constant 16 : i32
      %mul3A_703 = arith.muli %scan3A_598, %mul3A_702 : i32
      %add3A_704 = arith.constant 3840 : i32
      %add3A_705 = arith.addi %add3A_704, %mul3A_703 : i32
      %get3A_706 = arith.index_cast %add3A_705 : i32 to index
      %get3A_707 = tpu.vector_load %arg6[%get3A_706] {strides = array<i32>} : memref<4096xi32, #tpu.memory_space<vmem>>, vector<16xi32>,
      %add3A_708 = arith.addi %add3A_701, %get3A_707 : vector<16xi32>
      %mul3A_709 = arith.constant 16 : i32
      %mul3A_710 = arith.muli %scan3A_598, %mul3A_709 : i32
      %swap3A = arith.index_cast %mul3A_710 : i32 to index
      %swap3A_711 = tpu.vector_load %arg7[%swap3A] {strides = array<i32>} : memref<256xi32, #tpu.memory_space<vmem>>, vector<16xi32>,
      tpu.vector_store %arg7[%swap3A], %add3A_708 {strides = array<i32>} : memref<256xi32, #tpu.memory_space<vmem>>, vector<16xi32>,
      %scan3A_712 = arith.constant 0 : i32
      scf.yield %scan3A_712 : i32
    }
    %scan3A_318 = arith.constant 16 : i32
    %mul3A_319 = arith.constant 256 : i32
    %mul3A_320 = arith.muli %arg1, %mul3A_319 : i32
    "tpu.region"() ({
      %run_scoped3A = tpu.sem_alloc : memref<!tpu.dma_semaphore, #tpu.memory_space<semaphore_mem>>
      %dma_start3A = tpu.memref_slice %arg12[%mul3A_320] : memref<4096xi32, #tpu.memory_space<vmem_shared>> -> memref<256xi32, #tpu.memory_space<vmem_shared>>
      %dma_start3A_598 = tpu.memref_slice %arg12[%mul3A_320] : memref<4096xi32, #tpu.memory_space<vmem_shared>> -> memref<256xi32, #tpu.memory_space<vmem_shared>>
      tpu.enqueue_dma source(%arg7 : memref<256xi32, #tpu.memory_space<vmem>>) target(%dma_start3A_598 : memref<256xi32, #tpu.memory_space<vmem_shared>>) target_semaphore(%run_scoped3A : memref<!tpu.dma_semaphore, #tpu.memory_space<semaphore_mem>>)
      %dma_wait3A = tpu.memref_slice %arg12[%mul3A_320] : memref<4096xi32, #tpu.memory_space<vmem_shared>> -> memref<256xi32, #tpu.memory_space<vmem_shared>>
      %dma_wait3A_599 = tpu.memref_slice %arg12[%mul3A_320] : memref<4096xi32, #tpu.memory_space<vmem_shared>> -> memref<256xi32, #tpu.memory_space<vmem_shared>>
      tpu.wait_dma2 semaphore(%run_scoped3A : memref<!tpu.dma_semaphore, #tpu.memory_space<semaphore_mem>>) src(%arg7 : memref<256xi32, #tpu.memory_space<vmem>>) dst(%dma_wait3A_599 : memref<256xi32, #tpu.memory_space<vmem_shared>>)
      tpu.yield
    }) : () -> ()
    %barrier3A_321 = arith.constant 0 : index
    tpu.barrier barrier_id(%barrier3A_321)
    "tpu.region"() ({
      %run_scoped3A = tpu.sem_alloc : memref<!tpu.dma_semaphore, #tpu.memory_space<semaphore_mem>>
      tpu.enqueue_dma source(%arg12 : memref<4096xi32, #tpu.memory_space<vmem_shared>>) target(%arg8 : memref<4096xi32, #tpu.memory_space<vmem>>) target_semaphore(%run_scoped3A : memref<!tpu.dma_semaphore, #tpu.memory_space<semaphore_mem>>)
      tpu.wait_dma2 semaphore(%run_scoped3A : memref<!tpu.dma_semaphore, #tpu.memory_space<semaphore_mem>>) src(%arg12 : memref<4096xi32, #tpu.memory_space<vmem_shared>>) dst(%arg8 : memref<4096xi32, #tpu.memory_space<vmem>>)
      tpu.yield
    }) : () -> ()
    %scan3A_322 = arith.constant 0 : i32
    %scan3A_323 = arith.constant 0 : i32
    %scan3A_324 = arith.constant 16 : i32
    %scan3A_325 = arith.addi %scan3A_323, %scan3A_324 : i32
    %scan3A_326 = arith.constant 1 : i32
    %scan3A_327 = scf.for %scan3A_598 = %scan3A_323 to %scan3A_325 step %scan3A_326 iter_args(%scan3A_599 = %scan3A_322) -> (i32)  : i32 {
      %mul3A_600 = arith.constant 16 : i32
      %mul3A_601 = arith.muli %scan3A_598, %mul3A_600 : i32
      %get3A_602 = arith.index_cast %mul3A_601 : i32 to index
      %get3A_603 = tpu.vector_load %arg8[%get3A_602] {strides = array<i32>} : memref<4096xi32, #tpu.memory_space<vmem>>, vector<16xi32>,
      %mul3A_604 = arith.constant 16 : i32
      %mul3A_605 = arith.muli %scan3A_598, %mul3A_604 : i32
      %add3A_606 = arith.constant 256 : i32
      %add3A_607 = arith.addi %add3A_606, %mul3A_605 : i32
      %get3A_608 = arith.index_cast %add3A_607 : i32 to index
      %get3A_609 = tpu.vector_load %arg8[%get3A_608] {strides = array<i32>} : memref<4096xi32, #tpu.memory_space<vmem>>, vector<16xi32>,
      %add3A_610 = arith.addi %get3A_603, %get3A_609 : vector<16xi32>
      %mul3A_611 = arith.constant 16 : i32
      %mul3A_612 = arith.muli %scan3A_598, %mul3A_611 : i32
      %add3A_613 = arith.constant 512 : i32
      %add3A_614 = arith.addi %add3A_613, %mul3A_612 : i32
      %get3A_615 = arith.index_cast %add3A_614 : i32 to index
      %get3A_616 = tpu.vector_load %arg8[%get3A_615] {strides = array<i32>} : memref<4096xi32, #tpu.memory_space<vmem>>, vector<16xi32>,
      %add3A_617 = arith.addi %add3A_610, %get3A_616 : vector<16xi32>
      %mul3A_618 = arith.constant 16 : i32
      %mul3A_619 = arith.muli %scan3A_598, %mul3A_618 : i32
      %add3A_620 = arith.constant 768 : i32
      %add3A_621 = arith.addi %add3A_620, %mul3A_619 : i32
      %get3A_622 = arith.index_cast %add3A_621 : i32 to index
      %get3A_623 = tpu.vector_load %arg8[%get3A_622] {strides = array<i32>} : memref<4096xi32, #tpu.memory_space<vmem>>, vector<16xi32>,
      %add3A_624 = arith.addi %add3A_617, %get3A_623 : vector<16xi32>
      %mul3A_625 = arith.constant 16 : i32
      %mul3A_626 = arith.muli %scan3A_598, %mul3A_625 : i32
      %add3A_627 = arith.constant 1024 : i32
      %add3A_628 = arith.addi %add3A_627, %mul3A_626 : i32
      %get3A_629 = arith.index_cast %add3A_628 : i32 to index
      %get3A_630 = tpu.vector_load %arg8[%get3A_629] {strides = array<i32>} : memref<4096xi32, #tpu.memory_space<vmem>>, vector<16xi32>,
      %add3A_631 = arith.addi %add3A_624, %get3A_630 : vector<16xi32>
      %mul3A_632 = arith.constant 16 : i32
      %mul3A_633 = arith.muli %scan3A_598, %mul3A_632 : i32
      %add3A_634 = arith.constant 1280 : i32
      %add3A_635 = arith.addi %add3A_634, %mul3A_633 : i32
      %get3A_636 = arith.index_cast %add3A_635 : i32 to index
      %get3A_637 = tpu.vector_load %arg8[%get3A_636] {strides = array<i32>} : memref<4096xi32, #tpu.memory_space<vmem>>, vector<16xi32>,
      %add3A_638 = arith.addi %add3A_631, %get3A_637 : vector<16xi32>
      %mul3A_639 = arith.constant 16 : i32
      %mul3A_640 = arith.muli %scan3A_598, %mul3A_639 : i32
      %add3A_641 = arith.constant 1536 : i32
      %add3A_642 = arith.addi %add3A_641, %mul3A_640 : i32
      %get3A_643 = arith.index_cast %add3A_642 : i32 to index
      %get3A_644 = tpu.vector_load %arg8[%get3A_643] {strides = array<i32>} : memref<4096xi32, #tpu.memory_space<vmem>>, vector<16xi32>,
      %add3A_645 = arith.addi %add3A_638, %get3A_644 : vector<16xi32>
      %mul3A_646 = arith.constant 16 : i32
      %mul3A_647 = arith.muli %scan3A_598, %mul3A_646 : i32
      %add3A_648 = arith.constant 1792 : i32
      %add3A_649 = arith.addi %add3A_648, %mul3A_647 : i32
      %get3A_650 = arith.index_cast %add3A_649 : i32 to index
      %get3A_651 = tpu.vector_load %arg8[%get3A_650] {strides = array<i32>} : memref<4096xi32, #tpu.memory_space<vmem>>, vector<16xi32>,
      %add3A_652 = arith.addi %add3A_645, %get3A_651 : vector<16xi32>
      %mul3A_653 = arith.constant 16 : i32
      %mul3A_654 = arith.muli %scan3A_598, %mul3A_653 : i32
      %add3A_655 = arith.constant 2048 : i32
      %add3A_656 = arith.addi %add3A_655, %mul3A_654 : i32
      %get3A_657 = arith.index_cast %add3A_656 : i32 to index
      %get3A_658 = tpu.vector_load %arg8[%get3A_657] {strides = array<i32>} : memref<4096xi32, #tpu.memory_space<vmem>>, vector<16xi32>,
      %add3A_659 = arith.addi %add3A_652, %get3A_658 : vector<16xi32>
      %mul3A_660 = arith.constant 16 : i32
      %mul3A_661 = arith.muli %scan3A_598, %mul3A_660 : i32
      %add3A_662 = arith.constant 2304 : i32
      %add3A_663 = arith.addi %add3A_662, %mul3A_661 : i32
      %get3A_664 = arith.index_cast %add3A_663 : i32 to index
      %get3A_665 = tpu.vector_load %arg8[%get3A_664] {strides = array<i32>} : memref<4096xi32, #tpu.memory_space<vmem>>, vector<16xi32>,
      %add3A_666 = arith.addi %add3A_659, %get3A_665 : vector<16xi32>
      %mul3A_667 = arith.constant 16 : i32
      %mul3A_668 = arith.muli %scan3A_598, %mul3A_667 : i32
      %add3A_669 = arith.constant 2560 : i32
      %add3A_670 = arith.addi %add3A_669, %mul3A_668 : i32
      %get3A_671 = arith.index_cast %add3A_670 : i32 to index
      %get3A_672 = tpu.vector_load %arg8[%get3A_671] {strides = array<i32>} : memref<4096xi32, #tpu.memory_space<vmem>>, vector<16xi32>,
      %add3A_673 = arith.addi %add3A_666, %get3A_672 : vector<16xi32>
      %mul3A_674 = arith.constant 16 : i32
      %mul3A_675 = arith.muli %scan3A_598, %mul3A_674 : i32
      %add3A_676 = arith.constant 2816 : i32
      %add3A_677 = arith.addi %add3A_676, %mul3A_675 : i32
      %get3A_678 = arith.index_cast %add3A_677 : i32 to index
      %get3A_679 = tpu.vector_load %arg8[%get3A_678] {strides = array<i32>} : memref<4096xi32, #tpu.memory_space<vmem>>, vector<16xi32>,
      %add3A_680 = arith.addi %add3A_673, %get3A_679 : vector<16xi32>
      %mul3A_681 = arith.constant 16 : i32
      %mul3A_682 = arith.muli %scan3A_598, %mul3A_681 : i32
      %add3A_683 = arith.constant 3072 : i32
      %add3A_684 = arith.addi %add3A_683, %mul3A_682 : i32
      %get3A_685 = arith.index_cast %add3A_684 : i32 to index
      %get3A_686 = tpu.vector_load %arg8[%get3A_685] {strides = array<i32>} : memref<4096xi32, #tpu.memory_space<vmem>>, vector<16xi32>,
      %add3A_687 = arith.addi %add3A_680, %get3A_686 : vector<16xi32>
      %mul3A_688 = arith.constant 16 : i32
      %mul3A_689 = arith.muli %scan3A_598, %mul3A_688 : i32
      %add3A_690 = arith.constant 3328 : i32
      %add3A_691 = arith.addi %add3A_690, %mul3A_689 : i32
      %get3A_692 = arith.index_cast %add3A_691 : i32 to index
      %get3A_693 = tpu.vector_load %arg8[%get3A_692] {strides = array<i32>} : memref<4096xi32, #tpu.memory_space<vmem>>, vector<16xi32>,
      %add3A_694 = arith.addi %add3A_687, %get3A_693 : vector<16xi32>
      %mul3A_695 = arith.constant 16 : i32
      %mul3A_696 = arith.muli %scan3A_598, %mul3A_695 : i32
      %add3A_697 = arith.constant 3584 : i32
      %add3A_698 = arith.addi %add3A_697, %mul3A_696 : i32
      %get3A_699 = arith.index_cast %add3A_698 : i32 to index
      %get3A_700 = tpu.vector_load %arg8[%get3A_699] {strides = array<i32>} : memref<4096xi32, #tpu.memory_space<vmem>>, vector<16xi32>,
      %add3A_701 = arith.addi %add3A_694, %get3A_700 : vector<16xi32>
      %mul3A_702 = arith.constant 16 : i32
      %mul3A_703 = arith.muli %scan3A_598, %mul3A_702 : i32
      %add3A_704 = arith.constant 3840 : i32
      %add3A_705 = arith.addi %add3A_704, %mul3A_703 : i32
      %get3A_706 = arith.index_cast %add3A_705 : i32 to index
      %get3A_707 = tpu.vector_load %arg8[%get3A_706] {strides = array<i32>} : memref<4096xi32, #tpu.memory_space<vmem>>, vector<16xi32>,
      %add3A_708 = arith.addi %add3A_701, %get3A_707 : vector<16xi32>
      %mul3A_709 = arith.constant 16 : i32
      %mul3A_710 = arith.muli %scan3A_598, %mul3A_709 : i32
      %swap3A = arith.index_cast %mul3A_710 : i32 to index
      %swap3A_711 = tpu.vector_load %arg9[%swap3A] {strides = array<i32>} : memref<256xi32, #tpu.memory_space<vmem>>, vector<16xi32>,
      tpu.vector_store %arg9[%swap3A], %add3A_708 {strides = array<i32>} : memref<256xi32, #tpu.memory_space<vmem>>, vector<16xi32>,
      %scan3A_712 = arith.constant 0 : i32
      scf.yield %scan3A_712 : i32
    }
    %scan3A_328 = arith.constant 16 : i32
    %iota3A_329 = tpu.iota {dimensions = array<i32: 0>} : vector<16xi32>
    %broadcast_in_dim3A_330 = arith.constant 0 : i32
    %broadcast_in_dim3A_331 = vector.broadcast %broadcast_in_dim3A_330 : i32 to vector<16xi32>
    %scan3A_332 = arith.constant 0 : i32
    %scan3A_333 = arith.constant 16 : i32
    %scan3A_334 = arith.addi %scan3A_332, %scan3A_333 : i32
    %scan3A_335 = arith.constant 1 : i32
    %scan3A_336 = scf.for %scan3A_598 = %scan3A_332 to %scan3A_334 step %scan3A_335 iter_args(%scan3A_599 = %broadcast_in_dim3A_331) -> (vector<16xi32>)  : i32 {
      %mul3A_600 = arith.constant 16 : i32
      %mul3A_601 = arith.muli %scan3A_598, %mul3A_600 : i32
      %get3A_602 = arith.index_cast %mul3A_601 : i32 to index
      %get3A_603 = tpu.vector_load %arg9[%get3A_602] {strides = array<i32>} : memref<256xi32, #tpu.memory_space<vmem>>, vector<16xi32>,
      %eq3A_604 = vector.broadcast %scan3A_598 : i32 to vector<16xi32>
      %eq3A_605 = arith.cmpi eq, %iota3A_329, %eq3A_604 : vector<16xi32>
      %reduce_sum3A_606 = arith.constant true
      %reduce_sum3A_607 = vector.broadcast %reduce_sum3A_606 : i1 to vector<16xi1>
      %reduce_sum3A_608 = tpu.scan <sum>, %get3A_603 masked %reduce_sum3A_607 : vector<16xi32>, vector<16xi1> -> vector<16xi32>
      %reduce_sum3A_609 = vector.extract %reduce_sum3A_608[15] : i32 from vector<16xi32>
      %broadcast_in_dim3A_610 = vector.broadcast %reduce_sum3A_609 : i32 to vector<16xi32>
      %select_n3A_611 = arith.select %eq3A_605, %broadcast_in_dim3A_610, %scan3A_599 : vector<16xi1>, vector<16xi32>
      scf.yield %select_n3A_611 : vector<16xi32>
    }
    %scan3A_337 = arith.constant 16 : i32
    %broadcast_in_dim3A_338 = arith.constant true
    %broadcast_in_dim3A_339 = vector.broadcast %broadcast_in_dim3A_338 : i1 to vector<16xi1>
    %masked_cumsum3A_340 = tpu.scan <sum>, %scan3A_336 masked %broadcast_in_dim3A_339 : vector<16xi32>, vector<16xi1> -> vector<16xi32>
    %reduce_sum3A_341 = arith.constant true
    %reduce_sum3A_342 = vector.broadcast %reduce_sum3A_341 : i1 to vector<16xi1>
    %reduce_sum3A_343 = tpu.scan <sum>, %scan3A_336 masked %reduce_sum3A_342 : vector<16xi32>, vector<16xi1> -> vector<16xi32>
    %reduce_sum3A_344 = vector.extract %reduce_sum3A_343[15] : i32 from vector<16xi32>
    %sub3A_345 = vector.broadcast %reduce_sum3A_344 : i32 to vector<16xi32>
    %sub3A_346 = arith.subi %sub3A_345, %masked_cumsum3A_340 : vector<16xi32>
    %add3A_347 = arith.addi %sub3A_346, %scan3A_336 : vector<16xi32>
    %ge3A_348 = vector.broadcast %sub3A_283 : i32 to vector<16xi32>
    %ge3A_349 = arith.cmpi sge, %add3A_347, %ge3A_348 : vector<16xi32>
    %all_reduce_population_count3A_350 = tpu.all_reduce %ge3A_349 {dim = 0 : i64, kind = #tpu.reduction_kind<sum>} : vector<16xi1> -> vector<16xi32>
    %reduce_max3A_351 = arith.constant true
    %reduce_max3A_352 = vector.broadcast %reduce_max3A_351 : i1 to vector<16xi1>
    %reduce_max3A_353 = arith.constant -2147483648 : i32
    %reduce_max3A_354 = vector.broadcast %reduce_max3A_353 : i32 to vector<16xi32>
    %reduce_max3A_355 = arith.xori %all_reduce_population_count3A_350, %reduce_max3A_354 : vector<16xi32>
    %reduce_max3A_356 = tpu.scan <max>, %reduce_max3A_355 masked %reduce_max3A_352 : vector<16xi32>, vector<16xi1> -> vector<16xi32>
    %reduce_max3A_357 = arith.xori %reduce_max3A_356, %reduce_max3A_354 : vector<16xi32>
    %reduce_max3A_358 = vector.extract %reduce_max3A_357[15] : i32 from vector<16xi32>
    %sub3A_359 = arith.constant 1 : i32
    %sub3A_360 = arith.subi %reduce_max3A_358, %sub3A_359 : i32
    %iota3A_361 = tpu.iota {dimensions = array<i32: 0>} : vector<16xi32>
    %eq3A_362 = vector.broadcast %sub3A_360 : i32 to vector<16xi32>
    %eq3A_363 = arith.cmpi eq, %iota3A_361, %eq3A_362 : vector<16xi32>
    %jit3A_364 = arith.constant 0 : i32
    %broadcast_in_dim3A_365 = vector.broadcast %jit3A_364 : i32 to vector<16xi32>
    %select_n3A_366 = arith.select %eq3A_363, %add3A_347, %broadcast_in_dim3A_365 : vector<16xi1>, vector<16xi32>
    %reduce_sum3A_367 = arith.constant true
    %reduce_sum3A_368 = vector.broadcast %reduce_sum3A_367 : i1 to vector<16xi1>
    %reduce_sum3A_369 = tpu.scan <sum>, %select_n3A_366 masked %reduce_sum3A_368 : vector<16xi32>, vector<16xi1> -> vector<16xi32>
    %reduce_sum3A_370 = vector.extract %reduce_sum3A_369[15] : i32 from vector<16xi32>
    %iota3A_371 = tpu.iota {dimensions = array<i32: 0>} : vector<16xi32>
    %eq3A_372 = vector.broadcast %sub3A_360 : i32 to vector<16xi32>
    %eq3A_373 = arith.cmpi eq, %iota3A_371, %eq3A_372 : vector<16xi32>
    %jit3A_374 = arith.constant 0 : i32
    %broadcast_in_dim3A_375 = vector.broadcast %jit3A_374 : i32 to vector<16xi32>
    %select_n3A_376 = arith.select %eq3A_373, %scan3A_336, %broadcast_in_dim3A_375 : vector<16xi1>, vector<16xi32>
    %reduce_sum3A_377 = arith.constant true
    %reduce_sum3A_378 = vector.broadcast %reduce_sum3A_377 : i1 to vector<16xi1>
    %reduce_sum3A_379 = tpu.scan <sum>, %select_n3A_376 masked %reduce_sum3A_378 : vector<16xi32>, vector<16xi1> -> vector<16xi32>
    %reduce_sum3A_380 = vector.extract %reduce_sum3A_379[15] : i32 from vector<16xi32>
    %sub3A_381 = arith.subi %reduce_sum3A_370, %reduce_sum3A_380 : i32
    %sub3A_382 = arith.subi %sub3A_283, %sub3A_381 : i32
    %mul3A_383 = arith.constant 16 : i32
    %mul3A_384 = arith.muli %sub3A_360, %mul3A_383 : i32
    %get3A_385 = arith.index_cast %mul3A_384 : i32 to index
    %get3A_386 = tpu.vector_load %arg9[%get3A_385] {strides = array<i32>} : memref<256xi32, #tpu.memory_space<vmem>>, vector<16xi32>,
    %broadcast_in_dim3A_387 = arith.constant true
    %broadcast_in_dim3A_388 = vector.broadcast %broadcast_in_dim3A_387 : i1 to vector<16xi1>
    %masked_cumsum3A_389 = tpu.scan <sum>, %get3A_386 masked %broadcast_in_dim3A_388 : vector<16xi32>, vector<16xi1> -> vector<16xi32>
    %reduce_sum3A_390 = arith.constant true
    %reduce_sum3A_391 = vector.broadcast %reduce_sum3A_390 : i1 to vector<16xi1>
    %reduce_sum3A_392 = tpu.scan <sum>, %get3A_386 masked %reduce_sum3A_391 : vector<16xi32>, vector<16xi1> -> vector<16xi32>
    %reduce_sum3A_393 = vector.extract %reduce_sum3A_392[15] : i32 from vector<16xi32>
    %sub3A_394 = vector.broadcast %reduce_sum3A_393 : i32 to vector<16xi32>
    %sub3A_395 = arith.subi %sub3A_394, %masked_cumsum3A_389 : vector<16xi32>
    %add3A_396 = arith.addi %sub3A_395, %get3A_386 : vector<16xi32>
    %ge3A_397 = vector.broadcast %sub3A_382 : i32 to vector<16xi32>
    %ge3A_398 = arith.cmpi sge, %add3A_396, %ge3A_397 : vector<16xi32>
    %all_reduce_population_count3A_399 = tpu.all_reduce %ge3A_398 {dim = 0 : i64, kind = #tpu.reduction_kind<sum>} : vector<16xi1> -> vector<16xi32>
    %reduce_max3A_400 = arith.constant true
    %reduce_max3A_401 = vector.broadcast %reduce_max3A_400 : i1 to vector<16xi1>
    %reduce_max3A_402 = arith.constant -2147483648 : i32
    %reduce_max3A_403 = vector.broadcast %reduce_max3A_402 : i32 to vector<16xi32>
    %reduce_max3A_404 = arith.xori %all_reduce_population_count3A_399, %reduce_max3A_403 : vector<16xi32>
    %reduce_max3A_405 = tpu.scan <max>, %reduce_max3A_404 masked %reduce_max3A_401 : vector<16xi32>, vector<16xi1> -> vector<16xi32>
    %reduce_max3A_406 = arith.xori %reduce_max3A_405, %reduce_max3A_403 : vector<16xi32>
    %reduce_max3A_407 = vector.extract %reduce_max3A_406[15] : i32 from vector<16xi32>
    %sub3A_408 = arith.constant 1 : i32
    %sub3A_409 = arith.subi %reduce_max3A_407, %sub3A_408 : i32
    %iota3A_410 = tpu.iota {dimensions = array<i32: 0>} : vector<16xi32>
    %eq3A_411 = vector.broadcast %sub3A_409 : i32 to vector<16xi32>
    %eq3A_412 = arith.cmpi eq, %iota3A_410, %eq3A_411 : vector<16xi32>
    %jit3A_413 = arith.constant 0 : i32
    %broadcast_in_dim3A_414 = vector.broadcast %jit3A_413 : i32 to vector<16xi32>
    %select_n3A_415 = arith.select %eq3A_412, %add3A_396, %broadcast_in_dim3A_414 : vector<16xi1>, vector<16xi32>
    %reduce_sum3A_416 = arith.constant true
    %reduce_sum3A_417 = vector.broadcast %reduce_sum3A_416 : i1 to vector<16xi1>
    %reduce_sum3A_418 = tpu.scan <sum>, %select_n3A_415 masked %reduce_sum3A_417 : vector<16xi32>, vector<16xi1> -> vector<16xi32>
    %reduce_sum3A_419 = vector.extract %reduce_sum3A_418[15] : i32 from vector<16xi32>
    %iota3A_420 = tpu.iota {dimensions = array<i32: 0>} : vector<16xi32>
    %eq3A_421 = vector.broadcast %sub3A_409 : i32 to vector<16xi32>
    %eq3A_422 = arith.cmpi eq, %iota3A_420, %eq3A_421 : vector<16xi32>
    %jit3A_423 = arith.constant 0 : i32
    %broadcast_in_dim3A_424 = vector.broadcast %jit3A_423 : i32 to vector<16xi32>
    %select_n3A_425 = arith.select %eq3A_422, %get3A_386, %broadcast_in_dim3A_424 : vector<16xi1>, vector<16xi32>
    %reduce_sum3A_426 = arith.constant true
    %reduce_sum3A_427 = vector.broadcast %reduce_sum3A_426 : i1 to vector<16xi1>
    %reduce_sum3A_428 = tpu.scan <sum>, %select_n3A_425 masked %reduce_sum3A_427 : vector<16xi32>, vector<16xi1> -> vector<16xi32>
    %reduce_sum3A_429 = vector.extract %reduce_sum3A_428[15] : i32 from vector<16xi32>
    %sub3A_430 = arith.subi %reduce_sum3A_419, %reduce_sum3A_429 : i32
    %sub3A_431 = arith.subi %sub3A_382, %sub3A_430 : i32
    %mul3A_432 = arith.constant 16 : i32
    %mul3A_433 = arith.muli %sub3A_360, %mul3A_432 : i32
    %add3A_434 = arith.addi %mul3A_433, %sub3A_409 : i32
    %mul3A_435 = arith.constant 256 : i32
    %mul3A_436 = arith.muli %add3A_289, %mul3A_435 : i32
    %add3A_437 = arith.addi %mul3A_436, %add3A_434 : i32
    %iota3A_438 = tpu.iota {dimensions = array<i32: 0>} : vector<16xi32>
    %broadcast_in_dim3A_439 = arith.constant 1 : i32
    %broadcast_in_dim3A_440 = vector.broadcast %broadcast_in_dim3A_439 : i32 to vector<16xi32>
    %broadcast_in_dim3A_441 = arith.constant 0 : i32
    %broadcast_in_dim3A_442 = vector.broadcast %broadcast_in_dim3A_441 : i32 to vector<16xi32>
    %scan3A_443 = arith.constant 0 : i32
    %scan3A_444 = arith.constant 0 : i32
    %scan3A_445 = arith.constant 64 : i32
    %scan3A_446 = arith.addi %scan3A_444, %scan3A_445 : i32
    %scan3A_447 = arith.constant 1 : i32
    %scan3A_448 = scf.for %scan3A_598 = %scan3A_444 to %scan3A_446 step %scan3A_447 iter_args(%scan3A_599 = %scan3A_443) -> (i32)  : i32 {
      %mul3A_600 = arith.constant 4 : i32
      %mul3A_601 = arith.muli %scan3A_598, %mul3A_600 : i32
      %add3A_602 = arith.constant 0 : i32
      %add3A_603 = arith.addi %mul3A_601, %add3A_602 : i32
      %mul3A_604 = arith.constant 16 : i32
      %mul3A_605 = arith.muli %add3A_603, %mul3A_604 : i32
      %swap3A = arith.index_cast %mul3A_605 : i32 to index
      %swap3A_606 = tpu.vector_load %arg6[%swap3A] {strides = array<i32>} : memref<4096xi32, #tpu.memory_space<vmem>>, vector<16xi32>,
      tpu.vector_store %arg6[%swap3A], %broadcast_in_dim3A_442 {strides = array<i32>} : memref<4096xi32, #tpu.memory_space<vmem>>, vector<16xi32>,
      %mul3A_607 = arith.constant 4 : i32
      %mul3A_608 = arith.muli %scan3A_598, %mul3A_607 : i32
      %add3A_609 = arith.constant 1 : i32
      %add3A_610 = arith.addi %mul3A_608, %add3A_609 : i32
      %mul3A_611 = arith.constant 16 : i32
      %mul3A_612 = arith.muli %add3A_610, %mul3A_611 : i32
      %swap3A_613 = arith.index_cast %mul3A_612 : i32 to index
      %swap3A_614 = tpu.vector_load %arg6[%swap3A_613] {strides = array<i32>} : memref<4096xi32, #tpu.memory_space<vmem>>, vector<16xi32>,
      tpu.vector_store %arg6[%swap3A_613], %broadcast_in_dim3A_442 {strides = array<i32>} : memref<4096xi32, #tpu.memory_space<vmem>>, vector<16xi32>,
      %mul3A_615 = arith.constant 4 : i32
      %mul3A_616 = arith.muli %scan3A_598, %mul3A_615 : i32
      %add3A_617 = arith.constant 2 : i32
      %add3A_618 = arith.addi %mul3A_616, %add3A_617 : i32
      %mul3A_619 = arith.constant 16 : i32
      %mul3A_620 = arith.muli %add3A_618, %mul3A_619 : i32
      %swap3A_621 = arith.index_cast %mul3A_620 : i32 to index
      %swap3A_622 = tpu.vector_load %arg6[%swap3A_621] {strides = array<i32>} : memref<4096xi32, #tpu.memory_space<vmem>>, vector<16xi32>,
      tpu.vector_store %arg6[%swap3A_621], %broadcast_in_dim3A_442 {strides = array<i32>} : memref<4096xi32, #tpu.memory_space<vmem>>, vector<16xi32>,
      %mul3A_623 = arith.constant 4 : i32
      %mul3A_624 = arith.muli %scan3A_598, %mul3A_623 : i32
      %add3A_625 = arith.constant 3 : i32
      %add3A_626 = arith.addi %mul3A_624, %add3A_625 : i32
      %mul3A_627 = arith.constant 16 : i32
      %mul3A_628 = arith.muli %add3A_626, %mul3A_627 : i32
      %swap3A_629 = arith.index_cast %mul3A_628 : i32 to index
      %swap3A_630 = tpu.vector_load %arg6[%swap3A_629] {strides = array<i32>} : memref<4096xi32, #tpu.memory_space<vmem>>, vector<16xi32>,
      tpu.vector_store %arg6[%swap3A_629], %broadcast_in_dim3A_442 {strides = array<i32>} : memref<4096xi32, #tpu.memory_space<vmem>>, vector<16xi32>,
      %scan3A_631 = arith.constant 0 : i32
      scf.yield %scan3A_631 : i32
    }
    %scan3A_449 = arith.constant 64 : i32
    %scan3A_450 = arith.constant 0 : i32
    %scan3A_451 = arith.constant 0 : i32
    %scan3A_452 = arith.constant 8 : i32
    %scan3A_453 = arith.constant 0 : i32
    %scan3A_454 = arith.constant 0 : i32
    %scan3A_455 = arith.constant 64 : i32
    %scan3A_456 = arith.addi %scan3A_454, %scan3A_455 : i32
    %scan3A_457 = arith.constant 1 : i32
    %scan3A_458 = scf.for %scan3A_598 = %scan3A_454 to %scan3A_456 step %scan3A_457 iter_args(%scan3A_599 = %scan3A_453) -> (i32)  : i32 {
      %mul3A_600 = arith.constant 8 : i32
      %mul3A_601 = arith.muli %scan3A_598, %mul3A_600 : i32
      %add3A_602 = arith.constant 0 : i32
      %add3A_603 = arith.addi %mul3A_601, %add3A_602 : i32
      %mul3A_604 = arith.constant 16 : i32
      %mul3A_605 = arith.muli %add3A_603, %mul3A_604 : i32
      %get3A_606 = arith.index_cast %mul3A_605 : i32 to index
      %get3A_607 = tpu.vector_load %arg5[%get3A_606] {strides = array<i32>} : memref<8192xi32, #tpu.memory_space<vmem>>, vector<16xi32>,
      %shift_right_arithmetic3A = vector.broadcast %scan3A_450 : i32 to vector<16xi32>
      %shift_right_arithmetic3A_608 = arith.shrsi %get3A_607, %shift_right_arithmetic3A : vector<16xi32>
      %add3A_609 = vector.broadcast %scan3A_451 : i32 to vector<16xi32>
      %add3A_610 = arith.addi %shift_right_arithmetic3A_608, %add3A_609 : vector<16xi32>
      %and3A_611 = arith.constant 255 : i32
      %and3A_612 = vector.broadcast %and3A_611 : i32 to vector<16xi32>
      %and3A_613 = arith.andi %add3A_610, %and3A_612 : vector<16xi32>
      %mul3A_614 = arith.constant 256 : i32
      %mul3A_615 = vector.broadcast %mul3A_614 : i32 to vector<16xi32>
      %mul3A_616 = arith.muli %iota3A_438, %mul3A_615 : vector<16xi32>
      %add3A_617 = arith.addi %and3A_613, %mul3A_616 : vector<16xi32>
      %shift_right_arithmetic3A_618 = vector.broadcast %scan3A_452 : i32 to vector<16xi32>
      %shift_right_arithmetic3A_619 = arith.shrsi %get3A_607, %shift_right_arithmetic3A_618 : vector<16xi32>
      %eq3A_620 = vector.broadcast %add3A_437 : i32 to vector<16xi32>
      %eq3A_621 = arith.cmpi eq, %shift_right_arithmetic3A_619, %eq3A_620 : vector<16xi32>
      tpu.vector_store_idx %arg6[%add3A_617], %broadcast_in_dim3A_440 masked %eq3A_621 {add = true} : memref<4096xi32, #tpu.memory_space<vmem>>[vector<16xi32>], vector<16xi32>, vector<16xi1>
      %mul3A_622 = arith.constant 8 : i32
      %mul3A_623 = arith.muli %scan3A_598, %mul3A_622 : i32
      %add3A_624 = arith.constant 1 : i32
      %add3A_625 = arith.addi %mul3A_623, %add3A_624 : i32
      %mul3A_626 = arith.constant 16 : i32
      %mul3A_627 = arith.muli %add3A_625, %mul3A_626 : i32
      %get3A_628 = arith.index_cast %mul3A_627 : i32 to index
      %get3A_629 = tpu.vector_load %arg5[%get3A_628] {strides = array<i32>} : memref<8192xi32, #tpu.memory_space<vmem>>, vector<16xi32>,
      %shift_right_arithmetic3A_630 = vector.broadcast %scan3A_450 : i32 to vector<16xi32>
      %shift_right_arithmetic3A_631 = arith.shrsi %get3A_629, %shift_right_arithmetic3A_630 : vector<16xi32>
      %add3A_632 = vector.broadcast %scan3A_451 : i32 to vector<16xi32>
      %add3A_633 = arith.addi %shift_right_arithmetic3A_631, %add3A_632 : vector<16xi32>
      %and3A_634 = arith.constant 255 : i32
      %and3A_635 = vector.broadcast %and3A_634 : i32 to vector<16xi32>
      %and3A_636 = arith.andi %add3A_633, %and3A_635 : vector<16xi32>
      %mul3A_637 = arith.constant 256 : i32
      %mul3A_638 = vector.broadcast %mul3A_637 : i32 to vector<16xi32>
      %mul3A_639 = arith.muli %iota3A_438, %mul3A_638 : vector<16xi32>
      %add3A_640 = arith.addi %and3A_636, %mul3A_639 : vector<16xi32>
      %shift_right_arithmetic3A_641 = vector.broadcast %scan3A_452 : i32 to vector<16xi32>
      %shift_right_arithmetic3A_642 = arith.shrsi %get3A_629, %shift_right_arithmetic3A_641 : vector<16xi32>
      %eq3A_643 = vector.broadcast %add3A_437 : i32 to vector<16xi32>
      %eq3A_644 = arith.cmpi eq, %shift_right_arithmetic3A_642, %eq3A_643 : vector<16xi32>
      tpu.vector_store_idx %arg6[%add3A_640], %broadcast_in_dim3A_440 masked %eq3A_644 {add = true} : memref<4096xi32, #tpu.memory_space<vmem>>[vector<16xi32>], vector<16xi32>, vector<16xi1>
      %mul3A_645 = arith.constant 8 : i32
      %mul3A_646 = arith.muli %scan3A_598, %mul3A_645 : i32
      %add3A_647 = arith.constant 2 : i32
      %add3A_648 = arith.addi %mul3A_646, %add3A_647 : i32
      %mul3A_649 = arith.constant 16 : i32
      %mul3A_650 = arith.muli %add3A_648, %mul3A_649 : i32
      %get3A_651 = arith.index_cast %mul3A_650 : i32 to index
      %get3A_652 = tpu.vector_load %arg5[%get3A_651] {strides = array<i32>} : memref<8192xi32, #tpu.memory_space<vmem>>, vector<16xi32>,
      %shift_right_arithmetic3A_653 = vector.broadcast %scan3A_450 : i32 to vector<16xi32>
      %shift_right_arithmetic3A_654 = arith.shrsi %get3A_652, %shift_right_arithmetic3A_653 : vector<16xi32>
      %add3A_655 = vector.broadcast %scan3A_451 : i32 to vector<16xi32>
      %add3A_656 = arith.addi %shift_right_arithmetic3A_654, %add3A_655 : vector<16xi32>
      %and3A_657 = arith.constant 255 : i32
      %and3A_658 = vector.broadcast %and3A_657 : i32 to vector<16xi32>
      %and3A_659 = arith.andi %add3A_656, %and3A_658 : vector<16xi32>
      %mul3A_660 = arith.constant 256 : i32
      %mul3A_661 = vector.broadcast %mul3A_660 : i32 to vector<16xi32>
      %mul3A_662 = arith.muli %iota3A_438, %mul3A_661 : vector<16xi32>
      %add3A_663 = arith.addi %and3A_659, %mul3A_662 : vector<16xi32>
      %shift_right_arithmetic3A_664 = vector.broadcast %scan3A_452 : i32 to vector<16xi32>
      %shift_right_arithmetic3A_665 = arith.shrsi %get3A_652, %shift_right_arithmetic3A_664 : vector<16xi32>
      %eq3A_666 = vector.broadcast %add3A_437 : i32 to vector<16xi32>
      %eq3A_667 = arith.cmpi eq, %shift_right_arithmetic3A_665, %eq3A_666 : vector<16xi32>
      tpu.vector_store_idx %arg6[%add3A_663], %broadcast_in_dim3A_440 masked %eq3A_667 {add = true} : memref<4096xi32, #tpu.memory_space<vmem>>[vector<16xi32>], vector<16xi32>, vector<16xi1>
      %mul3A_668 = arith.constant 8 : i32
      %mul3A_669 = arith.muli %scan3A_598, %mul3A_668 : i32
      %add3A_670 = arith.constant 3 : i32
      %add3A_671 = arith.addi %mul3A_669, %add3A_670 : i32
      %mul3A_672 = arith.constant 16 : i32
      %mul3A_673 = arith.muli %add3A_671, %mul3A_672 : i32
      %get3A_674 = arith.index_cast %mul3A_673 : i32 to index
      %get3A_675 = tpu.vector_load %arg5[%get3A_674] {strides = array<i32>} : memref<8192xi32, #tpu.memory_space<vmem>>, vector<16xi32>,
      %shift_right_arithmetic3A_676 = vector.broadcast %scan3A_450 : i32 to vector<16xi32>
      %shift_right_arithmetic3A_677 = arith.shrsi %get3A_675, %shift_right_arithmetic3A_676 : vector<16xi32>
      %add3A_678 = vector.broadcast %scan3A_451 : i32 to vector<16xi32>
      %add3A_679 = arith.addi %shift_right_arithmetic3A_677, %add3A_678 : vector<16xi32>
      %and3A_680 = arith.constant 255 : i32
      %and3A_681 = vector.broadcast %and3A_680 : i32 to vector<16xi32>
      %and3A_682 = arith.andi %add3A_679, %and3A_681 : vector<16xi32>
      %mul3A_683 = arith.constant 256 : i32
      %mul3A_684 = vector.broadcast %mul3A_683 : i32 to vector<16xi32>
      %mul3A_685 = arith.muli %iota3A_438, %mul3A_684 : vector<16xi32>
      %add3A_686 = arith.addi %and3A_682, %mul3A_685 : vector<16xi32>
      %shift_right_arithmetic3A_687 = vector.broadcast %scan3A_452 : i32 to vector<16xi32>
      %shift_right_arithmetic3A_688 = arith.shrsi %get3A_675, %shift_right_arithmetic3A_687 : vector<16xi32>
      %eq3A_689 = vector.broadcast %add3A_437 : i32 to vector<16xi32>
      %eq3A_690 = arith.cmpi eq, %shift_right_arithmetic3A_688, %eq3A_689 : vector<16xi32>
      tpu.vector_store_idx %arg6[%add3A_686], %broadcast_in_dim3A_440 masked %eq3A_690 {add = true} : memref<4096xi32, #tpu.memory_space<vmem>>[vector<16xi32>], vector<16xi32>, vector<16xi1>
      %mul3A_691 = arith.constant 8 : i32
      %mul3A_692 = arith.muli %scan3A_598, %mul3A_691 : i32
      %add3A_693 = arith.constant 4 : i32
      %add3A_694 = arith.addi %mul3A_692, %add3A_693 : i32
      %mul3A_695 = arith.constant 16 : i32
      %mul3A_696 = arith.muli %add3A_694, %mul3A_695 : i32
      %get3A_697 = arith.index_cast %mul3A_696 : i32 to index
      %get3A_698 = tpu.vector_load %arg5[%get3A_697] {strides = array<i32>} : memref<8192xi32, #tpu.memory_space<vmem>>, vector<16xi32>,
      %shift_right_arithmetic3A_699 = vector.broadcast %scan3A_450 : i32 to vector<16xi32>
      %shift_right_arithmetic3A_700 = arith.shrsi %get3A_698, %shift_right_arithmetic3A_699 : vector<16xi32>
      %add3A_701 = vector.broadcast %scan3A_451 : i32 to vector<16xi32>
      %add3A_702 = arith.addi %shift_right_arithmetic3A_700, %add3A_701 : vector<16xi32>
      %and3A_703 = arith.constant 255 : i32
      %and3A_704 = vector.broadcast %and3A_703 : i32 to vector<16xi32>
      %and3A_705 = arith.andi %add3A_702, %and3A_704 : vector<16xi32>
      %mul3A_706 = arith.constant 256 : i32
      %mul3A_707 = vector.broadcast %mul3A_706 : i32 to vector<16xi32>
      %mul3A_708 = arith.muli %iota3A_438, %mul3A_707 : vector<16xi32>
      %add3A_709 = arith.addi %and3A_705, %mul3A_708 : vector<16xi32>
      %shift_right_arithmetic3A_710 = vector.broadcast %scan3A_452 : i32 to vector<16xi32>
      %shift_right_arithmetic3A_711 = arith.shrsi %get3A_698, %shift_right_arithmetic3A_710 : vector<16xi32>
      %eq3A_712 = vector.broadcast %add3A_437 : i32 to vector<16xi32>
      %eq3A_713 = arith.cmpi eq, %shift_right_arithmetic3A_711, %eq3A_712 : vector<16xi32>
      tpu.vector_store_idx %arg6[%add3A_709], %broadcast_in_dim3A_440 masked %eq3A_713 {add = true} : memref<4096xi32, #tpu.memory_space<vmem>>[vector<16xi32>], vector<16xi32>, vector<16xi1>
      %mul3A_714 = arith.constant 8 : i32
      %mul3A_715 = arith.muli %scan3A_598, %mul3A_714 : i32
      %add3A_716 = arith.constant 5 : i32
      %add3A_717 = arith.addi %mul3A_715, %add3A_716 : i32
      %mul3A_718 = arith.constant 16 : i32
      %mul3A_719 = arith.muli %add3A_717, %mul3A_718 : i32
      %get3A_720 = arith.index_cast %mul3A_719 : i32 to index
      %get3A_721 = tpu.vector_load %arg5[%get3A_720] {strides = array<i32>} : memref<8192xi32, #tpu.memory_space<vmem>>, vector<16xi32>,
      %shift_right_arithmetic3A_722 = vector.broadcast %scan3A_450 : i32 to vector<16xi32>
      %shift_right_arithmetic3A_723 = arith.shrsi %get3A_721, %shift_right_arithmetic3A_722 : vector<16xi32>
      %add3A_724 = vector.broadcast %scan3A_451 : i32 to vector<16xi32>
      %add3A_725 = arith.addi %shift_right_arithmetic3A_723, %add3A_724 : vector<16xi32>
      %and3A_726 = arith.constant 255 : i32
      %and3A_727 = vector.broadcast %and3A_726 : i32 to vector<16xi32>
      %and3A_728 = arith.andi %add3A_725, %and3A_727 : vector<16xi32>
      %mul3A_729 = arith.constant 256 : i32
      %mul3A_730 = vector.broadcast %mul3A_729 : i32 to vector<16xi32>
      %mul3A_731 = arith.muli %iota3A_438, %mul3A_730 : vector<16xi32>
      %add3A_732 = arith.addi %and3A_728, %mul3A_731 : vector<16xi32>
      %shift_right_arithmetic3A_733 = vector.broadcast %scan3A_452 : i32 to vector<16xi32>
      %shift_right_arithmetic3A_734 = arith.shrsi %get3A_721, %shift_right_arithmetic3A_733 : vector<16xi32>
      %eq3A_735 = vector.broadcast %add3A_437 : i32 to vector<16xi32>
      %eq3A_736 = arith.cmpi eq, %shift_right_arithmetic3A_734, %eq3A_735 : vector<16xi32>
      tpu.vector_store_idx %arg6[%add3A_732], %broadcast_in_dim3A_440 masked %eq3A_736 {add = true} : memref<4096xi32, #tpu.memory_space<vmem>>[vector<16xi32>], vector<16xi32>, vector<16xi1>
      %mul3A_737 = arith.constant 8 : i32
      %mul3A_738 = arith.muli %scan3A_598, %mul3A_737 : i32
      %add3A_739 = arith.constant 6 : i32
      %add3A_740 = arith.addi %mul3A_738, %add3A_739 : i32
      %mul3A_741 = arith.constant 16 : i32
      %mul3A_742 = arith.muli %add3A_740, %mul3A_741 : i32
      %get3A_743 = arith.index_cast %mul3A_742 : i32 to index
      %get3A_744 = tpu.vector_load %arg5[%get3A_743] {strides = array<i32>} : memref<8192xi32, #tpu.memory_space<vmem>>, vector<16xi32>,
      %shift_right_arithmetic3A_745 = vector.broadcast %scan3A_450 : i32 to vector<16xi32>
      %shift_right_arithmetic3A_746 = arith.shrsi %get3A_744, %shift_right_arithmetic3A_745 : vector<16xi32>
      %add3A_747 = vector.broadcast %scan3A_451 : i32 to vector<16xi32>
      %add3A_748 = arith.addi %shift_right_arithmetic3A_746, %add3A_747 : vector<16xi32>
      %and3A_749 = arith.constant 255 : i32
      %and3A_750 = vector.broadcast %and3A_749 : i32 to vector<16xi32>
      %and3A_751 = arith.andi %add3A_748, %and3A_750 : vector<16xi32>
      %mul3A_752 = arith.constant 256 : i32
      %mul3A_753 = vector.broadcast %mul3A_752 : i32 to vector<16xi32>
      %mul3A_754 = arith.muli %iota3A_438, %mul3A_753 : vector<16xi32>
      %add3A_755 = arith.addi %and3A_751, %mul3A_754 : vector<16xi32>
      %shift_right_arithmetic3A_756 = vector.broadcast %scan3A_452 : i32 to vector<16xi32>
      %shift_right_arithmetic3A_757 = arith.shrsi %get3A_744, %shift_right_arithmetic3A_756 : vector<16xi32>
      %eq3A_758 = vector.broadcast %add3A_437 : i32 to vector<16xi32>
      %eq3A_759 = arith.cmpi eq, %shift_right_arithmetic3A_757, %eq3A_758 : vector<16xi32>
      tpu.vector_store_idx %arg6[%add3A_755], %broadcast_in_dim3A_440 masked %eq3A_759 {add = true} : memref<4096xi32, #tpu.memory_space<vmem>>[vector<16xi32>], vector<16xi32>, vector<16xi1>
      %mul3A_760 = arith.constant 8 : i32
      %mul3A_761 = arith.muli %scan3A_598, %mul3A_760 : i32
      %add3A_762 = arith.constant 7 : i32
      %add3A_763 = arith.addi %mul3A_761, %add3A_762 : i32
      %mul3A_764 = arith.constant 16 : i32
      %mul3A_765 = arith.muli %add3A_763, %mul3A_764 : i32
      %get3A_766 = arith.index_cast %mul3A_765 : i32 to index
      %get3A_767 = tpu.vector_load %arg5[%get3A_766] {strides = array<i32>} : memref<8192xi32, #tpu.memory_space<vmem>>, vector<16xi32>,
      %shift_right_arithmetic3A_768 = vector.broadcast %scan3A_450 : i32 to vector<16xi32>
      %shift_right_arithmetic3A_769 = arith.shrsi %get3A_767, %shift_right_arithmetic3A_768 : vector<16xi32>
      %add3A_770 = vector.broadcast %scan3A_451 : i32 to vector<16xi32>
      %add3A_771 = arith.addi %shift_right_arithmetic3A_769, %add3A_770 : vector<16xi32>
      %and3A_772 = arith.constant 255 : i32
      %and3A_773 = vector.broadcast %and3A_772 : i32 to vector<16xi32>
      %and3A_774 = arith.andi %add3A_771, %and3A_773 : vector<16xi32>
      %mul3A_775 = arith.constant 256 : i32
      %mul3A_776 = vector.broadcast %mul3A_775 : i32 to vector<16xi32>
      %mul3A_777 = arith.muli %iota3A_438, %mul3A_776 : vector<16xi32>
      %add3A_778 = arith.addi %and3A_774, %mul3A_777 : vector<16xi32>
      %shift_right_arithmetic3A_779 = vector.broadcast %scan3A_452 : i32 to vector<16xi32>
      %shift_right_arithmetic3A_780 = arith.shrsi %get3A_767, %shift_right_arithmetic3A_779 : vector<16xi32>
      %eq3A_781 = vector.broadcast %add3A_437 : i32 to vector<16xi32>
      %eq3A_782 = arith.cmpi eq, %shift_right_arithmetic3A_780, %eq3A_781 : vector<16xi32>
      tpu.vector_store_idx %arg6[%add3A_778], %broadcast_in_dim3A_440 masked %eq3A_782 {add = true} : memref<4096xi32, #tpu.memory_space<vmem>>[vector<16xi32>], vector<16xi32>, vector<16xi1>
      %scan3A_783 = arith.constant 0 : i32
      scf.yield %scan3A_783 : i32
    }
    %scan3A_459 = arith.constant 64 : i32
    %scan3A_460 = arith.constant 0 : i32
    %scan3A_461 = arith.constant 0 : i32
    %scan3A_462 = arith.constant 16 : i32
    %scan3A_463 = arith.addi %scan3A_461, %scan3A_462 : i32
    %scan3A_464 = arith.constant 1 : i32
    %scan3A_465 = scf.for %scan3A_598 = %scan3A_461 to %scan3A_463 step %scan3A_464 iter_args(%scan3A_599 = %scan3A_460) -> (i32)  : i32 {
      %mul3A_600 = arith.constant 16 : i32
      %mul3A_601 = arith.muli %scan3A_598, %mul3A_600 : i32
      %get3A_602 = arith.index_cast %mul3A_601 : i32 to index
      %get3A_603 = tpu.vector_load %arg6[%get3A_602] {strides = array<i32>} : memref<4096xi32, #tpu.memory_space<vmem>>, vector<16xi32>,
      %mul3A_604 = arith.constant 16 : i32
      %mul3A_605 = arith.muli %scan3A_598, %mul3A_604 : i32
      %add3A_606 = arith.constant 256 : i32
      %add3A_607 = arith.addi %add3A_606, %mul3A_605 : i32
      %get3A_608 = arith.index_cast %add3A_607 : i32 to index
      %get3A_609 = tpu.vector_load %arg6[%get3A_608] {strides = array<i32>} : memref<4096xi32, #tpu.memory_space<vmem>>, vector<16xi32>,
      %add3A_610 = arith.addi %get3A_603, %get3A_609 : vector<16xi32>
      %mul3A_611 = arith.constant 16 : i32
      %mul3A_612 = arith.muli %scan3A_598, %mul3A_611 : i32
      %add3A_613 = arith.constant 512 : i32
      %add3A_614 = arith.addi %add3A_613, %mul3A_612 : i32
      %get3A_615 = arith.index_cast %add3A_614 : i32 to index
      %get3A_616 = tpu.vector_load %arg6[%get3A_615] {strides = array<i32>} : memref<4096xi32, #tpu.memory_space<vmem>>, vector<16xi32>,
      %add3A_617 = arith.addi %add3A_610, %get3A_616 : vector<16xi32>
      %mul3A_618 = arith.constant 16 : i32
      %mul3A_619 = arith.muli %scan3A_598, %mul3A_618 : i32
      %add3A_620 = arith.constant 768 : i32
      %add3A_621 = arith.addi %add3A_620, %mul3A_619 : i32
      %get3A_622 = arith.index_cast %add3A_621 : i32 to index
      %get3A_623 = tpu.vector_load %arg6[%get3A_622] {strides = array<i32>} : memref<4096xi32, #tpu.memory_space<vmem>>, vector<16xi32>,
      %add3A_624 = arith.addi %add3A_617, %get3A_623 : vector<16xi32>
      %mul3A_625 = arith.constant 16 : i32
      %mul3A_626 = arith.muli %scan3A_598, %mul3A_625 : i32
      %add3A_627 = arith.constant 1024 : i32
      %add3A_628 = arith.addi %add3A_627, %mul3A_626 : i32
      %get3A_629 = arith.index_cast %add3A_628 : i32 to index
      %get3A_630 = tpu.vector_load %arg6[%get3A_629] {strides = array<i32>} : memref<4096xi32, #tpu.memory_space<vmem>>, vector<16xi32>,
      %add3A_631 = arith.addi %add3A_624, %get3A_630 : vector<16xi32>
      %mul3A_632 = arith.constant 16 : i32
      %mul3A_633 = arith.muli %scan3A_598, %mul3A_632 : i32
      %add3A_634 = arith.constant 1280 : i32
      %add3A_635 = arith.addi %add3A_634, %mul3A_633 : i32
      %get3A_636 = arith.index_cast %add3A_635 : i32 to index
      %get3A_637 = tpu.vector_load %arg6[%get3A_636] {strides = array<i32>} : memref<4096xi32, #tpu.memory_space<vmem>>, vector<16xi32>,
      %add3A_638 = arith.addi %add3A_631, %get3A_637 : vector<16xi32>
      %mul3A_639 = arith.constant 16 : i32
      %mul3A_640 = arith.muli %scan3A_598, %mul3A_639 : i32
      %add3A_641 = arith.constant 1536 : i32
      %add3A_642 = arith.addi %add3A_641, %mul3A_640 : i32
      %get3A_643 = arith.index_cast %add3A_642 : i32 to index
      %get3A_644 = tpu.vector_load %arg6[%get3A_643] {strides = array<i32>} : memref<4096xi32, #tpu.memory_space<vmem>>, vector<16xi32>,
      %add3A_645 = arith.addi %add3A_638, %get3A_644 : vector<16xi32>
      %mul3A_646 = arith.constant 16 : i32
      %mul3A_647 = arith.muli %scan3A_598, %mul3A_646 : i32
      %add3A_648 = arith.constant 1792 : i32
      %add3A_649 = arith.addi %add3A_648, %mul3A_647 : i32
      %get3A_650 = arith.index_cast %add3A_649 : i32 to index
      %get3A_651 = tpu.vector_load %arg6[%get3A_650] {strides = array<i32>} : memref<4096xi32, #tpu.memory_space<vmem>>, vector<16xi32>,
      %add3A_652 = arith.addi %add3A_645, %get3A_651 : vector<16xi32>
      %mul3A_653 = arith.constant 16 : i32
      %mul3A_654 = arith.muli %scan3A_598, %mul3A_653 : i32
      %add3A_655 = arith.constant 2048 : i32
      %add3A_656 = arith.addi %add3A_655, %mul3A_654 : i32
      %get3A_657 = arith.index_cast %add3A_656 : i32 to index
      %get3A_658 = tpu.vector_load %arg6[%get3A_657] {strides = array<i32>} : memref<4096xi32, #tpu.memory_space<vmem>>, vector<16xi32>,
      %add3A_659 = arith.addi %add3A_652, %get3A_658 : vector<16xi32>
      %mul3A_660 = arith.constant 16 : i32
      %mul3A_661 = arith.muli %scan3A_598, %mul3A_660 : i32
      %add3A_662 = arith.constant 2304 : i32
      %add3A_663 = arith.addi %add3A_662, %mul3A_661 : i32
      %get3A_664 = arith.index_cast %add3A_663 : i32 to index
      %get3A_665 = tpu.vector_load %arg6[%get3A_664] {strides = array<i32>} : memref<4096xi32, #tpu.memory_space<vmem>>, vector<16xi32>,
      %add3A_666 = arith.addi %add3A_659, %get3A_665 : vector<16xi32>
      %mul3A_667 = arith.constant 16 : i32
      %mul3A_668 = arith.muli %scan3A_598, %mul3A_667 : i32
      %add3A_669 = arith.constant 2560 : i32
      %add3A_670 = arith.addi %add3A_669, %mul3A_668 : i32
      %get3A_671 = arith.index_cast %add3A_670 : i32 to index
      %get3A_672 = tpu.vector_load %arg6[%get3A_671] {strides = array<i32>} : memref<4096xi32, #tpu.memory_space<vmem>>, vector<16xi32>,
      %add3A_673 = arith.addi %add3A_666, %get3A_672 : vector<16xi32>
      %mul3A_674 = arith.constant 16 : i32
      %mul3A_675 = arith.muli %scan3A_598, %mul3A_674 : i32
      %add3A_676 = arith.constant 2816 : i32
      %add3A_677 = arith.addi %add3A_676, %mul3A_675 : i32
      %get3A_678 = arith.index_cast %add3A_677 : i32 to index
      %get3A_679 = tpu.vector_load %arg6[%get3A_678] {strides = array<i32>} : memref<4096xi32, #tpu.memory_space<vmem>>, vector<16xi32>,
      %add3A_680 = arith.addi %add3A_673, %get3A_679 : vector<16xi32>
      %mul3A_681 = arith.constant 16 : i32
      %mul3A_682 = arith.muli %scan3A_598, %mul3A_681 : i32
      %add3A_683 = arith.constant 3072 : i32
      %add3A_684 = arith.addi %add3A_683, %mul3A_682 : i32
      %get3A_685 = arith.index_cast %add3A_684 : i32 to index
      %get3A_686 = tpu.vector_load %arg6[%get3A_685] {strides = array<i32>} : memref<4096xi32, #tpu.memory_space<vmem>>, vector<16xi32>,
      %add3A_687 = arith.addi %add3A_680, %get3A_686 : vector<16xi32>
      %mul3A_688 = arith.constant 16 : i32
      %mul3A_689 = arith.muli %scan3A_598, %mul3A_688 : i32
      %add3A_690 = arith.constant 3328 : i32
      %add3A_691 = arith.addi %add3A_690, %mul3A_689 : i32
      %get3A_692 = arith.index_cast %add3A_691 : i32 to index
      %get3A_693 = tpu.vector_load %arg6[%get3A_692] {strides = array<i32>} : memref<4096xi32, #tpu.memory_space<vmem>>, vector<16xi32>,
      %add3A_694 = arith.addi %add3A_687, %get3A_693 : vector<16xi32>
      %mul3A_695 = arith.constant 16 : i32
      %mul3A_696 = arith.muli %scan3A_598, %mul3A_695 : i32
      %add3A_697 = arith.constant 3584 : i32
      %add3A_698 = arith.addi %add3A_697, %mul3A_696 : i32
      %get3A_699 = arith.index_cast %add3A_698 : i32 to index
      %get3A_700 = tpu.vector_load %arg6[%get3A_699] {strides = array<i32>} : memref<4096xi32, #tpu.memory_space<vmem>>, vector<16xi32>,
      %add3A_701 = arith.addi %add3A_694, %get3A_700 : vector<16xi32>
      %mul3A_702 = arith.constant 16 : i32
      %mul3A_703 = arith.muli %scan3A_598, %mul3A_702 : i32
      %add3A_704 = arith.constant 3840 : i32
      %add3A_705 = arith.addi %add3A_704, %mul3A_703 : i32
      %get3A_706 = arith.index_cast %add3A_705 : i32 to index
      %get3A_707 = tpu.vector_load %arg6[%get3A_706] {strides = array<i32>} : memref<4096xi32, #tpu.memory_space<vmem>>, vector<16xi32>,
      %add3A_708 = arith.addi %add3A_701, %get3A_707 : vector<16xi32>
      %mul3A_709 = arith.constant 16 : i32
      %mul3A_710 = arith.muli %scan3A_598, %mul3A_709 : i32
      %swap3A = arith.index_cast %mul3A_710 : i32 to index
      %swap3A_711 = tpu.vector_load %arg7[%swap3A] {strides = array<i32>} : memref<256xi32, #tpu.memory_space<vmem>>, vector<16xi32>,
      tpu.vector_store %arg7[%swap3A], %add3A_708 {strides = array<i32>} : memref<256xi32, #tpu.memory_space<vmem>>, vector<16xi32>,
      %scan3A_712 = arith.constant 0 : i32
      scf.yield %scan3A_712 : i32
    }
    %scan3A_466 = arith.constant 16 : i32
    %mul3A_467 = arith.constant 256 : i32
    %mul3A_468 = arith.muli %arg1, %mul3A_467 : i32
    "tpu.region"() ({
      %run_scoped3A = tpu.sem_alloc : memref<!tpu.dma_semaphore, #tpu.memory_space<semaphore_mem>>
      %dma_start3A = tpu.memref_slice %arg12[%mul3A_468] : memref<4096xi32, #tpu.memory_space<vmem_shared>> -> memref<256xi32, #tpu.memory_space<vmem_shared>>
      %dma_start3A_598 = tpu.memref_slice %arg12[%mul3A_468] : memref<4096xi32, #tpu.memory_space<vmem_shared>> -> memref<256xi32, #tpu.memory_space<vmem_shared>>
      tpu.enqueue_dma source(%arg7 : memref<256xi32, #tpu.memory_space<vmem>>) target(%dma_start3A_598 : memref<256xi32, #tpu.memory_space<vmem_shared>>) target_semaphore(%run_scoped3A : memref<!tpu.dma_semaphore, #tpu.memory_space<semaphore_mem>>)
      %dma_wait3A = tpu.memref_slice %arg12[%mul3A_468] : memref<4096xi32, #tpu.memory_space<vmem_shared>> -> memref<256xi32, #tpu.memory_space<vmem_shared>>
      %dma_wait3A_599 = tpu.memref_slice %arg12[%mul3A_468] : memref<4096xi32, #tpu.memory_space<vmem_shared>> -> memref<256xi32, #tpu.memory_space<vmem_shared>>
      tpu.wait_dma2 semaphore(%run_scoped3A : memref<!tpu.dma_semaphore, #tpu.memory_space<semaphore_mem>>) src(%arg7 : memref<256xi32, #tpu.memory_space<vmem>>) dst(%dma_wait3A_599 : memref<256xi32, #tpu.memory_space<vmem_shared>>)
      tpu.yield
    }) : () -> ()
    %barrier3A_469 = arith.constant 0 : index
    tpu.barrier barrier_id(%barrier3A_469)
    "tpu.region"() ({
      %run_scoped3A = tpu.sem_alloc : memref<!tpu.dma_semaphore, #tpu.memory_space<semaphore_mem>>
      tpu.enqueue_dma source(%arg12 : memref<4096xi32, #tpu.memory_space<vmem_shared>>) target(%arg8 : memref<4096xi32, #tpu.memory_space<vmem>>) target_semaphore(%run_scoped3A : memref<!tpu.dma_semaphore, #tpu.memory_space<semaphore_mem>>)
      tpu.wait_dma2 semaphore(%run_scoped3A : memref<!tpu.dma_semaphore, #tpu.memory_space<semaphore_mem>>) src(%arg12 : memref<4096xi32, #tpu.memory_space<vmem_shared>>) dst(%arg8 : memref<4096xi32, #tpu.memory_space<vmem>>)
      tpu.yield
    }) : () -> ()
    %scan3A_470 = arith.constant 0 : i32
    %scan3A_471 = arith.constant 0 : i32
    %scan3A_472 = arith.constant 16 : i32
    %scan3A_473 = arith.addi %scan3A_471, %scan3A_472 : i32
    %scan3A_474 = arith.constant 1 : i32
    %scan3A_475 = scf.for %scan3A_598 = %scan3A_471 to %scan3A_473 step %scan3A_474 iter_args(%scan3A_599 = %scan3A_470) -> (i32)  : i32 {
      %mul3A_600 = arith.constant 16 : i32
      %mul3A_601 = arith.muli %scan3A_598, %mul3A_600 : i32
      %get3A_602 = arith.index_cast %mul3A_601 : i32 to index
      %get3A_603 = tpu.vector_load %arg8[%get3A_602] {strides = array<i32>} : memref<4096xi32, #tpu.memory_space<vmem>>, vector<16xi32>,
      %mul3A_604 = arith.constant 16 : i32
      %mul3A_605 = arith.muli %scan3A_598, %mul3A_604 : i32
      %add3A_606 = arith.constant 256 : i32
      %add3A_607 = arith.addi %add3A_606, %mul3A_605 : i32
      %get3A_608 = arith.index_cast %add3A_607 : i32 to index
      %get3A_609 = tpu.vector_load %arg8[%get3A_608] {strides = array<i32>} : memref<4096xi32, #tpu.memory_space<vmem>>, vector<16xi32>,
      %add3A_610 = arith.addi %get3A_603, %get3A_609 : vector<16xi32>
      %mul3A_611 = arith.constant 16 : i32
      %mul3A_612 = arith.muli %scan3A_598, %mul3A_611 : i32
      %add3A_613 = arith.constant 512 : i32
      %add3A_614 = arith.addi %add3A_613, %mul3A_612 : i32
      %get3A_615 = arith.index_cast %add3A_614 : i32 to index
      %get3A_616 = tpu.vector_load %arg8[%get3A_615] {strides = array<i32>} : memref<4096xi32, #tpu.memory_space<vmem>>, vector<16xi32>,
      %add3A_617 = arith.addi %add3A_610, %get3A_616 : vector<16xi32>
      %mul3A_618 = arith.constant 16 : i32
      %mul3A_619 = arith.muli %scan3A_598, %mul3A_618 : i32
      %add3A_620 = arith.constant 768 : i32
      %add3A_621 = arith.addi %add3A_620, %mul3A_619 : i32
      %get3A_622 = arith.index_cast %add3A_621 : i32 to index
      %get3A_623 = tpu.vector_load %arg8[%get3A_622] {strides = array<i32>} : memref<4096xi32, #tpu.memory_space<vmem>>, vector<16xi32>,
      %add3A_624 = arith.addi %add3A_617, %get3A_623 : vector<16xi32>
      %mul3A_625 = arith.constant 16 : i32
      %mul3A_626 = arith.muli %scan3A_598, %mul3A_625 : i32
      %add3A_627 = arith.constant 1024 : i32
      %add3A_628 = arith.addi %add3A_627, %mul3A_626 : i32
      %get3A_629 = arith.index_cast %add3A_628 : i32 to index
      %get3A_630 = tpu.vector_load %arg8[%get3A_629] {strides = array<i32>} : memref<4096xi32, #tpu.memory_space<vmem>>, vector<16xi32>,
      %add3A_631 = arith.addi %add3A_624, %get3A_630 : vector<16xi32>
      %mul3A_632 = arith.constant 16 : i32
      %mul3A_633 = arith.muli %scan3A_598, %mul3A_632 : i32
      %add3A_634 = arith.constant 1280 : i32
      %add3A_635 = arith.addi %add3A_634, %mul3A_633 : i32
      %get3A_636 = arith.index_cast %add3A_635 : i32 to index
      %get3A_637 = tpu.vector_load %arg8[%get3A_636] {strides = array<i32>} : memref<4096xi32, #tpu.memory_space<vmem>>, vector<16xi32>,
      %add3A_638 = arith.addi %add3A_631, %get3A_637 : vector<16xi32>
      %mul3A_639 = arith.constant 16 : i32
      %mul3A_640 = arith.muli %scan3A_598, %mul3A_639 : i32
      %add3A_641 = arith.constant 1536 : i32
      %add3A_642 = arith.addi %add3A_641, %mul3A_640 : i32
      %get3A_643 = arith.index_cast %add3A_642 : i32 to index
      %get3A_644 = tpu.vector_load %arg8[%get3A_643] {strides = array<i32>} : memref<4096xi32, #tpu.memory_space<vmem>>, vector<16xi32>,
      %add3A_645 = arith.addi %add3A_638, %get3A_644 : vector<16xi32>
      %mul3A_646 = arith.constant 16 : i32
      %mul3A_647 = arith.muli %scan3A_598, %mul3A_646 : i32
      %add3A_648 = arith.constant 1792 : i32
      %add3A_649 = arith.addi %add3A_648, %mul3A_647 : i32
      %get3A_650 = arith.index_cast %add3A_649 : i32 to index
      %get3A_651 = tpu.vector_load %arg8[%get3A_650] {strides = array<i32>} : memref<4096xi32, #tpu.memory_space<vmem>>, vector<16xi32>,
      %add3A_652 = arith.addi %add3A_645, %get3A_651 : vector<16xi32>
      %mul3A_653 = arith.constant 16 : i32
      %mul3A_654 = arith.muli %scan3A_598, %mul3A_653 : i32
      %add3A_655 = arith.constant 2048 : i32
      %add3A_656 = arith.addi %add3A_655, %mul3A_654 : i32
      %get3A_657 = arith.index_cast %add3A_656 : i32 to index
      %get3A_658 = tpu.vector_load %arg8[%get3A_657] {strides = array<i32>} : memref<4096xi32, #tpu.memory_space<vmem>>, vector<16xi32>,
      %add3A_659 = arith.addi %add3A_652, %get3A_658 : vector<16xi32>
      %mul3A_660 = arith.constant 16 : i32
      %mul3A_661 = arith.muli %scan3A_598, %mul3A_660 : i32
      %add3A_662 = arith.constant 2304 : i32
      %add3A_663 = arith.addi %add3A_662, %mul3A_661 : i32
      %get3A_664 = arith.index_cast %add3A_663 : i32 to index
      %get3A_665 = tpu.vector_load %arg8[%get3A_664] {strides = array<i32>} : memref<4096xi32, #tpu.memory_space<vmem>>, vector<16xi32>,
      %add3A_666 = arith.addi %add3A_659, %get3A_665 : vector<16xi32>
      %mul3A_667 = arith.constant 16 : i32
      %mul3A_668 = arith.muli %scan3A_598, %mul3A_667 : i32
      %add3A_669 = arith.constant 2560 : i32
      %add3A_670 = arith.addi %add3A_669, %mul3A_668 : i32
      %get3A_671 = arith.index_cast %add3A_670 : i32 to index
      %get3A_672 = tpu.vector_load %arg8[%get3A_671] {strides = array<i32>} : memref<4096xi32, #tpu.memory_space<vmem>>, vector<16xi32>,
      %add3A_673 = arith.addi %add3A_666, %get3A_672 : vector<16xi32>
      %mul3A_674 = arith.constant 16 : i32
      %mul3A_675 = arith.muli %scan3A_598, %mul3A_674 : i32
      %add3A_676 = arith.constant 2816 : i32
      %add3A_677 = arith.addi %add3A_676, %mul3A_675 : i32
      %get3A_678 = arith.index_cast %add3A_677 : i32 to index
      %get3A_679 = tpu.vector_load %arg8[%get3A_678] {strides = array<i32>} : memref<4096xi32, #tpu.memory_space<vmem>>, vector<16xi32>,
      %add3A_680 = arith.addi %add3A_673, %get3A_679 : vector<16xi32>
      %mul3A_681 = arith.constant 16 : i32
      %mul3A_682 = arith.muli %scan3A_598, %mul3A_681 : i32
      %add3A_683 = arith.constant 3072 : i32
      %add3A_684 = arith.addi %add3A_683, %mul3A_682 : i32
      %get3A_685 = arith.index_cast %add3A_684 : i32 to index
      %get3A_686 = tpu.vector_load %arg8[%get3A_685] {strides = array<i32>} : memref<4096xi32, #tpu.memory_space<vmem>>, vector<16xi32>,
      %add3A_687 = arith.addi %add3A_680, %get3A_686 : vector<16xi32>
      %mul3A_688 = arith.constant 16 : i32
      %mul3A_689 = arith.muli %scan3A_598, %mul3A_688 : i32
      %add3A_690 = arith.constant 3328 : i32
      %add3A_691 = arith.addi %add3A_690, %mul3A_689 : i32
      %get3A_692 = arith.index_cast %add3A_691 : i32 to index
      %get3A_693 = tpu.vector_load %arg8[%get3A_692] {strides = array<i32>} : memref<4096xi32, #tpu.memory_space<vmem>>, vector<16xi32>,
      %add3A_694 = arith.addi %add3A_687, %get3A_693 : vector<16xi32>
      %mul3A_695 = arith.constant 16 : i32
      %mul3A_696 = arith.muli %scan3A_598, %mul3A_695 : i32
      %add3A_697 = arith.constant 3584 : i32
      %add3A_698 = arith.addi %add3A_697, %mul3A_696 : i32
      %get3A_699 = arith.index_cast %add3A_698 : i32 to index
      %get3A_700 = tpu.vector_load %arg8[%get3A_699] {strides = array<i32>} : memref<4096xi32, #tpu.memory_space<vmem>>, vector<16xi32>,
      %add3A_701 = arith.addi %add3A_694, %get3A_700 : vector<16xi32>
      %mul3A_702 = arith.constant 16 : i32
      %mul3A_703 = arith.muli %scan3A_598, %mul3A_702 : i32
      %add3A_704 = arith.constant 3840 : i32
      %add3A_705 = arith.addi %add3A_704, %mul3A_703 : i32
      %get3A_706 = arith.index_cast %add3A_705 : i32 to index
      %get3A_707 = tpu.vector_load %arg8[%get3A_706] {strides = array<i32>} : memref<4096xi32, #tpu.memory_space<vmem>>, vector<16xi32>,
      %add3A_708 = arith.addi %add3A_701, %get3A_707 : vector<16xi32>
      %mul3A_709 = arith.constant 16 : i32
      %mul3A_710 = arith.muli %scan3A_598, %mul3A_709 : i32
      %swap3A = arith.index_cast %mul3A_710 : i32 to index
      %swap3A_711 = tpu.vector_load %arg9[%swap3A] {strides = array<i32>} : memref<256xi32, #tpu.memory_space<vmem>>, vector<16xi32>,
      tpu.vector_store %arg9[%swap3A], %add3A_708 {strides = array<i32>} : memref<256xi32, #tpu.memory_space<vmem>>, vector<16xi32>,
      %scan3A_712 = arith.constant 0 : i32
      scf.yield %scan3A_712 : i32
    }
    %scan3A_476 = arith.constant 16 : i32
    %iota3A_477 = tpu.iota {dimensions = array<i32: 0>} : vector<16xi32>
    %broadcast_in_dim3A_478 = arith.constant 0 : i32
    %broadcast_in_dim3A_479 = vector.broadcast %broadcast_in_dim3A_478 : i32 to vector<16xi32>
    %scan3A_480 = arith.constant 0 : i32
    %scan3A_481 = arith.constant 16 : i32
    %scan3A_482 = arith.addi %scan3A_480, %scan3A_481 : i32
    %scan3A_483 = arith.constant 1 : i32
    %scan3A_484 = scf.for %scan3A_598 = %scan3A_480 to %scan3A_482 step %scan3A_483 iter_args(%scan3A_599 = %broadcast_in_dim3A_479) -> (vector<16xi32>)  : i32 {
      %mul3A_600 = arith.constant 16 : i32
      %mul3A_601 = arith.muli %scan3A_598, %mul3A_600 : i32
      %get3A_602 = arith.index_cast %mul3A_601 : i32 to index
      %get3A_603 = tpu.vector_load %arg9[%get3A_602] {strides = array<i32>} : memref<256xi32, #tpu.memory_space<vmem>>, vector<16xi32>,
      %eq3A_604 = vector.broadcast %scan3A_598 : i32 to vector<16xi32>
      %eq3A_605 = arith.cmpi eq, %iota3A_477, %eq3A_604 : vector<16xi32>
      %reduce_sum3A_606 = arith.constant true
      %reduce_sum3A_607 = vector.broadcast %reduce_sum3A_606 : i1 to vector<16xi1>
      %reduce_sum3A_608 = tpu.scan <sum>, %get3A_603 masked %reduce_sum3A_607 : vector<16xi32>, vector<16xi1> -> vector<16xi32>
      %reduce_sum3A_609 = vector.extract %reduce_sum3A_608[15] : i32 from vector<16xi32>
      %broadcast_in_dim3A_610 = vector.broadcast %reduce_sum3A_609 : i32 to vector<16xi32>
      %select_n3A_611 = arith.select %eq3A_605, %broadcast_in_dim3A_610, %scan3A_599 : vector<16xi1>, vector<16xi32>
      scf.yield %select_n3A_611 : vector<16xi32>
    }
    %scan3A_485 = arith.constant 16 : i32
    %broadcast_in_dim3A_486 = arith.constant true
    %broadcast_in_dim3A_487 = vector.broadcast %broadcast_in_dim3A_486 : i1 to vector<16xi1>
    %masked_cumsum3A_488 = tpu.scan <sum>, %scan3A_484 masked %broadcast_in_dim3A_487 : vector<16xi32>, vector<16xi1> -> vector<16xi32>
    %reduce_sum3A_489 = arith.constant true
    %reduce_sum3A_490 = vector.broadcast %reduce_sum3A_489 : i1 to vector<16xi1>
    %reduce_sum3A_491 = tpu.scan <sum>, %scan3A_484 masked %reduce_sum3A_490 : vector<16xi32>, vector<16xi1> -> vector<16xi32>
    %reduce_sum3A_492 = vector.extract %reduce_sum3A_491[15] : i32 from vector<16xi32>
    %sub3A_493 = vector.broadcast %reduce_sum3A_492 : i32 to vector<16xi32>
    %sub3A_494 = arith.subi %sub3A_493, %masked_cumsum3A_488 : vector<16xi32>
    %add3A_495 = arith.addi %sub3A_494, %scan3A_484 : vector<16xi32>
    %ge3A_496 = vector.broadcast %sub3A_431 : i32 to vector<16xi32>
    %ge3A_497 = arith.cmpi sge, %add3A_495, %ge3A_496 : vector<16xi32>
    %all_reduce_population_count3A_498 = tpu.all_reduce %ge3A_497 {dim = 0 : i64, kind = #tpu.reduction_kind<sum>} : vector<16xi1> -> vector<16xi32>
    %reduce_max3A_499 = arith.constant true
    %reduce_max3A_500 = vector.broadcast %reduce_max3A_499 : i1 to vector<16xi1>
    %reduce_max3A_501 = arith.constant -2147483648 : i32
    %reduce_max3A_502 = vector.broadcast %reduce_max3A_501 : i32 to vector<16xi32>
    %reduce_max3A_503 = arith.xori %all_reduce_population_count3A_498, %reduce_max3A_502 : vector<16xi32>
    %reduce_max3A_504 = tpu.scan <max>, %reduce_max3A_503 masked %reduce_max3A_500 : vector<16xi32>, vector<16xi1> -> vector<16xi32>
    %reduce_max3A_505 = arith.xori %reduce_max3A_504, %reduce_max3A_502 : vector<16xi32>
    %reduce_max3A_506 = vector.extract %reduce_max3A_505[15] : i32 from vector<16xi32>
    %sub3A_507 = arith.constant 1 : i32
    %sub3A_508 = arith.subi %reduce_max3A_506, %sub3A_507 : i32
    %iota3A_509 = tpu.iota {dimensions = array<i32: 0>} : vector<16xi32>
    %eq3A_510 = vector.broadcast %sub3A_508 : i32 to vector<16xi32>
    %eq3A_511 = arith.cmpi eq, %iota3A_509, %eq3A_510 : vector<16xi32>
    %jit3A_512 = arith.constant 0 : i32
    %broadcast_in_dim3A_513 = vector.broadcast %jit3A_512 : i32 to vector<16xi32>
    %select_n3A_514 = arith.select %eq3A_511, %add3A_495, %broadcast_in_dim3A_513 : vector<16xi1>, vector<16xi32>
    %reduce_sum3A_515 = arith.constant true
    %reduce_sum3A_516 = vector.broadcast %reduce_sum3A_515 : i1 to vector<16xi1>
    %reduce_sum3A_517 = tpu.scan <sum>, %select_n3A_514 masked %reduce_sum3A_516 : vector<16xi32>, vector<16xi1> -> vector<16xi32>
    %reduce_sum3A_518 = vector.extract %reduce_sum3A_517[15] : i32 from vector<16xi32>
    %iota3A_519 = tpu.iota {dimensions = array<i32: 0>} : vector<16xi32>
    %eq3A_520 = vector.broadcast %sub3A_508 : i32 to vector<16xi32>
    %eq3A_521 = arith.cmpi eq, %iota3A_519, %eq3A_520 : vector<16xi32>
    %jit3A_522 = arith.constant 0 : i32
    %broadcast_in_dim3A_523 = vector.broadcast %jit3A_522 : i32 to vector<16xi32>
    %select_n3A_524 = arith.select %eq3A_521, %scan3A_484, %broadcast_in_dim3A_523 : vector<16xi1>, vector<16xi32>
    %reduce_sum3A_525 = arith.constant true
    %reduce_sum3A_526 = vector.broadcast %reduce_sum3A_525 : i1 to vector<16xi1>
    %reduce_sum3A_527 = tpu.scan <sum>, %select_n3A_524 masked %reduce_sum3A_526 : vector<16xi32>, vector<16xi1> -> vector<16xi32>
    %reduce_sum3A_528 = vector.extract %reduce_sum3A_527[15] : i32 from vector<16xi32>
    %sub3A_529 = arith.subi %reduce_sum3A_518, %reduce_sum3A_528 : i32
    %sub3A_530 = arith.subi %sub3A_431, %sub3A_529 : i32
    %mul3A_531 = arith.constant 16 : i32
    %mul3A_532 = arith.muli %sub3A_508, %mul3A_531 : i32
    %get3A_533 = arith.index_cast %mul3A_532 : i32 to index
    %get3A_534 = tpu.vector_load %arg9[%get3A_533] {strides = array<i32>} : memref<256xi32, #tpu.memory_space<vmem>>, vector<16xi32>,
    %broadcast_in_dim3A_535 = arith.constant true
    %broadcast_in_dim3A_536 = vector.broadcast %broadcast_in_dim3A_535 : i1 to vector<16xi1>
    %masked_cumsum3A_537 = tpu.scan <sum>, %get3A_534 masked %broadcast_in_dim3A_536 : vector<16xi32>, vector<16xi1> -> vector<16xi32>
    %reduce_sum3A_538 = arith.constant true
    %reduce_sum3A_539 = vector.broadcast %reduce_sum3A_538 : i1 to vector<16xi1>
    %reduce_sum3A_540 = tpu.scan <sum>, %get3A_534 masked %reduce_sum3A_539 : vector<16xi32>, vector<16xi1> -> vector<16xi32>
    %reduce_sum3A_541 = vector.extract %reduce_sum3A_540[15] : i32 from vector<16xi32>
    %sub3A_542 = vector.broadcast %reduce_sum3A_541 : i32 to vector<16xi32>
    %sub3A_543 = arith.subi %sub3A_542, %masked_cumsum3A_537 : vector<16xi32>
    %add3A_544 = arith.addi %sub3A_543, %get3A_534 : vector<16xi32>
    %ge3A_545 = vector.broadcast %sub3A_530 : i32 to vector<16xi32>
    %ge3A_546 = arith.cmpi sge, %add3A_544, %ge3A_545 : vector<16xi32>
    %all_reduce_population_count3A_547 = tpu.all_reduce %ge3A_546 {dim = 0 : i64, kind = #tpu.reduction_kind<sum>} : vector<16xi1> -> vector<16xi32>
    %reduce_max3A_548 = arith.constant true
    %reduce_max3A_549 = vector.broadcast %reduce_max3A_548 : i1 to vector<16xi1>
    %reduce_max3A_550 = arith.constant -2147483648 : i32
    %reduce_max3A_551 = vector.broadcast %reduce_max3A_550 : i32 to vector<16xi32>
    %reduce_max3A_552 = arith.xori %all_reduce_population_count3A_547, %reduce_max3A_551 : vector<16xi32>
    %reduce_max3A_553 = tpu.scan <max>, %reduce_max3A_552 masked %reduce_max3A_549 : vector<16xi32>, vector<16xi1> -> vector<16xi32>
    %reduce_max3A_554 = arith.xori %reduce_max3A_553, %reduce_max3A_551 : vector<16xi32>
    %reduce_max3A_555 = vector.extract %reduce_max3A_554[15] : i32 from vector<16xi32>
    %sub3A_556 = arith.constant 1 : i32
    %sub3A_557 = arith.subi %reduce_max3A_555, %sub3A_556 : i32
    %iota3A_558 = tpu.iota {dimensions = array<i32: 0>} : vector<16xi32>
    %eq3A_559 = vector.broadcast %sub3A_557 : i32 to vector<16xi32>
    %eq3A_560 = arith.cmpi eq, %iota3A_558, %eq3A_559 : vector<16xi32>
    %jit3A_561 = arith.constant 0 : i32
    %broadcast_in_dim3A_562 = vector.broadcast %jit3A_561 : i32 to vector<16xi32>
    %select_n3A_563 = arith.select %eq3A_560, %add3A_544, %broadcast_in_dim3A_562 : vector<16xi1>, vector<16xi32>
    %reduce_sum3A_564 = arith.constant true
    %reduce_sum3A_565 = vector.broadcast %reduce_sum3A_564 : i1 to vector<16xi1>
    %reduce_sum3A_566 = tpu.scan <sum>, %select_n3A_563 masked %reduce_sum3A_565 : vector<16xi32>, vector<16xi1> -> vector<16xi32>
    %reduce_sum3A_567 = vector.extract %reduce_sum3A_566[15] : i32 from vector<16xi32>
    %iota3A_568 = tpu.iota {dimensions = array<i32: 0>} : vector<16xi32>
    %eq3A_569 = vector.broadcast %sub3A_557 : i32 to vector<16xi32>
    %eq3A_570 = arith.cmpi eq, %iota3A_568, %eq3A_569 : vector<16xi32>
    %jit3A_571 = arith.constant 0 : i32
    %broadcast_in_dim3A_572 = vector.broadcast %jit3A_571 : i32 to vector<16xi32>
    %select_n3A_573 = arith.select %eq3A_570, %get3A_534, %broadcast_in_dim3A_572 : vector<16xi1>, vector<16xi32>
    %reduce_sum3A_574 = arith.constant true
    %reduce_sum3A_575 = vector.broadcast %reduce_sum3A_574 : i1 to vector<16xi1>
    %reduce_sum3A_576 = tpu.scan <sum>, %select_n3A_573 masked %reduce_sum3A_575 : vector<16xi32>, vector<16xi1> -> vector<16xi32>
    %reduce_sum3A_577 = vector.extract %reduce_sum3A_576[15] : i32 from vector<16xi32>
    %sub3A_578 = arith.subi %reduce_sum3A_567, %reduce_sum3A_577 : i32
    %sub3A_579 = arith.subi %sub3A_530, %sub3A_578 : i32
    %mul3A_580 = arith.constant 16 : i32
    %mul3A_581 = arith.muli %sub3A_508, %mul3A_580 : i32
    %add3A_582 = arith.addi %mul3A_581, %sub3A_557 : i32
    %mul3A_583 = arith.constant 256 : i32
    %mul3A_584 = arith.muli %add3A_437, %mul3A_583 : i32
    %add3A_585 = arith.addi %mul3A_584, %add3A_582 : i32
    %ne3A = arith.cmpi ne, %reduce_sum3A_577, %sub3A_579 : i32
    %convert_element_type3A = arith.extui %ne3A : i1 to i32
    %while3A = arith.constant -1 : i32
    %while3A_586 = arith.constant 131071 : i32
    %while3A_587:3 = scf.while (%while3A_598 = %convert_element_type3A, %while3A_599 = %while3A, %while3A_600 = %while3A_586) : (i32, i32, i32) -> (i32, i32, i32) {
      %ne3A_601 = arith.constant 0 : i32
      %ne3A_602 = arith.cmpi ne, %while3A_598, %ne3A_601 : i32
      %add3A_603 = arith.constant 1 : i32
      %add3A_604 = arith.addi %while3A_599, %add3A_603 : i32
      %ne3A_605 = arith.cmpi ne, %while3A_600, %add3A_604 : i32
      %and3A_606 = arith.andi %ne3A_602, %ne3A_605 : i1
      scf.condition(%and3A_606) %while3A_598, %while3A_599, %while3A_600 : i32, i32, i32
    } do {
    ^bb0(%while3A_598: i32, %while3A_599: i32, %while3A_600: i32):
      %add3A_601 = arith.addi %while3A_599, %while3A_600 : i32
      %shift_right_arithmetic3A = arith.constant 1 : i32
      %shift_right_arithmetic3A_602 = arith.shrsi %add3A_601, %shift_right_arithmetic3A : i32
      %scan3A_603 = arith.constant 0 : i32
      %scan3A_604 = arith.constant 0 : i32
      %scan3A_605 = arith.constant 512 : i32
      %scan3A_606 = arith.addi %scan3A_604, %scan3A_605 : i32
      %scan3A_607 = arith.constant 1 : i32
      %scan3A_608 = scf.for %scan3A_629 = %scan3A_604 to %scan3A_606 step %scan3A_607 iter_args(%scan3A_630 = %scan3A_603) -> (i32)  : i32 {
        %mul3A_631 = arith.constant 16 : i32
        %mul3A_632 = arith.muli %scan3A_629, %mul3A_631 : i32
        %get3A_633 = arith.index_cast %mul3A_632 : i32 to index
        %get3A_634 = tpu.vector_load %arg5[%get3A_633] {strides = array<i32>} : memref<8192xi32, #tpu.memory_space<vmem>>, vector<16xi32>,
        %mul3A_635 = arith.constant 8192 : i32
        %mul3A_636 = arith.muli %arg1, %mul3A_635 : i32
        %mul3A_637 = arith.constant 16 : i32
        %mul3A_638 = arith.muli %scan3A_629, %mul3A_637 : i32
        %add3A_639 = arith.addi %mul3A_636, %mul3A_638 : i32
        %add3A_640 = vector.broadcast %add3A_639 : i32 to vector<16xi32>
        %add3A_641 = arith.addi %add3A_640, %iota3A : vector<16xi32>
        %eq3A_642 = vector.broadcast %add3A_585 : i32 to vector<16xi32>
        %eq3A_643 = arith.cmpi eq, %get3A_634, %eq3A_642 : vector<16xi32>
        %le3A = vector.broadcast %shift_right_arithmetic3A_602 : i32 to vector<16xi32>
        %le3A_644 = arith.cmpi sle, %add3A_641, %le3A : vector<16xi32>
        %and3A_645 = arith.andi %eq3A_643, %le3A_644 : vector<16xi1>
        %convert_element_type3A_646 = arith.extui %and3A_645 : vector<16xi1> to vector<16xi32>
        %reduce_sum3A_647 = arith.constant true
        %reduce_sum3A_648 = vector.broadcast %reduce_sum3A_647 : i1 to vector<16xi1>
        %reduce_sum3A_649 = tpu.scan <sum>, %convert_element_type3A_646 masked %reduce_sum3A_648 : vector<16xi32>, vector<16xi1> -> vector<16xi32>
        %reduce_sum3A_650 = vector.extract %reduce_sum3A_649[15] : i32 from vector<16xi32>
        %add3A_651 = arith.addi %scan3A_630, %reduce_sum3A_650 : i32
        scf.yield %add3A_651 : i32
      }
      %scan3A_609 = arith.constant 512 : i32
      %eq3A_610 = arith.constant 0 : i32
      %eq3A_611 = vector.broadcast %eq3A_610 : i32 to vector<16xi32>
      %eq3A_612 = arith.cmpi eq, %iota3A, %eq3A_611 : vector<16xi32>
      %jit3A_613 = arith.constant 0 : i32
      %broadcast_in_dim3A_614 = vector.broadcast %scan3A_608 : i32 to vector<16xi32>
      %broadcast_in_dim3A_615 = vector.broadcast %jit3A_613 : i32 to vector<16xi32>
      %select_n3A_616 = arith.select %eq3A_612, %broadcast_in_dim3A_614, %broadcast_in_dim3A_615 : vector<16xi1>, vector<16xi32>
      %swap3A = arith.constant 0 : index
      %swap3A_617 = tpu.vector_load %arg10[%swap3A] {strides = array<i32>} : memref<16xi32, #tpu.memory_space<vmem>>, vector<16xi32>,
      tpu.vector_store %arg10[%swap3A], %select_n3A_616 {strides = array<i32>} : memref<16xi32, #tpu.memory_space<vmem>>, vector<16xi32>,
      "tpu.region"() ({
        %run_scoped3A = tpu.sem_alloc : memref<!tpu.dma_semaphore, #tpu.memory_space<semaphore_mem>>
        %dma_start3A = arith.constant 0 : i32
        %dma_start3A_629 = tpu.memref_slice %arg13[%arg1, %dma_start3A] : memref<16x16xi32, #tpu.memory_space<vmem_shared>> -> memref<1x16xi32, #tpu.memory_space<vmem_shared>>
        %dma_start3A_630 = tpu.memref_squeeze %dma_start3A_629 : memref<1x16xi32, #tpu.memory_space<vmem_shared>> -> memref<16xi32, #tpu.memory_space<vmem_shared>>
        %dma_start3A_631 = arith.constant 0 : i32
        %dma_start3A_632 = tpu.memref_slice %arg13[%arg1, %dma_start3A_631] : memref<16x16xi32, #tpu.memory_space<vmem_shared>> -> memref<1x16xi32, #tpu.memory_space<vmem_shared>>
        %dma_start3A_633 = tpu.memref_squeeze %dma_start3A_632 : memref<1x16xi32, #tpu.memory_space<vmem_shared>> -> memref<16xi32, #tpu.memory_space<vmem_shared>>
        tpu.enqueue_dma source(%arg10 : memref<16xi32, #tpu.memory_space<vmem>>) target(%dma_start3A_633 : memref<16xi32, #tpu.memory_space<vmem_shared>>) target_semaphore(%run_scoped3A : memref<!tpu.dma_semaphore, #tpu.memory_space<semaphore_mem>>)
        %dma_wait3A = arith.constant 0 : i32
        %dma_wait3A_634 = tpu.memref_slice %arg13[%arg1, %dma_wait3A] : memref<16x16xi32, #tpu.memory_space<vmem_shared>> -> memref<1x16xi32, #tpu.memory_space<vmem_shared>>
        %dma_wait3A_635 = tpu.memref_squeeze %dma_wait3A_634 : memref<1x16xi32, #tpu.memory_space<vmem_shared>> -> memref<16xi32, #tpu.memory_space<vmem_shared>>
        %dma_wait3A_636 = arith.constant 0 : i32
        %dma_wait3A_637 = tpu.memref_slice %arg13[%arg1, %dma_wait3A_636] : memref<16x16xi32, #tpu.memory_space<vmem_shared>> -> memref<1x16xi32, #tpu.memory_space<vmem_shared>>
        %dma_wait3A_638 = tpu.memref_squeeze %dma_wait3A_637 : memref<1x16xi32, #tpu.memory_space<vmem_shared>> -> memref<16xi32, #tpu.memory_space<vmem_shared>>
        tpu.wait_dma2 semaphore(%run_scoped3A : memref<!tpu.dma_semaphore, #tpu.memory_space<semaphore_mem>>) src(%arg10 : memref<16xi32, #tpu.memory_space<vmem>>) dst(%dma_wait3A_638 : memref<16xi32, #tpu.memory_space<vmem_shared>>)
        tpu.yield
      }) : () -> ()
      %barrier3A_618 = arith.constant 0 : index
      tpu.barrier barrier_id(%barrier3A_618)
      "tpu.region"() ({
        %run_scoped3A = tpu.sem_alloc : memref<!tpu.dma_semaphore, #tpu.memory_space<semaphore_mem>>
        tpu.enqueue_dma source(%arg13 : memref<16x16xi32, #tpu.memory_space<vmem_shared>>) target(%arg11 : memref<16x16xi32, #tpu.memory_space<vmem>>) target_semaphore(%run_scoped3A : memref<!tpu.dma_semaphore, #tpu.memory_space<semaphore_mem>>)
        tpu.wait_dma2 semaphore(%run_scoped3A : memref<!tpu.dma_semaphore, #tpu.memory_space<semaphore_mem>>) src(%arg13 : memref<16x16xi32, #tpu.memory_space<vmem_shared>>) dst(%arg11 : memref<16x16xi32, #tpu.memory_space<vmem>>)
        tpu.yield
      }) : () -> ()
      %scan3A_619 = arith.constant 0 : i32
      %scan3A_620 = arith.constant 0 : i32
      %scan3A_621 = arith.constant 16 : i32
      %scan3A_622 = arith.addi %scan3A_620, %scan3A_621 : i32
      %scan3A_623 = arith.constant 1 : i32
      %scan3A_624 = scf.for %scan3A_629 = %scan3A_620 to %scan3A_622 step %scan3A_623 iter_args(%scan3A_630 = %scan3A_619) -> (i32)  : i32 {
        %get3A_631 = arith.index_cast %scan3A_629 : i32 to index
        %get3A_632 = arith.constant 0 : index
        %get3A_633 = tpu.vector_load %arg11[%get3A_631, %get3A_632] {strides = array<i32>} : memref<16x16xi32, #tpu.memory_space<vmem>>, vector<16xi32>,
        %iota3A_634 = tpu.iota {dimensions = array<i32: 0>} : vector<16xi32>
        %eq3A_635 = arith.constant 0 : i32
        %eq3A_636 = vector.broadcast %eq3A_635 : i32 to vector<16xi32>
        %eq3A_637 = arith.cmpi eq, %iota3A_634, %eq3A_636 : vector<16xi32>
        %jit3A_638 = arith.constant 0 : i32
        %broadcast_in_dim3A_639 = vector.broadcast %jit3A_638 : i32 to vector<16xi32>
        %select_n3A_640 = arith.select %eq3A_637, %get3A_633, %broadcast_in_dim3A_639 : vector<16xi1>, vector<16xi32>
        %reduce_sum3A_641 = arith.constant true
        %reduce_sum3A_642 = vector.broadcast %reduce_sum3A_641 : i1 to vector<16xi1>
        %reduce_sum3A_643 = tpu.scan <sum>, %select_n3A_640 masked %reduce_sum3A_642 : vector<16xi32>, vector<16xi1> -> vector<16xi32>
        %reduce_sum3A_644 = vector.extract %reduce_sum3A_643[15] : i32 from vector<16xi32>
        %add3A_645 = arith.addi %scan3A_630, %reduce_sum3A_644 : i32
        scf.yield %add3A_645 : i32
      }
      %scan3A_625 = arith.constant 16 : i32
      %ge3A_626 = arith.cmpi sge, %scan3A_624, %sub3A_579 : i32
      %select_n3A_627 = arith.select %ge3A_626, %shift_right_arithmetic3A_602, %while3A_600 : i32
      %select_n3A_628 = arith.select %ge3A_626, %while3A_599, %shift_right_arithmetic3A_602 : i32
      scf.yield %while3A_598, %select_n3A_628, %select_n3A_627 : i32, i32, i32
    }
    %ne3A_588 = arith.constant 0 : i32
    %ne3A_589 = arith.cmpi ne, %convert_element_type3A, %ne3A_588 : i32
    %jit3A_590 = arith.constant 131071 : i32
    %select_n3A_591 = arith.select %ne3A_589, %while3A_587#2, %jit3A_590 : i32
    %eq3A_592 = arith.constant 0 : i32
    %eq3A_593 = arith.cmpi eq, %arg0, %eq3A_592 : i32
    %eq3A_594 = arith.constant 0 : i32
    %eq3A_595 = arith.cmpi eq, %arg1, %eq3A_594 : i32
    %and3A = arith.andi %eq3A_593, %eq3A_595 : i1
    %convert_element_type3A_596 = arith.extui %and3A : i1 to i32
    %cond3A = arith.constant 0 : i32
    %cond3A_597 = arith.cmpi ne, %convert_element_type3A_596, %cond3A : i32
    scf.if %cond3A_597 {
      %eq3A_598 = arith.constant 0 : i32
      %eq3A_599 = vector.broadcast %eq3A_598 : i32 to vector<16xi32>
      %eq3A_600 = arith.cmpi eq, %iota3A, %eq3A_599 : vector<16xi32>
      %eq3A_601 = arith.constant 1 : i32
      %eq3A_602 = vector.broadcast %eq3A_601 : i32 to vector<16xi32>
      %eq3A_603 = arith.cmpi eq, %iota3A, %eq3A_602 : vector<16xi32>
      %jit3A_604 = arith.constant 0 : i32
      %broadcast_in_dim3A_605 = vector.broadcast %select_n3A_591 : i32 to vector<16xi32>
      %broadcast_in_dim3A_606 = vector.broadcast %jit3A_604 : i32 to vector<16xi32>
      %select_n3A_607 = arith.select %eq3A_603, %broadcast_in_dim3A_605, %broadcast_in_dim3A_606 : vector<16xi1>, vector<16xi32>
      %broadcast_in_dim3A_608 = vector.broadcast %add3A_585 : i32 to vector<16xi32>
      %select_n3A_609 = arith.select %eq3A_600, %broadcast_in_dim3A_608, %select_n3A_607 : vector<16xi1>, vector<16xi32>
      %swap3A = arith.constant 0 : index
      %swap3A_610 = tpu.vector_load %arg10[%swap3A] {strides = array<i32>} : memref<16xi32, #tpu.memory_space<vmem>>, vector<16xi32>,
      tpu.vector_store %arg10[%swap3A], %select_n3A_609 {strides = array<i32>} : memref<16xi32, #tpu.memory_space<vmem>>, vector<16xi32>,
      "tpu.region"() ({
        %run_scoped3A = tpu.sem_alloc : memref<!tpu.dma_semaphore, #tpu.memory_space<semaphore_mem>>
        tpu.enqueue_dma source(%arg10 : memref<16xi32, #tpu.memory_space<vmem>>) target(%arg3 : memref<16xi32, #tpu.memory_space<hbm>>) target_semaphore(%run_scoped3A : memref<!tpu.dma_semaphore, #tpu.memory_space<semaphore_mem>>)
        tpu.wait_dma2 semaphore(%run_scoped3A : memref<!tpu.dma_semaphore, #tpu.memory_space<semaphore_mem>>) src(%arg10 : memref<16xi32, #tpu.memory_space<vmem>>) dst(%arg3 : memref<16xi32, #tpu.memory_space<hbm>>)
        tpu.yield
      }) : () -> ()
    } else {
    }
    return
  }
}

module attributes {stable_mosaic.version = 14 : i64} {
  func.func @_mv_kernel(%arg0: i32, %arg1: memref<1x128xf32, #tpu.memory_space<vmem>>, %arg2: memref<16384x128xf32, #tpu.memory_space<vmem>>, %arg3: memref<1x16384xf32, #tpu.memory_space<vmem>>, %arg4: memref<1x16384xf32, #tpu.memory_space<vmem>>) attributes {dimension_semantics = [#tpu.dimension_semantics<arbitrary>], iteration_bounds = array<i64: 8>, scalar_prefetch = 0 : i64, scratch_operands = 0 : i64, tpu.core_type = #tpu.core_type<tc>, window_params = [{pipeline_mode = #tpu.pipeline_mode<synchronous>, transform_indices = @transform_0, window_bounds = array<i64: 1, 128>}, {transform_indices = @transform_1, window_bounds = array<i64: 16384, 128>}, {transform_indices = @transform_2, window_bounds = array<i64: 1, 16384>}, {transform_indices = @transform_3, window_bounds = array<i64: 1, 16384>}]} {
    %get3A = arith.constant 0 : index
    %get3A_0 = arith.constant 0 : index
    %get3A_1 = vector.load %arg1[%get3A, %get3A_0] : memref<1x128xf32, #tpu.memory_space<vmem>>, vector<1x128xf32>
    %get3A_2 = arith.constant 0 : index
    %get3A_3 = arith.constant 0 : index
    %get3A_4 = vector.load %arg2[%get3A_2, %get3A_3] : memref<16384x128xf32, #tpu.memory_space<vmem>>, vector<16384x128xf32>
    %dot_general3A = arith.constant dense<0.000000e+00> : vector<1x16384xf32>
    %dot_general3A_5 = tpu.matmul %get3A_1, %get3A_4, %dot_general3A {dimension_numbers = #tpu.dot_dimension_numbers<[1], [1], [0], [0], [0, 0, 1, 0], [], []>, transpose_lhs_hint = false} : vector<1x128xf32>, vector<16384x128xf32>, vector<1x16384xf32> -> vector<1x16384xf32>
    %get3A_6 = arith.constant 0 : index
    %get3A_7 = arith.constant 0 : index
    %get3A_8 = vector.load %arg3[%get3A_6, %get3A_7] : memref<1x16384xf32, #tpu.memory_space<vmem>>, vector<1x16384xf32>
    %add3A = arith.addf %dot_general3A_5, %get3A_8 : vector<1x16384xf32>
    %swap3A = arith.constant 0 : index
    %swap3A_9 = arith.constant 0 : index
    %swap3A_10 = vector.load %arg4[%swap3A, %swap3A_9] : memref<1x16384xf32, #tpu.memory_space<vmem>>, vector<1x16384xf32>
    tpu.vector_store %arg4[%swap3A, %swap3A_9], %add3A {strides = array<i32>} : memref<1x16384xf32, #tpu.memory_space<vmem>>, vector<1x16384xf32>,
    return
  }
  func.func @transform_0(%arg0: i32) -> (i32, i32) {
    %c0_i32 = arith.constant 0 : i32
    %c0_i32_0 = arith.constant 0 : i32
    %c0_i32_1 = arith.constant 0 : i32
    return %c0_i32, %c0_i32_0 : i32, i32
  }
  func.func @transform_1(%arg0: i32) -> (i32, i32) {
    %c0_i32 = arith.constant 0 : i32
    %c0_i32_0 = arith.constant 0 : i32
    return %arg0, %c0_i32 : i32, i32
  }
  func.func @transform_2(%arg0: i32) -> (i32, i32) {
    %c0_i32 = arith.constant 0 : i32
    %c0_i32_0 = arith.constant 0 : i32
    return %c0_i32, %arg0 : i32, i32
  }
  func.func @transform_3(%arg0: i32) -> (i32, i32) {
    %c0_i32 = arith.constant 0 : i32
    %c0_i32_0 = arith.constant 0 : i32
    return %c0_i32, %arg0 : i32, i32
  }
}

module attributes {stable_mosaic.version = 14 : i64} {
  func.func @_fc2_kernel(%arg0: i32, %arg1: memref<256x128xf32, #tpu.memory_space<vmem>>, %arg2: memref<16xi32, #tpu.memory_space<smem>>, %arg3: memref<4096x128xf32, #tpu.memory_space<vmem>>, %arg4: memref<1x4096xf32, #tpu.memory_space<vmem>>, %arg5: memref<256x4096xf32, #tpu.memory_space<vmem>>) attributes {dimension_semantics = [#tpu.dimension_semantics<arbitrary>], iteration_bounds = array<i64: 4>, scalar_prefetch = 0 : i64, scratch_operands = 0 : i64, tpu.core_type = #tpu.core_type<tc>, window_params = [{transform_indices = @transform_0, window_bounds = array<i64: 256, 128>}, {transform_indices = @transform_1, window_bounds = array<i64: 16>}, {pipeline_mode = #tpu.pipeline_mode<synchronous>, transform_indices = @transform_2, window_bounds = array<i64: 4096, 128>}, {pipeline_mode = #tpu.pipeline_mode<synchronous>, transform_indices = @transform_3, window_bounds = array<i64: 1, 4096>}, {transform_indices = @transform_4, window_bounds = array<i64: 256, 4096>}]} {
    %get3A = arith.constant 0 : index
    %get3A_0 = arith.constant 0 : index
    %get3A_1 = vector.load %arg1[%get3A, %get3A_0] : memref<256x128xf32, #tpu.memory_space<vmem>>, vector<256x128xf32>
    %get3A_2 = arith.constant 0 : index
    %get3A_3 = memref.load %arg2[%get3A_2] : memref<16xi32, #tpu.memory_space<smem>>
    %get3A_4 = arith.constant 1 : index
    %get3A_5 = memref.load %arg2[%get3A_4] : memref<16xi32, #tpu.memory_space<smem>>
    %bitcast_convert_type3A = tpu.bitcast %get3A_1 : vector<256x128xf32> -> vector<256x128xi32>
    %shift_right_arithmetic3A = arith.constant 31 : i32
    %shift_right_arithmetic3A_6 = vector.broadcast %shift_right_arithmetic3A : i32 to vector<256x128xi32>
    %shift_right_arithmetic3A_7 = arith.shrsi %bitcast_convert_type3A, %shift_right_arithmetic3A_6 : vector<256x128xi32>
    %and3A = arith.constant 2147483647 : i32
    %and3A_8 = vector.broadcast %and3A : i32 to vector<256x128xi32>
    %and3A_9 = arith.andi %shift_right_arithmetic3A_7, %and3A_8 : vector<256x128xi32>
    %xor3A = arith.xori %bitcast_convert_type3A, %and3A_9 : vector<256x128xi32>
    %iota3A = tpu.iota {dimensions = array<i32: 0>} : vector<256x128xi32>
    %iota3A_10 = tpu.iota {dimensions = array<i32: 1>} : vector<256x128xi32>
    %mul3A = arith.constant 256 : i32
    %mul3A_11 = arith.muli %arg0, %mul3A : i32
    %add3A = vector.broadcast %mul3A_11 : i32 to vector<256x128xi32>
    %add3A_12 = arith.addi %add3A, %iota3A : vector<256x128xi32>
    %mul3A_13 = arith.constant 128 : i32
    %mul3A_14 = vector.broadcast %mul3A_13 : i32 to vector<256x128xi32>
    %mul3A_15 = arith.muli %add3A_12, %mul3A_14 : vector<256x128xi32>
    %add3A_16 = arith.addi %mul3A_15, %iota3A_10 : vector<256x128xi32>
    %gt3A = vector.broadcast %get3A_3 : i32 to vector<256x128xi32>
    %gt3A_17 = arith.cmpi sgt, %xor3A, %gt3A : vector<256x128xi32>
    %eq3A = vector.broadcast %get3A_3 : i32 to vector<256x128xi32>
    %eq3A_18 = arith.cmpi eq, %xor3A, %eq3A : vector<256x128xi32>
    %le3A = vector.broadcast %get3A_5 : i32 to vector<256x128xi32>
    %le3A_19 = arith.cmpi sle, %add3A_16, %le3A : vector<256x128xi32>
    %and3A_20 = arith.andi %eq3A_18, %le3A_19 : vector<256x128xi1>
    %or3A = arith.ori %gt3A_17, %and3A_20 : vector<256x128xi1>
    %jit3A = arith.constant 0.000000e+00 : f32
    %broadcast_in_dim3A = vector.broadcast %jit3A : f32 to vector<256x128xf32>
    %select_n3A = arith.select %or3A, %get3A_1, %broadcast_in_dim3A : vector<256x128xi1>, vector<256x128xf32>
    %get3A_21 = arith.constant 0 : index
    %get3A_22 = arith.constant 0 : index
    %get3A_23 = vector.load %arg3[%get3A_21, %get3A_22] : memref<4096x128xf32, #tpu.memory_space<vmem>>, vector<4096x128xf32>
    %dot_general3A = arith.constant dense<0.000000e+00> : vector<256x4096xf32>
    %dot_general3A_24 = tpu.matmul %select_n3A, %get3A_23, %dot_general3A {dimension_numbers = #tpu.dot_dimension_numbers<[1], [1], [0], [0], [0, 0, 1, 0], [], []>, transpose_lhs_hint = false} : vector<256x128xf32>, vector<4096x128xf32>, vector<256x4096xf32> -> vector<256x4096xf32>
    %get3A_25 = arith.constant 0 : index
    %get3A_26 = arith.constant 0 : index
    %get3A_27 = vector.load %arg4[%get3A_25, %get3A_26] : memref<1x4096xf32, #tpu.memory_space<vmem>>, vector<1x4096xf32>
    %add3A_28 = vector.broadcast %get3A_27 : vector<1x4096xf32> to vector<256x4096xf32>
    %add3A_29 = arith.addf %dot_general3A_24, %add3A_28 : vector<256x4096xf32>
    %bitcast_convert_type3A_30 = tpu.bitcast %add3A_29 : vector<256x4096xf32> -> vector<256x4096xi32>
    %shift_right_arithmetic3A_31 = arith.constant 31 : i32
    %shift_right_arithmetic3A_32 = vector.broadcast %shift_right_arithmetic3A_31 : i32 to vector<256x4096xi32>
    %shift_right_arithmetic3A_33 = arith.shrsi %bitcast_convert_type3A_30, %shift_right_arithmetic3A_32 : vector<256x4096xi32>
    %and3A_34 = arith.constant 2147483647 : i32
    %and3A_35 = vector.broadcast %and3A_34 : i32 to vector<256x4096xi32>
    %and3A_36 = arith.andi %shift_right_arithmetic3A_33, %and3A_35 : vector<256x4096xi32>
    %xor3A_37 = arith.xori %bitcast_convert_type3A_30, %and3A_36 : vector<256x4096xi32>
    %iota3A_38 = tpu.iota {dimensions = array<i32: 1>} : vector<256x4096xi32>
    %reduce_sum3A = arith.constant dense<0.000000e+00> : vector<256xf32>
    %reduce_sum3A_39 = vector.multi_reduction <add>, %add3A_29, %reduce_sum3A [1] : vector<256x4096xf32> to vector<256xf32>
    %broadcast_in_dim3A_40 = vector.shape_cast %reduce_sum3A_39 : vector<256xf32> to vector<256x1xf32>
    %mul3A_41 = arith.constant 2.44140625E-4 : f32
    %mul3A_42 = vector.broadcast %mul3A_41 : f32 to vector<256x1xf32>
    %mul3A_43 = arith.mulf %broadcast_in_dim3A_40, %mul3A_42 : vector<256x1xf32>
    %mul3A_44 = arith.mulf %add3A_29, %add3A_29 : vector<256x4096xf32>
    %reduce_sum3A_45 = arith.constant dense<0.000000e+00> : vector<256xf32>
    %reduce_sum3A_46 = vector.multi_reduction <add>, %mul3A_44, %reduce_sum3A_45 [1] : vector<256x4096xf32> to vector<256xf32>
    %broadcast_in_dim3A_47 = vector.shape_cast %reduce_sum3A_46 : vector<256xf32> to vector<256x1xf32>
    %mul3A_48 = arith.constant 2.44140625E-4 : f32
    %mul3A_49 = vector.broadcast %mul3A_48 : f32 to vector<256x1xf32>
    %mul3A_50 = arith.mulf %broadcast_in_dim3A_47, %mul3A_49 : vector<256x1xf32>
    %mul3A_51 = arith.mulf %mul3A_43, %mul3A_43 : vector<256x1xf32>
    %sub3A = arith.subf %mul3A_50, %mul3A_51 : vector<256x1xf32>
    %max3A = arith.constant 0.000000e+00 : f32
    %max3A_52 = vector.broadcast %max3A : f32 to vector<256x1xf32>
    %max3A_53 = arith.maximumf %sub3A, %max3A_52 : vector<256x1xf32>
    %sqrt3A = math.sqrt %max3A_53 : vector<256x1xf32>
    %mul3A_54 = arith.constant 8.416000e-01 : f32
    %mul3A_55 = vector.broadcast %mul3A_54 : f32 to vector<256x1xf32>
    %mul3A_56 = arith.mulf %mul3A_55, %sqrt3A : vector<256x1xf32>
    %add3A_57 = arith.addf %mul3A_43, %mul3A_56 : vector<256x1xf32>
    %bitcast_convert_type3A_58 = tpu.bitcast %add3A_57 : vector<256x1xf32> -> vector<256x1xi32>
    %shift_right_arithmetic3A_59 = arith.constant 31 : i32
    %shift_right_arithmetic3A_60 = vector.broadcast %shift_right_arithmetic3A_59 : i32 to vector<256x1xi32>
    %shift_right_arithmetic3A_61 = arith.shrsi %bitcast_convert_type3A_58, %shift_right_arithmetic3A_60 : vector<256x1xi32>
    %and3A_62 = arith.constant 2147483647 : i32
    %and3A_63 = vector.broadcast %and3A_62 : i32 to vector<256x1xi32>
    %and3A_64 = arith.andi %shift_right_arithmetic3A_61, %and3A_63 : vector<256x1xi32>
    %xor3A_65 = arith.xori %bitcast_convert_type3A_58, %and3A_64 : vector<256x1xi32>
    %mul3A_66 = arith.constant 8.71930795E-4 : f32
    %mul3A_67 = vector.broadcast %mul3A_66 : f32 to vector<256x1xf32>
    %mul3A_68 = arith.mulf %sqrt3A, %mul3A_67 : vector<256x1xf32>
    %reduce_min3A = arith.constant dense<2147483647> : vector<256xi32>
    %reduce_min3A_69 = vector.multi_reduction <minsi>, %xor3A_37, %reduce_min3A [1] : vector<256x4096xi32> to vector<256xi32>
    %broadcast_in_dim3A_70 = vector.shape_cast %reduce_min3A_69 : vector<256xi32> to vector<256x1xi32>
    %sub3A_71 = arith.constant 1 : i32
    %sub3A_72 = vector.broadcast %sub3A_71 : i32 to vector<256x1xi32>
    %sub3A_73 = arith.subi %broadcast_in_dim3A_70, %sub3A_72 : vector<256x1xi32>
    %reduce_max3A = arith.constant dense<-2147483648> : vector<256xi32>
    %reduce_max3A_74 = vector.multi_reduction <maxsi>, %xor3A_37, %reduce_max3A [1] : vector<256x4096xi32> to vector<256xi32>
    %broadcast_in_dim3A_75 = vector.shape_cast %reduce_max3A_74 : vector<256xi32> to vector<256x1xi32>
    %broadcast_in_dim3A_76 = arith.constant 4096 : i32
    %broadcast_in_dim3A_77 = vector.broadcast %broadcast_in_dim3A_76 : i32 to vector<256x1xi32>
    %broadcast_in_dim3A_78 = arith.constant 0 : i32
    %broadcast_in_dim3A_79 = vector.broadcast %broadcast_in_dim3A_78 : i32 to vector<256x1xi32>
    %add3A_80 = arith.constant 1 : i32
    %add3A_81 = vector.broadcast %add3A_80 : i32 to vector<256x1xi32>
    %add3A_82 = arith.addi %sub3A_73, %add3A_81 : vector<256x1xi32>
    %eq3A_83 = arith.cmpi eq, %add3A_82, %broadcast_in_dim3A_75 : vector<256x1xi32>
    %convert_element_type3A = arith.extui %eq3A_83 : vector<256x1xi1> to vector<256x1xi32>
    %while3A = arith.constant 8.190000e+02 : f32
    %while3A_84 = arith.constant 1 : i32
    %while3A_85 = arith.constant 0 : i32
    %while3A_86:7 = scf.while (%while3A_128 = %while3A_85, %while3A_129 = %convert_element_type3A, %while3A_130 = %sub3A_73, %while3A_131 = %broadcast_in_dim3A_75, %while3A_132 = %broadcast_in_dim3A_77, %while3A_133 = %broadcast_in_dim3A_79, %while3A_134 = %broadcast_in_dim3A_75) : (i32, vector<256x1xi32>, vector<256x1xi32>, vector<256x1xi32>, vector<256x1xi32>, vector<256x1xi32>, vector<256x1xi32>) -> (i32, vector<256x1xi32>, vector<256x1xi32>, vector<256x1xi32>, vector<256x1xi32>, vector<256x1xi32>, vector<256x1xi32>) {
      %lt3A = arith.constant 160 : i32
      %lt3A_135 = arith.cmpi slt, %while3A_128, %lt3A : i32
      %reduce_min3A_136 = vector.shape_cast %while3A_129 : vector<256x1xi32> to vector<1x256x1xi32>
      %reduce_min3A_137 = arith.constant dense<2147483647> : vector<1xi32>
      %reduce_min3A_138 = vector.multi_reduction <minsi>, %reduce_min3A_136, %reduce_min3A_137 [1, 2] : vector<1x256x1xi32> to vector<1xi32>
      %reduce_min3A_139 = vector.shape_cast %reduce_min3A_138 : vector<1xi32> to vector<1x1x1xi32>
      %reduce_min3A_140 = vector.extract %reduce_min3A_139[0, 0, 0] : i32 from vector<1x1x1xi32>
      %eq3A_141 = arith.constant 0 : i32
      %eq3A_142 = arith.cmpi eq, %reduce_min3A_140, %eq3A_141 : i32
      %and3A_143 = arith.andi %lt3A_135, %eq3A_142 : i1
      scf.condition(%and3A_143) %while3A_128, %while3A_129, %while3A_130, %while3A_131, %while3A_132, %while3A_133, %while3A_134 : i32, vector<256x1xi32>, vector<256x1xi32>, vector<256x1xi32>, vector<256x1xi32>, vector<256x1xi32>, vector<256x1xi32>
    } do {
    ^bb0(%while3A_128: i32, %while3A_129: vector<256x1xi32>, %while3A_130: vector<256x1xi32>, %while3A_131: vector<256x1xi32>, %while3A_132: vector<256x1xi32>, %while3A_133: vector<256x1xi32>, %while3A_134: vector<256x1xi32>):
      %shift_right_arithmetic3A_135 = arith.constant 31 : i32
      %shift_right_arithmetic3A_136 = vector.broadcast %shift_right_arithmetic3A_135 : i32 to vector<256x1xi32>
      %shift_right_arithmetic3A_137 = arith.shrsi %while3A_130, %shift_right_arithmetic3A_136 : vector<256x1xi32>
      %and3A_138 = arith.constant 2147483647 : i32
      %and3A_139 = vector.broadcast %and3A_138 : i32 to vector<256x1xi32>
      %and3A_140 = arith.andi %shift_right_arithmetic3A_137, %and3A_139 : vector<256x1xi32>
      %xor3A_141 = arith.xori %while3A_130, %and3A_140 : vector<256x1xi32>
      %bitcast_convert_type3A_142 = tpu.bitcast %xor3A_141 : vector<256x1xi32> -> vector<256x1xf32>
      %shift_right_arithmetic3A_143 = arith.constant 31 : i32
      %shift_right_arithmetic3A_144 = vector.broadcast %shift_right_arithmetic3A_143 : i32 to vector<256x1xi32>
      %shift_right_arithmetic3A_145 = arith.shrsi %while3A_131, %shift_right_arithmetic3A_144 : vector<256x1xi32>
      %and3A_146 = arith.constant 2147483647 : i32
      %and3A_147 = vector.broadcast %and3A_146 : i32 to vector<256x1xi32>
      %and3A_148 = arith.andi %shift_right_arithmetic3A_145, %and3A_147 : vector<256x1xi32>
      %xor3A_149 = arith.xori %while3A_131, %and3A_148 : vector<256x1xi32>
      %bitcast_convert_type3A_150 = tpu.bitcast %xor3A_149 : vector<256x1xi32> -> vector<256x1xf32>
      %sub3A_151 = arith.subi %while3A_132, %while3A_133 : vector<256x1xi32>
      %convert_element_type3A_152 = arith.sitofp %sub3A_151 : vector<256x1xi32> to vector<256x1xf32>
      %max3A_153 = arith.constant 1.000000e+00 : f32
      %max3A_154 = vector.broadcast %max3A_153 : f32 to vector<256x1xf32>
      %max3A_155 = arith.maximumf %convert_element_type3A_152, %max3A_154 : vector<256x1xf32>
      %convert_element_type3A_156 = arith.sitofp %while3A_132 : vector<256x1xi32> to vector<256x1xf32>
      %sub3A_157 = vector.broadcast %while3A : f32 to vector<256x1xf32>
      %sub3A_158 = arith.subf %convert_element_type3A_156, %sub3A_157 : vector<256x1xf32>
      %div3A = arith.divf %sub3A_158, %max3A_155 : vector<256x1xf32>
      %sub3A_159 = arith.subf %bitcast_convert_type3A_150, %bitcast_convert_type3A_142 : vector<256x1xf32>
      %mul3A_160 = arith.mulf %sub3A_159, %div3A : vector<256x1xf32>
      %add3A_161 = arith.addf %bitcast_convert_type3A_142, %mul3A_160 : vector<256x1xf32>
      %bitcast_convert_type3A_162 = tpu.bitcast %add3A_161 : vector<256x1xf32> -> vector<256x1xi32>
      %shift_right_arithmetic3A_163 = arith.constant 31 : i32
      %shift_right_arithmetic3A_164 = vector.broadcast %shift_right_arithmetic3A_163 : i32 to vector<256x1xi32>
      %shift_right_arithmetic3A_165 = arith.shrsi %bitcast_convert_type3A_162, %shift_right_arithmetic3A_164 : vector<256x1xi32>
      %and3A_166 = arith.constant 2147483647 : i32
      %and3A_167 = vector.broadcast %and3A_166 : i32 to vector<256x1xi32>
      %and3A_168 = arith.andi %shift_right_arithmetic3A_165, %and3A_167 : vector<256x1xi32>
      %xor3A_169 = arith.xori %bitcast_convert_type3A_162, %and3A_168 : vector<256x1xi32>
      %jit3A_170 = arith.constant 4 : i32
      %eq3A_171 = arith.constant 0 : i32
      %eq3A_172 = arith.cmpi eq, %jit3A_170, %eq3A_171 : i32
      %jit3A_173 = arith.constant 1 : i32
      %select_n3A_174 = arith.select %eq3A_172, %jit3A_173, %jit3A_170 : i32
      %rem3A = arith.remsi %while3A_128, %select_n3A_174 : i32
      %ne3A_175 = arith.constant 0 : i32
      %ne3A_176 = arith.cmpi ne, %rem3A, %ne3A_175 : i32
      %lt3A = arith.constant 0 : i32
      %lt3A_177 = arith.cmpi slt, %rem3A, %lt3A : i32
      %lt3A_178 = arith.constant 0 : i32
      %lt3A_179 = arith.cmpi slt, %select_n3A_174, %lt3A_178 : i32
      %ne3A_180 = arith.xori %lt3A_177, %lt3A_179 : i1
      %and3A_181 = arith.andi %ne3A_180, %ne3A_176 : i1
      %add3A_182 = arith.addi %rem3A, %select_n3A_174 : i32
      %select_n3A_183 = arith.select %and3A_181, %add3A_182, %rem3A : i32
      %eq3A_184 = arith.constant 3 : i32
      %eq3A_185 = arith.cmpi eq, %select_n3A_183, %eq3A_184 : i32
      %shift_right_arithmetic3A_186 = arith.constant 1 : i32
      %shift_right_arithmetic3A_187 = vector.broadcast %shift_right_arithmetic3A_186 : i32 to vector<256x1xi32>
      %shift_right_arithmetic3A_188 = arith.shrsi %while3A_130, %shift_right_arithmetic3A_187 : vector<256x1xi32>
      %shift_right_arithmetic3A_189 = arith.constant 1 : i32
      %shift_right_arithmetic3A_190 = vector.broadcast %shift_right_arithmetic3A_189 : i32 to vector<256x1xi32>
      %shift_right_arithmetic3A_191 = arith.shrsi %while3A_131, %shift_right_arithmetic3A_190 : vector<256x1xi32>
      %add3A_192 = arith.addi %shift_right_arithmetic3A_188, %shift_right_arithmetic3A_191 : vector<256x1xi32>
      %and3A_193 = arith.andi %while3A_130, %while3A_131 : vector<256x1xi32>
      %and3A_194 = arith.constant 1 : i32
      %and3A_195 = vector.broadcast %and3A_194 : i32 to vector<256x1xi32>
      %and3A_196 = arith.andi %and3A_193, %and3A_195 : vector<256x1xi32>
      %add3A_197 = arith.addi %add3A_192, %and3A_196 : vector<256x1xi32>
      %select_n3A_198 = arith.select %eq3A_185, %add3A_197, %xor3A_169 : vector<256x1xi32>
      %eq3A_199 = arith.constant 0 : i32
      %eq3A_200 = arith.cmpi eq, %while3A_128, %eq3A_199 : i32
      %select_n3A_201 = arith.select %eq3A_200, %xor3A_65, %select_n3A_198 : vector<256x1xi32>
      %eq3A_202 = arith.constant 1 : i32
      %eq3A_203 = arith.cmpi eq, %while3A_128, %eq3A_202 : i32
      %eq3A_204 = arith.constant 4096 : i32
      %eq3A_205 = vector.broadcast %eq3A_204 : i32 to vector<256x1xi32>
      %eq3A_206 = arith.cmpi eq, %while3A_132, %eq3A_205 : vector<256x1xi32>
      %select_n3A_207 = arith.select %eq3A_206, %while3A_131, %while3A_130 : vector<256x1xi1>, vector<256x1xi32>
      %select_n3A_208 = arith.select %eq3A_203, %select_n3A_207, %select_n3A_201 : vector<256x1xi32>
      %shift_right_arithmetic3A_209 = arith.constant 31 : i32
      %shift_right_arithmetic3A_210 = vector.broadcast %shift_right_arithmetic3A_209 : i32 to vector<256x1xi32>
      %shift_right_arithmetic3A_211 = arith.shrsi %select_n3A_208, %shift_right_arithmetic3A_210 : vector<256x1xi32>
      %and3A_212 = arith.constant 2147483647 : i32
      %and3A_213 = vector.broadcast %and3A_212 : i32 to vector<256x1xi32>
      %and3A_214 = arith.andi %shift_right_arithmetic3A_211, %and3A_213 : vector<256x1xi32>
      %xor3A_215 = arith.xori %select_n3A_208, %and3A_214 : vector<256x1xi32>
      %bitcast_convert_type3A_216 = tpu.bitcast %xor3A_215 : vector<256x1xi32> -> vector<256x1xf32>
      %eq3A_217 = arith.constant 4096 : i32
      %eq3A_218 = vector.broadcast %eq3A_217 : i32 to vector<256x1xi32>
      %eq3A_219 = arith.cmpi eq, %while3A_132, %eq3A_218 : vector<256x1xi32>
      %select_n3A_220 = arith.select %eq3A_219, %while3A_133, %while3A_132 : vector<256x1xi1>, vector<256x1xi32>
      %convert_element_type3A_221 = arith.sitofp %select_n3A_220 : vector<256x1xi32> to vector<256x1xf32>
      %eq3A_222 = arith.constant 1 : i32
      %eq3A_223 = arith.cmpi eq, %while3A_128, %eq3A_222 : i32
      %sub3A_224 = vector.broadcast %while3A : f32 to vector<256x1xf32>
      %sub3A_225 = arith.subf %convert_element_type3A_221, %sub3A_224 : vector<256x1xf32>
      %mul3A_226 = arith.mulf %sub3A_225, %mul3A_68 : vector<256x1xf32>
      %add3A_227 = arith.addf %bitcast_convert_type3A_216, %mul3A_226 : vector<256x1xf32>
      %bitcast_convert_type3A_228 = tpu.bitcast %add3A_227 : vector<256x1xf32> -> vector<256x1xi32>
      %shift_right_arithmetic3A_229 = arith.constant 31 : i32
      %shift_right_arithmetic3A_230 = vector.broadcast %shift_right_arithmetic3A_229 : i32 to vector<256x1xi32>
      %shift_right_arithmetic3A_231 = arith.shrsi %bitcast_convert_type3A_228, %shift_right_arithmetic3A_230 : vector<256x1xi32>
      %and3A_232 = arith.constant 2147483647 : i32
      %and3A_233 = vector.broadcast %and3A_232 : i32 to vector<256x1xi32>
      %and3A_234 = arith.andi %shift_right_arithmetic3A_231, %and3A_233 : vector<256x1xi32>
      %xor3A_235 = arith.xori %bitcast_convert_type3A_228, %and3A_234 : vector<256x1xi32>
      %select_n3A_236 = arith.select %eq3A_223, %xor3A_235, %select_n3A_201 : vector<256x1xi32>
      %add3A_237 = vector.broadcast %while3A_84 : i32 to vector<256x1xi32>
      %add3A_238 = arith.addi %while3A_130, %add3A_237 : vector<256x1xi32>
      %sub3A_239 = vector.broadcast %while3A_84 : i32 to vector<256x1xi32>
      %sub3A_240 = arith.subi %while3A_131, %sub3A_239 : vector<256x1xi32>
      %max3A_241 = arith.maxsi %add3A_238, %select_n3A_236 : vector<256x1xi32>
      %min3A = arith.minsi %sub3A_240, %max3A_241 : vector<256x1xi32>
      %gt3A_242 = vector.broadcast %min3A : vector<256x1xi32> to vector<256x4096xi32>
      %gt3A_243 = arith.cmpi sgt, %xor3A_37, %gt3A_242 : vector<256x4096xi32>
      %convert_element_type3A_244 = arith.extui %gt3A_243 : vector<256x4096xi1> to vector<256x4096xi32>
      %reduce_sum3A_245 = arith.constant dense<0> : vector<256xi32>
      %reduce_sum3A_246 = vector.multi_reduction <add>, %convert_element_type3A_244, %reduce_sum3A_245 [1] : vector<256x4096xi32> to vector<256xi32>
      %broadcast_in_dim3A_247 = vector.shape_cast %reduce_sum3A_246 : vector<256xi32> to vector<256x1xi32>
      %eq3A_248 = arith.constant 819 : i32
      %eq3A_249 = vector.broadcast %eq3A_248 : i32 to vector<256x1xi32>
      %eq3A_250 = arith.cmpi eq, %broadcast_in_dim3A_247, %eq3A_249 : vector<256x1xi32>
      %ge3A = arith.constant 819 : i32
      %ge3A_251 = vector.broadcast %ge3A : i32 to vector<256x1xi32>
      %ge3A_252 = arith.cmpi sge, %broadcast_in_dim3A_247, %ge3A_251 : vector<256x1xi32>
      %select_n3A_253 = arith.select %ge3A_252, %min3A, %while3A_130 : vector<256x1xi1>, vector<256x1xi32>
      %select_n3A_254 = arith.select %ge3A_252, %broadcast_in_dim3A_247, %while3A_132 : vector<256x1xi1>, vector<256x1xi32>
      %select_n3A_255 = arith.select %ge3A_252, %while3A_131, %min3A : vector<256x1xi1>, vector<256x1xi32>
      %select_n3A_256 = arith.select %ge3A_252, %while3A_133, %broadcast_in_dim3A_247 : vector<256x1xi1>, vector<256x1xi32>
      %add3A_257 = vector.broadcast %while3A_84 : i32 to vector<256x1xi32>
      %add3A_258 = arith.addi %select_n3A_253, %add3A_257 : vector<256x1xi32>
      %eq3A_259 = arith.cmpi eq, %select_n3A_255, %add3A_258 : vector<256x1xi32>
      %ne3A_260 = arith.constant 0 : i32
      %ne3A_261 = vector.broadcast %ne3A_260 : i32 to vector<256x1xi32>
      %ne3A_262 = arith.cmpi ne, %while3A_129, %ne3A_261 : vector<256x1xi32>
      %or3A_263 = arith.ori %ne3A_262, %eq3A_250 : vector<256x1xi1>
      %or3A_264 = arith.ori %or3A_263, %eq3A_259 : vector<256x1xi1>
      %broadcast_in_dim3A_265 = vector.broadcast %while3A_84 : i32 to vector<256x1xi32>
      %select_n3A_266 = arith.select %or3A_264, %broadcast_in_dim3A_265, %while3A_129 : vector<256x1xi1>, vector<256x1xi32>
      %select_n3A_267 = arith.select %eq3A_250, %min3A, %select_n3A_255 : vector<256x1xi1>, vector<256x1xi32>
      %select_n3A_268 = arith.select %ne3A_262, %while3A_134, %select_n3A_267 : vector<256x1xi1>, vector<256x1xi32>
      %select_n3A_269 = arith.select %ne3A_262, %while3A_130, %select_n3A_253 : vector<256x1xi1>, vector<256x1xi32>
      %select_n3A_270 = arith.select %ne3A_262, %while3A_131, %select_n3A_255 : vector<256x1xi1>, vector<256x1xi32>
      %select_n3A_271 = arith.select %ne3A_262, %while3A_132, %select_n3A_254 : vector<256x1xi1>, vector<256x1xi32>
      %select_n3A_272 = arith.select %ne3A_262, %while3A_133, %select_n3A_256 : vector<256x1xi1>, vector<256x1xi32>
      %add3A_273 = arith.addi %while3A_128, %while3A_84 : i32
      scf.yield %add3A_273, %select_n3A_266, %select_n3A_269, %select_n3A_270, %select_n3A_271, %select_n3A_272, %select_n3A_268 : i32, vector<256x1xi32>, vector<256x1xi32>, vector<256x1xi32>, vector<256x1xi32>, vector<256x1xi32>, vector<256x1xi32>
    }
    %gt3A_87 = vector.broadcast %while3A_86#6 : vector<256x1xi32> to vector<256x4096xi32>
    %gt3A_88 = arith.cmpi sgt, %xor3A_37, %gt3A_87 : vector<256x4096xi32>
    %convert_element_type3A_89 = arith.extui %gt3A_88 : vector<256x4096xi1> to vector<256x4096xi32>
    %reduce_sum3A_90 = arith.constant dense<0> : vector<256xi32>
    %reduce_sum3A_91 = vector.multi_reduction <add>, %convert_element_type3A_89, %reduce_sum3A_90 [1] : vector<256x4096xi32> to vector<256xi32>
    %broadcast_in_dim3A_92 = vector.shape_cast %reduce_sum3A_91 : vector<256xi32> to vector<256x1xi32>
    %ne3A = arith.constant 819 : i32
    %ne3A_93 = vector.broadcast %ne3A : i32 to vector<256x1xi32>
    %ne3A_94 = arith.cmpi ne, %broadcast_in_dim3A_92, %ne3A_93 : vector<256x1xi32>
    %sub3A_95 = arith.constant 819 : i32
    %sub3A_96 = vector.broadcast %sub3A_95 : i32 to vector<256x1xi32>
    %sub3A_97 = arith.subi %sub3A_96, %broadcast_in_dim3A_92 : vector<256x1xi32>
    %eq3A_98 = vector.broadcast %while3A_86#6 : vector<256x1xi32> to vector<256x4096xi32>
    %eq3A_99 = arith.cmpi eq, %xor3A_37, %eq3A_98 : vector<256x4096xi32>
    %convert_element_type3A_100 = arith.extui %eq3A_99 : vector<256x4096xi1> to vector<256x4096xi32>
    %reduce_sum3A_101 = arith.constant dense<0> : vector<256xi32>
    %reduce_sum3A_102 = vector.multi_reduction <add>, %convert_element_type3A_100, %reduce_sum3A_101 [1] : vector<256x4096xi32> to vector<256xi32>
    %broadcast_in_dim3A_103 = vector.shape_cast %reduce_sum3A_102 : vector<256xi32> to vector<256x1xi32>
    %broadcast_in_dim3A_104 = arith.constant -1 : i32
    %broadcast_in_dim3A_105 = vector.broadcast %broadcast_in_dim3A_104 : i32 to vector<256x1xi32>
    %broadcast_in_dim3A_106 = arith.constant 4095 : i32
    %broadcast_in_dim3A_107 = vector.broadcast %broadcast_in_dim3A_106 : i32 to vector<256x1xi32>
    %ne3A_108 = arith.cmpi ne, %broadcast_in_dim3A_103, %sub3A_97 : vector<256x1xi32>
    %and3A_109 = arith.andi %ne3A_94, %ne3A_108 : vector<256x1xi1>
    %convert_element_type3A_110 = arith.extui %and3A_109 : vector<256x1xi1> to vector<256x1xi32>
    %while3A_111 = arith.constant 1 : i32
    %while3A_112:3 = scf.while (%while3A_128 = %convert_element_type3A_110, %while3A_129 = %broadcast_in_dim3A_105, %while3A_130 = %broadcast_in_dim3A_107) : (vector<256x1xi32>, vector<256x1xi32>, vector<256x1xi32>) -> (vector<256x1xi32>, vector<256x1xi32>, vector<256x1xi32>) {
      %reduce_max3A_131 = vector.shape_cast %while3A_128 : vector<256x1xi32> to vector<1x256x1xi32>
      %reduce_max3A_132 = arith.constant dense<-2147483648> : vector<1xi32>
      %reduce_max3A_133 = vector.multi_reduction <maxsi>, %reduce_max3A_131, %reduce_max3A_132 [1, 2] : vector<1x256x1xi32> to vector<1xi32>
      %reduce_max3A_134 = vector.shape_cast %reduce_max3A_133 : vector<1xi32> to vector<1x1x1xi32>
      %reduce_max3A_135 = vector.extract %reduce_max3A_134[0, 0, 0] : i32 from vector<1x1x1xi32>
      %ne3A_136 = arith.constant 0 : i32
      %ne3A_137 = arith.cmpi ne, %reduce_max3A_135, %ne3A_136 : i32
      scf.condition(%ne3A_137) %while3A_128, %while3A_129, %while3A_130 : vector<256x1xi32>, vector<256x1xi32>, vector<256x1xi32>
    } do {
    ^bb0(%while3A_128: vector<256x1xi32>, %while3A_129: vector<256x1xi32>, %while3A_130: vector<256x1xi32>):
      %ne3A_131 = arith.constant 0 : i32
      %ne3A_132 = vector.broadcast %ne3A_131 : i32 to vector<256x1xi32>
      %ne3A_133 = arith.cmpi ne, %while3A_128, %ne3A_132 : vector<256x1xi32>
      %add3A_134 = arith.addi %while3A_129, %while3A_130 : vector<256x1xi32>
      %shift_right_arithmetic3A_135 = arith.constant 1 : i32
      %shift_right_arithmetic3A_136 = vector.broadcast %shift_right_arithmetic3A_135 : i32 to vector<256x1xi32>
      %shift_right_arithmetic3A_137 = arith.shrsi %add3A_134, %shift_right_arithmetic3A_136 : vector<256x1xi32>
      %le3A_138 = vector.broadcast %shift_right_arithmetic3A_137 : vector<256x1xi32> to vector<256x4096xi32>
      %le3A_139 = arith.cmpi sle, %iota3A_38, %le3A_138 : vector<256x4096xi32>
      %and3A_140 = arith.andi %eq3A_99, %le3A_139 : vector<256x4096xi1>
      %convert_element_type3A_141 = arith.extui %and3A_140 : vector<256x4096xi1> to vector<256x4096xi32>
      %reduce_sum3A_142 = arith.constant dense<0> : vector<256xi32>
      %reduce_sum3A_143 = vector.multi_reduction <add>, %convert_element_type3A_141, %reduce_sum3A_142 [1] : vector<256x4096xi32> to vector<256xi32>
      %broadcast_in_dim3A_144 = vector.shape_cast %reduce_sum3A_143 : vector<256xi32> to vector<256x1xi32>
      %ge3A = arith.cmpi sge, %broadcast_in_dim3A_144, %sub3A_97 : vector<256x1xi32>
      %and3A_145 = arith.andi %ne3A_133, %ge3A : vector<256x1xi1>
      %select_n3A_146 = arith.select %and3A_145, %shift_right_arithmetic3A_137, %while3A_130 : vector<256x1xi1>, vector<256x1xi32>
      %not3A = arith.constant dense<true> : vector<256x1xi1>
      %not3A_147 = arith.xori %ge3A, %not3A : vector<256x1xi1>
      %and3A_148 = arith.andi %ne3A_133, %not3A_147 : vector<256x1xi1>
      %select_n3A_149 = arith.select %and3A_148, %shift_right_arithmetic3A_137, %while3A_129 : vector<256x1xi1>, vector<256x1xi32>
      %add3A_150 = vector.broadcast %while3A_111 : i32 to vector<256x1xi32>
      %add3A_151 = arith.addi %select_n3A_149, %add3A_150 : vector<256x1xi32>
      %ne3A_152 = arith.cmpi ne, %select_n3A_146, %add3A_151 : vector<256x1xi32>
      %and3A_153 = arith.andi %ne3A_133, %ne3A_152 : vector<256x1xi1>
      %jit3A_154 = arith.constant 0 : i32
      %broadcast_in_dim3A_155 = vector.broadcast %jit3A_154 : i32 to vector<256x1xi32>
      %select_n3A_156 = arith.select %and3A_153, %while3A_128, %broadcast_in_dim3A_155 : vector<256x1xi1>, vector<256x1xi32>
      scf.yield %select_n3A_156, %select_n3A_149, %select_n3A_146 : vector<256x1xi32>, vector<256x1xi32>, vector<256x1xi32>
    }
    %neg3A = arith.constant 0 : i32
    %neg3A_113 = arith.constant 1 : i32
    %neg3A_114 = arith.subi %neg3A, %neg3A_113 : i32
    %broadcast_in_dim3A_115 = vector.broadcast %neg3A_114 : i32 to vector<256x1xi32>
    %select_n3A_116 = arith.select %ne3A_94, %while3A_112#2, %broadcast_in_dim3A_115 : vector<256x1xi1>, vector<256x1xi32>
    %gt3A_117 = vector.broadcast %while3A_86#6 : vector<256x1xi32> to vector<256x4096xi32>
    %gt3A_118 = arith.cmpi sgt, %xor3A_37, %gt3A_117 : vector<256x4096xi32>
    %le3A_119 = vector.broadcast %select_n3A_116 : vector<256x1xi32> to vector<256x4096xi32>
    %le3A_120 = arith.cmpi sle, %iota3A_38, %le3A_119 : vector<256x4096xi32>
    %and3A_121 = arith.andi %eq3A_99, %le3A_120 : vector<256x4096xi1>
    %or3A_122 = arith.ori %gt3A_118, %and3A_121 : vector<256x4096xi1>
    %jit3A_123 = arith.constant 0.000000e+00 : f32
    %broadcast_in_dim3A_124 = vector.broadcast %jit3A_123 : f32 to vector<256x4096xf32>
    %select_n3A_125 = arith.select %or3A_122, %add3A_29, %broadcast_in_dim3A_124 : vector<256x4096xi1>, vector<256x4096xf32>
    %swap3A = arith.constant 0 : index
    %swap3A_126 = arith.constant 0 : index
    %swap3A_127 = vector.load %arg5[%swap3A, %swap3A_126] : memref<256x4096xf32, #tpu.memory_space<vmem>>, vector<256x4096xf32>
    tpu.vector_store %arg5[%swap3A, %swap3A_126], %select_n3A_125 {strides = array<i32>} : memref<256x4096xf32, #tpu.memory_space<vmem>>, vector<256x4096xf32>,
    return
  }
  func.func @transform_0(%arg0: i32) -> (i32, i32) {
    %c0_i32 = arith.constant 0 : i32
    %c0_i32_0 = arith.constant 0 : i32
    return %arg0, %c0_i32 : i32, i32
  }
  func.func @transform_1(%arg0: i32) -> i32 {
    %c0_i32 = arith.constant 0 : i32
    %c0_i32_0 = arith.constant 0 : i32
    return %c0_i32 : i32
  }
  func.func @transform_2(%arg0: i32) -> (i32, i32) {
    %c0_i32 = arith.constant 0 : i32
    %c0_i32_0 = arith.constant 0 : i32
    %c0_i32_1 = arith.constant 0 : i32
    return %c0_i32, %c0_i32_0 : i32, i32
  }
  func.func @transform_3(%arg0: i32) -> (i32, i32) {
    %c0_i32 = arith.constant 0 : i32
    %c0_i32_0 = arith.constant 0 : i32
    %c0_i32_1 = arith.constant 0 : i32
    return %c0_i32, %c0_i32_0 : i32, i32
  }
  func.func @transform_4(%arg0: i32) -> (i32, i32) {
    %c0_i32 = arith.constant 0 : i32
    %c0_i32_0 = arith.constant 0 : i32
    return %arg0, %c0_i32 : i32, i32
  }
}

</mosaic_0001>

<sc_bundles>
// kernel: kernel.5.cloned.1.call-start
scs
__scs_entry_jumppad:
0x0: {  	(pc) =	sbr.rel $0x88, $3  }
0x1: {  	(tag) =	ssettag $0x0;
	lr =	simm.s32 $0x1  }
0x2: {  	[smem:$0x3F9C] =	sst lr;
	_ =	strace $0xD0000000  }
0x3: {  	_ = 	snop  }
0x4: {  	_ = 	snop  }
0x5: {  	_ = 	snop  }
0x6: {  	_ = 	snop  }
0x7: {  	_ = 	snop  }
__scs_overlays_trampoline_lowered:
0x8: {  	[smem:$0x3FAB] =	sst s0  }
0x9: {  	[smem:$0x3FAC] =	sst s1  }
0xa: {  	[smem:$0x3FAD] =	sst s2  }
0xb: {  	[smem:$0x3FAE] =	sst s3  }
0xc: {  	[smem:$0x3FAF] =	sst s4  }
0xd: {  	[smem:$0x3FB0] =	sst s5  }
0xe: {  	[smem:$0x3FB1] =	sst s6  }
0xf: {  	[smem:$0x3FB2] =	sst s7  }
0x10: {  	[smem:$0x3FB3] =	sst s8  }
0x11: {  	[smem:$0x3FB4] =	sst s9;
	s0 =	simm.s32 @!p0 $0x0  }
0x12: {  	s1 =	sld [smem:$0x3F9A];
	s0 =	simm.s32 @p0 $0x1  }
0x13: {  	[smem:$0x3FB5] =	sst s0;
	s0 =	simm.s32 @!p1 $0x0  }
0x14: {  	s2 =	sld [smem:$0x3F99];
	s0 =	simm.s32 @p1 $0x1  }
0x15: {  	[smem:$0x3FB6] =	sst s0;
	s0 =	simm.s32 @!p2 $0x0  }
0x16: {  	s3 =	sld [smem:$0x3FDB];
	s0 =	simm.s32 @p2 $0x1  }
0x17: {  	s4 =	simm.s32 $0x1BF5;
	[smem:$0x3FB8] =	sst s0  }
0x18: {  	s0 =	sld [smem:$0x3F9B];
	_ =	swait.ge [sflag:s4], $0x0  }
0x19: {  	s7 =	sld [smem:$0x3F9C]  }
0x1a: {  	s8 =	sadd.s32 $0xFFFFE003, lr  }
0x1b: {  	s9 =	sadd.s32 $0xFFFFFEF7, lr;
	s5 =	simm.s32 $0xFFFFFFFF;
	p2 =	slt.u32 s8, $0xFFFFF086  }
0x1c: {  	p1 =	slt.u32 s9, $0xF7A;
	s5 =	simm.s32 @!p2 $0x0  }
0x1d: {  	s5 =	simm.s32 @p1 $0x1;
	p0 =	seq.s32 s7, s2  }
0x1e: {  	s7 =	smul.u32 @!p0 $0xF7A, s2;
	p2 =	seq.s32 @!p0 s5, $0x0  }
0x1f: {  	s9 =	smul.u32 $0xF7A, s1;
	s8 =	simm.s32 @!p0 $0x1BF5;
	p2 =	por !p2, p0  }
0x20: {  	[sflag:s8] =	ssyncset.s32 @!p0 $0xFFFFF086;
	s6 =	sadd.s32 @!p0 s3, s7;
	s7 =	simm.s32 @!p0 $0x108  }
0x21: {  	s3 =	sadd.s32 s3, s9;
	s6 =	sadd.s32 @!p0 $0x88, s6;
	s7 =	simm.s32 @p2 $0x1082  }
0x22: {  	[simem:s7], [sflag:s8] =	dma.local @!p0 [hbm:s6], $0xF7A  }
0x23: {  	s9 =	sor.u32 $0xD0000000, s2;
	s6 =	simm.s32 $0x108;
	_ =	swait.ge @!p0 [sflag:s8], $0x0  }
0x24: {  	s3 =	sadd.s32 $0x88, s3;
	s6 =	simm.s32 @!p1 $0x1082;
	[sflag:s4] =	ssyncset.s32 $0xFFFFF086  }
0x25: {  	[simem:s6], [sflag:s4] =	dma.local [hbm:s3], $0xF7A  }
0x26: {  	[smem:$0x3F9C] =	sst s1;
	(tag) =	ssettag s2;
	_ =	strace s9  }
0x27: {  	s1 =	sld [smem:$0x3FAC]  }
0x28: {  	s2 =	sld [smem:$0x3FAD]  }
0x29: {  	s4 =	sld [smem:$0x3FAF]  }
0x2a: {  	p0 =	seq.s32 s5, $0x0;
	s5 =	sld [smem:$0x3FB0]  }
0x2b: {  	s6 =	sld [smem:$0x3FB1]  }
0x2c: {  	s7 =	sld [smem:$0x3FB2]  }
0x2d: {  	s3 =	simm.s32 $0x108;
	s8 =	sld [smem:$0x3FB3]  }
0x2e: {  	s3 =	simm.s32 @!p0 $0x1082;
	s9 =	sld [smem:$0x3FB4]  }
0x2f: {  	lr =	sadd.s32 s0, s3;
	s0 =	sld [smem:$0x3FAB]  }
0x30: {  	s3 =	sld [smem:$0x3FAE]  }
0x31: {  	[smem:$0x3FB7] =	sst s10  }
0x32: {  	s10 =	sld [smem:$0x3FB5];
	_ =	sdelay $0x3  }
0x33: {  	p0 =	seq.s32 s10, $0x1;
	s10 =	sld [smem:$0x3FB7];
	_ =	sdelay $0x3  }
0x34: {  	[smem:$0x3FB7] =	sst s10  }
0x35: {  	s10 =	sld [smem:$0x3FB6];
	_ =	sdelay $0x3  }
0x36: {  	p1 =	seq.s32 s10, $0x1;
	s10 =	sld [smem:$0x3FB7];
	_ =	sdelay $0x3  }
0x37: {  	[smem:$0x3FB7] =	sst s10  }
0x38: {  	s10 =	sld [smem:$0x3FB8]  }
0x39: {  	_ = 	snop;
	(pc) =	sbr.ind lr, $3  }
0x3a: {  	_ = 	snop  }
0x3b: {  	_ = 	snop  }
0x3c: {  	p2 =	seq.s32 s10, $0x1;
	s10 =	sld [smem:$0x3FB7]  }
0x3d: {  	_ =	shalt  }
0x3e: {  	_ =	shalt  }
0x3f: {  	_ =	shalt  }
0x40: {  	_ =	shalt  }
0x41: {  	_ =	shalt  }
0x42: {  	_ =	shalt  }
0x43: {  	_ =	shalt  }
0x44: {  	_ =	shalt  }
0x45: {  	_ =	shalt  }
0x46: {  	_ =	shalt  }
0x47: {  	_ =	shalt  }
0x48: {  	_ =	shalt  }
0x49: {  	_ =	shalt  }
0x4a: {  	_ =	shalt  }
0x4b: {  	_ =	shalt  }
0x4c: {  	_ =	shalt  }
0x4d: {  	_ =	shalt  }
0x4e: {  	_ =	shalt  }
0x4f: {  	_ =	shalt  }
0x50: {  	_ =	shalt  }
0x51: {  	_ =	shalt  }
0x52: {  	_ =	shalt  }
0x53: {  	_ =	shalt  }
0x54: {  	_ =	shalt  }
0x55: {  	_ =	shalt  }
0x56: {  	_ =	shalt  }
0x57: {  	_ =	shalt  }
0x58: {  	_ =	shalt  }
0x59: {  	_ =	shalt  }
0x5a: {  	_ =	shalt  }
0x5b: {  	_ =	shalt  }
0x5c: {  	_ =	shalt  }
0x5d: {  	_ =	shalt  }
0x5e: {  	_ =	shalt  }
0x5f: {  	_ =	shalt  }
0x60: {  	_ =	shalt  }
0x61: {  	_ =	shalt  }
0x62: {  	_ =	shalt  }
0x63: {  	_ =	shalt  }
0x64: {  	_ =	shalt  }
0x65: {  	_ =	shalt  }
0x66: {  	_ =	shalt  }
0x67: {  	_ =	shalt  }
0x68: {  	_ =	shalt  }
0x69: {  	_ =	shalt  }
0x6a: {  	_ =	shalt  }
0x6b: {  	_ =	shalt  }
0x6c: {  	_ =	shalt  }
0x6d: {  	_ =	shalt  }
0x6e: {  	_ =	shalt  }
0x6f: {  	_ =	shalt  }
0x70: {  	_ =	shalt  }
0x71: {  	_ =	shalt  }
0x72: {  	_ =	shalt  }
0x73: {  	_ =	shalt  }
0x74: {  	_ =	shalt  }
0x75: {  	_ =	shalt  }
0x76: {  	_ =	shalt  }
0x77: {  	_ =	shalt  }
0x78: {  	_ =	shalt  }
0x79: {  	_ =	shalt  }
0x7a: {  	_ =	shalt  }
0x7b: {  	_ =	shalt  }
0x7c: {  	_ =	shalt  }
0x7d: {  	_ =	shalt  }
0x7e: {  	_ =	shalt  }
0x7f: {  	_ =	shalt  }
0x80: {  	_ =	shalt  }
0x81: {  	_ =	shalt  }
0x82: {  	_ =	shalt  }
0x83: {  	_ =	shalt  }
0x84: {  	_ =	shalt  }
0x85: {  	_ =	shalt  }
0x86: {  	_ =	shalt  }
0x87: {  	_ =	shalt  }
.Lfunc_end0:
.L_simem_size_0:
called_computation_lowered:
.L_overlay_start_0:
0x88: {  	s2 =	sld [smem:$0x3FD9]  }
0x89: {  	s3 =	sld [smem:$0x3FFE];
	_ =	sdelay $0x1  }
0x8a: {  	s1 =	srdreg.scid  }
0x8b: {  	s0 =	sand.u32 $0x1, s1  }
0x8c: {  	s17 =	sshll.u32 s0, $0xA;
	s2 =	sadd.s32 s3, s2  }
0x8d: {  	s2 =	sadd.s32 s2, s17  }
0x8e: {  	[smem:$0x3FC3] =	sst s2  }
0x8f: {  	_ = 	snop  }
0x90: {  	s2 =	sld [smem:$0x3FD0];
	(tm) =	ssettm $0x1  }
0x91: {  	s18 =	sld [smem:$0x3FFB];
	_ =	sdelay $0x3  }
0x92: {  	_ =	strace s18  }
0x93: {  	s3 =	sld [smem:$0x3FFC];
	_ =	sdelay $0x3  }
0x94: {  	_ =	strace s3  }
0x95: {  	s3 =	sld [smem:$0x3FFD];
	_ =	sdelay $0x3  }
0x96: {  	_ =	strace s3  }
0x97: {  	_ =	strace $0x8FFFFFFF  }
0x98: {  	s19 =	sld [smem:$0x3FDB];
	_ =	sdelay $0x1  }
0x99: {  	s4 =	simm.s32 $_scs_section_size  }
0x9a: {  	s5 =	simm.s32 $_size__tile_overlayer_lowered;
	s6 =	simm.s32 $_tile_overlayer_lowered  }
0x9b: {  	s22 =	simm.s32 $0x1BFF;
	s21 =	sshll.u32 s6, $0x1;
	s3 =	sadd.s32 s4, s19  }
0x9c: {  	s7 =	simm.s32 $0x0;
	s20 =	sshll.u32 s5, $0x1;
	s5 =	sadd.s32 s21, s3  }
0x9d: {  	[timem:s7], [sflag:s22] =	dma.local [hbm:s5], s20  }
0x9e: {  	_ =	swait.ge [sflag:s22], s20  }
0x9f: {  	s4 =	ssub.s32 $0x0, s20;
	[sflag:s22] =	ssyncset.done $0x0  }
0xa0: {  	[sflag:s22] =	ssyncadd.s32 s4;
	_ =	sdelay $0x1  }
0xa1: {  	s23 =	simm.s32 $0x1B8B  }
0xa2: {  	_ =	swait.ge [sflag:s23], $0x1  }
0xa3: {  	[sflag:s23] =	ssyncset.done $0x0  }
0xa4: {  	s25 =	simm.s32 $0x1B8E;
	s24 =	sld [smem:$0x3FFE];
	[sflag:s23] =	ssyncadd.s32 $0xFFFFFFFF  }
0xa5: {  	s26 =	simm.s32 $execute0_lowered;
	[smem:$0x3FD2] =	sst s25  }
0xa6: {  	s5 =	sshll.u32 s26, $0x1;
	_ =	strace $0x80000046;
	[dreg:$0x1] =	wrdreg $0xFFFFFFFF  }
0xa7: {  	s28 =	simm.s32 $_size_execute0_lowered;
	s3 =	sadd.s32 s3, s5;
	[dreg:$0x0] =	wrdreg $0x0  }
0xa8: {  	s5 =	sshll.u32 s28, $0x1;
	[dreg:$0x2] =	wrdreg s3  }
0xa9: {  	[dreg:$0x3] =	wrdreg s5  }
0xaa: {  	[dreg:$0x4] =	wrdreg $0xC0  }
0xab: {  	_ =	task [dreg:s7], $0x5FFFF  }
0xac: {  	[dreg:$0x1] =	wrdreg $0xFFFFFFFF  }
0xad: {  	[dreg:$0x0] =	wrdreg $0x60  }
0xae: {  	[dreg:$0x2] =	wrdreg s2  }
0xaf: {  	[dreg:$0x3] =	wrdreg s24  }
0xb0: {  	[dreg:$0x4] =	wrdreg $0x6B800  }
0xb1: {  	[dreg:$0x5] =	wrdreg $0x6A800  }
0xb2: {  	[dreg:$0x6] =	wrdreg $0x9  }
0xb3: {  	_ =	task.clear_ibuf [dreg:s7], $0x7FFFF;
	_ =	strace $0x90000046  }
0xb4: {  	s29 =	simm.s32 $0x9;
	_ =	strace $0x80000048  }
0xb5: {  	_ =	swait.ge [sflag:s29], $0x1  }
0xb6: {  	[sflag:s29] =	ssyncadd.s32 $0xFFFFFFFF  }
0xb7: {  	_ =	strace $0x90000048  }
0xb8: {  	_ =	sfence  }
0xb9: {  	s30 =	sld [smem:$0x0];
	_ =	sdelay $0x2  }
0xba: {  	s31 =	sshll.u32 s1, $0xD;
	s1 =	sshrl.u32 s1, $0x2  }
0xbb: {  	s3 =	sand.u32 $0x4000, s31;
	s1 =	sadd.s32 s1, s30  }
0xbc: {  	s0 =	sor.u32 s3, s0;
	s1 =	sshll.u32 s1, $0x11  }
0xbd: {  	s0 =	sor.u32 s1, s0  }
0xbe: {  	s0 =	sadd.s32 $0x8F2B, s0  }
0xbf: {  	[sflag:s0] =	ssyncadd.remote.s32 $0x1  }
0xc0: {  	_ =	sfence.sel $0xFFFF  }
0xc1: {  	[dreg:$0x0] =	wrdreg $0xFFFFFFFF;
	(pc) =	sbr.abs _section_cstart, $3  }
0xc2: {  	[dreg:$0x1] =	wrdreg $0xFFFFFFFF  }
0xc3: {  	_ =	task.clear_ibuf [dreg:s7], $0x2FFFF;
	_ =	strace $0x9FFFFFFF  }
0xc4: {  	(tm) =	ssettm $0x7FFFFFFF  }
0xc5: {  	_ =	shalt  }
tec
execute0_lowered:
.L_overlay_start_1:
0x0: {  	(tag) =	ssettag $0x1  }
0x1: {  	s7 =	rddreg [dreg:$0x0]  }
0x2: {  	s5 =	rddreg [dreg:$0x1]  }
0x3: {  	s1 =	rddreg [dreg:$0x2]  }
0x4: {  	s2 =	rddreg [dreg:$0x3]  }
0x5: {  	s0 =	rddreg [dreg:$0x4];
	s3 =	simm.s32 $0x0;
	s4 =	srdreg.scid  }
0x6: {  	s12 =	simm.s32 $0x5000;
	s14 =	simm.s32 $0x6280;
	s15 =	simm.s32 $0x0  }
0x7: {  	[smem:$0x7FF] =	sst s3;
	s10 =	sand.u32 $0x1, s4;
	s4 =	stileid.u32  }
0x8: {  	s5 =	sadd.s32 $0x1200, s5;
	_ =	strace $0x80000047;
	s6 =	ssub.s32 $0x2, s10  }
.Ltmp0:
0x9: {  	s9 =	sshll.u32 s4, $0xA;
	s31 =	sshll.u32 s4, $0x7;
	(pc) =	sbr.rel .LBB2_1-.Ltmp0, $4  }
0xa: {  	v0 =	vlaneseq.u32;
	s13 =	sor.u32 s4, s10;
	s8 =	sshrl.u32 s6, $0x1;
	s30 =	sshrl.u32 s9, $0x2  }
0xb: {  	v2 =	vmul.u32 $0x2, v0;
	s7 =	sadd.s32 s7, s9;
	s9 =	sadd.s32 s31, s1;
	p0 =	sne.s32 s13, $0x0  }
0xc: {  	v1 =	vimm.s32 $0x0;
	v3 =	vimm.s32 $0x1;
	s13 =	simm.s32 $0x6200;
	s11 =	ssub.s32 s6, s8;
	s6 =	sshll.u32 s4, $0xD  }
0xd: {  	vm0 =	vcmask $0x300;
	v4 =	vmul.u32 $0x100, v0;
	v2 =	vor.u32 $0x1, v2;
	s8 =	sadd.s32 s30, s2;
	s10 =	smax.u32 s11, $0x1;
	s11 =	simm.s32 $0x1  }
.LBB2_48:
0xe: {  	v5 =	vmov @!p0 s16;
	vm1 =	vcmask @!p0 $0x300  }
0xf: {  	v5 =	vnsel @!p0 vm1, $0x0, v5;
	vm1 =	vcmask @!p0 $0x704  }
0x10: {  	s15 =	sadd.s32 $0x1, s15;
	v5 =	vsel @!p0 vm1, s21, v5  }
0x11: {  	s16 =	simm.s32 @!p0 $0x0;
	s17 =	simm.s32 @!p0 $0x6200;
	p1 =	sne.s32 s15, s10;
	[tilespmem:$0x6200] =	vst @!p0 v5  }
0x12: {  	[hbm4b:s5+s16] =	stream.linear.scatter @!p0 [tilespmem:s17], [sflag:$0x1], $0x80, $0x38;
	[tilespmem:$0x6B90] =	vst v63  }
.Ltmp1:
0x13: {  	_ = 	snop;
	(pc) =	sbr.rel @!p1 .LBB2_49-.Ltmp1, $4  }
0x14: {  	s16 =	simm.s32 @!p0 $0x1  }
0x15: {  	_ =	swait.ge @!p0 [sflag:s16], $0x80  }
0x16: {  	[sflag:s16] =	ssyncset.done @!p0 $0x0  }
0x17: {  	[sflag:s16] =	ssyncadd.s32 @!p0 $0xFFFFFF80  }
.LBB2_1:
0x18: {  	[tilespmem:s3], [sflag:$0x1] =	stream.linear.gather [hbm4b:s7+s3], $0x2000, $0x38;
	[tilespmem:$0x6B90] =	vst v63  }
0x19: {  	_ =	swait.ge [sflag:s11], $0x2000  }
0x1a: {  	[sflag:s11] =	ssyncset.done $0x0  }
0x1b: {  	s17 =	simm.s32 $0x0;
	[sflag:s11] =	ssyncadd.s32 $0xFFFFE000  }
0x1c: {  	v14 =	vld [tilespmem:s17+$0x70]  }
0x1d: {  	v11 =	vld [tilespmem:s17+$0x0]  }
0x1e: {  	v10 =	vld [tilespmem:s17+$0x10]  }
0x1f: {  	v9 =	vld [tilespmem:s17+$0x20]  }
0x20: {  	v8 =	vld [tilespmem:s17+$0x30]  }
0x21: {  	v7 =	vld [tilespmem:s17+$0x40];
	v5 =	vshra.s32 v14, $0x1F  }
0x22: {  	v6 =	vld [tilespmem:s17+$0x50];
	v12 =	vshra.s32 v11, $0x1F;
	v15 =	vand.u32 $0x7FFFFFFF, v5  }
0x23: {  	s16 =	simm.s32 $0x80;
	s18 =	simm.s32 $0x400;
	v13 =	vand.u32 $0x7FFFFFFF, v12;
	v12 =	vshra.s32 v10, $0x1F;
	v5 =	vld [tilespmem:s17+$0x60];
	v14 =	vxor.u32 v14, v15  }
.LBB2_2:
0x24: {  	p1 =	sne.s32 s18, $0x7E00;
	v15 =	vld [tilespmem:s16+$0x70];
	v13 =	vxor.u32 v11, v13;
	v12 =	vand.u32 $0x7FFFFFFF, v12;
	v16 =	vshra.s32 v9, $0x1F;
	[tilespmem:s17+$0x2070] =	vst v14  }
0x25: {  	v11 =	vld [tilespmem:s16+$0x0];
	[tilespmem:s17+$0x2000] =	vst v13;
	v12 =	vxor.u32 v10, v12;
	v13 =	vand.u32 $0x7FFFFFFF, v16;
	v14 =	vshra.s32 v8, $0x1F  }
0x26: {  	v10 =	vld [tilespmem:s16+$0x10];
	[tilespmem:s17+$0x2010] =	vst v12;
	v12 =	vxor.u32 v9, v13;
	v13 =	vand.u32 $0x7FFFFFFF, v14;
	v14 =	vshra.s32 v7, $0x1F  }
.Ltmp2:
0x27: {  	v9 =	vld [tilespmem:s16+$0x20];
	[tilespmem:s17+$0x2020] =	vst v12;
	v12 =	vxor.u32 v8, v13;
	v13 =	vand.u32 $0x7FFFFFFF, v14;
	v14 =	vshra.s32 v6, $0x1F;
	(pc) =	sbr.rel @p1 .LBB2_2-.Ltmp2, $4  }
0x28: {  	v8 =	vld [tilespmem:s16+$0x30];
	[tilespmem:s17+$0x2030] =	vst v12;
	v12 =	vxor.u32 v7, v13;
	v13 =	vand.u32 $0x7FFFFFFF, v14;
	v14 =	vshra.s32 v5, $0x1F  }
0x29: {  	v7 =	vld [tilespmem:s16+$0x40];
	v16 =	vshra.s32 v15, $0x1F;
	[tilespmem:s17+$0x2040] =	vst v12;
	v12 =	vxor.u32 v6, v13;
	v13 =	vand.u32 $0x7FFFFFFF, v14  }
0x2a: {  	v14 =	vshra.s32 v11, $0x1F;
	v6 =	vld [tilespmem:s16+$0x50];
	v16 =	vand.u32 $0x7FFFFFFF, v16;
	[tilespmem:s17+$0x2050] =	vst v12;
	v17 =	vxor.u32 v5, v13  }
0x2b: {  	v13 =	vand.u32 $0x7FFFFFFF, v14;
	v12 =	vshra.s32 v10, $0x1F;
	v5 =	vld [tilespmem:s16+$0x60];
	v14 =	vxor.u32 v15, v16;
	[tilespmem:s17+$0x2060] =	vst v17;
	s17 =	smov.u32 s16;
	s16 =	sshra.s32 s18, $0x2;
	s18 =	sadd.s32 $0x200, s18  }
0x2c: {  	v15 =	vld [tilespmem:s16+$0x70];
	[tilespmem:s17+$0x2070] =	vst v14;
	v11 =	vxor.u32 v11, v13;
	v12 =	vand.u32 $0x7FFFFFFF, v12;
	v47 =	vshra.s32 v9, $0x1F  }
0x2d: {  	v46 =	vld [tilespmem:s16+$0x0];
	[tilespmem:s17+$0x2000] =	vst v11;
	v10 =	vxor.u32 v10, v12;
	v11 =	vand.u32 $0x7FFFFFFF, v47;
	v49 =	vshra.s32 v8, $0x1F  }
0x2e: {  	v48 =	vld [tilespmem:s16+$0x10];
	[tilespmem:s17+$0x2010] =	vst v10;
	v50 =	vxor.u32 v9, v11;
	v10 =	vand.u32 $0x7FFFFFFF, v49;
	v52 =	vshra.s32 v7, $0x1F  }
0x2f: {  	v51 =	vld [tilespmem:s16+$0x20];
	[tilespmem:s17+$0x2020] =	vst v50;
	v53 =	vxor.u32 v8, v10;
	v9 =	vand.u32 $0x7FFFFFFF, v52  }
0x30: {  	v55 =	vshra.s32 v6, $0x1F;
	v54 =	vld [tilespmem:s16+$0x30];
	[tilespmem:s17+$0x2030] =	vst v53;
	v7 =	vxor.u32 v7, v9  }
0x31: {  	v8 =	vand.u32 $0x7FFFFFFF, v55;
	v56 =	vld [tilespmem:s16+$0x40];
	[tilespmem:s17+$0x2040] =	vst v7;
	v7 =	vshra.s32 v5, $0x1F  }
0x32: {  	v6 =	vxor.u32 v6, v8;
	v58 =	vshra.s32 v15, $0x1F;
	v7 =	vand.u32 $0x7FFFFFFF, v7  }
0x33: {  	v57 =	vld [tilespmem:s16+$0x50];
	[tilespmem:s17+$0x2050] =	vst v6;
	v6 =	vshra.s32 v46, $0x1F;
	v14 =	vand.u32 $0x7FFFFFFF, v58;
	v5 =	vxor.u32 v5, v7  }
0x34: {  	v7 =	vld [tilespmem:s16+$0x60];
	v6 =	vand.u32 $0x7FFFFFFF, v6;
	v16 =	vshra.s32 v48, $0x1F;
	v14 =	vxor.u32 v15, v14;
	[tilespmem:s17+$0x2060] =	vst v5  }
0x35: {  	v5 =	vxor.u32 v46, v6;
	v6 =	vand.u32 $0x7FFFFFFF, v16;
	v59 =	vshra.s32 v51, $0x1F;
	[tilespmem:s16+$0x2070] =	vst v14  }
0x36: {  	[tilespmem:s16+$0x2000] =	vst v5;
	v5 =	vxor.u32 v48, v6;
	v6 =	vand.u32 $0x7FFFFFFF, v59;
	v60 =	vshra.s32 v54, $0x1F  }
0x37: {  	[tilespmem:s16+$0x2010] =	vst v5;
	v5 =	vxor.u32 v51, v6;
	v6 =	vand.u32 $0x7FFFFFFF, v60;
	v61 =	vshra.s32 v56, $0x1F  }
0x38: {  	[tilespmem:s16+$0x2020] =	vst v5;
	v5 =	vxor.u32 v54, v6;
	v6 =	vand.u32 $0x7FFFFFFF, v61;
	v62 =	vshra.s32 v57, $0x1F  }
0x39: {  	[tilespmem:s16+$0x2030] =	vst v5;
	v5 =	vxor.u32 v56, v6;
	v6 =	vand.u32 $0x7FFFFFFF, v62;
	v63 =	vshra.s32 v7, $0x1F  }
0x3a: {  	[tilespmem:s16+$0x2040] =	vst v5;
	v5 =	vxor.u32 v57, v6;
	v6 =	vand.u32 $0x7FFFFFFF, v63  }
0x3b: {  	[tilespmem:s16+$0x2050] =	vst v5;
	v5 =	vxor.u32 v7, v6  }
0x3c: {  	s18 =	simm.s32 $0x100;
	s17 =	simm.s32 $0x0;
	[tilespmem:s16+$0x2060] =	vst v5;
	s16 =	simm.s32 $0x0  }
.LBB2_4:
0x3d: {  	p1 =	sne.s32 s18, $0x3F00;
	[tilespmem:s16+$0x4030] =	vst v1;
	s19 =	smov.u32 s18;
	s18 =	sadd.s32 $0x100, s18  }
.Ltmp3:
0x3e: {  	[tilespmem:s16+$0x4020] =	vst v1;
	(pc) =	sbr.rel @p1 .LBB2_4-.Ltmp3, $3  }
0x3f: {  	[tilespmem:s16+$0x4000] =	vst v1  }
0x40: {  	[tilespmem:s16+$0x4010] =	vst v1;
	_ =	sdelay $0x1  }
0x41: {  	s16 =	sshra.s32 s19, $0x2  }
0x42: {  	[tilespmem:s16+$0x4030] =	vst v1  }
0x43: {  	[tilespmem:s16+$0x4020] =	vst v1  }
0x44: {  	[tilespmem:s16+$0x4000] =	vst v1  }
0x45: {  	[tilespmem:s16+$0x4010] =	vst v1  }
.LBB2_6:
0x46: {  	s18 =	sshra.s32 s17, $0x2  }
0x47: {  	v5 =	vld [tilespmem:s18+$0x2000];
	_ =	sdelay $0x4  }
0x48: {  	v6 =	vshrl.u32 v5, $0x1F  }
0x49: {  	v5 =	vshrl.u32 v5, $0x18;
	v6 =	vxor.u32 v2, v6  }
0x4a: {  	v5 =	vand.u32 $0x7F, v5;
	v6 =	vshll.u32 v6, $0x7  }
0x4b: {  	v5 =	vor.u32 v5, v6;
	_ =	sdelay $0x3  }
0x4c: {  	s16 =	simm.s32 $0x4000  }
0x4d: {  	[tilespmem:v5+s16+$0x0] =	vst.idx.add.s32.msk $0xffff, v3  }
0x4e: {  	v5 =	vld [tilespmem:s18+$0x2010];
	_ =	sdelay $0x4  }
0x4f: {  	v6 =	vshrl.u32 v5, $0x1F  }
0x50: {  	v5 =	vshrl.u32 v5, $0x18;
	v6 =	vxor.u32 v2, v6  }
0x51: {  	v5 =	vand.u32 $0x7F, v5;
	v6 =	vshll.u32 v6, $0x7  }
0x52: {  	v5 =	vor.u32 v5, v6;
	_ =	sdelay $0x4  }
0x53: {  	[tilespmem:v5+s16+$0x0] =	vst.idx.add.s32.msk $0xffff, v3  }
0x54: {  	v5 =	vld [tilespmem:s18+$0x2020];
	_ =	sdelay $0x4  }
0x55: {  	v6 =	vshrl.u32 v5, $0x1F  }
0x56: {  	v5 =	vshrl.u32 v5, $0x18;
	v6 =	vxor.u32 v2, v6  }
0x57: {  	v5 =	vand.u32 $0x7F, v5;
	v6 =	vshll.u32 v6, $0x7  }
0x58: {  	v5 =	vor.u32 v5, v6;
	_ =	sdelay $0x4  }
0x59: {  	[tilespmem:v5+s16+$0x0] =	vst.idx.add.s32.msk $0xffff, v3  }
0x5a: {  	v5 =	vld [tilespmem:s18+$0x2030];
	_ =	sdelay $0x4  }
0x5b: {  	v6 =	vshrl.u32 v5, $0x1F  }
0x5c: {  	v5 =	vshrl.u32 v5, $0x18;
	v6 =	vxor.u32 v2, v6  }
0x5d: {  	v5 =	vand.u32 $0x7F, v5;
	v6 =	vshll.u32 v6, $0x7  }
0x5e: {  	v5 =	vor.u32 v5, v6;
	_ =	sdelay $0x4  }
0x5f: {  	[tilespmem:v5+s16+$0x0] =	vst.idx.add.s32.msk $0xffff, v3  }
0x60: {  	v5 =	vld [tilespmem:s18+$0x2040];
	_ =	sdelay $0x4  }
0x61: {  	v6 =	vshrl.u32 v5, $0x1F  }
0x62: {  	v5 =	vshrl.u32 v5, $0x18;
	v6 =	vxor.u32 v2, v6  }
0x63: {  	v5 =	vand.u32 $0x7F, v5;
	v6 =	vshll.u32 v6, $0x7  }
0x64: {  	v5 =	vor.u32 v5, v6;
	_ =	sdelay $0x4  }
0x65: {  	[tilespmem:v5+s16+$0x0] =	vst.idx.add.s32.msk $0xffff, v3  }
0x66: {  	v5 =	vld [tilespmem:s18+$0x2050];
	_ =	sdelay $0x4  }
0x67: {  	v6 =	vshrl.u32 v5, $0x1F  }
0x68: {  	v5 =	vshrl.u32 v5, $0x18;
	v6 =	vxor.u32 v2, v6  }
0x69: {  	v5 =	vand.u32 $0x7F, v5;
	v6 =	vshll.u32 v6, $0x7  }
0x6a: {  	v5 =	vor.u32 v5, v6;
	_ =	sdelay $0x4  }
0x6b: {  	[tilespmem:v5+s16+$0x0] =	vst.idx.add.s32.msk $0xffff, v3  }
0x6c: {  	v5 =	vld [tilespmem:s18+$0x2060];
	_ =	sdelay $0x4  }
0x6d: {  	v6 =	vshrl.u32 v5, $0x1F  }
0x6e: {  	v5 =	vshrl.u32 v5, $0x18;
	v6 =	vxor.u32 v2, v6  }
0x6f: {  	v5 =	vand.u32 $0x7F, v5;
	v6 =	vshll.u32 v6, $0x7  }
0x70: {  	v5 =	vor.u32 v5, v6;
	_ =	sdelay $0x4  }
0x71: {  	[tilespmem:v5+s16+$0x0] =	vst.idx.add.s32.msk $0xffff, v3  }
0x72: {  	v5 =	vld [tilespmem:s18+$0x2070];
	_ =	sdelay $0x4  }
0x73: {  	v6 =	vshrl.u32 v5, $0x1F  }
0x74: {  	v5 =	vshrl.u32 v5, $0x18;
	v6 =	vxor.u32 v2, v6  }
0x75: {  	v5 =	vand.u32 $0x7F, v5;
	v6 =	vshll.u32 v6, $0x7  }
0x76: {  	p1 =	sne.s32 s17, $0x7E00;
	v5 =	vor.u32 v5, v6  }
.Ltmp4:
0x77: {  	_ = 	snop;
	(pc) =	sbr.rel @p1 .LBB2_6-.Ltmp4, $2  }
0x78: {  	_ =	sdelay $0x2  }
0x79: {  	s17 =	sadd.s32 $0x200, s17;
	[tilespmem:v5+s16+$0x0] =	vst.idx.add.s32.msk $0xffff, v3  }
0x7a: {  	s17 =	simm.s32 $0x0  }
0x7b: {  	v6 =	vld [tilespmem:s16+$0x0];
	s17 =	sand.u32 $0xF0, s17  }
0x7c: {  	v5 =	vld [tilespmem:s17+$0x4100]  }
0x7d: {  	v7 =	vld [tilespmem:s17+$0x4200]  }
0x7e: {  	v8 =	vld [tilespmem:s17+$0x4300]  }
0x7f: {  	v9 =	vld [tilespmem:s17+$0x4400]  }
0x80: {  	v10 =	vld [tilespmem:s17+$0x4500]  }
0x81: {  	v5 =	vadd.s32 v6, v5;
	v6 =	vld [tilespmem:s17+$0x4600]  }
0x82: {  	v5 =	vadd.s32 v7, v5;
	v7 =	vld [tilespmem:s17+$0x4700]  }
0x83: {  	v58 =	vld [tilespmem:s17+$0x4800];
	v5 =	vadd.s32 v8, v5  }
0x84: {  	v59 =	vld [tilespmem:s17+$0x4900];
	v5 =	vadd.s32 v9, v5  }
0x85: {  	v60 =	vld [tilespmem:s17+$0x4A00];
	v5 =	vadd.s32 v10, v5  }
0x86: {  	v5 =	vadd.s32 v6, v5;
	v6 =	vld [tilespmem:s17+$0x4B00]  }
0x87: {  	v5 =	vadd.s32 v7, v5;
	v7 =	vld [tilespmem:s17+$0x4C00]  }
0x88: {  	v61 =	vld [tilespmem:s17+$0x4D00];
	v5 =	vadd.s32 v58, v5  }
0x89: {  	v62 =	vld [tilespmem:s17+$0x4E00];
	v5 =	vadd.s32 v59, v5  }
0x8a: {  	v63 =	vld [tilespmem:s17+$0x4F00];
	v5 =	vadd.s32 v60, v5  }
0x8b: {  	v5 =	vadd.s32 v6, v5  }
0x8c: {  	v5 =	vadd.s32 v7, v5  }
0x8d: {  	v5 =	vadd.s32 v61, v5  }
0x8e: {  	v5 =	vadd.s32 v62, v5  }
0x8f: {  	s16 =	simm.s32 $0x5000;
	s31 =	simm.s32 $0x10;
	v5 =	vadd.s32 v63, v5  }
0x90: {  	s17 =	sand.u32 $0xF0, s31;
	[tilespmem:s16+$0x0] =	vst v5  }
0x91: {  	s19 =	simm.s32 $0x20;
	s18 =	simm.s32 $0x4010;
	v5 =	vld [tilespmem:s17+$0x4100]  }
.LBB2_8:
0x92: {  	p1 =	sne.s32 s19, $0xF0;
	v6 =	vld [tilespmem:s18+$0x0]  }
0x93: {  	v7 =	vld [tilespmem:s17+$0x4200]  }
0x94: {  	v8 =	vld [tilespmem:s17+$0x4300]  }
0x95: {  	v9 =	vld [tilespmem:s17+$0x4400]  }
0x96: {  	v10 =	vld [tilespmem:s17+$0x4500]  }
0x97: {  	v5 =	vadd.s32 v6, v5;
	v6 =	vld [tilespmem:s17+$0x4600]  }
0x98: {  	v5 =	vadd.s32 v7, v5;
	v7 =	vld [tilespmem:s17+$0x4700]  }
0x99: {  	v5 =	vadd.s32 v8, v5;
	v8 =	vld [tilespmem:s17+$0x4800]  }
0x9a: {  	v5 =	vadd.s32 v9, v5;
	v9 =	vld [tilespmem:s17+$0x4900]  }
0x9b: {  	v5 =	vadd.s32 v10, v5;
	v10 =	vld [tilespmem:s17+$0x4A00]  }
0x9c: {  	v5 =	vadd.s32 v6, v5;
	v6 =	vld [tilespmem:s17+$0x4B00]  }
0x9d: {  	v5 =	vadd.s32 v7, v5;
	v7 =	vld [tilespmem:s17+$0x4C00]  }
0x9e: {  	v5 =	vadd.s32 v8, v5;
	v8 =	vld [tilespmem:s17+$0x4D00]  }
0x9f: {  	v5 =	vadd.s32 v9, v5;
	v9 =	vld [tilespmem:s17+$0x4E00]  }
0xa0: {  	v5 =	vadd.s32 v10, v5;
	v10 =	vld [tilespmem:s17+$0x4F00]  }
0xa1: {  	v5 =	vadd.s32 v6, v5  }
0xa2: {  	v5 =	vadd.s32 v7, v5  }
.Ltmp5:
0xa3: {  	v5 =	vadd.s32 v8, v5;
	(pc) =	sbr.rel @p1 .LBB2_8-.Ltmp5, $4  }
0xa4: {  	v5 =	vadd.s32 v9, v5  }
0xa5: {  	s16 =	sadd.s32 $0x10, s16;
	v5 =	vadd.s32 v10, v5  }
0xa6: {  	s17 =	sand.u32 $0xF0, s19;
	[tilespmem:s16+$0x0] =	vst v5  }
0xa7: {  	s18 =	sadd.s32 $0x10, s18;
	s19 =	sadd.s32 $0x10, s19;
	v5 =	vld [tilespmem:s17+$0x4100]  }
0xa8: {  	v6 =	vld [tilespmem:s18+$0x0]  }
0xa9: {  	v7 =	vld [tilespmem:s17+$0x4200]  }
0xaa: {  	v8 =	vld [tilespmem:s17+$0x4300]  }
0xab: {  	v9 =	vld [tilespmem:s17+$0x4400]  }
0xac: {  	v10 =	vld [tilespmem:s17+$0x4500]  }
0xad: {  	v5 =	vadd.s32 v6, v5;
	v6 =	vld [tilespmem:s17+$0x4600]  }
0xae: {  	v5 =	vadd.s32 v7, v5;
	v7 =	vld [tilespmem:s17+$0x4700]  }
0xaf: {  	v49 =	vld [tilespmem:s17+$0x4800];
	v5 =	vadd.s32 v8, v5  }
0xb0: {  	v50 =	vld [tilespmem:s17+$0x4900];
	v5 =	vadd.s32 v9, v5  }
0xb1: {  	v51 =	vld [tilespmem:s17+$0x4A00];
	v5 =	vadd.s32 v10, v5  }
0xb2: {  	v5 =	vadd.s32 v6, v5;
	v6 =	vld [tilespmem:s17+$0x4B00]  }
0xb3: {  	v5 =	vadd.s32 v7, v5;
	v7 =	vld [tilespmem:s17+$0x4C00]  }
0xb4: {  	v52 =	vld [tilespmem:s17+$0x4D00];
	v5 =	vadd.s32 v49, v5  }
0xb5: {  	v53 =	vld [tilespmem:s17+$0x4E00];
	v5 =	vadd.s32 v50, v5  }
0xb6: {  	v54 =	vld [tilespmem:s17+$0x4F00];
	v5 =	vadd.s32 v51, v5  }
0xb7: {  	v5 =	vadd.s32 v6, v5  }
0xb8: {  	v5 =	vadd.s32 v7, v5  }
0xb9: {  	v5 =	vadd.s32 v52, v5  }
0xba: {  	v5 =	vadd.s32 v53, v5  }
0xbb: {  	s16 =	sadd.s32 $0x10, s16;
	v5 =	vadd.s32 v54, v5  }
0xbc: {  	[tilespmem:s16+$0x0] =	vst v5  }
0xbd: {  	[spmem:s8] =	stream.linear.scatter [tilespmem:s12], [sflag:$0x1], $0x100, $0x38;
	[tilespmem:$0x6B90] =	vst v63  }
0xbe: {  	_ =	swait.ge [sflag:s11], $0x100  }
0xbf: {  	[sflag:s11] =	ssyncset.done $0x0  }
0xc0: {  	[sflag:s11] =	ssyncadd.s32 $0xFFFFFF00  }
0xc1: {  	s29 =	simm.s32 $0x5100;
	[bflag:$0x0] =	sbarrier.arrive $0xFFFF  }
0xc2: {  	[tilespmem:s29], [sflag:$0x1] =	stream.linear.gather [spmem:s2], $0x1000, $0x38;
	[tilespmem:$0x6B90] =	vst v63  }
0xc3: {  	_ =	swait.ge [sflag:s11], $0x1000  }
0xc4: {  	s16 =	simm.s32 $0x0;
	[sflag:s11] =	ssyncset.done $0x0  }
0xc5: {  	s30 =	sand.u32 $0xF0, s16;
	[sflag:s11] =	ssyncadd.s32 $0xFFFFF000  }
0xc6: {  	v5 =	vld [tilespmem:s30+$0x5200]  }
0xc7: {  	v6 =	vld [tilespmem:s29+$0x0]  }
0xc8: {  	v7 =	vld [tilespmem:s30+$0x5300]  }
0xc9: {  	v55 =	vld [tilespmem:s30+$0x5400]  }
0xca: {  	v56 =	vld [tilespmem:s30+$0x5500]  }
0xcb: {  	v57 =	vld [tilespmem:s30+$0x5600]  }
0xcc: {  	v5 =	vadd.s32 v6, v5;
	v6 =	vld [tilespmem:s30+$0x5700]  }
0xcd: {  	v5 =	vadd.s32 v7, v5;
	v7 =	vld [tilespmem:s30+$0x5800]  }
0xce: {  	v58 =	vld [tilespmem:s30+$0x5900];
	v5 =	vadd.s32 v55, v5  }
0xcf: {  	v59 =	vld [tilespmem:s30+$0x5A00];
	v5 =	vadd.s32 v56, v5  }
0xd0: {  	v60 =	vld [tilespmem:s30+$0x5B00];
	v5 =	vadd.s32 v57, v5  }
0xd1: {  	v5 =	vadd.s32 v6, v5;
	v6 =	vld [tilespmem:s30+$0x5C00]  }
0xd2: {  	v5 =	vadd.s32 v7, v5;
	v7 =	vld [tilespmem:s30+$0x5D00]  }
0xd3: {  	v61 =	vld [tilespmem:s30+$0x5E00];
	v5 =	vadd.s32 v58, v5  }
0xd4: {  	v62 =	vld [tilespmem:s30+$0x5F00];
	v5 =	vadd.s32 v59, v5  }
0xd5: {  	v63 =	vld [tilespmem:s30+$0x6000];
	v5 =	vadd.s32 v60, v5  }
0xd6: {  	v5 =	vadd.s32 v6, v5  }
0xd7: {  	v5 =	vadd.s32 v7, v5  }
0xd8: {  	v5 =	vadd.s32 v61, v5  }
0xd9: {  	v5 =	vadd.s32 v62, v5  }
0xda: {  	s31 =	simm.s32 $0x10;
	s17 =	simm.s32 $0x6100;
	v5 =	vadd.s32 v63, v5  }
0xdb: {  	s19 =	sand.u32 $0xF0, s31;
	[tilespmem:s17+$0x0] =	vst v5  }
0xdc: {  	s21 =	simm.s32 $0x20;
	s20 =	simm.s32 $0x5110;
	s18 =	simm.s32 $0x6100;
	v5 =	vld [tilespmem:s19+$0x5200]  }
.LBB2_10:
0xdd: {  	p1 =	sne.s32 s21, $0xF0;
	v6 =	vld [tilespmem:s20+$0x0]  }
0xde: {  	v7 =	vld [tilespmem:s19+$0x5300]  }
0xdf: {  	v8 =	vld [tilespmem:s19+$0x5400]  }
0xe0: {  	v9 =	vld [tilespmem:s19+$0x5500]  }
0xe1: {  	v10 =	vld [tilespmem:s19+$0x5600]  }
0xe2: {  	v5 =	vadd.s32 v6, v5;
	v6 =	vld [tilespmem:s19+$0x5700]  }
0xe3: {  	v5 =	vadd.s32 v7, v5;
	v7 =	vld [tilespmem:s19+$0x5800]  }
0xe4: {  	v5 =	vadd.s32 v8, v5;
	v8 =	vld [tilespmem:s19+$0x5900]  }
0xe5: {  	v5 =	vadd.s32 v9, v5;
	v9 =	vld [tilespmem:s19+$0x5A00]  }
0xe6: {  	v5 =	vadd.s32 v10, v5;
	v10 =	vld [tilespmem:s19+$0x5B00]  }
0xe7: {  	v5 =	vadd.s32 v6, v5;
	v6 =	vld [tilespmem:s19+$0x5C00]  }
0xe8: {  	v5 =	vadd.s32 v7, v5;
	v7 =	vld [tilespmem:s19+$0x5D00]  }
0xe9: {  	v5 =	vadd.s32 v8, v5;
	v8 =	vld [tilespmem:s19+$0x5E00]  }
0xea: {  	v5 =	vadd.s32 v9, v5;
	v9 =	vld [tilespmem:s19+$0x5F00]  }
0xeb: {  	v5 =	vadd.s32 v10, v5;
	v10 =	vld [tilespmem:s19+$0x6000]  }
0xec: {  	v5 =	vadd.s32 v6, v5  }
0xed: {  	v5 =	vadd.s32 v7, v5  }
.Ltmp6:
0xee: {  	v5 =	vadd.s32 v8, v5;
	(pc) =	sbr.rel @p1 .LBB2_10-.Ltmp6, $4  }
0xef: {  	v5 =	vadd.s32 v9, v5  }
0xf0: {  	s18 =	sadd.s32 $0x10, s18;
	v5 =	vadd.s32 v10, v5  }
0xf1: {  	s19 =	sand.u32 $0xF0, s21;
	[tilespmem:s18+$0x0] =	vst v5  }
0xf2: {  	s20 =	sadd.s32 $0x10, s20;
	s21 =	sadd.s32 $0x10, s21;
	v5 =	vld [tilespmem:s19+$0x5200]  }
0xf3: {  	v6 =	vld [tilespmem:s20+$0x0]  }
0xf4: {  	v7 =	vld [tilespmem:s19+$0x5300]  }
0xf5: {  	v8 =	vld [tilespmem:s19+$0x5400]  }
0xf6: {  	v9 =	vld [tilespmem:s19+$0x5500]  }
0xf7: {  	v10 =	vld [tilespmem:s19+$0x5600]  }
0xf8: {  	v5 =	vadd.s32 v6, v5;
	v6 =	vld [tilespmem:s19+$0x5700]  }
0xf9: {  	v5 =	vadd.s32 v7, v5;
	v7 =	vld [tilespmem:s19+$0x5800]  }
0xfa: {  	v5 =	vadd.s32 v8, v5;
	v8 =	vld [tilespmem:s19+$0x5900]  }
0xfb: {  	v60 =	vld [tilespmem:s19+$0x5A00];
	v5 =	vadd.s32 v9, v5  }
0xfc: {  	v61 =	vld [tilespmem:s19+$0x5B00];
	v5 =	vadd.s32 v10, v5  }
0xfd: {  	v5 =	vadd.s32 v6, v5;
	v6 =	vld [tilespmem:s19+$0x5C00]  }
0xfe: {  	v5 =	vadd.s32 v7, v5;
	v7 =	vld [tilespmem:s19+$0x5D00]  }
0xff: {  	v5 =	vadd.s32 v8, v5;
	v8 =	vld [tilespmem:s19+$0x5E00]  }
0x100: {  	v62 =	vld [tilespmem:s19+$0x5F00];
	v5 =	vadd.s32 v60, v5  }
0x101: {  	v63 =	vld [tilespmem:s19+$0x6000];
	v5 =	vadd.s32 v61, v5  }
0x102: {  	v5 =	vadd.s32 v6, v5  }
0x103: {  	v5 =	vadd.s32 v7, v5  }
0x104: {  	v5 =	vadd.s32 v8, v5  }
0x105: {  	v5 =	vadd.s32 v62, v5  }
0x106: {  	s18 =	sadd.s32 $0x10, s18;
	v5 =	vadd.s32 v63, v5  }
0x107: {  	[tilespmem:s18+$0x0] =	vst v5  }
0x108: {  	v5 =	vld [tilespmem:s17+$0x0];
	_ =	sdelay $0x4  }
0x109: {  	s31 =	simm.s32 $0x6110;
	(xrf0) =	vadd.scan.msk.s32 $0xffff, v5  }
0x10a: {  	v6 =	vld [tilespmem:s31+$0x0];
	_ =	sdelay $0x4  }
0x10b: {  	s19 =	simm.s32 $0x6120;
	s18 =	simm.s32 $0x2;
	s17 =	simm.s32 $0x1;
	v5 =	vimm.s32 $0x0;
	(xrf0) =	vadd.scan.msk.s32 $0xffff, v6;
	v6, _, _ =	vpop (xrf0)  }
.LBB2_12:
0x10c: {  	p1 =	sne.s32 s18, $0xF  }
0x10d: {  	v7 =	vld [tilespmem:s19+$0x0];
	v8 =	vmov s16;
	v6 =	vbroadcast v6, $0xF;
	s16 =	smov.u32 s17;
	s17 =	smov.u32 s18;
	s18 =	sadd.s32 $0x1, s18  }
.Ltmp7:
0x10e: {  	vm1 =	veq.s32 v8, v0;
	(pc) =	sbr.rel @p1 .LBB2_12-.Ltmp7, $2  }
0x10f: {  	v5 =	vsel vm1, v6, v5;
	_ =	sdelay $0x2  }
0x110: {  	s19 =	sadd.s32 $0x10, s19;
	(xrf0) =	vadd.scan.msk.s32 $0xffff, v7;
	v6, _, _ =	vpop (xrf0)  }
0x111: {  	_ =	sdelay $0x4  }
0x112: {  	v7 =	vmov s16;
	v6 =	vbroadcast v6, $0xF;
	v8, _, _ =	vpop (xrf0)  }
0x113: {  	vm1 =	veq.s32 v7, v0;
	v7 =	vmov s17;
	v8 =	vbroadcast v8, $0xF  }
0x114: {  	v5 =	vsel vm1, v6, v5;
	vm1 =	veq.s32 v7, v0  }
0x115: {  	v5 =	vsel vm1, v8, v5  }
0x116: {  	(xrf0) =	vadd.scan.msk.s32 $0xffff, v5;
	_ =	sdelay $0x5  }
0x117: {  	v6, _, _ =	vpop (xrf0)  }
0x118: {  	v7 =	vbroadcast v6, $0xF;
	_ =	sdelay $0x1  }
0x119: {  	v6 =	vsub.s32 v7, v6  }
0x11a: {  	v6 =	vadd.s32 v5, v6  }
0x11b: {  	vm1 =	vgt.s32 v6, $0x6665  }
0x11c: {  	v7 =	vmpcnt.ones.xlane vm1;
	_ =	sdelay $0x1  }
0x11d: {  	v7 =	vxor.u32 $0x80000000, v7  }
0x11e: {  	(xrf0) =	vmax.scan.msk.u32 $0xffff, v7;
	_ =	sdelay $0x5  }
0x11f: {  	v7, _, _ =	vpop (xrf0)  }
0x120: {  	(v2sf) =	vpush v7, $0xF;
	_ =	sdelay $0xe  }
0x121: {  	s30 =	spop (v2sf)  }
0x122: {  	s16 =	sadd.s32 $0x7FFFFFFF, s30  }
0x123: {  	v7 =	vmov s16  }
0x124: {  	vm1 =	veq.s32 v7, v0  }
0x125: {  	v6 =	vnsel vm1, $0x0, v6  }
0x126: {  	v5 =	vnsel vm1, $0x0, v5;
	(xrf0) =	vadd.scan.msk.s32 $0xffff, v6  }
0x127: {  	(xrf0) =	vadd.scan.msk.s32 $0xffff, v5;
	_ =	sdelay $0x4  }
0x128: {  	v5, _, _ =	vpop (xrf0)  }
0x129: {  	(v2sf) =	vpush v5, $0xF;
	v5, _, _ =	vpop (xrf0)  }
0x12a: {  	(v2sf) =	vpush v5, $0xF  }
0x12b: {  	s16 =	sshll.u32 s16, $0x4  }
0x12c: {  	v5 =	vld [tilespmem:s16+$0x6100];
	_ =	sdelay $0x4  }
0x12d: {  	(xrf0) =	vadd.scan.msk.s32 $0xffff, v5;
	_ =	sdelay $0x5  }
0x12e: {  	v6, _, _ =	vpop (xrf0)  }
0x12f: {  	v7 =	vbroadcast v6, $0xF;
	s31 =	spop (v2sf)  }
0x130: {  	s18 =	spop (v2sf)  }
0x131: {  	v6 =	vsub.s32 v7, v6;
	s17 =	ssub.s32 s18, s31  }
0x132: {  	v6 =	vadd.s32 v5, v6;
	s17 =	sadd.s32 $0x6666, s17  }
0x133: {  	vm1 =	vge.s32 v6, s17  }
0x134: {  	s19 =	simm.s32 $0x100;
	s18 =	simm.s32 $0x0;
	v7 =	vmpcnt.ones.xlane vm1  }
.LBB2_14:
0x135: {  	p1 =	seq.s32 s19, $0x3F00;
	[tilespmem:s18+$0x4030] =	vst v1;
	s20 =	smov.u32 s19;
	s19 =	sadd.s32 $0x100, s19  }
.Ltmp8:
0x136: {  	[tilespmem:s18+$0x4020] =	vst v1;
	(pc) =	sbr.rel @!p1 .LBB2_14-.Ltmp8, $3  }
0x137: {  	[tilespmem:s18+$0x4000] =	vst v1  }
0x138: {  	[tilespmem:s18+$0x4010] =	vst v1;
	_ =	sdelay $0x1  }
0x139: {  	s18 =	sshra.s32 s20, $0x2  }
0x13a: {  	v7 =	vxor.u32 $0x80000000, v7  }
0x13b: {  	(xrf0) =	vmax.scan.msk.u32 $0xffff, v7;
	_ =	sdelay $0x5  }
0x13c: {  	v7, _, _ =	vpop (xrf0)  }
0x13d: {  	(v2sf) =	vpush v7, $0xF;
	_ =	sdelay $0xc  }
0x13e: {  	[tilespmem:s18+$0x4030] =	vst v1  }
0x13f: {  	[tilespmem:s18+$0x4020] =	vst v1  }
0x140: {  	[tilespmem:s18+$0x4000] =	vst v1;
	s31 =	spop (v2sf)  }
0x141: {  	[tilespmem:s18+$0x4010] =	vst v1;
	s18 =	sadd.s32 $0x7FFFFFFF, s31  }
0x142: {  	s16 =	sadd.s32 s18, s16  }
0x143: {  	s16 =	sadd.s32 $0xFFFFFF80, s16  }
0x144: {  	s19 =	simm.s32 $0x0;
	s20 =	simm.s32 $0x0;
	v7 =	vmov s16  }
.LBB2_16:
0x145: {  	s22 =	sshra.s32 s20, $0x2  }
0x146: {  	v8 =	vld [tilespmem:s22+$0x2000];
	_ =	sdelay $0x4  }
0x147: {  	v9 =	vshrl.u32 v8, $0x10;
	v8 =	vshra.s32 v8, $0x18  }
0x148: {  	vm1 =	veq.s32 v8, v7;
	v8 =	vand.u32 $0xFF, v9  }
0x149: {  	v8 =	vor.u32 v4, v8;
	_ =	sdelay $0x3  }
0x14a: {  	s21 =	simm.s32 $0x4000  }
0x14b: {  	[tilespmem:v8+s21+$0x0] =	vst.idx.add.s32.msk vm1, v3  }
0x14c: {  	v8 =	vld [tilespmem:s22+$0x2010];
	_ =	sdelay $0x4  }
0x14d: {  	v57 =	vshrl.u32 v8, $0x10;
	v8 =	vshra.s32 v8, $0x18  }
0x14e: {  	vm1 =	veq.s32 v8, v7;
	v8 =	vand.u32 $0xFF, v57  }
0x14f: {  	v8 =	vor.u32 v4, v8;
	_ =	sdelay $0x4  }
0x150: {  	[tilespmem:v8+s21+$0x0] =	vst.idx.add.s32.msk vm1, v3  }
0x151: {  	v8 =	vld [tilespmem:s22+$0x2020];
	_ =	sdelay $0x4  }
0x152: {  	v58 =	vshrl.u32 v8, $0x10;
	v8 =	vshra.s32 v8, $0x18  }
0x153: {  	vm1 =	veq.s32 v8, v7;
	v8 =	vand.u32 $0xFF, v58  }
0x154: {  	v8 =	vor.u32 v4, v8;
	_ =	sdelay $0x4  }
0x155: {  	[tilespmem:v8+s21+$0x0] =	vst.idx.add.s32.msk vm1, v3  }
0x156: {  	v8 =	vld [tilespmem:s22+$0x2030];
	_ =	sdelay $0x4  }
0x157: {  	v59 =	vshrl.u32 v8, $0x10;
	v8 =	vshra.s32 v8, $0x18  }
0x158: {  	vm1 =	veq.s32 v8, v7;
	v8 =	vand.u32 $0xFF, v59  }
0x159: {  	v8 =	vor.u32 v4, v8;
	_ =	sdelay $0x4  }
0x15a: {  	[tilespmem:v8+s21+$0x0] =	vst.idx.add.s32.msk vm1, v3  }
0x15b: {  	v8 =	vld [tilespmem:s22+$0x2040];
	_ =	sdelay $0x4  }
0x15c: {  	v60 =	vshrl.u32 v8, $0x10;
	v8 =	vshra.s32 v8, $0x18  }
0x15d: {  	vm1 =	veq.s32 v8, v7;
	v8 =	vand.u32 $0xFF, v60  }
0x15e: {  	v8 =	vor.u32 v4, v8;
	_ =	sdelay $0x4  }
0x15f: {  	[tilespmem:v8+s21+$0x0] =	vst.idx.add.s32.msk vm1, v3  }
0x160: {  	v8 =	vld [tilespmem:s22+$0x2050];
	_ =	sdelay $0x4  }
0x161: {  	v61 =	vshrl.u32 v8, $0x10;
	v8 =	vshra.s32 v8, $0x18  }
0x162: {  	vm1 =	veq.s32 v8, v7;
	v8 =	vand.u32 $0xFF, v61  }
0x163: {  	v8 =	vor.u32 v4, v8;
	_ =	sdelay $0x4  }
0x164: {  	[tilespmem:v8+s21+$0x0] =	vst.idx.add.s32.msk vm1, v3  }
0x165: {  	v8 =	vld [tilespmem:s22+$0x2060];
	_ =	sdelay $0x4  }
0x166: {  	v62 =	vshrl.u32 v8, $0x10;
	v8 =	vshra.s32 v8, $0x18  }
0x167: {  	vm1 =	veq.s32 v8, v7;
	v8 =	vand.u32 $0xFF, v62  }
0x168: {  	v8 =	vor.u32 v4, v8;
	_ =	sdelay $0x4  }
0x169: {  	[tilespmem:v8+s21+$0x0] =	vst.idx.add.s32.msk vm1, v3  }
0x16a: {  	v8 =	vld [tilespmem:s22+$0x2070];
	_ =	sdelay $0x4  }
0x16b: {  	v63 =	vshrl.u32 v8, $0x10;
	v8 =	vshra.s32 v8, $0x18  }
0x16c: {  	vm1 =	veq.s32 v8, v7;
	v8 =	vand.u32 $0xFF, v63  }
0x16d: {  	p1 =	sne.s32 s20, $0x7E00;
	v8 =	vor.u32 v4, v8  }
.Ltmp9:
0x16e: {  	_ = 	snop;
	(pc) =	sbr.rel @p1 .LBB2_16-.Ltmp9, $2  }
0x16f: {  	_ =	sdelay $0x2  }
0x170: {  	s20 =	sadd.s32 $0x200, s20;
	[tilespmem:v8+s21+$0x0] =	vst.idx.add.s32.msk vm1, v3  }
0x171: {  	s19 =	sand.u32 $0xF0, s19;
	v8 =	vld [tilespmem:s21+$0x0]  }
0x172: {  	v7 =	vld [tilespmem:s19+$0x4100]  }
0x173: {  	v9 =	vld [tilespmem:s19+$0x4200]  }
0x174: {  	v10 =	vld [tilespmem:s19+$0x4300]  }
0x175: {  	v11 =	vld [tilespmem:s19+$0x4400]  }
0x176: {  	v12 =	vld [tilespmem:s19+$0x4500]  }
0x177: {  	v7 =	vadd.s32 v8, v7;
	v8 =	vld [tilespmem:s19+$0x4600]  }
0x178: {  	v56 =	vld [tilespmem:s19+$0x4700];
	v7 =	vadd.s32 v9, v7  }
0x179: {  	v57 =	vld [tilespmem:s19+$0x4800];
	v7 =	vadd.s32 v10, v7  }
0x17a: {  	v58 =	vld [tilespmem:s19+$0x4900];
	v7 =	vadd.s32 v11, v7  }
0x17b: {  	v59 =	vld [tilespmem:s19+$0x4A00];
	v7 =	vadd.s32 v12, v7  }
0x17c: {  	v7 =	vadd.s32 v8, v7;
	v8 =	vld [tilespmem:s19+$0x4B00]  }
0x17d: {  	v60 =	vld [tilespmem:s19+$0x4C00];
	v7 =	vadd.s32 v56, v7  }
0x17e: {  	v61 =	vld [tilespmem:s19+$0x4D00];
	v7 =	vadd.s32 v57, v7  }
0x17f: {  	v62 =	vld [tilespmem:s19+$0x4E00];
	v7 =	vadd.s32 v58, v7  }
0x180: {  	v63 =	vld [tilespmem:s19+$0x4F00];
	v7 =	vadd.s32 v59, v7  }
0x181: {  	v7 =	vadd.s32 v8, v7  }
0x182: {  	v7 =	vadd.s32 v60, v7  }
0x183: {  	v7 =	vadd.s32 v61, v7  }
0x184: {  	v7 =	vadd.s32 v62, v7  }
0x185: {  	s20 =	simm.s32 $0x10;
	s19 =	simm.s32 $0x5000;
	v7 =	vadd.s32 v63, v7  }
0x186: {  	s20 =	sand.u32 $0xF0, s20;
	[tilespmem:s19+$0x0] =	vst v7  }
0x187: {  	s22 =	simm.s32 $0x20;
	s21 =	simm.s32 $0x4010;
	v7 =	vld [tilespmem:s20+$0x4100]  }
.LBB2_18:
0x188: {  	p1 =	sne.s32 s22, $0xF0;
	v8 =	vld [tilespmem:s21+$0x0]  }
0x189: {  	v9 =	vld [tilespmem:s20+$0x4200]  }
0x18a: {  	v10 =	vld [tilespmem:s20+$0x4300]  }
0x18b: {  	v11 =	vld [tilespmem:s20+$0x4400]  }
0x18c: {  	v12 =	vld [tilespmem:s20+$0x4500]  }
0x18d: {  	v7 =	vadd.s32 v8, v7;
	v8 =	vld [tilespmem:s20+$0x4600]  }
0x18e: {  	v7 =	vadd.s32 v9, v7;
	v9 =	vld [tilespmem:s20+$0x4700]  }
0x18f: {  	v7 =	vadd.s32 v10, v7;
	v10 =	vld [tilespmem:s20+$0x4800]  }
0x190: {  	v7 =	vadd.s32 v11, v7;
	v11 =	vld [tilespmem:s20+$0x4900]  }
0x191: {  	v7 =	vadd.s32 v12, v7;
	v12 =	vld [tilespmem:s20+$0x4A00]  }
0x192: {  	v7 =	vadd.s32 v8, v7;
	v8 =	vld [tilespmem:s20+$0x4B00]  }
0x193: {  	v7 =	vadd.s32 v9, v7;
	v9 =	vld [tilespmem:s20+$0x4C00]  }
0x194: {  	v7 =	vadd.s32 v10, v7;
	v10 =	vld [tilespmem:s20+$0x4D00]  }
0x195: {  	v7 =	vadd.s32 v11, v7;
	v11 =	vld [tilespmem:s20+$0x4E00]  }
0x196: {  	v7 =	vadd.s32 v12, v7;
	v12 =	vld [tilespmem:s20+$0x4F00]  }
0x197: {  	v7 =	vadd.s32 v8, v7  }
0x198: {  	v7 =	vadd.s32 v9, v7  }
.Ltmp10:
0x199: {  	v7 =	vadd.s32 v10, v7;
	(pc) =	sbr.rel @p1 .LBB2_18-.Ltmp10, $4  }
0x19a: {  	v7 =	vadd.s32 v11, v7  }
0x19b: {  	s19 =	sadd.s32 $0x10, s19;
	v7 =	vadd.s32 v12, v7  }
0x19c: {  	s20 =	sand.u32 $0xF0, s22;
	[tilespmem:s19+$0x0] =	vst v7  }
0x19d: {  	s21 =	sadd.s32 $0x10, s21;
	s22 =	sadd.s32 $0x10, s22;
	v7 =	vld [tilespmem:s20+$0x4100]  }
0x19e: {  	v8 =	vld [tilespmem:s21+$0x0]  }
0x19f: {  	v9 =	vld [tilespmem:s20+$0x4200]  }
0x1a0: {  	v10 =	vld [tilespmem:s20+$0x4300]  }
0x1a1: {  	v11 =	vld [tilespmem:s20+$0x4400]  }
0x1a2: {  	v12 =	vld [tilespmem:s20+$0x4500]  }
0x1a3: {  	v7 =	vadd.s32 v8, v7;
	v8 =	vld [tilespmem:s20+$0x4600]  }
0x1a4: {  	v44 =	vld [tilespmem:s20+$0x4700];
	v7 =	vadd.s32 v9, v7  }
0x1a5: {  	v45 =	vld [tilespmem:s20+$0x4800];
	v7 =	vadd.s32 v10, v7  }
0x1a6: {  	v46 =	vld [tilespmem:s20+$0x4900];
	v7 =	vadd.s32 v11, v7  }
0x1a7: {  	v47 =	vld [tilespmem:s20+$0x4A00];
	v7 =	vadd.s32 v12, v7  }
0x1a8: {  	v7 =	vadd.s32 v8, v7;
	v8 =	vld [tilespmem:s20+$0x4B00]  }
0x1a9: {  	v48 =	vld [tilespmem:s20+$0x4C00];
	v7 =	vadd.s32 v44, v7  }
0x1aa: {  	v49 =	vld [tilespmem:s20+$0x4D00];
	v7 =	vadd.s32 v45, v7  }
0x1ab: {  	v50 =	vld [tilespmem:s20+$0x4E00];
	v7 =	vadd.s32 v46, v7  }
0x1ac: {  	v51 =	vld [tilespmem:s20+$0x4F00];
	v7 =	vadd.s32 v47, v7  }
0x1ad: {  	v7 =	vadd.s32 v8, v7  }
0x1ae: {  	v7 =	vadd.s32 v48, v7  }
0x1af: {  	v7 =	vadd.s32 v49, v7  }
0x1b0: {  	v7 =	vadd.s32 v50, v7  }
0x1b1: {  	s19 =	sadd.s32 $0x10, s19;
	v7 =	vadd.s32 v51, v7  }
0x1b2: {  	[tilespmem:s19+$0x0] =	vst v7  }
0x1b3: {  	[spmem:s8] =	stream.linear.scatter [tilespmem:s12], [sflag:$0x1], $0x100, $0x38;
	[tilespmem:$0x6B90] =	vst v63  }
0x1b4: {  	_ =	swait.ge [sflag:s11], $0x100  }
0x1b5: {  	[sflag:s11] =	ssyncset.done $0x0  }
0x1b6: {  	[sflag:s11] =	ssyncadd.s32 $0xFFFFFF00  }
0x1b7: {  	s29 =	simm.s32 $0x5100;
	[bflag:$0x0] =	sbarrier.arrive $0xFFFF  }
0x1b8: {  	[tilespmem:s29], [sflag:$0x1] =	stream.linear.gather [spmem:s2], $0x1000, $0x38;
	[tilespmem:$0x6B90] =	vst v63  }
0x1b9: {  	_ =	swait.ge [sflag:s11], $0x1000  }
0x1ba: {  	s19 =	simm.s32 $0x0;
	[sflag:s11] =	ssyncset.done $0x0  }
0x1bb: {  	s30 =	sand.u32 $0xF0, s19;
	[sflag:s11] =	ssyncadd.s32 $0xFFFFF000  }
0x1bc: {  	v7 =	vld [tilespmem:s30+$0x5200]  }
0x1bd: {  	v8 =	vld [tilespmem:s29+$0x0]  }
0x1be: {  	v52 =	vld [tilespmem:s30+$0x5300]  }
0x1bf: {  	v53 =	vld [tilespmem:s30+$0x5400]  }
0x1c0: {  	v54 =	vld [tilespmem:s30+$0x5500]  }
0x1c1: {  	v55 =	vld [tilespmem:s30+$0x5600]  }
0x1c2: {  	v7 =	vadd.s32 v8, v7;
	v8 =	vld [tilespmem:s30+$0x5700]  }
0x1c3: {  	v56 =	vld [tilespmem:s30+$0x5800];
	v7 =	vadd.s32 v52, v7  }
0x1c4: {  	v57 =	vld [tilespmem:s30+$0x5900];
	v7 =	vadd.s32 v53, v7  }
0x1c5: {  	v58 =	vld [tilespmem:s30+$0x5A00];
	v7 =	vadd.s32 v54, v7  }
0x1c6: {  	v59 =	vld [tilespmem:s30+$0x5B00];
	v7 =	vadd.s32 v55, v7  }
0x1c7: {  	v7 =	vadd.s32 v8, v7;
	v8 =	vld [tilespmem:s30+$0x5C00]  }
0x1c8: {  	v60 =	vld [tilespmem:s30+$0x5D00];
	v7 =	vadd.s32 v56, v7  }
0x1c9: {  	v61 =	vld [tilespmem:s30+$0x5E00];
	v7 =	vadd.s32 v57, v7  }
0x1ca: {  	v62 =	vld [tilespmem:s30+$0x5F00];
	v7 =	vadd.s32 v58, v7  }
0x1cb: {  	v63 =	vld [tilespmem:s30+$0x6000];
	v7 =	vadd.s32 v59, v7  }
0x1cc: {  	v7 =	vadd.s32 v8, v7  }
0x1cd: {  	v7 =	vadd.s32 v60, v7  }
0x1ce: {  	v7 =	vadd.s32 v61, v7  }
0x1cf: {  	v7 =	vadd.s32 v62, v7  }
0x1d0: {  	s31 =	simm.s32 $0x10;
	s20 =	simm.s32 $0x6100;
	v7 =	vadd.s32 v63, v7  }
0x1d1: {  	s22 =	sand.u32 $0xF0, s31;
	[tilespmem:s20+$0x0] =	vst v7  }
0x1d2: {  	s24 =	simm.s32 $0x20;
	s23 =	simm.s32 $0x5110;
	s21 =	simm.s32 $0x6100;
	v7 =	vld [tilespmem:s22+$0x5200]  }
.LBB2_20:
0x1d3: {  	p1 =	sne.s32 s24, $0xF0;
	v8 =	vld [tilespmem:s23+$0x0]  }
0x1d4: {  	v9 =	vld [tilespmem:s22+$0x5300]  }
0x1d5: {  	v10 =	vld [tilespmem:s22+$0x5400]  }
0x1d6: {  	v11 =	vld [tilespmem:s22+$0x5500]  }
0x1d7: {  	v12 =	vld [tilespmem:s22+$0x5600]  }
0x1d8: {  	v7 =	vadd.s32 v8, v7;
	v8 =	vld [tilespmem:s22+$0x5700]  }
0x1d9: {  	v7 =	vadd.s32 v9, v7;
	v9 =	vld [tilespmem:s22+$0x5800]  }
0x1da: {  	v7 =	vadd.s32 v10, v7;
	v10 =	vld [tilespmem:s22+$0x5900]  }
0x1db: {  	v7 =	vadd.s32 v11, v7;
	v11 =	vld [tilespmem:s22+$0x5A00]  }
0x1dc: {  	v7 =	vadd.s32 v12, v7;
	v12 =	vld [tilespmem:s22+$0x5B00]  }
0x1dd: {  	v7 =	vadd.s32 v8, v7;
	v8 =	vld [tilespmem:s22+$0x5C00]  }
0x1de: {  	v7 =	vadd.s32 v9, v7;
	v9 =	vld [tilespmem:s22+$0x5D00]  }
0x1df: {  	v7 =	vadd.s32 v10, v7;
	v10 =	vld [tilespmem:s22+$0x5E00]  }
0x1e0: {  	v7 =	vadd.s32 v11, v7;
	v11 =	vld [tilespmem:s22+$0x5F00]  }
0x1e1: {  	v7 =	vadd.s32 v12, v7;
	v12 =	vld [tilespmem:s22+$0x6000]  }
0x1e2: {  	v7 =	vadd.s32 v8, v7  }
0x1e3: {  	v7 =	vadd.s32 v9, v7  }
.Ltmp11:
0x1e4: {  	v7 =	vadd.s32 v10, v7;
	(pc) =	sbr.rel @p1 .LBB2_20-.Ltmp11, $4  }
0x1e5: {  	v7 =	vadd.s32 v11, v7  }
0x1e6: {  	s21 =	sadd.s32 $0x10, s21;
	v7 =	vadd.s32 v12, v7  }
0x1e7: {  	s22 =	sand.u32 $0xF0, s24;
	[tilespmem:s21+$0x0] =	vst v7  }
0x1e8: {  	s23 =	sadd.s32 $0x10, s23;
	s24 =	sadd.s32 $0x10, s24;
	v7 =	vld [tilespmem:s22+$0x5200]  }
0x1e9: {  	v8 =	vld [tilespmem:s23+$0x0]  }
0x1ea: {  	v9 =	vld [tilespmem:s22+$0x5300]  }
0x1eb: {  	v10 =	vld [tilespmem:s22+$0x5400]  }
0x1ec: {  	v11 =	vld [tilespmem:s22+$0x5500]  }
0x1ed: {  	v12 =	vld [tilespmem:s22+$0x5600]  }
0x1ee: {  	v7 =	vadd.s32 v8, v7;
	v8 =	vld [tilespmem:s22+$0x5700]  }
0x1ef: {  	v7 =	vadd.s32 v9, v7;
	v9 =	vld [tilespmem:s22+$0x5800]  }
0x1f0: {  	v7 =	vadd.s32 v10, v7;
	v10 =	vld [tilespmem:s22+$0x5900]  }
0x1f1: {  	v7 =	vadd.s32 v11, v7;
	v11 =	vld [tilespmem:s22+$0x5A00]  }
0x1f2: {  	v62 =	vld [tilespmem:s22+$0x5B00];
	v7 =	vadd.s32 v12, v7  }
0x1f3: {  	v7 =	vadd.s32 v8, v7;
	v8 =	vld [tilespmem:s22+$0x5C00]  }
0x1f4: {  	v7 =	vadd.s32 v9, v7;
	v9 =	vld [tilespmem:s22+$0x5D00]  }
0x1f5: {  	v7 =	vadd.s32 v10, v7;
	v10 =	vld [tilespmem:s22+$0x5E00]  }
0x1f6: {  	v7 =	vadd.s32 v11, v7;
	v11 =	vld [tilespmem:s22+$0x5F00]  }
0x1f7: {  	v63 =	vld [tilespmem:s22+$0x6000];
	v7 =	vadd.s32 v62, v7  }
0x1f8: {  	v7 =	vadd.s32 v8, v7  }
0x1f9: {  	v7 =	vadd.s32 v9, v7  }
0x1fa: {  	v7 =	vadd.s32 v10, v7  }
0x1fb: {  	v7 =	vadd.s32 v11, v7  }
0x1fc: {  	s21 =	sadd.s32 $0x10, s21;
	v7 =	vadd.s32 v63, v7  }
0x1fd: {  	[tilespmem:s21+$0x0] =	vst v7  }
0x1fe: {  	v7 =	vld [tilespmem:s20+$0x0];
	_ =	sdelay $0x4  }
0x1ff: {  	s31 =	simm.s32 $0x6110;
	(xrf0) =	vadd.scan.msk.s32 $0xffff, v7  }
0x200: {  	v8 =	vld [tilespmem:s31+$0x0];
	_ =	sdelay $0x4  }
0x201: {  	s22 =	simm.s32 $0x6120;
	s21 =	simm.s32 $0x2;
	s20 =	simm.s32 $0x1;
	v7 =	vimm.s32 $0x0;
	(xrf0) =	vadd.scan.msk.s32 $0xffff, v8;
	v8, _, _ =	vpop (xrf0)  }
.LBB2_22:
0x202: {  	p1 =	sne.s32 s21, $0xF  }
0x203: {  	v9 =	vld [tilespmem:s22+$0x0];
	v10 =	vmov s19;
	v8 =	vbroadcast v8, $0xF;
	s19 =	smov.u32 s20;
	s20 =	smov.u32 s21;
	s21 =	sadd.s32 $0x1, s21  }
.Ltmp12:
0x204: {  	vm1 =	veq.s32 v10, v0;
	(pc) =	sbr.rel @p1 .LBB2_22-.Ltmp12, $2  }
0x205: {  	v7 =	vsel vm1, v8, v7;
	_ =	sdelay $0x2  }
0x206: {  	s22 =	sadd.s32 $0x10, s22;
	(xrf0) =	vadd.scan.msk.s32 $0xffff, v9;
	v8, _, _ =	vpop (xrf0)  }
0x207: {  	v9 =	vmov s18  }
0x208: {  	vm1 =	veq.s32 v9, v0  }
0x209: {  	v6 =	vnsel vm1, $0x0, v6  }
0x20a: {  	v5 =	vnsel vm1, $0x0, v5;
	(xrf0) =	vadd.scan.msk.s32 $0xffff, v6  }
0x20b: {  	(xrf0) =	vadd.scan.msk.s32 $0xffff, v5;
	_ =	sdelay $0x3  }
0x20c: {  	v5, _, _ =	vpop (xrf0)  }
0x20d: {  	v6, _, _ =	vpop (xrf0)  }
0x20e: {  	(v2sf) =	vpush v6, $0xF;
	v6, _, _ =	vpop (xrf0)  }
0x20f: {  	(v2sf) =	vpush v6, $0xF;
	_ =	sdelay $0x2  }
0x210: {  	v8 =	vbroadcast v8, $0xF;
	v6 =	vmov s19  }
0x211: {  	v5 =	vbroadcast v5, $0xF;
	vm1 =	veq.s32 v6, v0;
	v6 =	vmov s20  }
0x212: {  	v7 =	vsel vm1, v8, v7;
	vm1 =	veq.s32 v6, v0  }
0x213: {  	v5 =	vsel vm1, v5, v7  }
0x214: {  	(xrf0) =	vadd.scan.msk.s32 $0xffff, v5;
	_ =	sdelay $0x5  }
0x215: {  	v6, _, _ =	vpop (xrf0)  }
0x216: {  	v7 =	vbroadcast v6, $0xF;
	s26 =	spop (v2sf)  }
0x217: {  	s28 =	spop (v2sf)  }
0x218: {  	v6 =	vsub.s32 v7, v6;
	s18 =	ssub.s32 s28, s26  }
0x219: {  	v6 =	vadd.s32 v5, v6;
	s17 =	sadd.s32 s17, s18  }
0x21a: {  	vm1 =	vge.s32 v6, s17  }
0x21b: {  	v7 =	vmpcnt.ones.xlane vm1;
	_ =	sdelay $0x1  }
0x21c: {  	v7 =	vxor.u32 $0x80000000, v7  }
0x21d: {  	(xrf0) =	vmax.scan.msk.u32 $0xffff, v7;
	_ =	sdelay $0x5  }
0x21e: {  	v7, _, _ =	vpop (xrf0)  }
0x21f: {  	(v2sf) =	vpush v7, $0xF;
	_ =	sdelay $0xe  }
0x220: {  	s29 =	spop (v2sf)  }
0x221: {  	s18 =	sadd.s32 $0x7FFFFFFF, s29  }
0x222: {  	v7 =	vmov s18  }
0x223: {  	vm1 =	veq.s32 v7, v0  }
0x224: {  	v6 =	vnsel vm1, $0x0, v6  }
0x225: {  	v5 =	vnsel vm1, $0x0, v5;
	(xrf0) =	vadd.scan.msk.s32 $0xffff, v6  }
0x226: {  	(xrf0) =	vadd.scan.msk.s32 $0xffff, v5;
	_ =	sdelay $0x4  }
0x227: {  	v5, _, _ =	vpop (xrf0)  }
0x228: {  	(v2sf) =	vpush v5, $0xF;
	v5, _, _ =	vpop (xrf0)  }
0x229: {  	(v2sf) =	vpush v5, $0xF  }
0x22a: {  	s19 =	sshll.u32 s18, $0x4  }
0x22b: {  	v5 =	vld [tilespmem:s19+$0x6100];
	_ =	sdelay $0x4  }
0x22c: {  	(xrf0) =	vadd.scan.msk.s32 $0xffff, v5;
	_ =	sdelay $0x5  }
0x22d: {  	v6, _, _ =	vpop (xrf0)  }
0x22e: {  	v7 =	vbroadcast v6, $0xF;
	s30 =	spop (v2sf)  }
0x22f: {  	s31 =	spop (v2sf)  }
0x230: {  	v6 =	vsub.s32 v7, v6;
	s18 =	ssub.s32 s31, s30  }
0x231: {  	v6 =	vadd.s32 v5, v6;
	s17 =	sadd.s32 s17, s18  }
0x232: {  	vm1 =	vge.s32 v6, s17  }
0x233: {  	s20 =	simm.s32 $0x100;
	s18 =	simm.s32 $0x0;
	v7 =	vmpcnt.ones.xlane vm1  }
.LBB2_24:
0x234: {  	p1 =	seq.s32 s20, $0x3F00;
	[tilespmem:s18+$0x4030] =	vst v1;
	s21 =	smov.u32 s20;
	s20 =	sadd.s32 $0x100, s20  }
.Ltmp13:
0x235: {  	[tilespmem:s18+$0x4020] =	vst v1;
	(pc) =	sbr.rel @!p1 .LBB2_24-.Ltmp13, $3  }
0x236: {  	[tilespmem:s18+$0x4000] =	vst v1  }
0x237: {  	[tilespmem:s18+$0x4010] =	vst v1;
	_ =	sdelay $0x1  }
0x238: {  	s18 =	sshra.s32 s21, $0x2  }
0x239: {  	v7 =	vxor.u32 $0x80000000, v7  }
0x23a: {  	(xrf0) =	vmax.scan.msk.u32 $0xffff, v7;
	_ =	sdelay $0x5  }
0x23b: {  	v7, _, _ =	vpop (xrf0)  }
0x23c: {  	(v2sf) =	vpush v7, $0xF;
	_ =	sdelay $0xc  }
0x23d: {  	[tilespmem:s18+$0x4030] =	vst v1  }
0x23e: {  	[tilespmem:s18+$0x4020] =	vst v1  }
0x23f: {  	[tilespmem:s18+$0x4000] =	vst v1;
	s16 =	sshll.u32 s16, $0x8;
	s31 =	spop (v2sf)  }
0x240: {  	[tilespmem:s18+$0x4010] =	vst v1;
	s16 =	sadd.s32 s16, s19;
	s18 =	sadd.s32 $0x7FFFFFFF, s31  }
0x241: {  	s16 =	sadd.s32 s18, s16  }
0x242: {  	s20 =	simm.s32 $0x0;
	s19 =	simm.s32 $0x0;
	v7 =	vmov s16  }
.LBB2_26:
0x243: {  	s22 =	sshra.s32 s20, $0x2  }
0x244: {  	v8 =	vld [tilespmem:s22+$0x2000];
	_ =	sdelay $0x4  }
0x245: {  	v9 =	vshrl.u32 v8, $0x8;
	v8 =	vshra.s32 v8, $0x10  }
0x246: {  	vm1 =	veq.s32 v8, v7;
	v8 =	vand.u32 $0xFF, v9  }
0x247: {  	v8 =	vor.u32 v4, v8;
	_ =	sdelay $0x3  }
0x248: {  	s21 =	simm.s32 $0x4000  }
0x249: {  	[tilespmem:v8+s21+$0x0] =	vst.idx.add.s32.msk vm1, v3  }
0x24a: {  	v8 =	vld [tilespmem:s22+$0x2010];
	_ =	sdelay $0x4  }
0x24b: {  	v57 =	vshrl.u32 v8, $0x8;
	v8 =	vshra.s32 v8, $0x10  }
0x24c: {  	vm1 =	veq.s32 v8, v7;
	v8 =	vand.u32 $0xFF, v57  }
0x24d: {  	v8 =	vor.u32 v4, v8;
	_ =	sdelay $0x4  }
0x24e: {  	[tilespmem:v8+s21+$0x0] =	vst.idx.add.s32.msk vm1, v3  }
0x24f: {  	v8 =	vld [tilespmem:s22+$0x2020];
	_ =	sdelay $0x4  }
0x250: {  	v58 =	vshrl.u32 v8, $0x8;
	v8 =	vshra.s32 v8, $0x10  }
0x251: {  	vm1 =	veq.s32 v8, v7;
	v8 =	vand.u32 $0xFF, v58  }
0x252: {  	v8 =	vor.u32 v4, v8;
	_ =	sdelay $0x4  }
0x253: {  	[tilespmem:v8+s21+$0x0] =	vst.idx.add.s32.msk vm1, v3  }
0x254: {  	v8 =	vld [tilespmem:s22+$0x2030];
	_ =	sdelay $0x4  }
0x255: {  	v59 =	vshrl.u32 v8, $0x8;
	v8 =	vshra.s32 v8, $0x10  }
0x256: {  	vm1 =	veq.s32 v8, v7;
	v8 =	vand.u32 $0xFF, v59  }
0x257: {  	v8 =	vor.u32 v4, v8;
	_ =	sdelay $0x4  }
0x258: {  	[tilespmem:v8+s21+$0x0] =	vst.idx.add.s32.msk vm1, v3  }
0x259: {  	v8 =	vld [tilespmem:s22+$0x2040];
	_ =	sdelay $0x4  }
0x25a: {  	v60 =	vshrl.u32 v8, $0x8;
	v8 =	vshra.s32 v8, $0x10  }
0x25b: {  	vm1 =	veq.s32 v8, v7;
	v8 =	vand.u32 $0xFF, v60  }
0x25c: {  	v8 =	vor.u32 v4, v8;
	_ =	sdelay $0x4  }
0x25d: {  	[tilespmem:v8+s21+$0x0] =	vst.idx.add.s32.msk vm1, v3  }
0x25e: {  	v8 =	vld [tilespmem:s22+$0x2050];
	_ =	sdelay $0x4  }
0x25f: {  	v61 =	vshrl.u32 v8, $0x8;
	v8 =	vshra.s32 v8, $0x10  }
0x260: {  	vm1 =	veq.s32 v8, v7;
	v8 =	vand.u32 $0xFF, v61  }
0x261: {  	v8 =	vor.u32 v4, v8;
	_ =	sdelay $0x4  }
0x262: {  	[tilespmem:v8+s21+$0x0] =	vst.idx.add.s32.msk vm1, v3  }
0x263: {  	v8 =	vld [tilespmem:s22+$0x2060];
	_ =	sdelay $0x4  }
0x264: {  	v62 =	vshrl.u32 v8, $0x8;
	v8 =	vshra.s32 v8, $0x10  }
0x265: {  	vm1 =	veq.s32 v8, v7;
	v8 =	vand.u32 $0xFF, v62  }
0x266: {  	v8 =	vor.u32 v4, v8;
	_ =	sdelay $0x4  }
0x267: {  	[tilespmem:v8+s21+$0x0] =	vst.idx.add.s32.msk vm1, v3  }
0x268: {  	v8 =	vld [tilespmem:s22+$0x2070];
	_ =	sdelay $0x4  }
0x269: {  	v63 =	vshrl.u32 v8, $0x8;
	v8 =	vshra.s32 v8, $0x10  }
0x26a: {  	vm1 =	veq.s32 v8, v7;
	v8 =	vand.u32 $0xFF, v63  }
0x26b: {  	p1 =	sne.s32 s20, $0x7E00;
	v8 =	vor.u32 v4, v8  }
.Ltmp14:
0x26c: {  	_ = 	snop;
	(pc) =	sbr.rel @p1 .LBB2_26-.Ltmp14, $2  }
0x26d: {  	_ =	sdelay $0x2  }
0x26e: {  	s20 =	sadd.s32 $0x200, s20;
	[tilespmem:v8+s21+$0x0] =	vst.idx.add.s32.msk vm1, v3  }
0x26f: {  	s19 =	sand.u32 $0xF0, s19;
	v8 =	vld [tilespmem:s21+$0x0]  }
0x270: {  	v7 =	vld [tilespmem:s19+$0x4100]  }
0x271: {  	v9 =	vld [tilespmem:s19+$0x4200]  }
0x272: {  	v10 =	vld [tilespmem:s19+$0x4300]  }
0x273: {  	v11 =	vld [tilespmem:s19+$0x4400]  }
0x274: {  	v12 =	vld [tilespmem:s19+$0x4500]  }
0x275: {  	v7 =	vadd.s32 v8, v7;
	v8 =	vld [tilespmem:s19+$0x4600]  }
0x276: {  	v56 =	vld [tilespmem:s19+$0x4700];
	v7 =	vadd.s32 v9, v7  }
0x277: {  	v57 =	vld [tilespmem:s19+$0x4800];
	v7 =	vadd.s32 v10, v7  }
0x278: {  	v58 =	vld [tilespmem:s19+$0x4900];
	v7 =	vadd.s32 v11, v7  }
0x279: {  	v59 =	vld [tilespmem:s19+$0x4A00];
	v7 =	vadd.s32 v12, v7  }
0x27a: {  	v7 =	vadd.s32 v8, v7;
	v8 =	vld [tilespmem:s19+$0x4B00]  }
0x27b: {  	v60 =	vld [tilespmem:s19+$0x4C00];
	v7 =	vadd.s32 v56, v7  }
0x27c: {  	v61 =	vld [tilespmem:s19+$0x4D00];
	v7 =	vadd.s32 v57, v7  }
0x27d: {  	v62 =	vld [tilespmem:s19+$0x4E00];
	v7 =	vadd.s32 v58, v7  }
0x27e: {  	v63 =	vld [tilespmem:s19+$0x4F00];
	v7 =	vadd.s32 v59, v7  }
0x27f: {  	v7 =	vadd.s32 v8, v7  }
0x280: {  	v7 =	vadd.s32 v60, v7  }
0x281: {  	v7 =	vadd.s32 v61, v7  }
0x282: {  	v7 =	vadd.s32 v62, v7  }
0x283: {  	s20 =	simm.s32 $0x10;
	s19 =	simm.s32 $0x5000;
	v7 =	vadd.s32 v63, v7  }
0x284: {  	s20 =	sand.u32 $0xF0, s20;
	[tilespmem:s19+$0x0] =	vst v7  }
0x285: {  	s22 =	simm.s32 $0x20;
	s21 =	simm.s32 $0x4010;
	v7 =	vld [tilespmem:s20+$0x4100]  }
.LBB2_28:
0x286: {  	p1 =	sne.s32 s22, $0xF0;
	v8 =	vld [tilespmem:s21+$0x0]  }
0x287: {  	v9 =	vld [tilespmem:s20+$0x4200]  }
0x288: {  	v10 =	vld [tilespmem:s20+$0x4300]  }
0x289: {  	v11 =	vld [tilespmem:s20+$0x4400]  }
0x28a: {  	v12 =	vld [tilespmem:s20+$0x4500]  }
0x28b: {  	v7 =	vadd.s32 v8, v7;
	v8 =	vld [tilespmem:s20+$0x4600]  }
0x28c: {  	v7 =	vadd.s32 v9, v7;
	v9 =	vld [tilespmem:s20+$0x4700]  }
0x28d: {  	v7 =	vadd.s32 v10, v7;
	v10 =	vld [tilespmem:s20+$0x4800]  }
0x28e: {  	v7 =	vadd.s32 v11, v7;
	v11 =	vld [tilespmem:s20+$0x4900]  }
0x28f: {  	v7 =	vadd.s32 v12, v7;
	v12 =	vld [tilespmem:s20+$0x4A00]  }
0x290: {  	v7 =	vadd.s32 v8, v7;
	v8 =	vld [tilespmem:s20+$0x4B00]  }
0x291: {  	v7 =	vadd.s32 v9, v7;
	v9 =	vld [tilespmem:s20+$0x4C00]  }
0x292: {  	v7 =	vadd.s32 v10, v7;
	v10 =	vld [tilespmem:s20+$0x4D00]  }
0x293: {  	v7 =	vadd.s32 v11, v7;
	v11 =	vld [tilespmem:s20+$0x4E00]  }
0x294: {  	v7 =	vadd.s32 v12, v7;
	v12 =	vld [tilespmem:s20+$0x4F00]  }
0x295: {  	v7 =	vadd.s32 v8, v7  }
0x296: {  	v7 =	vadd.s32 v9, v7  }
.Ltmp15:
0x297: {  	v7 =	vadd.s32 v10, v7;
	(pc) =	sbr.rel @p1 .LBB2_28-.Ltmp15, $4  }
0x298: {  	v7 =	vadd.s32 v11, v7  }
0x299: {  	s19 =	sadd.s32 $0x10, s19;
	v7 =	vadd.s32 v12, v7  }
0x29a: {  	s20 =	sand.u32 $0xF0, s22;
	[tilespmem:s19+$0x0] =	vst v7  }
0x29b: {  	s21 =	sadd.s32 $0x10, s21;
	s22 =	sadd.s32 $0x10, s22;
	v7 =	vld [tilespmem:s20+$0x4100]  }
0x29c: {  	v8 =	vld [tilespmem:s21+$0x0]  }
0x29d: {  	v9 =	vld [tilespmem:s20+$0x4200]  }
0x29e: {  	v10 =	vld [tilespmem:s20+$0x4300]  }
0x29f: {  	v11 =	vld [tilespmem:s20+$0x4400]  }
0x2a0: {  	v12 =	vld [tilespmem:s20+$0x4500]  }
0x2a1: {  	v7 =	vadd.s32 v8, v7;
	v8 =	vld [tilespmem:s20+$0x4600]  }
0x2a2: {  	v44 =	vld [tilespmem:s20+$0x4700];
	v7 =	vadd.s32 v9, v7  }
0x2a3: {  	v45 =	vld [tilespmem:s20+$0x4800];
	v7 =	vadd.s32 v10, v7  }
0x2a4: {  	v46 =	vld [tilespmem:s20+$0x4900];
	v7 =	vadd.s32 v11, v7  }
0x2a5: {  	v47 =	vld [tilespmem:s20+$0x4A00];
	v7 =	vadd.s32 v12, v7  }
0x2a6: {  	v7 =	vadd.s32 v8, v7;
	v8 =	vld [tilespmem:s20+$0x4B00]  }
0x2a7: {  	v48 =	vld [tilespmem:s20+$0x4C00];
	v7 =	vadd.s32 v44, v7  }
0x2a8: {  	v49 =	vld [tilespmem:s20+$0x4D00];
	v7 =	vadd.s32 v45, v7  }
0x2a9: {  	v50 =	vld [tilespmem:s20+$0x4E00];
	v7 =	vadd.s32 v46, v7  }
0x2aa: {  	v51 =	vld [tilespmem:s20+$0x4F00];
	v7 =	vadd.s32 v47, v7  }
0x2ab: {  	v7 =	vadd.s32 v8, v7  }
0x2ac: {  	v7 =	vadd.s32 v48, v7  }
0x2ad: {  	v7 =	vadd.s32 v49, v7  }
0x2ae: {  	v7 =	vadd.s32 v50, v7  }
0x2af: {  	s19 =	sadd.s32 $0x10, s19;
	v7 =	vadd.s32 v51, v7  }
0x2b0: {  	[tilespmem:s19+$0x0] =	vst v7  }
0x2b1: {  	[spmem:s8] =	stream.linear.scatter [tilespmem:s12], [sflag:$0x1], $0x100, $0x38;
	[tilespmem:$0x6B90] =	vst v63  }
0x2b2: {  	_ =	swait.ge [sflag:s11], $0x100  }
0x2b3: {  	[sflag:s11] =	ssyncset.done $0x0  }
0x2b4: {  	[sflag:s11] =	ssyncadd.s32 $0xFFFFFF00  }
0x2b5: {  	s29 =	simm.s32 $0x5100;
	[bflag:$0x0] =	sbarrier.arrive $0xFFFF  }
0x2b6: {  	[tilespmem:s29], [sflag:$0x1] =	stream.linear.gather [spmem:s2], $0x1000, $0x38;
	[tilespmem:$0x6B90] =	vst v63  }
0x2b7: {  	_ =	swait.ge [sflag:s11], $0x1000  }
0x2b8: {  	s19 =	simm.s32 $0x0;
	[sflag:s11] =	ssyncset.done $0x0  }
0x2b9: {  	s30 =	sand.u32 $0xF0, s19;
	[sflag:s11] =	ssyncadd.s32 $0xFFFFF000  }
0x2ba: {  	v7 =	vld [tilespmem:s30+$0x5200]  }
0x2bb: {  	v8 =	vld [tilespmem:s29+$0x0]  }
0x2bc: {  	v52 =	vld [tilespmem:s30+$0x5300]  }
0x2bd: {  	v53 =	vld [tilespmem:s30+$0x5400]  }
0x2be: {  	v54 =	vld [tilespmem:s30+$0x5500]  }
0x2bf: {  	v55 =	vld [tilespmem:s30+$0x5600]  }
0x2c0: {  	v7 =	vadd.s32 v8, v7;
	v8 =	vld [tilespmem:s30+$0x5700]  }
0x2c1: {  	v56 =	vld [tilespmem:s30+$0x5800];
	v7 =	vadd.s32 v52, v7  }
0x2c2: {  	v57 =	vld [tilespmem:s30+$0x5900];
	v7 =	vadd.s32 v53, v7  }
0x2c3: {  	v58 =	vld [tilespmem:s30+$0x5A00];
	v7 =	vadd.s32 v54, v7  }
0x2c4: {  	v59 =	vld [tilespmem:s30+$0x5B00];
	v7 =	vadd.s32 v55, v7  }
0x2c5: {  	v7 =	vadd.s32 v8, v7;
	v8 =	vld [tilespmem:s30+$0x5C00]  }
0x2c6: {  	v60 =	vld [tilespmem:s30+$0x5D00];
	v7 =	vadd.s32 v56, v7  }
0x2c7: {  	v61 =	vld [tilespmem:s30+$0x5E00];
	v7 =	vadd.s32 v57, v7  }
0x2c8: {  	v62 =	vld [tilespmem:s30+$0x5F00];
	v7 =	vadd.s32 v58, v7  }
0x2c9: {  	v63 =	vld [tilespmem:s30+$0x6000];
	v7 =	vadd.s32 v59, v7  }
0x2ca: {  	v7 =	vadd.s32 v8, v7  }
0x2cb: {  	v7 =	vadd.s32 v60, v7  }
0x2cc: {  	v7 =	vadd.s32 v61, v7  }
0x2cd: {  	v7 =	vadd.s32 v62, v7  }
0x2ce: {  	s31 =	simm.s32 $0x10;
	s20 =	simm.s32 $0x6100;
	v7 =	vadd.s32 v63, v7  }
0x2cf: {  	s22 =	sand.u32 $0xF0, s31;
	[tilespmem:s20+$0x0] =	vst v7  }
0x2d0: {  	s24 =	simm.s32 $0x20;
	s23 =	simm.s32 $0x5110;
	s21 =	simm.s32 $0x6100;
	v7 =	vld [tilespmem:s22+$0x5200]  }
.LBB2_30:
0x2d1: {  	p1 =	sne.s32 s24, $0xF0;
	v8 =	vld [tilespmem:s23+$0x0]  }
0x2d2: {  	v9 =	vld [tilespmem:s22+$0x5300]  }
0x2d3: {  	v10 =	vld [tilespmem:s22+$0x5400]  }
0x2d4: {  	v11 =	vld [tilespmem:s22+$0x5500]  }
0x2d5: {  	v12 =	vld [tilespmem:s22+$0x5600]  }
0x2d6: {  	v7 =	vadd.s32 v8, v7;
	v8 =	vld [tilespmem:s22+$0x5700]  }
0x2d7: {  	v7 =	vadd.s32 v9, v7;
	v9 =	vld [tilespmem:s22+$0x5800]  }
0x2d8: {  	v7 =	vadd.s32 v10, v7;
	v10 =	vld [tilespmem:s22+$0x5900]  }
0x2d9: {  	v7 =	vadd.s32 v11, v7;
	v11 =	vld [tilespmem:s22+$0x5A00]  }
0x2da: {  	v7 =	vadd.s32 v12, v7;
	v12 =	vld [tilespmem:s22+$0x5B00]  }
0x2db: {  	v7 =	vadd.s32 v8, v7;
	v8 =	vld [tilespmem:s22+$0x5C00]  }
0x2dc: {  	v7 =	vadd.s32 v9, v7;
	v9 =	vld [tilespmem:s22+$0x5D00]  }
0x2dd: {  	v7 =	vadd.s32 v10, v7;
	v10 =	vld [tilespmem:s22+$0x5E00]  }
0x2de: {  	v7 =	vadd.s32 v11, v7;
	v11 =	vld [tilespmem:s22+$0x5F00]  }
0x2df: {  	v7 =	vadd.s32 v12, v7;
	v12 =	vld [tilespmem:s22+$0x6000]  }
0x2e0: {  	v7 =	vadd.s32 v8, v7  }
0x2e1: {  	v7 =	vadd.s32 v9, v7  }
.Ltmp16:
0x2e2: {  	v7 =	vadd.s32 v10, v7;
	(pc) =	sbr.rel @p1 .LBB2_30-.Ltmp16, $4  }
0x2e3: {  	v7 =	vadd.s32 v11, v7  }
0x2e4: {  	s21 =	sadd.s32 $0x10, s21;
	v7 =	vadd.s32 v12, v7  }
0x2e5: {  	s22 =	sand.u32 $0xF0, s24;
	[tilespmem:s21+$0x0] =	vst v7  }
0x2e6: {  	s23 =	sadd.s32 $0x10, s23;
	s24 =	sadd.s32 $0x10, s24;
	v7 =	vld [tilespmem:s22+$0x5200]  }
0x2e7: {  	v8 =	vld [tilespmem:s23+$0x0]  }
0x2e8: {  	v9 =	vld [tilespmem:s22+$0x5300]  }
0x2e9: {  	v10 =	vld [tilespmem:s22+$0x5400]  }
0x2ea: {  	v11 =	vld [tilespmem:s22+$0x5500]  }
0x2eb: {  	v12 =	vld [tilespmem:s22+$0x5600]  }
0x2ec: {  	v7 =	vadd.s32 v8, v7;
	v8 =	vld [tilespmem:s22+$0x5700]  }
0x2ed: {  	v7 =	vadd.s32 v9, v7;
	v9 =	vld [tilespmem:s22+$0x5800]  }
0x2ee: {  	v7 =	vadd.s32 v10, v7;
	v10 =	vld [tilespmem:s22+$0x5900]  }
0x2ef: {  	v7 =	vadd.s32 v11, v7;
	v11 =	vld [tilespmem:s22+$0x5A00]  }
0x2f0: {  	v62 =	vld [tilespmem:s22+$0x5B00];
	v7 =	vadd.s32 v12, v7  }
0x2f1: {  	v7 =	vadd.s32 v8, v7;
	v8 =	vld [tilespmem:s22+$0x5C00]  }
0x2f2: {  	v7 =	vadd.s32 v9, v7;
	v9 =	vld [tilespmem:s22+$0x5D00]  }
0x2f3: {  	v7 =	vadd.s32 v10, v7;
	v10 =	vld [tilespmem:s22+$0x5E00]  }
0x2f4: {  	v7 =	vadd.s32 v11, v7;
	v11 =	vld [tilespmem:s22+$0x5F00]  }
0x2f5: {  	v63 =	vld [tilespmem:s22+$0x6000];
	v7 =	vadd.s32 v62, v7  }
0x2f6: {  	v7 =	vadd.s32 v8, v7  }
0x2f7: {  	v7 =	vadd.s32 v9, v7  }
0x2f8: {  	v7 =	vadd.s32 v10, v7  }
0x2f9: {  	v7 =	vadd.s32 v11, v7  }
0x2fa: {  	s21 =	sadd.s32 $0x10, s21;
	v7 =	vadd.s32 v63, v7  }
0x2fb: {  	[tilespmem:s21+$0x0] =	vst v7  }
0x2fc: {  	v7 =	vld [tilespmem:s20+$0x0];
	_ =	sdelay $0x4  }
0x2fd: {  	s31 =	simm.s32 $0x6110;
	(xrf0) =	vadd.scan.msk.s32 $0xffff, v7  }
0x2fe: {  	v8 =	vld [tilespmem:s31+$0x0];
	_ =	sdelay $0x4  }
0x2ff: {  	s22 =	simm.s32 $0x6120;
	s21 =	simm.s32 $0x2;
	s20 =	simm.s32 $0x1;
	v7 =	vimm.s32 $0x0;
	(xrf0) =	vadd.scan.msk.s32 $0xffff, v8;
	v8, _, _ =	vpop (xrf0)  }
.LBB2_32:
0x300: {  	p1 =	sne.s32 s21, $0xF  }
0x301: {  	v9 =	vld [tilespmem:s22+$0x0];
	v10 =	vmov s19;
	v8 =	vbroadcast v8, $0xF;
	s19 =	smov.u32 s20;
	s20 =	smov.u32 s21;
	s21 =	sadd.s32 $0x1, s21  }
.Ltmp17:
0x302: {  	vm1 =	veq.s32 v10, v0;
	(pc) =	sbr.rel @p1 .LBB2_32-.Ltmp17, $2  }
0x303: {  	v7 =	vsel vm1, v8, v7;
	_ =	sdelay $0x2  }
0x304: {  	s22 =	sadd.s32 $0x10, s22;
	(xrf0) =	vadd.scan.msk.s32 $0xffff, v9;
	v8, _, _ =	vpop (xrf0)  }
0x305: {  	v9 =	vmov s18  }
0x306: {  	vm1 =	veq.s32 v9, v0  }
0x307: {  	v6 =	vnsel vm1, $0x0, v6  }
0x308: {  	v5 =	vnsel vm1, $0x0, v5;
	(xrf0) =	vadd.scan.msk.s32 $0xffff, v6  }
0x309: {  	(xrf0) =	vadd.scan.msk.s32 $0xffff, v5;
	_ =	sdelay $0x3  }
0x30a: {  	v5, _, _ =	vpop (xrf0)  }
0x30b: {  	v6, _, _ =	vpop (xrf0)  }
0x30c: {  	(v2sf) =	vpush v6, $0xF;
	v6, _, _ =	vpop (xrf0)  }
0x30d: {  	(v2sf) =	vpush v6, $0xF;
	_ =	sdelay $0x2  }
0x30e: {  	v8 =	vbroadcast v8, $0xF;
	v6 =	vmov s19  }
0x30f: {  	v5 =	vbroadcast v5, $0xF;
	vm1 =	veq.s32 v6, v0;
	v6 =	vmov s20  }
0x310: {  	v7 =	vsel vm1, v8, v7;
	vm1 =	veq.s32 v6, v0  }
0x311: {  	v5 =	vsel vm1, v5, v7  }
0x312: {  	(xrf0) =	vadd.scan.msk.s32 $0xffff, v5;
	_ =	sdelay $0x5  }
0x313: {  	v6, _, _ =	vpop (xrf0)  }
0x314: {  	v7 =	vbroadcast v6, $0xF;
	s26 =	spop (v2sf)  }
0x315: {  	s28 =	spop (v2sf)  }
0x316: {  	v6 =	vsub.s32 v7, v6;
	s18 =	ssub.s32 s28, s26  }
0x317: {  	v6 =	vadd.s32 v5, v6;
	s17 =	sadd.s32 s17, s18  }
0x318: {  	vm1 =	vge.s32 v6, s17  }
0x319: {  	v7 =	vmpcnt.ones.xlane vm1;
	_ =	sdelay $0x1  }
0x31a: {  	v7 =	vxor.u32 $0x80000000, v7  }
0x31b: {  	(xrf0) =	vmax.scan.msk.u32 $0xffff, v7;
	_ =	sdelay $0x5  }
0x31c: {  	v7, _, _ =	vpop (xrf0)  }
0x31d: {  	(v2sf) =	vpush v7, $0xF;
	_ =	sdelay $0xe  }
0x31e: {  	s29 =	spop (v2sf)  }
0x31f: {  	s18 =	sadd.s32 $0x7FFFFFFF, s29  }
0x320: {  	v7 =	vmov s18  }
0x321: {  	vm1 =	veq.s32 v7, v0  }
0x322: {  	v6 =	vnsel vm1, $0x0, v6  }
0x323: {  	v5 =	vnsel vm1, $0x0, v5;
	(xrf0) =	vadd.scan.msk.s32 $0xffff, v6  }
0x324: {  	(xrf0) =	vadd.scan.msk.s32 $0xffff, v5;
	_ =	sdelay $0x4  }
0x325: {  	v5, _, _ =	vpop (xrf0)  }
0x326: {  	(v2sf) =	vpush v5, $0xF;
	v5, _, _ =	vpop (xrf0)  }
0x327: {  	(v2sf) =	vpush v5, $0xF  }
0x328: {  	s19 =	sshll.u32 s18, $0x4  }
0x329: {  	v5 =	vld [tilespmem:s19+$0x6100];
	_ =	sdelay $0x4  }
0x32a: {  	(xrf0) =	vadd.scan.msk.s32 $0xffff, v5;
	_ =	sdelay $0x5  }
0x32b: {  	v6, _, _ =	vpop (xrf0)  }
0x32c: {  	v7 =	vbroadcast v6, $0xF;
	s30 =	spop (v2sf)  }
0x32d: {  	s31 =	spop (v2sf)  }
0x32e: {  	v6 =	vsub.s32 v7, v6;
	s18 =	ssub.s32 s31, s30  }
0x32f: {  	v6 =	vadd.s32 v5, v6;
	s17 =	sadd.s32 s17, s18  }
0x330: {  	vm1 =	vge.s32 v6, s17  }
0x331: {  	s20 =	simm.s32 $0x100;
	s18 =	simm.s32 $0x0;
	v7 =	vmpcnt.ones.xlane vm1  }
.LBB2_34:
0x332: {  	p1 =	seq.s32 s20, $0x3F00;
	[tilespmem:s18+$0x4030] =	vst v1;
	s21 =	smov.u32 s20;
	s20 =	sadd.s32 $0x100, s20  }
.Ltmp18:
0x333: {  	[tilespmem:s18+$0x4020] =	vst v1;
	(pc) =	sbr.rel @!p1 .LBB2_34-.Ltmp18, $3  }
0x334: {  	[tilespmem:s18+$0x4000] =	vst v1  }
0x335: {  	[tilespmem:s18+$0x4010] =	vst v1;
	_ =	sdelay $0x1  }
0x336: {  	s18 =	sshra.s32 s21, $0x2  }
0x337: {  	v7 =	vxor.u32 $0x80000000, v7  }
0x338: {  	(xrf0) =	vmax.scan.msk.u32 $0xffff, v7;
	_ =	sdelay $0x5  }
0x339: {  	v7, _, _ =	vpop (xrf0)  }
0x33a: {  	(v2sf) =	vpush v7, $0xF;
	_ =	sdelay $0xc  }
0x33b: {  	[tilespmem:s18+$0x4030] =	vst v1  }
0x33c: {  	[tilespmem:s18+$0x4020] =	vst v1  }
0x33d: {  	[tilespmem:s18+$0x4000] =	vst v1;
	s16 =	sshll.u32 s16, $0x8;
	s31 =	spop (v2sf)  }
0x33e: {  	[tilespmem:s18+$0x4010] =	vst v1;
	s16 =	sadd.s32 s16, s19;
	s18 =	sadd.s32 $0x7FFFFFFF, s31  }
0x33f: {  	s16 =	sadd.s32 s18, s16  }
0x340: {  	s20 =	simm.s32 $0x0;
	s19 =	simm.s32 $0x0;
	v7 =	vmov s16  }
.LBB2_36:
0x341: {  	s22 =	sshra.s32 s20, $0x2  }
0x342: {  	v8 =	vld [tilespmem:s22+$0x2000];
	_ =	sdelay $0x4  }
0x343: {  	v9 =	vshra.s32 v8, $0x8  }
0x344: {  	v8 =	vand.u32 $0xFF, v8;
	vm1 =	veq.s32 v9, v7  }
0x345: {  	v8 =	vor.u32 v4, v8;
	_ =	sdelay $0x3  }
0x346: {  	s21 =	simm.s32 $0x4000  }
0x347: {  	[tilespmem:v8+s21+$0x0] =	vst.idx.add.s32.msk vm1, v3  }
0x348: {  	v8 =	vld [tilespmem:s22+$0x2010];
	_ =	sdelay $0x4  }
0x349: {  	v57 =	vshra.s32 v8, $0x8  }
0x34a: {  	v8 =	vand.u32 $0xFF, v8;
	vm1 =	veq.s32 v57, v7  }
0x34b: {  	v8 =	vor.u32 v4, v8;
	_ =	sdelay $0x4  }
0x34c: {  	[tilespmem:v8+s21+$0x0] =	vst.idx.add.s32.msk vm1, v3  }
0x34d: {  	v8 =	vld [tilespmem:s22+$0x2020];
	_ =	sdelay $0x4  }
0x34e: {  	v58 =	vshra.s32 v8, $0x8  }
0x34f: {  	v8 =	vand.u32 $0xFF, v8;
	vm1 =	veq.s32 v58, v7  }
0x350: {  	v8 =	vor.u32 v4, v8;
	_ =	sdelay $0x4  }
0x351: {  	[tilespmem:v8+s21+$0x0] =	vst.idx.add.s32.msk vm1, v3  }
0x352: {  	v8 =	vld [tilespmem:s22+$0x2030];
	_ =	sdelay $0x4  }
0x353: {  	v59 =	vshra.s32 v8, $0x8  }
0x354: {  	v8 =	vand.u32 $0xFF, v8;
	vm1 =	veq.s32 v59, v7  }
0x355: {  	v8 =	vor.u32 v4, v8;
	_ =	sdelay $0x4  }
0x356: {  	[tilespmem:v8+s21+$0x0] =	vst.idx.add.s32.msk vm1, v3  }
0x357: {  	v8 =	vld [tilespmem:s22+$0x2040];
	_ =	sdelay $0x4  }
0x358: {  	v60 =	vshra.s32 v8, $0x8  }
0x359: {  	v8 =	vand.u32 $0xFF, v8;
	vm1 =	veq.s32 v60, v7  }
0x35a: {  	v8 =	vor.u32 v4, v8;
	_ =	sdelay $0x4  }
0x35b: {  	[tilespmem:v8+s21+$0x0] =	vst.idx.add.s32.msk vm1, v3  }
0x35c: {  	v8 =	vld [tilespmem:s22+$0x2050];
	_ =	sdelay $0x4  }
0x35d: {  	v61 =	vshra.s32 v8, $0x8  }
0x35e: {  	v8 =	vand.u32 $0xFF, v8;
	vm1 =	veq.s32 v61, v7  }
0x35f: {  	v8 =	vor.u32 v4, v8;
	_ =	sdelay $0x4  }
0x360: {  	[tilespmem:v8+s21+$0x0] =	vst.idx.add.s32.msk vm1, v3  }
0x361: {  	v8 =	vld [tilespmem:s22+$0x2060];
	_ =	sdelay $0x4  }
0x362: {  	v62 =	vshra.s32 v8, $0x8  }
0x363: {  	v8 =	vand.u32 $0xFF, v8;
	vm1 =	veq.s32 v62, v7  }
0x364: {  	v8 =	vor.u32 v4, v8;
	_ =	sdelay $0x4  }
0x365: {  	[tilespmem:v8+s21+$0x0] =	vst.idx.add.s32.msk vm1, v3  }
0x366: {  	v8 =	vld [tilespmem:s22+$0x2070];
	_ =	sdelay $0x4  }
0x367: {  	v63 =	vshra.s32 v8, $0x8  }
0x368: {  	v8 =	vand.u32 $0xFF, v8;
	vm1 =	veq.s32 v63, v7  }
0x369: {  	p1 =	sne.s32 s20, $0x7E00;
	v8 =	vor.u32 v4, v8  }
.Ltmp19:
0x36a: {  	_ = 	snop;
	(pc) =	sbr.rel @p1 .LBB2_36-.Ltmp19, $2  }
0x36b: {  	_ =	sdelay $0x2  }
0x36c: {  	s20 =	sadd.s32 $0x200, s20;
	[tilespmem:v8+s21+$0x0] =	vst.idx.add.s32.msk vm1, v3  }
0x36d: {  	s19 =	sand.u32 $0xF0, s19;
	v8 =	vld [tilespmem:s21+$0x0]  }
0x36e: {  	v7 =	vld [tilespmem:s19+$0x4100]  }
0x36f: {  	v9 =	vld [tilespmem:s19+$0x4200]  }
0x370: {  	v10 =	vld [tilespmem:s19+$0x4300]  }
0x371: {  	v11 =	vld [tilespmem:s19+$0x4400]  }
0x372: {  	v12 =	vld [tilespmem:s19+$0x4500]  }
0x373: {  	v7 =	vadd.s32 v8, v7;
	v8 =	vld [tilespmem:s19+$0x4600]  }
0x374: {  	v56 =	vld [tilespmem:s19+$0x4700];
	v7 =	vadd.s32 v9, v7  }
0x375: {  	v57 =	vld [tilespmem:s19+$0x4800];
	v7 =	vadd.s32 v10, v7  }
0x376: {  	v58 =	vld [tilespmem:s19+$0x4900];
	v7 =	vadd.s32 v11, v7  }
0x377: {  	v59 =	vld [tilespmem:s19+$0x4A00];
	v7 =	vadd.s32 v12, v7  }
0x378: {  	v7 =	vadd.s32 v8, v7;
	v8 =	vld [tilespmem:s19+$0x4B00]  }
0x379: {  	v60 =	vld [tilespmem:s19+$0x4C00];
	v7 =	vadd.s32 v56, v7  }
0x37a: {  	v61 =	vld [tilespmem:s19+$0x4D00];
	v7 =	vadd.s32 v57, v7  }
0x37b: {  	v62 =	vld [tilespmem:s19+$0x4E00];
	v7 =	vadd.s32 v58, v7  }
0x37c: {  	v63 =	vld [tilespmem:s19+$0x4F00];
	v7 =	vadd.s32 v59, v7  }
0x37d: {  	v7 =	vadd.s32 v8, v7  }
0x37e: {  	v7 =	vadd.s32 v60, v7  }
0x37f: {  	v7 =	vadd.s32 v61, v7  }
0x380: {  	v7 =	vadd.s32 v62, v7  }
0x381: {  	s20 =	simm.s32 $0x10;
	s19 =	simm.s32 $0x5000;
	v7 =	vadd.s32 v63, v7  }
0x382: {  	s20 =	sand.u32 $0xF0, s20;
	[tilespmem:s19+$0x0] =	vst v7  }
0x383: {  	s22 =	simm.s32 $0x20;
	s21 =	simm.s32 $0x4010;
	v7 =	vld [tilespmem:s20+$0x4100]  }
.LBB2_38:
0x384: {  	p1 =	sne.s32 s22, $0xF0;
	v8 =	vld [tilespmem:s21+$0x0]  }
0x385: {  	v9 =	vld [tilespmem:s20+$0x4200]  }
0x386: {  	v10 =	vld [tilespmem:s20+$0x4300]  }
0x387: {  	v11 =	vld [tilespmem:s20+$0x4400]  }
0x388: {  	v12 =	vld [tilespmem:s20+$0x4500]  }
0x389: {  	v7 =	vadd.s32 v8, v7;
	v8 =	vld [tilespmem:s20+$0x4600]  }
0x38a: {  	v7 =	vadd.s32 v9, v7;
	v9 =	vld [tilespmem:s20+$0x4700]  }
0x38b: {  	v7 =	vadd.s32 v10, v7;
	v10 =	vld [tilespmem:s20+$0x4800]  }
0x38c: {  	v7 =	vadd.s32 v11, v7;
	v11 =	vld [tilespmem:s20+$0x4900]  }
0x38d: {  	v7 =	vadd.s32 v12, v7;
	v12 =	vld [tilespmem:s20+$0x4A00]  }
0x38e: {  	v7 =	vadd.s32 v8, v7;
	v8 =	vld [tilespmem:s20+$0x4B00]  }
0x38f: {  	v7 =	vadd.s32 v9, v7;
	v9 =	vld [tilespmem:s20+$0x4C00]  }
0x390: {  	v7 =	vadd.s32 v10, v7;
	v10 =	vld [tilespmem:s20+$0x4D00]  }
0x391: {  	v7 =	vadd.s32 v11, v7;
	v11 =	vld [tilespmem:s20+$0x4E00]  }
0x392: {  	v7 =	vadd.s32 v12, v7;
	v12 =	vld [tilespmem:s20+$0x4F00]  }
0x393: {  	v7 =	vadd.s32 v8, v7  }
0x394: {  	v7 =	vadd.s32 v9, v7  }
.Ltmp20:
0x395: {  	v7 =	vadd.s32 v10, v7;
	(pc) =	sbr.rel @p1 .LBB2_38-.Ltmp20, $4  }
0x396: {  	v7 =	vadd.s32 v11, v7  }
0x397: {  	s19 =	sadd.s32 $0x10, s19;
	v7 =	vadd.s32 v12, v7  }
0x398: {  	s20 =	sand.u32 $0xF0, s22;
	[tilespmem:s19+$0x0] =	vst v7  }
0x399: {  	s21 =	sadd.s32 $0x10, s21;
	s22 =	sadd.s32 $0x10, s22;
	v7 =	vld [tilespmem:s20+$0x4100]  }
0x39a: {  	v8 =	vld [tilespmem:s21+$0x0]  }
0x39b: {  	v9 =	vld [tilespmem:s20+$0x4200]  }
0x39c: {  	v10 =	vld [tilespmem:s20+$0x4300]  }
0x39d: {  	v11 =	vld [tilespmem:s20+$0x4400]  }
0x39e: {  	v12 =	vld [tilespmem:s20+$0x4500]  }
0x39f: {  	v7 =	vadd.s32 v8, v7;
	v8 =	vld [tilespmem:s20+$0x4600]  }
0x3a0: {  	v44 =	vld [tilespmem:s20+$0x4700];
	v7 =	vadd.s32 v9, v7  }
0x3a1: {  	v45 =	vld [tilespmem:s20+$0x4800];
	v7 =	vadd.s32 v10, v7  }
0x3a2: {  	v46 =	vld [tilespmem:s20+$0x4900];
	v7 =	vadd.s32 v11, v7  }
0x3a3: {  	v47 =	vld [tilespmem:s20+$0x4A00];
	v7 =	vadd.s32 v12, v7  }
0x3a4: {  	v7 =	vadd.s32 v8, v7;
	v8 =	vld [tilespmem:s20+$0x4B00]  }
0x3a5: {  	v48 =	vld [tilespmem:s20+$0x4C00];
	v7 =	vadd.s32 v44, v7  }
0x3a6: {  	v49 =	vld [tilespmem:s20+$0x4D00];
	v7 =	vadd.s32 v45, v7  }
0x3a7: {  	v50 =	vld [tilespmem:s20+$0x4E00];
	v7 =	vadd.s32 v46, v7  }
0x3a8: {  	v51 =	vld [tilespmem:s20+$0x4F00];
	v7 =	vadd.s32 v47, v7  }
0x3a9: {  	v7 =	vadd.s32 v8, v7  }
0x3aa: {  	v7 =	vadd.s32 v48, v7  }
0x3ab: {  	v7 =	vadd.s32 v49, v7  }
0x3ac: {  	v7 =	vadd.s32 v50, v7  }
0x3ad: {  	s19 =	sadd.s32 $0x10, s19;
	v7 =	vadd.s32 v51, v7  }
0x3ae: {  	[tilespmem:s19+$0x0] =	vst v7  }
0x3af: {  	[spmem:s8] =	stream.linear.scatter [tilespmem:s12], [sflag:$0x1], $0x100, $0x38;
	[tilespmem:$0x6B90] =	vst v63  }
0x3b0: {  	_ =	swait.ge [sflag:s11], $0x100  }
0x3b1: {  	[sflag:s11] =	ssyncset.done $0x0  }
0x3b2: {  	[sflag:s11] =	ssyncadd.s32 $0xFFFFFF00  }
0x3b3: {  	s29 =	simm.s32 $0x5100;
	[bflag:$0x0] =	sbarrier.arrive $0xFFFF  }
0x3b4: {  	[tilespmem:s29], [sflag:$0x1] =	stream.linear.gather [spmem:s2], $0x1000, $0x38;
	[tilespmem:$0x6B90] =	vst v63  }
0x3b5: {  	_ =	swait.ge [sflag:s11], $0x1000  }
0x3b6: {  	s19 =	simm.s32 $0x0;
	[sflag:s11] =	ssyncset.done $0x0  }
0x3b7: {  	s30 =	sand.u32 $0xF0, s19;
	[sflag:s11] =	ssyncadd.s32 $0xFFFFF000  }
0x3b8: {  	v7 =	vld [tilespmem:s30+$0x5200]  }
0x3b9: {  	v8 =	vld [tilespmem:s29+$0x0]  }
0x3ba: {  	v52 =	vld [tilespmem:s30+$0x5300]  }
0x3bb: {  	v53 =	vld [tilespmem:s30+$0x5400]  }
0x3bc: {  	v54 =	vld [tilespmem:s30+$0x5500]  }
0x3bd: {  	v55 =	vld [tilespmem:s30+$0x5600]  }
0x3be: {  	v7 =	vadd.s32 v8, v7;
	v8 =	vld [tilespmem:s30+$0x5700]  }
0x3bf: {  	v56 =	vld [tilespmem:s30+$0x5800];
	v7 =	vadd.s32 v52, v7  }
0x3c0: {  	v57 =	vld [tilespmem:s30+$0x5900];
	v7 =	vadd.s32 v53, v7  }
0x3c1: {  	v58 =	vld [tilespmem:s30+$0x5A00];
	v7 =	vadd.s32 v54, v7  }
0x3c2: {  	v59 =	vld [tilespmem:s30+$0x5B00];
	v7 =	vadd.s32 v55, v7  }
0x3c3: {  	v7 =	vadd.s32 v8, v7;
	v8 =	vld [tilespmem:s30+$0x5C00]  }
0x3c4: {  	v60 =	vld [tilespmem:s30+$0x5D00];
	v7 =	vadd.s32 v56, v7  }
0x3c5: {  	v61 =	vld [tilespmem:s30+$0x5E00];
	v7 =	vadd.s32 v57, v7  }
0x3c6: {  	v62 =	vld [tilespmem:s30+$0x5F00];
	v7 =	vadd.s32 v58, v7  }
0x3c7: {  	v63 =	vld [tilespmem:s30+$0x6000];
	v7 =	vadd.s32 v59, v7  }
0x3c8: {  	v7 =	vadd.s32 v8, v7  }
0x3c9: {  	v7 =	vadd.s32 v60, v7  }
0x3ca: {  	v7 =	vadd.s32 v61, v7  }
0x3cb: {  	v7 =	vadd.s32 v62, v7  }
0x3cc: {  	s31 =	simm.s32 $0x10;
	s20 =	simm.s32 $0x6100;
	v7 =	vadd.s32 v63, v7  }
0x3cd: {  	s22 =	sand.u32 $0xF0, s31;
	[tilespmem:s20+$0x0] =	vst v7  }
0x3ce: {  	s24 =	simm.s32 $0x20;
	s23 =	simm.s32 $0x5110;
	s21 =	simm.s32 $0x6100;
	v7 =	vld [tilespmem:s22+$0x5200]  }
.LBB2_40:
0x3cf: {  	p1 =	sne.s32 s24, $0xF0;
	v8 =	vld [tilespmem:s23+$0x0]  }
0x3d0: {  	v9 =	vld [tilespmem:s22+$0x5300]  }
0x3d1: {  	v10 =	vld [tilespmem:s22+$0x5400]  }
0x3d2: {  	v11 =	vld [tilespmem:s22+$0x5500]  }
0x3d3: {  	v12 =	vld [tilespmem:s22+$0x5600]  }
0x3d4: {  	v7 =	vadd.s32 v8, v7;
	v8 =	vld [tilespmem:s22+$0x5700]  }
0x3d5: {  	v7 =	vadd.s32 v9, v7;
	v9 =	vld [tilespmem:s22+$0x5800]  }
0x3d6: {  	v7 =	vadd.s32 v10, v7;
	v10 =	vld [tilespmem:s22+$0x5900]  }
0x3d7: {  	v7 =	vadd.s32 v11, v7;
	v11 =	vld [tilespmem:s22+$0x5A00]  }
0x3d8: {  	v7 =	vadd.s32 v12, v7;
	v12 =	vld [tilespmem:s22+$0x5B00]  }
0x3d9: {  	v7 =	vadd.s32 v8, v7;
	v8 =	vld [tilespmem:s22+$0x5C00]  }
0x3da: {  	v7 =	vadd.s32 v9, v7;
	v9 =	vld [tilespmem:s22+$0x5D00]  }
0x3db: {  	v7 =	vadd.s32 v10, v7;
	v10 =	vld [tilespmem:s22+$0x5E00]  }
0x3dc: {  	v7 =	vadd.s32 v11, v7;
	v11 =	vld [tilespmem:s22+$0x5F00]  }
0x3dd: {  	v7 =	vadd.s32 v12, v7;
	v12 =	vld [tilespmem:s22+$0x6000]  }
0x3de: {  	v7 =	vadd.s32 v8, v7  }
0x3df: {  	v7 =	vadd.s32 v9, v7  }
.Ltmp21:
0x3e0: {  	v7 =	vadd.s32 v10, v7;
	(pc) =	sbr.rel @p1 .LBB2_40-.Ltmp21, $4  }
0x3e1: {  	v7 =	vadd.s32 v11, v7  }
0x3e2: {  	s21 =	sadd.s32 $0x10, s21;
	v7 =	vadd.s32 v12, v7  }
0x3e3: {  	s22 =	sand.u32 $0xF0, s24;
	[tilespmem:s21+$0x0] =	vst v7  }
0x3e4: {  	s23 =	sadd.s32 $0x10, s23;
	s24 =	sadd.s32 $0x10, s24;
	v7 =	vld [tilespmem:s22+$0x5200]  }
0x3e5: {  	v8 =	vld [tilespmem:s23+$0x0]  }
0x3e6: {  	v9 =	vld [tilespmem:s22+$0x5300]  }
0x3e7: {  	v10 =	vld [tilespmem:s22+$0x5400]  }
0x3e8: {  	v11 =	vld [tilespmem:s22+$0x5500]  }
0x3e9: {  	v12 =	vld [tilespmem:s22+$0x5600]  }
0x3ea: {  	v7 =	vadd.s32 v8, v7;
	v8 =	vld [tilespmem:s22+$0x5700]  }
0x3eb: {  	v7 =	vadd.s32 v9, v7;
	v9 =	vld [tilespmem:s22+$0x5800]  }
0x3ec: {  	v7 =	vadd.s32 v10, v7;
	v10 =	vld [tilespmem:s22+$0x5900]  }
0x3ed: {  	v7 =	vadd.s32 v11, v7;
	v11 =	vld [tilespmem:s22+$0x5A00]  }
0x3ee: {  	v62 =	vld [tilespmem:s22+$0x5B00];
	v7 =	vadd.s32 v12, v7  }
0x3ef: {  	v7 =	vadd.s32 v8, v7;
	v8 =	vld [tilespmem:s22+$0x5C00]  }
0x3f0: {  	v7 =	vadd.s32 v9, v7;
	v9 =	vld [tilespmem:s22+$0x5D00]  }
0x3f1: {  	v7 =	vadd.s32 v10, v7;
	v10 =	vld [tilespmem:s22+$0x5E00]  }
0x3f2: {  	v7 =	vadd.s32 v11, v7;
	v11 =	vld [tilespmem:s22+$0x5F00]  }
0x3f3: {  	v63 =	vld [tilespmem:s22+$0x6000];
	v7 =	vadd.s32 v62, v7  }
0x3f4: {  	v7 =	vadd.s32 v8, v7  }
0x3f5: {  	v7 =	vadd.s32 v9, v7  }
0x3f6: {  	v7 =	vadd.s32 v10, v7  }
0x3f7: {  	v7 =	vadd.s32 v11, v7  }
0x3f8: {  	s21 =	sadd.s32 $0x10, s21;
	v7 =	vadd.s32 v63, v7  }
0x3f9: {  	[tilespmem:s21+$0x0] =	vst v7  }
0x3fa: {  	v7 =	vld [tilespmem:s20+$0x0];
	_ =	sdelay $0x4  }
0x3fb: {  	s31 =	simm.s32 $0x6110;
	(xrf0) =	vadd.scan.msk.s32 $0xffff, v7  }
0x3fc: {  	v8 =	vld [tilespmem:s31+$0x0];
	_ =	sdelay $0x4  }
0x3fd: {  	s22 =	simm.s32 $0x6120;
	s21 =	simm.s32 $0x2;
	s20 =	simm.s32 $0x1;
	v7 =	vimm.s32 $0x0;
	(xrf0) =	vadd.scan.msk.s32 $0xffff, v8;
	v8, _, _ =	vpop (xrf0)  }
.LBB2_42:
0x3fe: {  	p1 =	sne.s32 s21, $0xF  }
0x3ff: {  	v9 =	vld [tilespmem:s22+$0x0];
	v10 =	vmov s19;
	v8 =	vbroadcast v8, $0xF;
	s19 =	smov.u32 s20;
	s20 =	smov.u32 s21;
	s21 =	sadd.s32 $0x1, s21  }
.Ltmp22:
0x400: {  	vm1 =	veq.s32 v10, v0;
	(pc) =	sbr.rel @p1 .LBB2_42-.Ltmp22, $2  }
0x401: {  	v7 =	vsel vm1, v8, v7;
	_ =	sdelay $0x2  }
0x402: {  	s22 =	sadd.s32 $0x10, s22;
	(xrf0) =	vadd.scan.msk.s32 $0xffff, v9;
	v8, _, _ =	vpop (xrf0)  }
0x403: {  	v9 =	vmov s18  }
0x404: {  	vm1 =	veq.s32 v9, v0  }
0x405: {  	v6 =	vnsel vm1, $0x0, v6  }
0x406: {  	v5 =	vnsel vm1, $0x0, v5;
	(xrf0) =	vadd.scan.msk.s32 $0xffff, v6  }
0x407: {  	(xrf0) =	vadd.scan.msk.s32 $0xffff, v5;
	_ =	sdelay $0x3  }
0x408: {  	v5, _, _ =	vpop (xrf0)  }
0x409: {  	v6, _, _ =	vpop (xrf0)  }
0x40a: {  	(v2sf) =	vpush v6, $0xF;
	v6, _, _ =	vpop (xrf0)  }
0x40b: {  	(v2sf) =	vpush v6, $0xF;
	_ =	sdelay $0x2  }
0x40c: {  	v8 =	vbroadcast v8, $0xF;
	v6 =	vmov s19  }
0x40d: {  	v5 =	vbroadcast v5, $0xF;
	vm1 =	veq.s32 v6, v0;
	v6 =	vmov s20  }
0x40e: {  	v7 =	vsel vm1, v8, v7;
	vm1 =	veq.s32 v6, v0  }
0x40f: {  	v5 =	vsel vm1, v5, v7  }
0x410: {  	(xrf0) =	vadd.scan.msk.s32 $0xffff, v5;
	_ =	sdelay $0x5  }
0x411: {  	v6, _, _ =	vpop (xrf0)  }
0x412: {  	v7 =	vbroadcast v6, $0xF;
	s24 =	spop (v2sf)  }
0x413: {  	s25 =	spop (v2sf)  }
0x414: {  	v6 =	vsub.s32 v7, v6;
	s18 =	ssub.s32 s25, s24  }
0x415: {  	v6 =	vadd.s32 v5, v6;
	s17 =	sadd.s32 s17, s18  }
0x416: {  	vm1 =	vge.s32 v6, s17  }
0x417: {  	v7 =	vmpcnt.ones.xlane vm1;
	_ =	sdelay $0x1  }
0x418: {  	v7 =	vxor.u32 $0x80000000, v7  }
0x419: {  	(xrf0) =	vmax.scan.msk.u32 $0xffff, v7;
	_ =	sdelay $0x5  }
0x41a: {  	v7, _, _ =	vpop (xrf0)  }
0x41b: {  	(v2sf) =	vpush v7, $0xF;
	_ =	sdelay $0xe  }
0x41c: {  	s26 =	spop (v2sf)  }
0x41d: {  	s18 =	sadd.s32 $0x7FFFFFFF, s26  }
0x41e: {  	v7 =	vmov s18  }
0x41f: {  	vm1 =	veq.s32 v7, v0  }
0x420: {  	v6 =	vnsel vm1, $0x0, v6  }
0x421: {  	v5 =	vnsel vm1, $0x0, v5;
	(xrf0) =	vadd.scan.msk.s32 $0xffff, v6  }
0x422: {  	(xrf0) =	vadd.scan.msk.s32 $0xffff, v5;
	_ =	sdelay $0x4  }
0x423: {  	v5, _, _ =	vpop (xrf0)  }
0x424: {  	(v2sf) =	vpush v5, $0xF;
	v5, _, _ =	vpop (xrf0)  }
0x425: {  	(v2sf) =	vpush v5, $0xF  }
0x426: {  	s18 =	sshll.u32 s18, $0x4  }
0x427: {  	v5 =	vld [tilespmem:s18+$0x6100];
	_ =	sdelay $0x4  }
0x428: {  	(xrf0) =	vadd.scan.msk.s32 $0xffff, v5;
	_ =	sdelay $0x5  }
0x429: {  	v6, _, _ =	vpop (xrf0)  }
0x42a: {  	v7 =	vbroadcast v6, $0xF;
	s28 =	spop (v2sf)  }
0x42b: {  	s29 =	spop (v2sf)  }
0x42c: {  	v6 =	vsub.s32 v7, v6;
	s19 =	ssub.s32 s29, s28  }
0x42d: {  	v6 =	vadd.s32 v5, v6;
	s17 =	sadd.s32 s17, s19  }
0x42e: {  	vm1 =	vge.s32 v6, s17  }
0x42f: {  	v7 =	vmpcnt.ones.xlane vm1;
	_ =	sdelay $0x1  }
0x430: {  	v7 =	vxor.u32 $0x80000000, v7  }
0x431: {  	(xrf0) =	vmax.scan.msk.u32 $0xffff, v7;
	_ =	sdelay $0x5  }
0x432: {  	v7, _, _ =	vpop (xrf0)  }
0x433: {  	(v2sf) =	vpush v7, $0xF;
	_ =	sdelay $0xe  }
0x434: {  	s30 =	spop (v2sf)  }
0x435: {  	s19 =	sadd.s32 $0x7FFFFFFF, s30  }
0x436: {  	v7 =	vmov s19  }
0x437: {  	vm1 =	veq.s32 v7, v0  }
0x438: {  	v6 =	vnsel vm1, $0x0, v6  }
0x439: {  	v5 =	vnsel vm1, $0x0, v5;
	(xrf0) =	vadd.scan.msk.s32 $0xffff, v6  }
0x43a: {  	(xrf0) =	vadd.scan.msk.s32 $0xffff, v5;
	_ =	sdelay $0x4  }
0x43b: {  	v5, _, _ =	vpop (xrf0)  }
0x43c: {  	(v2sf) =	vpush v5, $0xF;
	v5, _, _ =	vpop (xrf0)  }
0x43d: {  	(v2sf) =	vpush v5, $0xF;
	_ =	sdelay $0xd  }
0x43e: {  	s31 =	spop (v2sf)  }
0x43f: {  	s21 =	spop (v2sf)  }
0x440: {  	s20 =	ssub.s32 s21, s31  }
0x441: {  	s17 =	sadd.s32 s17, s20  }
0x442: {  	p1 =	seq.s32 s21, s17  }
.Ltmp23:
0x443: {  	_ = 	snop;
	(pc) =	sbr.rel @p1 .LBB2_48-.Ltmp23, $4  }
0x444: {  	_ = 	snop  }
0x445: {  	s16 =	sshll.u32 s16, $0x8  }
0x446: {  	s16 =	sadd.s32 s16, s18  }
0x447: {  	s16 =	sadd.s32 s19, s16;
	s21 =	simm.s32 $0x1FFFF  }
0x448: {  	v5 =	vmov s16;
	s18 =	simm.s32 $0xFFFFFFFF;
	s19 =	simm.s32 $0x1FFFF  }
.LBB2_45:
0x449: {  	s20 =	simm.s32 $0x0  }
0x44a: {  	v7 =	vld [tilespmem:s20+$0x2000]  }
0x44b: {  	s29 =	simm.s32 $0x10  }
0x44c: {  	s30 =	sadd.s32 s18, s19;
	v8 =	vld [tilespmem:s29+$0x2000]  }
0x44d: {  	s21 =	simm.s32 $0x20;
	s20 =	sshra.s32 s30, $0x1  }
0x44e: {  	v10 =	vor.u32 s6, v0;
	v9 =	vld [tilespmem:s21+$0x2000];
	v6 =	vmov s20  }
0x44f: {  	vm2 =	vle.s32 v10, v6;
	vm1 =	veq.s32 v7, v5  }
0x450: {  	s31 =	sadd.s32 $0x10, s6;
	vm1 =	vmand vm2, vm1  }
0x451: {  	s21 =	sadd.s32 $0x10, s31;
	v7 =	vor.u32 s31, v0;
	vm3 =	veq.s32 v8, v5;
	v8 =	vsel vm1, $0x1, v1  }
0x452: {  	vm4 =	vle.s32 v7, v6;
	v7 =	vor.u32 s21, v0;
	(xrf0) =	vadd.scan.msk.s32 $0xffff, v8  }
0x453: {  	vm2 =	vmand vm4, vm3;
	vm1 =	veq.s32 v9, v5;
	vm3 =	vle.s32 v7, v6  }
0x454: {  	v7 =	vsel vm2, $0x1, v1;
	vm1 =	vmand vm3, vm1  }
0x455: {  	s22 =	simm.s32 $0x30;
	(xrf0) =	vadd.scan.msk.s32 $0xffff, v7;
	v8 =	vsel vm1, $0x1, v1  }
0x456: {  	v7 =	vld [tilespmem:s22+$0x2000];
	(xrf0) =	vadd.scan.msk.s32 $0xffff, v8;
	_ =	sdelay $0x1  }
0x457: {  	s21 =	sadd.s32 $0x10, s21;
	v9, _, _ =	vpop (xrf0)  }
0x458: {  	v8 =	vor.u32 s21, v0;
	(v2sf) =	vpush v9, $0xF;
	_ =	sdelay $0x1  }
0x459: {  	vm1 =	veq.s32 v7, v5;
	v7, _, _ =	vpop (xrf0)  }
0x45a: {  	vm2 =	vle.s32 v8, v6;
	(v2sf) =	vpush v7, $0xF;
	v8, _, _ =	vpop (xrf0)  }
0x45b: {  	(v2sf) =	vpush v8, $0xF;
	_ =	sdelay $0x2  }
0x45c: {  	vm1 =	vmand vm2, vm1  }
0x45d: {  	s24 =	simm.s32 $0x40;
	v7 =	vsel vm1, $0x1, v1  }
0x45e: {  	(xrf0) =	vadd.scan.msk.s32 $0xffff, v7;
	v7 =	vld [tilespmem:s24+$0x2000];
	_ =	sdelay $0x2  }
0x45f: {  	s22 =	sadd.s32 $0x10, s21  }
0x460: {  	s23 =	simm.s32 $0x140;
	s21 =	simm.s32 $0x0;
	v8 =	vor.u32 s22, v0  }
.LBB2_46:
0x461: {  	s24 =	sshra.s32 s23, $0x2;
	p1 =	sne.s32 s23, $0x7FC0;
	s23 =	sadd.s32 $0x40, s23;
	vm1 =	veq.s32 v7, v5;
	vm2 =	vle.s32 v8, v6  }
.Ltmp24:
0x462: {  	v7 =	vld [tilespmem:s24+$0x2000];
	vm1 =	vmand vm2, vm1;
	s24 =	spop (v2sf);
	(pc) =	sbr.rel @p1 .LBB2_46-.Ltmp24, $4  }
0x463: {  	v9 =	vsel vm1, $0x1, v1;
	s21 =	sadd.s32 s21, s24  }
0x464: {  	(xrf0) =	vadd.scan.msk.s32 $0xffff, v9;
	v8, _, _ =	vpop (xrf0)  }
0x465: {  	s22 =	sadd.s32 $0x10, s22;
	(v2sf) =	vpush v8, $0xF  }
0x466: {  	v8 =	vor.u32 s22, v0  }
0x467: {  	vm1 =	veq.s32 v7, v5;
	vm2 =	vle.s32 v8, v6  }
0x468: {  	vm1 =	vmand vm2, vm1  }
0x469: {  	v6 =	vsel vm1, $0x1, v1  }
0x46a: {  	(xrf0) =	vadd.scan.msk.s32 $0xffff, v6;
	_ =	sdelay $0x4  }
0x46b: {  	v6, _, _ =	vpop (xrf0)  }
0x46c: {  	(v2sf) =	vpush v6, $0xF;
	v6, _, _ =	vpop (xrf0)  }
0x46d: {  	(v2sf) =	vpush v6, $0xF;
	_ =	sdelay $0xa  }
0x46e: {  	s22 =	spop (v2sf)  }
0x46f: {  	s21 =	sadd.s32 s21, s22;
	s28 =	spop (v2sf)  }
0x470: {  	s21 =	sadd.s32 s21, s28;
	s29 =	spop (v2sf)  }
0x471: {  	s21 =	sadd.s32 s21, s29;
	s30 =	spop (v2sf)  }
0x472: {  	s21 =	sadd.s32 s21, s30;
	s31 =	spop (v2sf)  }
0x473: {  	s21 =	sadd.s32 s21, s31  }
0x474: {  	v6 =	vmov s21  }
0x475: {  	v6 =	vnsel vm0, $0x0, v6  }
0x476: {  	[tilespmem:$0x6200] =	vst v6  }
0x477: {  	[spmem:s9] =	stream.linear.scatter [tilespmem:s13], [sflag:$0x1], $0x80, $0x38;
	[tilespmem:$0x6B90] =	vst v63  }
0x478: {  	_ =	swait.ge [sflag:s11], $0x80  }
0x479: {  	[sflag:s11] =	ssyncset.done $0x0  }
0x47a: {  	[sflag:s11] =	ssyncadd.s32 $0xFFFFFF80  }
0x47b: {  	[bflag:$0x0] =	sbarrier.arrive $0xFFFF  }
0x47c: {  	[tilespmem:s14], [sflag:$0x1] =	stream.linear.gather [spmem:s1], $0x800, $0x38;
	[tilespmem:$0x6B90] =	vst v63  }
0x47d: {  	_ =	swait.ge [sflag:s11], $0x800  }
0x47e: {  	[sflag:s11] =	ssyncset.done $0x0  }
0x47f: {  	[sflag:s11] =	ssyncadd.s32 $0xFFFFF800  }
0x480: {  	v6 =	vld [tilespmem:$0x6280]  }
0x481: {  	v7 =	vld [tilespmem:$0x6300]  }
0x482: {  	v51 =	vld [tilespmem:$0x6380]  }
0x483: {  	v9 =	vld [tilespmem:$0x6400]  }
0x484: {  	vm1 =	vmmov $0x1;
	v10 =	vld [tilespmem:$0x6480]  }
0x485: {  	v11 =	vld [tilespmem:$0x6500];
	v6 =	vnsel vm1, $0x0, v6  }
0x486: {  	(xrf0) =	vadd.scan.msk.s32 $0xffff, v6;
	v6 =	vnsel vm1, $0x0, v7;
	v7 =	vld [tilespmem:$0x6580]  }
0x487: {  	v52 =	vld [tilespmem:$0x6600];
	(xrf0) =	vadd.scan.msk.s32 $0xffff, v6;
	v6 =	vnsel vm1, $0x0, v51  }
0x488: {  	v53 =	vld [tilespmem:$0x6680];
	(xrf0) =	vadd.scan.msk.s32 $0xffff, v6;
	v6 =	vnsel vm1, $0x0, v9  }
0x489: {  	v54 =	vld [tilespmem:$0x6700];
	(xrf0) =	vadd.scan.msk.s32 $0xffff, v6;
	v6 =	vnsel vm1, $0x0, v10  }
0x48a: {  	v55 =	vld [tilespmem:$0x6780];
	(xrf0) =	vadd.scan.msk.s32 $0xffff, v6;
	v6 =	vnsel vm1, $0x0, v11  }
0x48b: {  	(xrf0) =	vadd.scan.msk.s32 $0xffff, v6;
	v6 =	vnsel vm1, $0x0, v7;
	v7 =	vld [tilespmem:$0x6800]  }
0x48c: {  	v56 =	vld [tilespmem:$0x6880];
	v12, _, _ =	vpop (xrf0);
	(xrf0) =	vadd.scan.msk.s32 $0xffff, v6;
	v6 =	vnsel vm1, $0x0, v52  }
0x48d: {  	v58 =	vld [tilespmem:$0x6900];
	(v2sf) =	vpush v12, $0xF;
	v57, _, _ =	vpop (xrf0);
	(xrf0) =	vadd.scan.msk.s32 $0xffff, v6;
	v6 =	vnsel vm1, $0x0, v53  }
0x48e: {  	v60 =	vld [tilespmem:$0x6980];
	(v2sf) =	vpush v57, $0xF;
	v59, _, _ =	vpop (xrf0);
	(xrf0) =	vadd.scan.msk.s32 $0xffff, v6;
	v6 =	vnsel vm1, $0x0, v54  }
0x48f: {  	v62 =	vld [tilespmem:$0x6A00];
	(v2sf) =	vpush v59, $0xF;
	v61, _, _ =	vpop (xrf0);
	(xrf0) =	vadd.scan.msk.s32 $0xffff, v6;
	v6 =	vnsel vm1, $0x0, v55  }
0x490: {  	(v2sf) =	vpush v61, $0xF;
	v63, _, _ =	vpop (xrf0);
	(xrf0) =	vadd.scan.msk.s32 $0xffff, v6;
	v6 =	vnsel vm1, $0x0, v7  }
0x491: {  	(v2sf) =	vpush v63, $0xF;
	v7, _, _ =	vpop (xrf0);
	(xrf0) =	vadd.scan.msk.s32 $0xffff, v6;
	v6 =	vnsel vm1, $0x0, v56  }
0x492: {  	(v2sf) =	vpush v7, $0xF;
	v7, _, _ =	vpop (xrf0);
	(xrf0) =	vadd.scan.msk.s32 $0xffff, v6;
	v6 =	vnsel vm1, $0x0, v58  }
0x493: {  	(v2sf) =	vpush v7, $0xF;
	v7, _, _ =	vpop (xrf0);
	(xrf0) =	vadd.scan.msk.s32 $0xffff, v6;
	v6 =	vnsel vm1, $0x0, v60  }
0x494: {  	(v2sf) =	vpush v7, $0xF;
	v7, _, _ =	vpop (xrf0);
	(xrf0) =	vadd.scan.msk.s32 $0xffff, v6;
	v6 =	vnsel vm1, $0x0, v62;
	_ =	sdelay $0x1  }
0x495: {  	(v2sf) =	vpush v7, $0xF;
	v7, _, _ =	vpop (xrf0);
	(xrf0) =	vadd.scan.msk.s32 $0xffff, v6  }
0x496: {  	(v2sf) =	vpush v7, $0xF;
	v6, _, _ =	vpop (xrf0)  }
0x497: {  	v7, _, _ =	vpop (xrf0);
	(v2sf) =	vpush v6, $0xF  }
0x498: {  	v6, _, _ =	vpop (xrf0);
	(v2sf) =	vpush v7, $0xF  }
0x499: {  	v7, _, _ =	vpop (xrf0);
	(v2sf) =	vpush v6, $0xF  }
0x49a: {  	(v2sf) =	vpush v7, $0xF;
	v6, _, _ =	vpop (xrf0)  }
0x49b: {  	(v2sf) =	vpush v6, $0xF;
	v6, _, _ =	vpop (xrf0)  }
0x49c: {  	s22 =	spop (v2sf);
	(v2sf) =	vpush v6, $0xF  }
0x49d: {  	s23 =	spop (v2sf)  }
0x49e: {  	s21 =	sadd.s32 s22, s23;
	s24 =	spop (v2sf)  }
0x49f: {  	s21 =	sadd.s32 s21, s24;
	s25 =	spop (v2sf)  }
0x4a0: {  	s21 =	sadd.s32 s21, s25;
	s26 =	spop (v2sf)  }
0x4a1: {  	s21 =	sadd.s32 s21, s26;
	s28 =	spop (v2sf)  }
0x4a2: {  	s21 =	sadd.s32 s21, s28;
	s29 =	spop (v2sf)  }
0x4a3: {  	s21 =	sadd.s32 s21, s29;
	s30 =	spop (v2sf)  }
0x4a4: {  	s21 =	sadd.s32 s21, s30;
	s31 =	spop (v2sf)  }
0x4a5: {  	s21 =	sadd.s32 s21, s31;
	s23 =	spop (v2sf)  }
0x4a6: {  	s21 =	sadd.s32 s21, s23;
	s24 =	spop (v2sf)  }
0x4a7: {  	s21 =	sadd.s32 s21, s24;
	s25 =	spop (v2sf)  }
0x4a8: {  	s21 =	sadd.s32 s21, s25;
	s26 =	spop (v2sf)  }
0x4a9: {  	s21 =	sadd.s32 s21, s26;
	s28 =	spop (v2sf)  }
0x4aa: {  	s21 =	sadd.s32 s21, s28;
	s29 =	spop (v2sf)  }
0x4ab: {  	s21 =	sadd.s32 s21, s29;
	s30 =	spop (v2sf)  }
0x4ac: {  	s21 =	sadd.s32 s21, s30  }
0x4ad: {  	p1 =	slt.s32 s21, s17  }
0x4ae: {  	s21 =	smov.u32 s20;
	s18 =	smov.u32 @p1 s20  }
0x4af: {  	s21 =	smov.u32 @p1 s19;
	s31 =	sadd.s32 $0x1, s18  }
0x4b0: {  	p1 =	sne.s32 s21, s31  }
.Ltmp25:
0x4b1: {  	_ = 	snop;
	(pc) =	sbr.rel @p1 .LBB2_45-.Ltmp25, $4  }
.Ltmp26:
0x4b2: {  	_ = 	snop;
	(pc) =	sbr.rel @!p1 .LBB2_48-.Ltmp26, $4  }
0x4b3: {  	_ = 	snop  }
0x4b4: {  	_ = 	snop  }
0x4b5: {  	s19 =	smov.u32 s21  }
0x4b6: {  	_ = 	snop  }
.LBB2_49:
0x4b7: {  	_ =	sfence.sel $0x180000  }
0x4b8: {  	[bflag:$0x0] =	sbarrier.arrive $0xFFFF  }
0x4b9: {  	p0 =	sne.s32 s4, $0x0;
	_ =	strace $0x90000047  }
0x4ba: {  	s0 =	sadd.s32 @!p0 $0x100000, s0;
	[bflag:$0x2] =	sbarrier.arrive $0xFFFF  }
0x4bb: {  	[sflag:s0] =	ssyncadd.tile.s32 @!p0 $0x1;
	_ =	shalt  }
.Lfunc_end2:
_tile_overlayer_lowered:
.L_overlay_start_2:
0x4bc: {  	(tag) =	ssettag $0x2  }
0x4bd: {  	s0 =	rddreg [dreg:$0x0];
	s2 =	stileid.u32  }
0x4be: {  	s1 =	rddreg [dreg:$0x1];
	p0 =	sne.s32 s2, $0x0  }
0x4bf: {  	s3 =	rddreg [dreg:$0x2];
	[bflag:$0x3] =	sbarrier.arrive $0xFFFF;
	s2 =	simm.s32 @!p0 $0x1C01  }
0x4c0: {  	[timem:s3], [sflag:s2] =	dma.local @!p0 [hbm:s0], s1  }
0x4c1: {  	s0 =	simm.s32 @!p0 $0x1  }
0x4c2: {  	_ =	swait.ge @!p0 [sflag:s0], s1  }
0x4c3: {  	s1 =	ssub.s32 @!p0 $0x0, s1;
	[sflag:s0] =	ssyncset.done @!p0 $0x0  }
0x4c4: {  	[sflag:s0] =	ssyncadd.s32 @!p0 s1  }
0x4c5: {  	[bflag:$0x3] =	sbarrier.arrive $0xFFFF  }
0x4c6: {  	_ =	shalt  }

</sc_bundles>
